<compile_context>
chip_gen: v7x
topology: tpu7x:2x2x1
jax: 0.10.2.dev20260603
libtpu: 0.0.44.dev20260713+nightly
codegen_flags: <defaults>
</compile_context>

<pallas_src>
import functools

import jax
import jax.numpy as jnp
from jax import lax
from jax.experimental import pallas as pl
from jax.experimental.pallas import tpu as pltpu
import jax.experimental.pallas.tpu_sc as plsc

N = 10000
E = 320000
D_IN, D_HID, D_OUT = 128, 128, 64
DW = 64
NC, NS = 2, 16
CH = 128
N_BLOCKS = 20
EPT = N_BLOCKS * 8 * CH
E_PAD = EPT * NS
RPT_IDX = EPT // CH
N_ACC = N + 112
RPT = N_ACC // NS
N_DEG = 10240
DPT = N_DEG // NS
BM = 2000
NBUF = 4
N_GRP = RPT_IDX // NBUF


def _mesh():
    return plsc.VectorSubcoreMesh(core_axis_name="c", subcore_axis_name="s",
                                  num_cores=NC, num_subcores=NS)


@functools.cache
def _deg_kernel():
    @functools.partial(
        pl.kernel, mesh=_mesh(),
        out_type=jax.ShapeDtypeStruct((4 * N_DEG,), jnp.float32),
        scratch_types=[
            pltpu.VMEM((RPT_IDX, CH), jnp.int32),
            pltpu.VMEM((DPT,), jnp.float32),
            pltpu.VMEM_SHARED((N_DEG,), jnp.float32),
            pltpu.SemaphoreType.DMA,
        ],
        compiler_params=pltpu.CompilerParams(use_tc_tiling_on_sc=False),
        name="gcn_deg",
    )
    def k(didx, out, didx_v, ones_v, deg, sem):
        c = lax.axis_index("c")
        s = lax.axis_index("s")
        for i in range(DPT // 16):
            ones_v[pl.ds(i * 16, 16)] = jnp.ones((16,), jnp.float32)

        @pl.loop(0, 2)
        def _prod(p):
            pi = 2 * c + p
            pltpu.sync_copy(ones_v, deg.at[pl.ds(s * DPT, DPT)])
            idx_base = pi * (NS * RPT_IDX) + s * RPT_IDX
            pltpu.sync_copy(didx.at[pl.ds(idx_base, RPT_IDX), :], didx_v)
            plsc.subcore_barrier()

            @pl.loop(0, N_BLOCKS)
            def _(b):
                for j in range(8):
                    pltpu.async_copy(ones_v.at[pl.ds(0, CH)],
                                     deg.at[didx_v.at[b * 8 + j]], sem,
                                     add=True)
                for j in range(8):
                    pltpu.make_async_copy(ones_v.at[pl.ds(0, CH)],
                                          deg.at[pl.ds(0, CH)], sem).wait()

            plsc.subcore_barrier()
            pltpu.sync_copy(deg.at[pl.ds(s * DPT, DPT)],
                            out.at[pl.ds(pi * N_DEG + s * DPT, DPT)])
            plsc.subcore_barrier()

    return k


@functools.cache
def _agg_kernel(ppc, hpp, group, tab_rows):
    nprod = NC * ppc
    tab_off = group * nprod * N_ACC if tab_rows > nprod * N_ACC else 0

    @functools.partial(
        pl.kernel, mesh=_mesh(),
        out_type=jax.ShapeDtypeStruct((nprod * N_ACC, DW), jnp.float32),
        scratch_types=[
            pltpu.VMEM((RPT_IDX, CH), jnp.int32),
            pltpu.VMEM((RPT_IDX, CH), jnp.int32),
            pltpu.VMEM((NBUF, CH, DW), jnp.float32),
            pltpu.VMEM_SHARED((N_ACC, DW), jnp.float32),
            pltpu.SemaphoreType.DMA,
            pltpu.SemaphoreType.DMA,
            pltpu.SemaphoreType.DMA,
            pltpu.SemaphoreType.DMA,
        ],
        compiler_params=pltpu.CompilerParams(use_tc_tiling_on_sc=False),
        name=f"gcn_agg_p{ppc}g{group}",
    )
    def k(tables, sidx, didx, out, sidx_v, didx_v, rows_v, acc,
          sem0, sem1, sem2, sem3):
        sems = (sem0, sem1, sem2, sem3)
        c = lax.axis_index("c")
        s = lax.axis_index("s")

        @pl.loop(0, ppc)
        def _prod(p):
            pi = ppc * c + p
            table = tables.at[pl.ds(tab_off + pi * N_ACC, N_ACC), :]
            pltpu.sync_copy(table.at[pl.ds(s * RPT, RPT), :],
                            acc.at[pl.ds(s * RPT, RPT), :])
            idx_base = ((group * 2 + pi // hpp) * (NS * RPT_IDX)
                        + s * RPT_IDX)
            pltpu.sync_copy(sidx.at[pl.ds(idx_base, RPT_IDX), :], sidx_v)
            pltpu.sync_copy(didx.at[pl.ds(idx_base, RPT_IDX), :], didx_v)
            for b in range(NBUF):
                pltpu.async_copy(table.at[sidx_v.at[b]], rows_v.at[b],
                                 sems[b])
            plsc.subcore_barrier()

            @pl.loop(0, N_GRP - 1)
            def _(g):
                for b in range(NBUF):
                    pltpu.make_async_copy(tables.at[pl.ds(0, CH), :],
                                          rows_v.at[b], sems[b]).wait()
                    pltpu.sync_copy(rows_v.at[b],
                                    acc.at[didx_v.at[g * NBUF + b]],
                                    add=True)
                    pltpu.async_copy(
                        table.at[sidx_v.at[(g + 1) * NBUF + b]],
                        rows_v.at[b], sems[b])

            for b in range(NBUF):
                pltpu.make_async_copy(tables.at[pl.ds(0, CH), :],
                                      rows_v.at[b], sems[b]).wait()
                pltpu.sync_copy(rows_v.at[b],
                                acc.at[didx_v.at[(N_GRP - 1) * NBUF + b]],
                                add=True)
            plsc.subcore_barrier()
            pltpu.sync_copy(acc.at[pl.ds(s * RPT, RPT), :],
                            out.at[pl.ds(pi * N_ACC + s * RPT, RPT), :])
            plsc.subcore_barrier()

    return k


def _lrelu(v):
    return jnp.where(v >= 0, v, 0.2 * v)


def _tc1(deg4, xs, w1h):
    def body(deg_ref, x0, x1, x2, x3, w_ref, hp_ref, dv_ref):
        for i, x_ref in enumerate((x0, x1, x2, x3)):
            dvr = 1.0 / jnp.sqrt(deg_ref[i, 0])
            dv = dvr.T
            hp_ref[i, 0] = jnp.dot(x_ref[...], w_ref[i, 0],
                                   preferred_element_type=jnp.float32) * dv
            dv_ref[i, 0] = dvr

    return pl.pallas_call(
        body,
        grid=(N // BM, 2),
        in_specs=[pl.BlockSpec((4, 1, 1, BM), lambda j, h: (0, j, 0, 0))] +
                 [pl.BlockSpec((BM, D_IN), lambda j, h: (j, 0))] * 4 +
                 [pl.BlockSpec((4, 1, D_IN, DW), lambda j, h: (0, h, 0, 0))],
        out_specs=[pl.BlockSpec((4, 1, BM, DW), lambda j, h: (0, h, j, 0)),
                   pl.BlockSpec((4, 1, 1, BM), lambda j, h: (0, j, 0, 0))],
        out_shape=[jax.ShapeDtypeStruct((4, 2, N_ACC, DW), jnp.float32),
                   jax.ShapeDtypeStruct((4, N // BM, 1, BM), jnp.float32)],
    )(deg4, *xs, w1h)


def _tc2(acc1, dinv, b1s, w2s, group):
    def body(aa_ref, ab_ref, dv_ref, b_ref, wa_ref, wb_ref, o_ref):
        dv = dv_ref[0, 0].T
        za = _lrelu(aa_ref[0, 0] * dv + b_ref[0, :, :DW])
        zb = _lrelu(ab_ref[0, 0] * dv + b_ref[0, :, DW:])
        o = (jnp.dot(za, wa_ref[0], preferred_element_type=jnp.float32) +
             jnp.dot(zb, wb_ref[0], preferred_element_type=jnp.float32))
        o_ref[0] = o * dv

    return pl.pallas_call(
        body,
        grid=(2, N // BM),
        in_specs=[pl.BlockSpec((1, 1, BM, DW), lambda i, j: (i, 0, j, 0)),
                  pl.BlockSpec((1, 1, BM, DW), lambda i, j: (i, 1, j, 0)),
                  pl.BlockSpec((1, 1, 1, BM),
                               lambda i, j: (group * 2 + i, j, 0, 0)),
                  pl.BlockSpec((1, 1, D_HID), lambda i, j: (i, 0, 0)),
                  pl.BlockSpec((1, DW, D_OUT), lambda i, j: (i, 0, 0)),
                  pl.BlockSpec((1, DW, D_OUT), lambda i, j: (i, 0, 0))],
        out_specs=pl.BlockSpec((1, BM, D_OUT), lambda i, j: (i, j, 0)),
        out_shape=jax.ShapeDtypeStruct((2, N_ACC, D_OUT), jnp.float32),
    )(acc1, acc1, dinv, b1s, w2s[:, :DW, :], w2s[:, DW:, :])


def _tc3(acc2a, acc2b, dinv, b2s, x0a, x1a, wres, bres):
    def body(a0, a1, a2, a3, v0, v1, v2, v3, b_ref, x0, x1, wr, br,
             c0_ref, c1_ref, o0_ref, o1_ref, o2_ref, o3_ref):
        os = []
        for a_ref, v_ref, o_ref, i in ((a0, v0, o0_ref, 0), (a1, v1, o1_ref, 1),
                                       (a2, v2, o2_ref, 2), (a3, v3, o3_ref, 3)):
            dv = v_ref[0, 0].T
            o = _lrelu(a_ref[0] * dv + b_ref[0, i])
            o_ref[...] = o
            os.append(o)
        r0 = jnp.dot(x0[...], wr[0, 0], preferred_element_type=jnp.float32)
        r1 = jnp.dot(x1[...], wr[0, 1], preferred_element_type=jnp.float32)
        c0_ref[...] = (os[0] + os[2]) * 0.5 + r0 + br[0, 0]
        c1_ref[...] = (os[1] + os[3]) * 0.5 + r1 + br[0, 1]

    outs = pl.pallas_call(
        body,
        grid=(N // BM,),
        in_specs=[pl.BlockSpec((1, BM, D_OUT), lambda j, i=i: (i % 2, j, 0))
                  for i in range(4)] +
                 [pl.BlockSpec((1, 1, 1, BM), lambda j, i=i: (i, j, 0, 0))
                  for i in range(4)] +
                 [pl.BlockSpec((1, 4, D_OUT), lambda j: (0, 0, 0)),
                  pl.BlockSpec((BM, D_IN), lambda j: (j, 0)),
                  pl.BlockSpec((BM, D_IN), lambda j: (j, 0)),
                  pl.BlockSpec((1, 2, D_IN, D_OUT), lambda j: (0, 0, 0, 0)),
                  pl.BlockSpec((1, 2, D_OUT), lambda j: (0, 0, 0))],
        out_specs=[pl.BlockSpec((BM, D_OUT), lambda j: (j, 0))] * 6,
        out_shape=[jax.ShapeDtypeStruct((N, D_OUT), jnp.float32)] * 6,
    )(acc2a, acc2a, acc2b, acc2b, dinv, dinv, dinv, dinv,
      b2s[None], x0a, x1a, wres[None], bres[None])
    return outs


def kernel(x_lnc_jaccard, x_prot_jaccard, x_lnc_blast, x_prot_blast,
           edge_index_lnc_jaccard, edge_index_prot_jaccard,
           edge_index_lnc_blast, edge_index_prot_blast,
           W_j1_lnc, b_j1_lnc, W_j1_prot, b_j1_prot,
           W_j2_lnc, b_j2_lnc, W_j2_prot, b_j2_prot,
           W_b1_lnc, b_b1_lnc, W_b1_prot, b_b1_prot,
           W_b2_lnc, b_b2_lnc, W_b2_prot, b_b2_prot,
           W_res_lnc, b_res_lnc, W_res_prot, b_res_prot):
    eis = (edge_index_lnc_jaccard, edge_index_prot_jaccard,
           edge_index_lnc_blast, edge_index_prot_blast)
    pad = jnp.arange(E_PAD - E, dtype=jnp.int32) % 16
    src_l, dst_l = [], []
    for ei in eis:
        src_l.append(jnp.concatenate([ei[0], pad]))
        dst_l.append(jnp.concatenate([ei[1], N + pad]))
    sidx = jnp.stack(src_l).reshape(4 * NS * RPT_IDX, CH)
    didx = jnp.stack(dst_l).reshape(4 * NS * RPT_IDX, CH)

    deg4 = _deg_kernel()(didx).reshape(4, N_DEG)[:, :N].reshape(4, N // BM, 1, BM)

    w1s = jnp.stack([W_j1_lnc, W_j1_prot, W_b1_lnc, W_b1_prot])
    w1h = jnp.stack([w1s[:, :, :DW], w1s[:, :, DW:]], axis=1)
    h1p, dinv = _tc1(deg4, (x_lnc_jaccard, x_prot_jaccard,
                            x_lnc_blast, x_prot_blast), w1h)

    t1 = h1p.reshape(8 * N_ACC, DW)
    acc1a = _agg_kernel(2, 2, 0, 8 * N_ACC)(t1, sidx, didx)
    acc1b = _agg_kernel(2, 2, 1, 8 * N_ACC)(t1, sidx, didx)

    b1s = jnp.stack([b_j1_lnc, b_j1_prot, b_b1_lnc, b_b1_prot])[:, None, :]
    w2s = jnp.stack([W_j2_lnc, W_j2_prot, W_b2_lnc, W_b2_prot])
    h2pa = _tc2(acc1a.reshape(2, 2, N_ACC, DW), dinv,
                b1s[:2], w2s[:2], 0)
    h2pb = _tc2(acc1b.reshape(2, 2, N_ACC, DW), dinv,
                b1s[2:], w2s[2:], 1)

    acc2a = _agg_kernel(1, 1, 0, 2 * N_ACC)(
        h2pa.reshape(2 * N_ACC, D_OUT), sidx, didx)
    acc2b = _agg_kernel(1, 1, 1, 2 * N_ACC)(
        h2pb.reshape(2 * N_ACC, D_OUT), sidx, didx)

    b2s = jnp.stack([b_j2_lnc, b_j2_prot, b_b2_lnc, b_b2_prot])
    wres = jnp.stack([W_res_lnc, W_res_prot])
    bres = jnp.stack([b_res_lnc, b_res_prot])
    return _tc3(acc2a.reshape(2, N_ACC, D_OUT), acc2b.reshape(2, N_ACC, D_OUT),
                dinv, b2s, x_lnc_jaccard, x_prot_jaccard, wres, bres)

# --- scband reference (transcript-rebuilt; emitter-appended) ---
"""Pipeline reference for scband-hetero-gnn-10574209483360 (READ-ONLY COPY).

The authoritative reference and input builder live on the scoring server;
editing this copy changes nothing except your own understanding.
"""

import jax, jax.numpy as jnp
import numpy as np

N_LNC = 10000
N_PROT = 10000
E = 320000
D_IN = 128
D_HID = 128
D_OUT = 64


def _lrelu(x):
    return jax.nn.leaky_relu(x, negative_slope=0.2)


def _gcn(x, edge_index, W, b, n):
    # Faithful PyG GCNConv: add self-loops, symmetric normalization, scatter-add at dst
    src = edge_index[0]
    dst = edge_index[1]
    loop = jnp.arange(n, dtype=src.dtype)
    src = jnp.concatenate([src, loop])
    dst = jnp.concatenate([dst, loop])
    deg = jnp.zeros((n,), x.dtype).at[dst].add(1.0)
    dinv = jnp.where(deg > 0, 1.0 / jnp.sqrt(deg), 0.0)
    norm = dinv[src] * dinv[dst]
    h = x @ W
    out = jnp.zeros((n, W.shape[1]), x.dtype).at[dst].add(h[src] * norm[:, None])
    return out + b


def _branch(x_lnc, x_prot, ei_lnc, ei_prot, W1l, b1l, W1p, b1p, W2l, b2l, W2p, b2p):
    # HeteroConv with a single conv per node type and aggr='mean' reduces to the conv output
    h_lnc = _lrelu(_gcn(x_lnc, ei_lnc, W1l, b1l, N_LNC))
    h_prot = _lrelu(_gcn(x_prot, ei_prot, W1p, b1p, N_PROT))
    o_lnc = _lrelu(_gcn(h_lnc, ei_lnc, W2l, b2l, N_LNC))
    o_prot = _lrelu(_gcn(h_prot, ei_prot, W2p, b2p, N_PROT))
    return o_lnc, o_prot


def setup_inputs(seed: int = 0):
    key = jax.random.key(seed)
    ks = jax.random.split(key, 32)
    inp = {}
    inp["x_lnc_jaccard"] = jax.random.normal(ks[0], (N_LNC, D_IN), dtype=jnp.float32)
    inp["x_prot_jaccard"] = jax.random.normal(ks[1], (N_PROT, D_IN), dtype=jnp.float32)
    inp["x_lnc_blast"] = jax.random.normal(ks[2], (N_LNC, D_IN), dtype=jnp.float32)
    inp["x_prot_blast"] = jax.random.normal(ks[3], (N_PROT, D_IN), dtype=jnp.float32)
    inp["edge_index_lnc_jaccard"] = jax.random.randint(ks[4], (2, E), 0, N_LNC, dtype=jnp.int32)
    inp["edge_index_prot_jaccard"] = jax.random.randint(ks[5], (2, E), 0, N_PROT, dtype=jnp.int32)
    inp["edge_index_lnc_blast"] = jax.random.randint(ks[6], (2, E), 0, N_LNC, dtype=jnp.int32)
    inp["edge_index_prot_blast"] = jax.random.randint(ks[7], (2, E), 0, N_PROT, dtype=jnp.int32)
    s = 0.05
    inp["W_j1_lnc"] = jax.random.normal(ks[8], (D_IN, D_HID), dtype=jnp.float32) * s
    inp["b_j1_lnc"] = jnp.zeros((D_HID,), dtype=jnp.float32)
    inp["W_j1_prot"] = jax.random.normal(ks[9], (D_IN, D_HID), dtype=jnp.float32) * s
    inp["b_j1_prot"] = jnp.zeros((D_HID,), dtype=jnp.float32)
    inp["W_j2_lnc"] = jax.random.normal(ks[10], (D_HID, D_OUT), dtype=jnp.float32) * s
    inp["b_j2_lnc"] = jnp.zeros((D_OUT,), dtype=jnp.float32)
    inp["W_j2_prot"] = jax.random.normal(ks[11], (D_HID, D_OUT), dtype=jnp.float32) * s
    inp["b_j2_prot"] = jnp.zeros((D_OUT,), dtype=jnp.float32)
    inp["W_b1_lnc"] = jax.random.normal(ks[12], (D_IN, D_HID), dtype=jnp.float32) * s
    inp["b_b1_lnc"] = jnp.zeros((D_HID,), dtype=jnp.float32)
    inp["W_b1_prot"] = jax.random.normal(ks[13], (D_IN, D_HID), dtype=jnp.float32) * s
    inp["b_b1_prot"] = jnp.zeros((D_HID,), dtype=jnp.float32)
    inp["W_b2_lnc"] = jax.random.normal(ks[14], (D_HID, D_OUT), dtype=jnp.float32) * s
    inp["b_b2_lnc"] = jnp.zeros((D_OUT,), dtype=jnp.float32)
    inp["W_b2_prot"] = jax.random.normal(ks[15], (D_HID, D_OUT), dtype=jnp.float32) * s
    inp["b_b2_prot"] = jnp.zeros((D_OUT,), dtype=jnp.float32)
    inp["W_res_lnc"] = jax.random.normal(ks[16], (D_IN, D_OUT), dtype=jnp.float32) * s
    inp["b_res_lnc"] = jnp.zeros((D_OUT,), dtype=jnp.float32)
    inp["W_res_prot"] = jax.random.normal(ks[17], (D_IN, D_OUT), dtype=jnp.float32) * s
    inp["b_res_prot"] = jnp.zeros((D_OUT,), dtype=jnp.float32)
    return inp


def reference(x_lnc_jaccard, x_prot_jaccard, x_lnc_blast, x_prot_blast,
              edge_index_lnc_jaccard, edge_index_prot_jaccard,
              edge_index_lnc_blast, edge_index_prot_blast,
              W_j1_lnc, b_j1_lnc, W_j1_prot, b_j1_prot,
              W_j2_lnc, b_j2_lnc, W_j2_prot, b_j2_prot,
              W_b1_lnc, b_b1_lnc, W_b1_prot, b_b1_prot,
              W_b2_lnc, b_b2_lnc, W_b2_prot, b_b2_prot,
              W_res_lnc, b_res_lnc, W_res_prot, b_res_prot):
    jac_lnc, jac_prot = _branch(x_lnc_jaccard, x_prot_jaccard,
                                edge_index_lnc_jaccard, edge_index_prot_jaccard,
                                W_j1_lnc, b_j1_lnc, W_j1_prot, b_j1_prot,
                                W_j2_lnc, b_j2_lnc, W_j2_prot, b_j2_prot)
    bl_lnc, bl_prot = _branch(x_lnc_blast, x_prot_blast,
                              edge_index_lnc_blast, edge_index_prot_blast,
                              W_b1_lnc, b_b1_lnc, W_b1_prot, b_b1_prot,
                              W_b2_lnc, b_b2_lnc, W_b2_prot, b_b2_prot)
    # residual uses the original jaccard-view features (x_lncRNA_orig / x_protein_orig)
    comb_lnc = (jac_lnc + bl_lnc) / 2.0 + (x_lnc_jaccard @ W_res_lnc + b_res_lnc)
    comb_prot = (jac_prot + bl_prot) / 2.0 + (x_prot_jaccard @ W_res_prot + b_res_prot)
    return (comb_lnc, comb_prot, jac_lnc, jac_prot, bl_lnc, bl_prot)

if __name__ == "__main__":
    import jax
    _d = setup_inputs()
    print(jax.jit(kernel)(*tuple(_d.values())))

</pallas_src>

<mosaic_0001>
#map = affine_map<(d0, d1) -> (0, 0)>
module attributes {stable_mosaic.version = 14 : i64} {
  func.func @gcn_agg_p2g1(%arg0: i32, %arg1: i32, %arg2: memref<80896x64xf32, #tpu.memory_space<hbm>>, %arg3: memref<10240x128xi32, #tpu.memory_space<hbm>>, %arg4: memref<10240x128xi32, #tpu.memory_space<hbm>>, %arg5: memref<40448x64xf32, #tpu.memory_space<hbm>>, %arg6: memref<160x128xi32, #tpu.memory_space<vmem>>, %arg7: memref<160x128xi32, #tpu.memory_space<vmem>>, %arg8: memref<4x128x64xf32, #tpu.memory_space<vmem>>, %arg9: memref<10112x64xf32, #tpu.memory_space<vmem_shared>>, %arg10: memref<!tpu.dma_semaphore, #tpu.memory_space<semaphore_mem>>, %arg11: memref<!tpu.dma_semaphore, #tpu.memory_space<semaphore_mem>>, %arg12: memref<!tpu.dma_semaphore, #tpu.memory_space<semaphore_mem>>, %arg13: memref<!tpu.dma_semaphore, #tpu.memory_space<semaphore_mem>>) attributes {dimension_semantics = [#tpu.dimension_semantics<core_parallel>, #tpu.dimension_semantics<subcore_parallel>], iteration_bounds = array<i64: 2, 16>, scalar_prefetch = 0 : i64, scratch_operands = 8 : i64, tpu.core_type = #tpu.core_type<sc_vector_subcore>, window_params = [{transform_indices = #map}, {transform_indices = #map}, {transform_indices = #map}, {transform_indices = #map}]} {
    %scan3A = arith.constant 0 : i32
    %scan3A_0 = arith.constant 2 : i32
    %scan3A_1 = arith.addi %scan3A, %scan3A_0 : i32
    %scan3A_2 = arith.constant 1 : i32
    scf.for %scan3A_4 = %scan3A to %scan3A_1 step %scan3A_2  : i32 {
      %mul3A = arith.constant 1 : i32
      %mul3A_5 = arith.muli %scan3A_4, %mul3A : i32
      %add3A = arith.constant 0 : i32
      %add3A_6 = arith.addi %add3A, %mul3A_5 : i32
      %mul3A_7 = arith.constant 2 : i32
      %mul3A_8 = arith.muli %mul3A_7, %arg0 : i32
      %add3A_9 = arith.addi %mul3A_8, %add3A_6 : i32
      %mul3A_10 = arith.constant 10112 : i32
      %mul3A_11 = arith.muli %add3A_9, %mul3A_10 : i32
      %add3A_12 = arith.constant 40448 : i32
      %add3A_13 = arith.addi %add3A_12, %mul3A_11 : i32
      %mul3A_14 = arith.constant 632 : i32
      %mul3A_15 = arith.muli %arg1, %mul3A_14 : i32
      %mul3A_16 = arith.constant 632 : i32
      %mul3A_17 = arith.muli %arg1, %mul3A_16 : i32
      "tpu.region"() ({
        %run_scoped3A_176 = tpu.sem_alloc : memref<!tpu.dma_semaphore, #tpu.memory_space<semaphore_mem>>
        %dma_start3A_177 = arith.constant 0 : i32
        %dma_start3A_178 = tpu.memref_slice %arg9[%mul3A_17, %dma_start3A_177] : memref<10112x64xf32, #tpu.memory_space<vmem_shared>> -> memref<632x64xf32, #tpu.memory_space<vmem_shared>>
        %dma_start3A_179 = arith.constant 0 : i32
        %dma_start3A_180 = tpu.memref_slice %arg2[%add3A_13, %dma_start3A_179] : memref<80896x64xf32, #tpu.memory_space<hbm>> -> memref<10112x64xf32, #tpu.memory_space<hbm>>
        %dma_start3A_181 = arith.constant 0 : i32
        %dma_start3A_182 = tpu.memref_slice %dma_start3A_180[%mul3A_15, %dma_start3A_181] : memref<10112x64xf32, #tpu.memory_space<hbm>> -> memref<632x64xf32, #tpu.memory_space<hbm>>
        tpu.enqueue_dma source(%dma_start3A_182 : memref<632x64xf32, #tpu.memory_space<hbm>>) target(%dma_start3A_178 : memref<632x64xf32, #tpu.memory_space<vmem_shared>>) target_semaphore(%run_scoped3A_176 : memref<!tpu.dma_semaphore, #tpu.memory_space<semaphore_mem>>)
        %dma_wait3A_183 = arith.constant 0 : i32
        %dma_wait3A_184 = tpu.memref_slice %arg9[%mul3A_17, %dma_wait3A_183] : memref<10112x64xf32, #tpu.memory_space<vmem_shared>> -> memref<632x64xf32, #tpu.memory_space<vmem_shared>>
        %dma_wait3A_185 = arith.constant 0 : i32
        %dma_wait3A_186 = tpu.memref_slice %arg2[%add3A_13, %dma_wait3A_185] : memref<80896x64xf32, #tpu.memory_space<hbm>> -> memref<10112x64xf32, #tpu.memory_space<hbm>>
        %dma_wait3A_187 = arith.constant 0 : i32
        %dma_wait3A_188 = tpu.memref_slice %dma_wait3A_186[%mul3A_15, %dma_wait3A_187] : memref<10112x64xf32, #tpu.memory_space<hbm>> -> memref<632x64xf32, #tpu.memory_space<hbm>>
        tpu.wait_dma2 semaphore(%run_scoped3A_176 : memref<!tpu.dma_semaphore, #tpu.memory_space<semaphore_mem>>) src(%dma_wait3A_188 : memref<632x64xf32, #tpu.memory_space<hbm>>) dst(%dma_wait3A_184 : memref<632x64xf32, #tpu.memory_space<vmem_shared>>)
        tpu.yield
      }) : () -> ()
      %jit3A = arith.constant 2 : i32
      %div3A = arith.divsi %add3A_9, %jit3A : i32
      %sign3A = arith.constant 0 : i32
      %sign3A_18 = arith.cmpi sgt, %add3A_9, %sign3A : i32
      %sign3A_19 = arith.extui %sign3A_18 : i1 to i32
      %sign3A_20 = arith.constant 0 : i32
      %sign3A_21 = arith.cmpi slt, %add3A_9, %sign3A_20 : i32
      %sign3A_22 = arith.extui %sign3A_21 : i1 to i32
      %sign3A_23 = arith.subi %sign3A_19, %sign3A_22 : i32
      %sign3A_24 = arith.constant 0 : i32
      %sign3A_25 = arith.cmpi sgt, %jit3A, %sign3A_24 : i32
      %sign3A_26 = arith.extui %sign3A_25 : i1 to i32
      %sign3A_27 = arith.constant 0 : i32
      %sign3A_28 = arith.cmpi slt, %jit3A, %sign3A_27 : i32
      %sign3A_29 = arith.extui %sign3A_28 : i1 to i32
      %sign3A_30 = arith.subi %sign3A_26, %sign3A_29 : i32
      %ne3A = arith.cmpi ne, %sign3A_23, %sign3A_30 : i32
      %rem3A = arith.remsi %add3A_9, %jit3A : i32
      %ne3A_31 = arith.constant 0 : i32
      %ne3A_32 = arith.cmpi ne, %rem3A, %ne3A_31 : i32
      %and3A = arith.andi %ne3A, %ne3A_32 : i1
      %sub3A = arith.constant 1 : i32
      %sub3A_33 = arith.subi %div3A, %sub3A : i32
      %select_n3A = arith.select %and3A, %sub3A_33, %div3A : i32
      %add3A_34 = arith.constant 2 : i32
      %add3A_35 = arith.addi %add3A_34, %select_n3A : i32
      %mul3A_36 = arith.constant 2560 : i32
      %mul3A_37 = arith.muli %add3A_35, %mul3A_36 : i32
      %mul3A_38 = arith.constant 160 : i32
      %mul3A_39 = arith.muli %arg1, %mul3A_38 : i32
      %add3A_40 = arith.addi %mul3A_37, %mul3A_39 : i32
      "tpu.region"() ({
        %run_scoped3A_176 = tpu.sem_alloc : memref<!tpu.dma_semaphore, #tpu.memory_space<semaphore_mem>>
        %dma_start3A_177 = arith.constant 0 : i32
        %dma_start3A_178 = tpu.memref_slice %arg3[%add3A_40, %dma_start3A_177] : memref<10240x128xi32, #tpu.memory_space<hbm>> -> memref<160x128xi32, #tpu.memory_space<hbm>>
        %dma_start3A_179 = arith.constant 0 : i32
        %dma_start3A_180 = tpu.memref_slice %arg3[%add3A_40, %dma_start3A_179] : memref<10240x128xi32, #tpu.memory_space<hbm>> -> memref<160x128xi32, #tpu.memory_space<hbm>>
        tpu.enqueue_dma source(%dma_start3A_180 : memref<160x128xi32, #tpu.memory_space<hbm>>) target(%arg6 : memref<160x128xi32, #tpu.memory_space<vmem>>) target_semaphore(%run_scoped3A_176 : memref<!tpu.dma_semaphore, #tpu.memory_space<semaphore_mem>>)
        %dma_wait3A_181 = arith.constant 0 : i32
        %dma_wait3A_182 = tpu.memref_slice %arg3[%add3A_40, %dma_wait3A_181] : memref<10240x128xi32, #tpu.memory_space<hbm>> -> memref<160x128xi32, #tpu.memory_space<hbm>>
        %dma_wait3A_183 = arith.constant 0 : i32
        %dma_wait3A_184 = tpu.memref_slice %arg3[%add3A_40, %dma_wait3A_183] : memref<10240x128xi32, #tpu.memory_space<hbm>> -> memref<160x128xi32, #tpu.memory_space<hbm>>
        tpu.wait_dma2 semaphore(%run_scoped3A_176 : memref<!tpu.dma_semaphore, #tpu.memory_space<semaphore_mem>>) src(%dma_wait3A_184 : memref<160x128xi32, #tpu.memory_space<hbm>>) dst(%arg6 : memref<160x128xi32, #tpu.memory_space<vmem>>)
        tpu.yield
      }) : () -> ()
      "tpu.region"() ({
        %run_scoped3A_176 = tpu.sem_alloc : memref<!tpu.dma_semaphore, #tpu.memory_space<semaphore_mem>>
        %dma_start3A_177 = arith.constant 0 : i32
        %dma_start3A_178 = tpu.memref_slice %arg4[%add3A_40, %dma_start3A_177] : memref<10240x128xi32, #tpu.memory_space<hbm>> -> memref<160x128xi32, #tpu.memory_space<hbm>>
        %dma_start3A_179 = arith.constant 0 : i32
        %dma_start3A_180 = tpu.memref_slice %arg4[%add3A_40, %dma_start3A_179] : memref<10240x128xi32, #tpu.memory_space<hbm>> -> memref<160x128xi32, #tpu.memory_space<hbm>>
        tpu.enqueue_dma source(%dma_start3A_180 : memref<160x128xi32, #tpu.memory_space<hbm>>) target(%arg7 : memref<160x128xi32, #tpu.memory_space<vmem>>) target_semaphore(%run_scoped3A_176 : memref<!tpu.dma_semaphore, #tpu.memory_space<semaphore_mem>>)
        %dma_wait3A_181 = arith.constant 0 : i32
        %dma_wait3A_182 = tpu.memref_slice %arg4[%add3A_40, %dma_wait3A_181] : memref<10240x128xi32, #tpu.memory_space<hbm>> -> memref<160x128xi32, #tpu.memory_space<hbm>>
        %dma_wait3A_183 = arith.constant 0 : i32
        %dma_wait3A_184 = tpu.memref_slice %arg4[%add3A_40, %dma_wait3A_183] : memref<10240x128xi32, #tpu.memory_space<hbm>> -> memref<160x128xi32, #tpu.memory_space<hbm>>
        tpu.wait_dma2 semaphore(%run_scoped3A_176 : memref<!tpu.dma_semaphore, #tpu.memory_space<semaphore_mem>>) src(%dma_wait3A_184 : memref<160x128xi32, #tpu.memory_space<hbm>>) dst(%arg7 : memref<160x128xi32, #tpu.memory_space<vmem>>)
        tpu.yield
      }) : () -> ()
      %dma_start3A = arith.constant 0 : i32
      %dma_start3A_41 = arith.constant 0 : i32
      %dma_start3A_42 = arith.constant 0 : i32
      %dma_start3A_43 = arith.constant 0 : i32
      %dma_start3A_44 = tpu.memref_slice %arg8[%dma_start3A_41, %dma_start3A_42, %dma_start3A_43] : memref<4x128x64xf32, #tpu.memory_space<vmem>> -> memref<1x128x64xf32, #tpu.memory_space<vmem>>
      %dma_start3A_45 = tpu.memref_squeeze %dma_start3A_44 : memref<1x128x64xf32, #tpu.memory_space<vmem>> -> memref<128x64xf32, #tpu.memory_space<vmem>>
      %dma_start3A_46 = arith.constant 0 : i32
      %dma_start3A_47 = tpu.memref_slice %arg6[%dma_start3A, %dma_start3A_46] : memref<160x128xi32, #tpu.memory_space<vmem>> -> memref<1x128xi32, #tpu.memory_space<vmem>>
      %dma_start3A_48 = tpu.memref_squeeze %dma_start3A_47 : memref<1x128xi32, #tpu.memory_space<vmem>> -> memref<128xi32, #tpu.memory_space<vmem>>
      %dma_start3A_49 = arith.constant 0 : i32
      %dma_start3A_50 = tpu.memref_slice %arg2[%add3A_13, %dma_start3A_49] : memref<80896x64xf32, #tpu.memory_space<hbm>> -> memref<10112x64xf32, #tpu.memory_space<hbm>>
      %dma_start3A_51 = arith.constant 0 : i32
      %dma_start3A_52 = arith.constant 0 : i32
      %dma_start3A_53 = tpu.memref_slice %dma_start3A_50[%dma_start3A_51, %dma_start3A_52] : memref<10112x64xf32, #tpu.memory_space<hbm>> -> memref<10112x64xf32, #tpu.memory_space<hbm>>
      tpu.enqueue_indirect_dma source(%dma_start3A_53 : memref<10112x64xf32, #tpu.memory_space<hbm>>) target(%dma_start3A_45 : memref<128x64xf32, #tpu.memory_space<vmem>>) offsets(%dma_start3A_48 : memref<128xi32, #tpu.memory_space<vmem>>) semaphore(%arg10 : memref<!tpu.dma_semaphore, #tpu.memory_space<semaphore_mem>>)
      %dma_start3A_54 = arith.constant 1 : i32
      %dma_start3A_55 = arith.constant 1 : i32
      %dma_start3A_56 = arith.constant 0 : i32
      %dma_start3A_57 = arith.constant 0 : i32
      %dma_start3A_58 = tpu.memref_slice %arg8[%dma_start3A_55, %dma_start3A_56, %dma_start3A_57] : memref<4x128x64xf32, #tpu.memory_space<vmem>> -> memref<1x128x64xf32, #tpu.memory_space<vmem>>
      %dma_start3A_59 = tpu.memref_squeeze %dma_start3A_58 : memref<1x128x64xf32, #tpu.memory_space<vmem>> -> memref<128x64xf32, #tpu.memory_space<vmem>>
      %dma_start3A_60 = arith.constant 0 : i32
      %dma_start3A_61 = tpu.memref_slice %arg6[%dma_start3A_54, %dma_start3A_60] : memref<160x128xi32, #tpu.memory_space<vmem>> -> memref<1x128xi32, #tpu.memory_space<vmem>>
      %dma_start3A_62 = tpu.memref_squeeze %dma_start3A_61 : memref<1x128xi32, #tpu.memory_space<vmem>> -> memref<128xi32, #tpu.memory_space<vmem>>
      %dma_start3A_63 = arith.constant 0 : i32
      %dma_start3A_64 = tpu.memref_slice %arg2[%add3A_13, %dma_start3A_63] : memref<80896x64xf32, #tpu.memory_space<hbm>> -> memref<10112x64xf32, #tpu.memory_space<hbm>>
      %dma_start3A_65 = arith.constant 0 : i32
      %dma_start3A_66 = arith.constant 0 : i32
      %dma_start3A_67 = tpu.memref_slice %dma_start3A_64[%dma_start3A_65, %dma_start3A_66] : memref<10112x64xf32, #tpu.memory_space<hbm>> -> memref<10112x64xf32, #tpu.memory_space<hbm>>
      tpu.enqueue_indirect_dma source(%dma_start3A_67 : memref<10112x64xf32, #tpu.memory_space<hbm>>) target(%dma_start3A_59 : memref<128x64xf32, #tpu.memory_space<vmem>>) offsets(%dma_start3A_62 : memref<128xi32, #tpu.memory_space<vmem>>) semaphore(%arg11 : memref<!tpu.dma_semaphore, #tpu.memory_space<semaphore_mem>>)
      %dma_start3A_68 = arith.constant 2 : i32
      %dma_start3A_69 = arith.constant 2 : i32
      %dma_start3A_70 = arith.constant 0 : i32
      %dma_start3A_71 = arith.constant 0 : i32
      %dma_start3A_72 = tpu.memref_slice %arg8[%dma_start3A_69, %dma_start3A_70, %dma_start3A_71] : memref<4x128x64xf32, #tpu.memory_space<vmem>> -> memref<1x128x64xf32, #tpu.memory_space<vmem>>
      %dma_start3A_73 = tpu.memref_squeeze %dma_start3A_72 : memref<1x128x64xf32, #tpu.memory_space<vmem>> -> memref<128x64xf32, #tpu.memory_space<vmem>>
      %dma_start3A_74 = arith.constant 0 : i32
      %dma_start3A_75 = tpu.memref_slice %arg6[%dma_start3A_68, %dma_start3A_74] : memref<160x128xi32, #tpu.memory_space<vmem>> -> memref<1x128xi32, #tpu.memory_space<vmem>>
      %dma_start3A_76 = tpu.memref_squeeze %dma_start3A_75 : memref<1x128xi32, #tpu.memory_space<vmem>> -> memref<128xi32, #tpu.memory_space<vmem>>
      %dma_start3A_77 = arith.constant 0 : i32
      %dma_start3A_78 = tpu.memref_slice %arg2[%add3A_13, %dma_start3A_77] : memref<80896x64xf32, #tpu.memory_space<hbm>> -> memref<10112x64xf32, #tpu.memory_space<hbm>>
      %dma_start3A_79 = arith.constant 0 : i32
      %dma_start3A_80 = arith.constant 0 : i32
      %dma_start3A_81 = tpu.memref_slice %dma_start3A_78[%dma_start3A_79, %dma_start3A_80] : memref<10112x64xf32, #tpu.memory_space<hbm>> -> memref<10112x64xf32, #tpu.memory_space<hbm>>
      tpu.enqueue_indirect_dma source(%dma_start3A_81 : memref<10112x64xf32, #tpu.memory_space<hbm>>) target(%dma_start3A_73 : memref<128x64xf32, #tpu.memory_space<vmem>>) offsets(%dma_start3A_76 : memref<128xi32, #tpu.memory_space<vmem>>) semaphore(%arg12 : memref<!tpu.dma_semaphore, #tpu.memory_space<semaphore_mem>>)
      %dma_start3A_82 = arith.constant 3 : i32
      %dma_start3A_83 = arith.constant 3 : i32
      %dma_start3A_84 = arith.constant 0 : i32
      %dma_start3A_85 = arith.constant 0 : i32
      %dma_start3A_86 = tpu.memref_slice %arg8[%dma_start3A_83, %dma_start3A_84, %dma_start3A_85] : memref<4x128x64xf32, #tpu.memory_space<vmem>> -> memref<1x128x64xf32, #tpu.memory_space<vmem>>
      %dma_start3A_87 = tpu.memref_squeeze %dma_start3A_86 : memref<1x128x64xf32, #tpu.memory_space<vmem>> -> memref<128x64xf32, #tpu.memory_space<vmem>>
      %dma_start3A_88 = arith.constant 0 : i32
      %dma_start3A_89 = tpu.memref_slice %arg6[%dma_start3A_82, %dma_start3A_88] : memref<160x128xi32, #tpu.memory_space<vmem>> -> memref<1x128xi32, #tpu.memory_space<vmem>>
      %dma_start3A_90 = tpu.memref_squeeze %dma_start3A_89 : memref<1x128xi32, #tpu.memory_space<vmem>> -> memref<128xi32, #tpu.memory_space<vmem>>
      %dma_start3A_91 = arith.constant 0 : i32
      %dma_start3A_92 = tpu.memref_slice %arg2[%add3A_13, %dma_start3A_91] : memref<80896x64xf32, #tpu.memory_space<hbm>> -> memref<10112x64xf32, #tpu.memory_space<hbm>>
      %dma_start3A_93 = arith.constant 0 : i32
      %dma_start3A_94 = arith.constant 0 : i32
      %dma_start3A_95 = tpu.memref_slice %dma_start3A_92[%dma_start3A_93, %dma_start3A_94] : memref<10112x64xf32, #tpu.memory_space<hbm>> -> memref<10112x64xf32, #tpu.memory_space<hbm>>
      tpu.enqueue_indirect_dma source(%dma_start3A_95 : memref<10112x64xf32, #tpu.memory_space<hbm>>) target(%dma_start3A_87 : memref<128x64xf32, #tpu.memory_space<vmem>>) offsets(%dma_start3A_90 : memref<128xi32, #tpu.memory_space<vmem>>) semaphore(%arg13 : memref<!tpu.dma_semaphore, #tpu.memory_space<semaphore_mem>>)
      %barrier3A = arith.constant 0 : index
      tpu.barrier barrier_id(%barrier3A)
      %scan3A_96 = arith.constant 0 : i32
      %scan3A_97 = arith.constant 39 : i32
      %scan3A_98 = arith.addi %scan3A_96, %scan3A_97 : i32
      %scan3A_99 = arith.constant 1 : i32
      scf.for %scan3A_176 = %scan3A_96 to %scan3A_98 step %scan3A_99  : i32 {
        %mul3A_177 = arith.constant 1 : i32
        %mul3A_178 = arith.muli %scan3A_176, %mul3A_177 : i32
        %add3A_179 = arith.constant 0 : i32
        %add3A_180 = arith.addi %add3A_179, %mul3A_178 : i32
        %dma_wait3A_181 = arith.constant 0 : i32
        %dma_wait3A_182 = arith.constant 0 : i32
        %dma_wait3A_183 = arith.constant 0 : i32
        %dma_wait3A_184 = tpu.memref_slice %arg8[%dma_wait3A_181, %dma_wait3A_182, %dma_wait3A_183] : memref<4x128x64xf32, #tpu.memory_space<vmem>> -> memref<1x128x64xf32, #tpu.memory_space<vmem>>
        %dma_wait3A_185 = tpu.memref_squeeze %dma_wait3A_184 : memref<1x128x64xf32, #tpu.memory_space<vmem>> -> memref<128x64xf32, #tpu.memory_space<vmem>>
        %dma_wait3A_186 = arith.constant 0 : i32
        %dma_wait3A_187 = arith.constant 0 : i32
        %dma_wait3A_188 = tpu.memref_slice %arg2[%dma_wait3A_186, %dma_wait3A_187] : memref<80896x64xf32, #tpu.memory_space<hbm>> -> memref<128x64xf32, #tpu.memory_space<hbm>>
        %dma_wait3A_189 = arith.constant 0 : i32
        %dma_wait3A_190 = arith.constant 0 : i32
        %dma_wait3A_191 = tpu.memref_slice %arg8[%dma_wait3A_181, %dma_wait3A_189, %dma_wait3A_190] : memref<4x128x64xf32, #tpu.memory_space<vmem>> -> memref<1x128x64xf32, #tpu.memory_space<vmem>>
        %dma_wait3A_192 = tpu.memref_squeeze %dma_wait3A_191 : memref<1x128x64xf32, #tpu.memory_space<vmem>> -> memref<128x64xf32, #tpu.memory_space<vmem>>
        %dma_wait3A_193 = arith.constant 0 : i32
        %dma_wait3A_194 = arith.constant 0 : i32
        %dma_wait3A_195 = tpu.memref_slice %arg2[%dma_wait3A_193, %dma_wait3A_194] : memref<80896x64xf32, #tpu.memory_space<hbm>> -> memref<128x64xf32, #tpu.memory_space<hbm>>
        tpu.wait_dma2 semaphore(%arg10 : memref<!tpu.dma_semaphore, #tpu.memory_space<semaphore_mem>>) src(%dma_wait3A_195 : memref<128x64xf32, #tpu.memory_space<hbm>>) dst(%dma_wait3A_192 : memref<128x64xf32, #tpu.memory_space<vmem>>)
        %mul3A_196 = arith.constant 4 : i32
        %mul3A_197 = arith.muli %add3A_180, %mul3A_196 : i32
        %add3A_198 = arith.constant 0 : i32
        %add3A_199 = arith.addi %mul3A_197, %add3A_198 : i32
        %run_scoped3A_200 = arith.constant 0 : i32
        "tpu.region"() ({
          %run_scoped3A_337 = tpu.sem_alloc : memref<!tpu.dma_semaphore, #tpu.memory_space<semaphore_mem>>
          %dma_start3A_338 = arith.constant 0 : i32
          %dma_start3A_339 = arith.constant 0 : i32
          %dma_start3A_340 = tpu.memref_slice %arg8[%run_scoped3A_200, %dma_start3A_338, %dma_start3A_339] : memref<4x128x64xf32, #tpu.memory_space<vmem>> -> memref<1x128x64xf32, #tpu.memory_space<vmem>>
          %dma_start3A_341 = tpu.memref_squeeze %dma_start3A_340 : memref<1x128x64xf32, #tpu.memory_space<vmem>> -> memref<128x64xf32, #tpu.memory_space<vmem>>
          %dma_start3A_342 = arith.constant 0 : i32
          %dma_start3A_343 = tpu.memref_slice %arg7[%add3A_199, %dma_start3A_342] : memref<160x128xi32, #tpu.memory_space<vmem>> -> memref<1x128xi32, #tpu.memory_space<vmem>>
          %dma_start3A_344 = tpu.memref_squeeze %dma_start3A_343 : memref<1x128xi32, #tpu.memory_space<vmem>> -> memref<128xi32, #tpu.memory_space<vmem>>
          %dma_start3A_345 = arith.constant 0 : i32
          %dma_start3A_346 = arith.constant 0 : i32
          %dma_start3A_347 = tpu.memref_slice %arg9[%dma_start3A_345, %dma_start3A_346] : memref<10112x64xf32, #tpu.memory_space<vmem_shared>> -> memref<10112x64xf32, #tpu.memory_space<vmem_shared>>
          tpu.enqueue_indirect_dma source(%dma_start3A_341 : memref<128x64xf32, #tpu.memory_space<vmem>>) target(%dma_start3A_347 : memref<10112x64xf32, #tpu.memory_space<vmem_shared>>) offsets(%dma_start3A_344 : memref<128xi32, #tpu.memory_space<vmem>>) semaphore(%run_scoped3A_337 : memref<!tpu.dma_semaphore, #tpu.memory_space<semaphore_mem>>) {add = true}
          %dma_wait3A_348 = arith.constant 0 : i32
          %dma_wait3A_349 = arith.constant 0 : i32
          %dma_wait3A_350 = tpu.memref_slice %arg8[%run_scoped3A_200, %dma_wait3A_348, %dma_wait3A_349] : memref<4x128x64xf32, #tpu.memory_space<vmem>> -> memref<1x128x64xf32, #tpu.memory_space<vmem>>
          %dma_wait3A_351 = tpu.memref_squeeze %dma_wait3A_350 : memref<1x128x64xf32, #tpu.memory_space<vmem>> -> memref<128x64xf32, #tpu.memory_space<vmem>>
          %dma_wait3A_352 = arith.constant 0 : i32
          %dma_wait3A_353 = tpu.memref_slice %arg7[%add3A_199, %dma_wait3A_352] : memref<160x128xi32, #tpu.memory_space<vmem>> -> memref<1x128xi32, #tpu.memory_space<vmem>>
          %dma_wait3A_354 = tpu.memref_squeeze %dma_wait3A_353 : memref<1x128xi32, #tpu.memory_space<vmem>> -> memref<128xi32, #tpu.memory_space<vmem>>
          %dma_wait3A_355 = arith.constant 0 : i32
          %dma_wait3A_356 = arith.constant 0 : i32
          %dma_wait3A_357 = tpu.memref_slice %arg9[%dma_wait3A_355, %dma_wait3A_356] : memref<10112x64xf32, #tpu.memory_space<vmem_shared>> -> memref<10112x64xf32, #tpu.memory_space<vmem_shared>>
          tpu.wait_indirect_dma semaphore(%run_scoped3A_337 : memref<!tpu.dma_semaphore, #tpu.memory_space<semaphore_mem>>) src(%dma_wait3A_351 : memref<128x64xf32, #tpu.memory_space<vmem>>) dst(%dma_wait3A_357 : memref<10112x64xf32, #tpu.memory_space<vmem_shared>>)
          tpu.yield
        }) : () -> ()
        %add3A_201 = arith.constant 1 : i32
        %add3A_202 = arith.addi %add3A_180, %add3A_201 : i32
        %mul3A_203 = arith.constant 4 : i32
        %mul3A_204 = arith.muli %add3A_202, %mul3A_203 : i32
        %add3A_205 = arith.constant 0 : i32
        %add3A_206 = arith.addi %mul3A_204, %add3A_205 : i32
        %dma_start3A_207 = arith.constant 0 : i32
        %dma_start3A_208 = arith.constant 0 : i32
        %dma_start3A_209 = arith.constant 0 : i32
        %dma_start3A_210 = tpu.memref_slice %arg8[%dma_start3A_207, %dma_start3A_208, %dma_start3A_209] : memref<4x128x64xf32, #tpu.memory_space<vmem>> -> memref<1x128x64xf32, #tpu.memory_space<vmem>>
        %dma_start3A_211 = tpu.memref_squeeze %dma_start3A_210 : memref<1x128x64xf32, #tpu.memory_space<vmem>> -> memref<128x64xf32, #tpu.memory_space<vmem>>
        %dma_start3A_212 = arith.constant 0 : i32
        %dma_start3A_213 = tpu.memref_slice %arg6[%add3A_206, %dma_start3A_212] : memref<160x128xi32, #tpu.memory_space<vmem>> -> memref<1x128xi32, #tpu.memory_space<vmem>>
        %dma_start3A_214 = tpu.memref_squeeze %dma_start3A_213 : memref<1x128xi32, #tpu.memory_space<vmem>> -> memref<128xi32, #tpu.memory_space<vmem>>
        %dma_start3A_215 = arith.constant 0 : i32
        %dma_start3A_216 = tpu.memref_slice %arg2[%add3A_13, %dma_start3A_215] : memref<80896x64xf32, #tpu.memory_space<hbm>> -> memref<10112x64xf32, #tpu.memory_space<hbm>>
        %dma_start3A_217 = arith.constant 0 : i32
        %dma_start3A_218 = arith.constant 0 : i32
        %dma_start3A_219 = tpu.memref_slice %dma_start3A_216[%dma_start3A_217, %dma_start3A_218] : memref<10112x64xf32, #tpu.memory_space<hbm>> -> memref<10112x64xf32, #tpu.memory_space<hbm>>
        tpu.enqueue_indirect_dma source(%dma_start3A_219 : memref<10112x64xf32, #tpu.memory_space<hbm>>) target(%dma_start3A_211 : memref<128x64xf32, #tpu.memory_space<vmem>>) offsets(%dma_start3A_214 : memref<128xi32, #tpu.memory_space<vmem>>) semaphore(%arg10 : memref<!tpu.dma_semaphore, #tpu.memory_space<semaphore_mem>>)
        %dma_wait3A_220 = arith.constant 1 : i32
        %dma_wait3A_221 = arith.constant 0 : i32
        %dma_wait3A_222 = arith.constant 0 : i32
        %dma_wait3A_223 = tpu.memref_slice %arg8[%dma_wait3A_220, %dma_wait3A_221, %dma_wait3A_222] : memref<4x128x64xf32, #tpu.memory_space<vmem>> -> memref<1x128x64xf32, #tpu.memory_space<vmem>>
        %dma_wait3A_224 = tpu.memref_squeeze %dma_wait3A_223 : memref<1x128x64xf32, #tpu.memory_space<vmem>> -> memref<128x64xf32, #tpu.memory_space<vmem>>
        %dma_wait3A_225 = arith.constant 0 : i32
        %dma_wait3A_226 = arith.constant 0 : i32
        %dma_wait3A_227 = tpu.memref_slice %arg2[%dma_wait3A_225, %dma_wait3A_226] : memref<80896x64xf32, #tpu.memory_space<hbm>> -> memref<128x64xf32, #tpu.memory_space<hbm>>
        %dma_wait3A_228 = arith.constant 0 : i32
        %dma_wait3A_229 = arith.constant 0 : i32
        %dma_wait3A_230 = tpu.memref_slice %arg8[%dma_wait3A_220, %dma_wait3A_228, %dma_wait3A_229] : memref<4x128x64xf32, #tpu.memory_space<vmem>> -> memref<1x128x64xf32, #tpu.memory_space<vmem>>
        %dma_wait3A_231 = tpu.memref_squeeze %dma_wait3A_230 : memref<1x128x64xf32, #tpu.memory_space<vmem>> -> memref<128x64xf32, #tpu.memory_space<vmem>>
        %dma_wait3A_232 = arith.constant 0 : i32
        %dma_wait3A_233 = arith.constant 0 : i32
        %dma_wait3A_234 = tpu.memref_slice %arg2[%dma_wait3A_232, %dma_wait3A_233] : memref<80896x64xf32, #tpu.memory_space<hbm>> -> memref<128x64xf32, #tpu.memory_space<hbm>>
        tpu.wait_dma2 semaphore(%arg11 : memref<!tpu.dma_semaphore, #tpu.memory_space<semaphore_mem>>) src(%dma_wait3A_234 : memref<128x64xf32, #tpu.memory_space<hbm>>) dst(%dma_wait3A_231 : memref<128x64xf32, #tpu.memory_space<vmem>>)
        %mul3A_235 = arith.constant 4 : i32
        %mul3A_236 = arith.muli %add3A_180, %mul3A_235 : i32
        %add3A_237 = arith.constant 1 : i32
        %add3A_238 = arith.addi %mul3A_236, %add3A_237 : i32
        %run_scoped3A_239 = arith.constant 1 : i32
        "tpu.region"() ({
          %run_scoped3A_337 = tpu.sem_alloc : memref<!tpu.dma_semaphore, #tpu.memory_space<semaphore_mem>>
          %dma_start3A_338 = arith.constant 0 : i32
          %dma_start3A_339 = arith.constant 0 : i32
          %dma_start3A_340 = tpu.memref_slice %arg8[%run_scoped3A_239, %dma_start3A_338, %dma_start3A_339] : memref<4x128x64xf32, #tpu.memory_space<vmem>> -> memref<1x128x64xf32, #tpu.memory_space<vmem>>
          %dma_start3A_341 = tpu.memref_squeeze %dma_start3A_340 : memref<1x128x64xf32, #tpu.memory_space<vmem>> -> memref<128x64xf32, #tpu.memory_space<vmem>>
          %dma_start3A_342 = arith.constant 0 : i32
          %dma_start3A_343 = tpu.memref_slice %arg7[%add3A_238, %dma_start3A_342] : memref<160x128xi32, #tpu.memory_space<vmem>> -> memref<1x128xi32, #tpu.memory_space<vmem>>
          %dma_start3A_344 = tpu.memref_squeeze %dma_start3A_343 : memref<1x128xi32, #tpu.memory_space<vmem>> -> memref<128xi32, #tpu.memory_space<vmem>>
          %dma_start3A_345 = arith.constant 0 : i32
          %dma_start3A_346 = arith.constant 0 : i32
          %dma_start3A_347 = tpu.memref_slice %arg9[%dma_start3A_345, %dma_start3A_346] : memref<10112x64xf32, #tpu.memory_space<vmem_shared>> -> memref<10112x64xf32, #tpu.memory_space<vmem_shared>>
          tpu.enqueue_indirect_dma source(%dma_start3A_341 : memref<128x64xf32, #tpu.memory_space<vmem>>) target(%dma_start3A_347 : memref<10112x64xf32, #tpu.memory_space<vmem_shared>>) offsets(%dma_start3A_344 : memref<128xi32, #tpu.memory_space<vmem>>) semaphore(%run_scoped3A_337 : memref<!tpu.dma_semaphore, #tpu.memory_space<semaphore_mem>>) {add = true}
          %dma_wait3A_348 = arith.constant 0 : i32
          %dma_wait3A_349 = arith.constant 0 : i32
          %dma_wait3A_350 = tpu.memref_slice %arg8[%run_scoped3A_239, %dma_wait3A_348, %dma_wait3A_349] : memref<4x128x64xf32, #tpu.memory_space<vmem>> -> memref<1x128x64xf32, #tpu.memory_space<vmem>>
          %dma_wait3A_351 = tpu.memref_squeeze %dma_wait3A_350 : memref<1x128x64xf32, #tpu.memory_space<vmem>> -> memref<128x64xf32, #tpu.memory_space<vmem>>
          %dma_wait3A_352 = arith.constant 0 : i32
          %dma_wait3A_353 = tpu.memref_slice %arg7[%add3A_238, %dma_wait3A_352] : memref<160x128xi32, #tpu.memory_space<vmem>> -> memref<1x128xi32, #tpu.memory_space<vmem>>
          %dma_wait3A_354 = tpu.memref_squeeze %dma_wait3A_353 : memref<1x128xi32, #tpu.memory_space<vmem>> -> memref<128xi32, #tpu.memory_space<vmem>>
          %dma_wait3A_355 = arith.constant 0 : i32
          %dma_wait3A_356 = arith.constant 0 : i32
          %dma_wait3A_357 = tpu.memref_slice %arg9[%dma_wait3A_355, %dma_wait3A_356] : memref<10112x64xf32, #tpu.memory_space<vmem_shared>> -> memref<10112x64xf32, #tpu.memory_space<vmem_shared>>
          tpu.wait_indirect_dma semaphore(%run_scoped3A_337 : memref<!tpu.dma_semaphore, #tpu.memory_space<semaphore_mem>>) src(%dma_wait3A_351 : memref<128x64xf32, #tpu.memory_space<vmem>>) dst(%dma_wait3A_357 : memref<10112x64xf32, #tpu.memory_space<vmem_shared>>)
          tpu.yield
        }) : () -> ()
        %add3A_240 = arith.constant 1 : i32
        %add3A_241 = arith.addi %add3A_180, %add3A_240 : i32
        %mul3A_242 = arith.constant 4 : i32
        %mul3A_243 = arith.muli %add3A_241, %mul3A_242 : i32
        %add3A_244 = arith.constant 1 : i32
        %add3A_245 = arith.addi %mul3A_243, %add3A_244 : i32
        %dma_start3A_246 = arith.constant 1 : i32
        %dma_start3A_247 = arith.constant 0 : i32
        %dma_start3A_248 = arith.constant 0 : i32
        %dma_start3A_249 = tpu.memref_slice %arg8[%dma_start3A_246, %dma_start3A_247, %dma_start3A_248] : memref<4x128x64xf32, #tpu.memory_space<vmem>> -> memref<1x128x64xf32, #tpu.memory_space<vmem>>
        %dma_start3A_250 = tpu.memref_squeeze %dma_start3A_249 : memref<1x128x64xf32, #tpu.memory_space<vmem>> -> memref<128x64xf32, #tpu.memory_space<vmem>>
        %dma_start3A_251 = arith.constant 0 : i32
        %dma_start3A_252 = tpu.memref_slice %arg6[%add3A_245, %dma_start3A_251] : memref<160x128xi32, #tpu.memory_space<vmem>> -> memref<1x128xi32, #tpu.memory_space<vmem>>
        %dma_start3A_253 = tpu.memref_squeeze %dma_start3A_252 : memref<1x128xi32, #tpu.memory_space<vmem>> -> memref<128xi32, #tpu.memory_space<vmem>>
        %dma_start3A_254 = arith.constant 0 : i32
        %dma_start3A_255 = tpu.memref_slice %arg2[%add3A_13, %dma_start3A_254] : memref<80896x64xf32, #tpu.memory_space<hbm>> -> memref<10112x64xf32, #tpu.memory_space<hbm>>
        %dma_start3A_256 = arith.constant 0 : i32
        %dma_start3A_257 = arith.constant 0 : i32
        %dma_start3A_258 = tpu.memref_slice %dma_start3A_255[%dma_start3A_256, %dma_start3A_257] : memref<10112x64xf32, #tpu.memory_space<hbm>> -> memref<10112x64xf32, #tpu.memory_space<hbm>>
        tpu.enqueue_indirect_dma source(%dma_start3A_258 : memref<10112x64xf32, #tpu.memory_space<hbm>>) target(%dma_start3A_250 : memref<128x64xf32, #tpu.memory_space<vmem>>) offsets(%dma_start3A_253 : memref<128xi32, #tpu.memory_space<vmem>>) semaphore(%arg11 : memref<!tpu.dma_semaphore, #tpu.memory_space<semaphore_mem>>)
        %dma_wait3A_259 = arith.constant 2 : i32
        %dma_wait3A_260 = arith.constant 0 : i32
        %dma_wait3A_261 = arith.constant 0 : i32
        %dma_wait3A_262 = tpu.memref_slice %arg8[%dma_wait3A_259, %dma_wait3A_260, %dma_wait3A_261] : memref<4x128x64xf32, #tpu.memory_space<vmem>> -> memref<1x128x64xf32, #tpu.memory_space<vmem>>
        %dma_wait3A_263 = tpu.memref_squeeze %dma_wait3A_262 : memref<1x128x64xf32, #tpu.memory_space<vmem>> -> memref<128x64xf32, #tpu.memory_space<vmem>>
        %dma_wait3A_264 = arith.constant 0 : i32
        %dma_wait3A_265 = arith.constant 0 : i32
        %dma_wait3A_266 = tpu.memref_slice %arg2[%dma_wait3A_264, %dma_wait3A_265] : memref<80896x64xf32, #tpu.memory_space<hbm>> -> memref<128x64xf32, #tpu.memory_space<hbm>>
        %dma_wait3A_267 = arith.constant 0 : i32
        %dma_wait3A_268 = arith.constant 0 : i32
        %dma_wait3A_269 = tpu.memref_slice %arg8[%dma_wait3A_259, %dma_wait3A_267, %dma_wait3A_268] : memref<4x128x64xf32, #tpu.memory_space<vmem>> -> memref<1x128x64xf32, #tpu.memory_space<vmem>>
        %dma_wait3A_270 = tpu.memref_squeeze %dma_wait3A_269 : memref<1x128x64xf32, #tpu.memory_space<vmem>> -> memref<128x64xf32, #tpu.memory_space<vmem>>
        %dma_wait3A_271 = arith.constant 0 : i32
        %dma_wait3A_272 = arith.constant 0 : i32
        %dma_wait3A_273 = tpu.memref_slice %arg2[%dma_wait3A_271, %dma_wait3A_272] : memref<80896x64xf32, #tpu.memory_space<hbm>> -> memref<128x64xf32, #tpu.memory_space<hbm>>
        tpu.wait_dma2 semaphore(%arg12 : memref<!tpu.dma_semaphore, #tpu.memory_space<semaphore_mem>>) src(%dma_wait3A_273 : memref<128x64xf32, #tpu.memory_space<hbm>>) dst(%dma_wait3A_270 : memref<128x64xf32, #tpu.memory_space<vmem>>)
        %mul3A_274 = arith.constant 4 : i32
        %mul3A_275 = arith.muli %add3A_180, %mul3A_274 : i32
        %add3A_276 = arith.constant 2 : i32
        %add3A_277 = arith.addi %mul3A_275, %add3A_276 : i32
        %run_scoped3A_278 = arith.constant 2 : i32
        "tpu.region"() ({
          %run_scoped3A_337 = tpu.sem_alloc : memref<!tpu.dma_semaphore, #tpu.memory_space<semaphore_mem>>
          %dma_start3A_338 = arith.constant 0 : i32
          %dma_start3A_339 = arith.constant 0 : i32
          %dma_start3A_340 = tpu.memref_slice %arg8[%run_scoped3A_278, %dma_start3A_338, %dma_start3A_339] : memref<4x128x64xf32, #tpu.memory_space<vmem>> -> memref<1x128x64xf32, #tpu.memory_space<vmem>>
          %dma_start3A_341 = tpu.memref_squeeze %dma_start3A_340 : memref<1x128x64xf32, #tpu.memory_space<vmem>> -> memref<128x64xf32, #tpu.memory_space<vmem>>
          %dma_start3A_342 = arith.constant 0 : i32
          %dma_start3A_343 = tpu.memref_slice %arg7[%add3A_277, %dma_start3A_342] : memref<160x128xi32, #tpu.memory_space<vmem>> -> memref<1x128xi32, #tpu.memory_space<vmem>>
          %dma_start3A_344 = tpu.memref_squeeze %dma_start3A_343 : memref<1x128xi32, #tpu.memory_space<vmem>> -> memref<128xi32, #tpu.memory_space<vmem>>
          %dma_start3A_345 = arith.constant 0 : i32
          %dma_start3A_346 = arith.constant 0 : i32
          %dma_start3A_347 = tpu.memref_slice %arg9[%dma_start3A_345, %dma_start3A_346] : memref<10112x64xf32, #tpu.memory_space<vmem_shared>> -> memref<10112x64xf32, #tpu.memory_space<vmem_shared>>
          tpu.enqueue_indirect_dma source(%dma_start3A_341 : memref<128x64xf32, #tpu.memory_space<vmem>>) target(%dma_start3A_347 : memref<10112x64xf32, #tpu.memory_space<vmem_shared>>) offsets(%dma_start3A_344 : memref<128xi32, #tpu.memory_space<vmem>>) semaphore(%run_scoped3A_337 : memref<!tpu.dma_semaphore, #tpu.memory_space<semaphore_mem>>) {add = true}
          %dma_wait3A_348 = arith.constant 0 : i32
          %dma_wait3A_349 = arith.constant 0 : i32
          %dma_wait3A_350 = tpu.memref_slice %arg8[%run_scoped3A_278, %dma_wait3A_348, %dma_wait3A_349] : memref<4x128x64xf32, #tpu.memory_space<vmem>> -> memref<1x128x64xf32, #tpu.memory_space<vmem>>
          %dma_wait3A_351 = tpu.memref_squeeze %dma_wait3A_350 : memref<1x128x64xf32, #tpu.memory_space<vmem>> -> memref<128x64xf32, #tpu.memory_space<vmem>>
          %dma_wait3A_352 = arith.constant 0 : i32
          %dma_wait3A_353 = tpu.memref_slice %arg7[%add3A_277, %dma_wait3A_352] : memref<160x128xi32, #tpu.memory_space<vmem>> -> memref<1x128xi32, #tpu.memory_space<vmem>>
          %dma_wait3A_354 = tpu.memref_squeeze %dma_wait3A_353 : memref<1x128xi32, #tpu.memory_space<vmem>> -> memref<128xi32, #tpu.memory_space<vmem>>
          %dma_wait3A_355 = arith.constant 0 : i32
          %dma_wait3A_356 = arith.constant 0 : i32
          %dma_wait3A_357 = tpu.memref_slice %arg9[%dma_wait3A_355, %dma_wait3A_356] : memref<10112x64xf32, #tpu.memory_space<vmem_shared>> -> memref<10112x64xf32, #tpu.memory_space<vmem_shared>>
          tpu.wait_indirect_dma semaphore(%run_scoped3A_337 : memref<!tpu.dma_semaphore, #tpu.memory_space<semaphore_mem>>) src(%dma_wait3A_351 : memref<128x64xf32, #tpu.memory_space<vmem>>) dst(%dma_wait3A_357 : memref<10112x64xf32, #tpu.memory_space<vmem_shared>>)
          tpu.yield
        }) : () -> ()
        %add3A_279 = arith.constant 1 : i32
        %add3A_280 = arith.addi %add3A_180, %add3A_279 : i32
        %mul3A_281 = arith.constant 4 : i32
        %mul3A_282 = arith.muli %add3A_280, %mul3A_281 : i32
        %add3A_283 = arith.constant 2 : i32
        %add3A_284 = arith.addi %mul3A_282, %add3A_283 : i32
        %dma_start3A_285 = arith.constant 2 : i32
        %dma_start3A_286 = arith.constant 0 : i32
        %dma_start3A_287 = arith.constant 0 : i32
        %dma_start3A_288 = tpu.memref_slice %arg8[%dma_start3A_285, %dma_start3A_286, %dma_start3A_287] : memref<4x128x64xf32, #tpu.memory_space<vmem>> -> memref<1x128x64xf32, #tpu.memory_space<vmem>>
        %dma_start3A_289 = tpu.memref_squeeze %dma_start3A_288 : memref<1x128x64xf32, #tpu.memory_space<vmem>> -> memref<128x64xf32, #tpu.memory_space<vmem>>
        %dma_start3A_290 = arith.constant 0 : i32
        %dma_start3A_291 = tpu.memref_slice %arg6[%add3A_284, %dma_start3A_290] : memref<160x128xi32, #tpu.memory_space<vmem>> -> memref<1x128xi32, #tpu.memory_space<vmem>>
        %dma_start3A_292 = tpu.memref_squeeze %dma_start3A_291 : memref<1x128xi32, #tpu.memory_space<vmem>> -> memref<128xi32, #tpu.memory_space<vmem>>
        %dma_start3A_293 = arith.constant 0 : i32
        %dma_start3A_294 = tpu.memref_slice %arg2[%add3A_13, %dma_start3A_293] : memref<80896x64xf32, #tpu.memory_space<hbm>> -> memref<10112x64xf32, #tpu.memory_space<hbm>>
        %dma_start3A_295 = arith.constant 0 : i32
        %dma_start3A_296 = arith.constant 0 : i32
        %dma_start3A_297 = tpu.memref_slice %dma_start3A_294[%dma_start3A_295, %dma_start3A_296] : memref<10112x64xf32, #tpu.memory_space<hbm>> -> memref<10112x64xf32, #tpu.memory_space<hbm>>
        tpu.enqueue_indirect_dma source(%dma_start3A_297 : memref<10112x64xf32, #tpu.memory_space<hbm>>) target(%dma_start3A_289 : memref<128x64xf32, #tpu.memory_space<vmem>>) offsets(%dma_start3A_292 : memref<128xi32, #tpu.memory_space<vmem>>) semaphore(%arg12 : memref<!tpu.dma_semaphore, #tpu.memory_space<semaphore_mem>>)
        %dma_wait3A_298 = arith.constant 3 : i32
        %dma_wait3A_299 = arith.constant 0 : i32
        %dma_wait3A_300 = arith.constant 0 : i32
        %dma_wait3A_301 = tpu.memref_slice %arg8[%dma_wait3A_298, %dma_wait3A_299, %dma_wait3A_300] : memref<4x128x64xf32, #tpu.memory_space<vmem>> -> memref<1x128x64xf32, #tpu.memory_space<vmem>>
        %dma_wait3A_302 = tpu.memref_squeeze %dma_wait3A_301 : memref<1x128x64xf32, #tpu.memory_space<vmem>> -> memref<128x64xf32, #tpu.memory_space<vmem>>
        %dma_wait3A_303 = arith.constant 0 : i32
        %dma_wait3A_304 = arith.constant 0 : i32
        %dma_wait3A_305 = tpu.memref_slice %arg2[%dma_wait3A_303, %dma_wait3A_304] : memref<80896x64xf32, #tpu.memory_space<hbm>> -> memref<128x64xf32, #tpu.memory_space<hbm>>
        %dma_wait3A_306 = arith.constant 0 : i32
        %dma_wait3A_307 = arith.constant 0 : i32
        %dma_wait3A_308 = tpu.memref_slice %arg8[%dma_wait3A_298, %dma_wait3A_306, %dma_wait3A_307] : memref<4x128x64xf32, #tpu.memory_space<vmem>> -> memref<1x128x64xf32, #tpu.memory_space<vmem>>
        %dma_wait3A_309 = tpu.memref_squeeze %dma_wait3A_308 : memref<1x128x64xf32, #tpu.memory_space<vmem>> -> memref<128x64xf32, #tpu.memory_space<vmem>>
        %dma_wait3A_310 = arith.constant 0 : i32
        %dma_wait3A_311 = arith.constant 0 : i32
        %dma_wait3A_312 = tpu.memref_slice %arg2[%dma_wait3A_310, %dma_wait3A_311] : memref<80896x64xf32, #tpu.memory_space<hbm>> -> memref<128x64xf32, #tpu.memory_space<hbm>>
        tpu.wait_dma2 semaphore(%arg13 : memref<!tpu.dma_semaphore, #tpu.memory_space<semaphore_mem>>) src(%dma_wait3A_312 : memref<128x64xf32, #tpu.memory_space<hbm>>) dst(%dma_wait3A_309 : memref<128x64xf32, #tpu.memory_space<vmem>>)
        %mul3A_313 = arith.constant 4 : i32
        %mul3A_314 = arith.muli %add3A_180, %mul3A_313 : i32
        %add3A_315 = arith.constant 3 : i32
        %add3A_316 = arith.addi %mul3A_314, %add3A_315 : i32
        %run_scoped3A_317 = arith.constant 3 : i32
        "tpu.region"() ({
          %run_scoped3A_337 = tpu.sem_alloc : memref<!tpu.dma_semaphore, #tpu.memory_space<semaphore_mem>>
          %dma_start3A_338 = arith.constant 0 : i32
          %dma_start3A_339 = arith.constant 0 : i32
          %dma_start3A_340 = tpu.memref_slice %arg8[%run_scoped3A_317, %dma_start3A_338, %dma_start3A_339] : memref<4x128x64xf32, #tpu.memory_space<vmem>> -> memref<1x128x64xf32, #tpu.memory_space<vmem>>
          %dma_start3A_341 = tpu.memref_squeeze %dma_start3A_340 : memref<1x128x64xf32, #tpu.memory_space<vmem>> -> memref<128x64xf32, #tpu.memory_space<vmem>>
          %dma_start3A_342 = arith.constant 0 : i32
          %dma_start3A_343 = tpu.memref_slice %arg7[%add3A_316, %dma_start3A_342] : memref<160x128xi32, #tpu.memory_space<vmem>> -> memref<1x128xi32, #tpu.memory_space<vmem>>
          %dma_start3A_344 = tpu.memref_squeeze %dma_start3A_343 : memref<1x128xi32, #tpu.memory_space<vmem>> -> memref<128xi32, #tpu.memory_space<vmem>>
          %dma_start3A_345 = arith.constant 0 : i32
          %dma_start3A_346 = arith.constant 0 : i32
          %dma_start3A_347 = tpu.memref_slice %arg9[%dma_start3A_345, %dma_start3A_346] : memref<10112x64xf32, #tpu.memory_space<vmem_shared>> -> memref<10112x64xf32, #tpu.memory_space<vmem_shared>>
          tpu.enqueue_indirect_dma source(%dma_start3A_341 : memref<128x64xf32, #tpu.memory_space<vmem>>) target(%dma_start3A_347 : memref<10112x64xf32, #tpu.memory_space<vmem_shared>>) offsets(%dma_start3A_344 : memref<128xi32, #tpu.memory_space<vmem>>) semaphore(%run_scoped3A_337 : memref<!tpu.dma_semaphore, #tpu.memory_space<semaphore_mem>>) {add = true}
          %dma_wait3A_348 = arith.constant 0 : i32
          %dma_wait3A_349 = arith.constant 0 : i32
          %dma_wait3A_350 = tpu.memref_slice %arg8[%run_scoped3A_317, %dma_wait3A_348, %dma_wait3A_349] : memref<4x128x64xf32, #tpu.memory_space<vmem>> -> memref<1x128x64xf32, #tpu.memory_space<vmem>>
          %dma_wait3A_351 = tpu.memref_squeeze %dma_wait3A_350 : memref<1x128x64xf32, #tpu.memory_space<vmem>> -> memref<128x64xf32, #tpu.memory_space<vmem>>
          %dma_wait3A_352 = arith.constant 0 : i32
          %dma_wait3A_353 = tpu.memref_slice %arg7[%add3A_316, %dma_wait3A_352] : memref<160x128xi32, #tpu.memory_space<vmem>> -> memref<1x128xi32, #tpu.memory_space<vmem>>
          %dma_wait3A_354 = tpu.memref_squeeze %dma_wait3A_353 : memref<1x128xi32, #tpu.memory_space<vmem>> -> memref<128xi32, #tpu.memory_space<vmem>>
          %dma_wait3A_355 = arith.constant 0 : i32
          %dma_wait3A_356 = arith.constant 0 : i32
          %dma_wait3A_357 = tpu.memref_slice %arg9[%dma_wait3A_355, %dma_wait3A_356] : memref<10112x64xf32, #tpu.memory_space<vmem_shared>> -> memref<10112x64xf32, #tpu.memory_space<vmem_shared>>
          tpu.wait_indirect_dma semaphore(%run_scoped3A_337 : memref<!tpu.dma_semaphore, #tpu.memory_space<semaphore_mem>>) src(%dma_wait3A_351 : memref<128x64xf32, #tpu.memory_space<vmem>>) dst(%dma_wait3A_357 : memref<10112x64xf32, #tpu.memory_space<vmem_shared>>)
          tpu.yield
        }) : () -> ()
        %add3A_318 = arith.constant 1 : i32
        %add3A_319 = arith.addi %add3A_180, %add3A_318 : i32
        %mul3A_320 = arith.constant 4 : i32
        %mul3A_321 = arith.muli %add3A_319, %mul3A_320 : i32
        %add3A_322 = arith.constant 3 : i32
        %add3A_323 = arith.addi %mul3A_321, %add3A_322 : i32
        %dma_start3A_324 = arith.constant 3 : i32
        %dma_start3A_325 = arith.constant 0 : i32
        %dma_start3A_326 = arith.constant 0 : i32
        %dma_start3A_327 = tpu.memref_slice %arg8[%dma_start3A_324, %dma_start3A_325, %dma_start3A_326] : memref<4x128x64xf32, #tpu.memory_space<vmem>> -> memref<1x128x64xf32, #tpu.memory_space<vmem>>
        %dma_start3A_328 = tpu.memref_squeeze %dma_start3A_327 : memref<1x128x64xf32, #tpu.memory_space<vmem>> -> memref<128x64xf32, #tpu.memory_space<vmem>>
        %dma_start3A_329 = arith.constant 0 : i32
        %dma_start3A_330 = tpu.memref_slice %arg6[%add3A_323, %dma_start3A_329] : memref<160x128xi32, #tpu.memory_space<vmem>> -> memref<1x128xi32, #tpu.memory_space<vmem>>
        %dma_start3A_331 = tpu.memref_squeeze %dma_start3A_330 : memref<1x128xi32, #tpu.memory_space<vmem>> -> memref<128xi32, #tpu.memory_space<vmem>>
        %dma_start3A_332 = arith.constant 0 : i32
        %dma_start3A_333 = tpu.memref_slice %arg2[%add3A_13, %dma_start3A_332] : memref<80896x64xf32, #tpu.memory_space<hbm>> -> memref<10112x64xf32, #tpu.memory_space<hbm>>
        %dma_start3A_334 = arith.constant 0 : i32
        %dma_start3A_335 = arith.constant 0 : i32
        %dma_start3A_336 = tpu.memref_slice %dma_start3A_333[%dma_start3A_334, %dma_start3A_335] : memref<10112x64xf32, #tpu.memory_space<hbm>> -> memref<10112x64xf32, #tpu.memory_space<hbm>>
        tpu.enqueue_indirect_dma source(%dma_start3A_336 : memref<10112x64xf32, #tpu.memory_space<hbm>>) target(%dma_start3A_328 : memref<128x64xf32, #tpu.memory_space<vmem>>) offsets(%dma_start3A_331 : memref<128xi32, #tpu.memory_space<vmem>>) semaphore(%arg13 : memref<!tpu.dma_semaphore, #tpu.memory_space<semaphore_mem>>)
      }
      %scan3A_100 = arith.constant 39 : i32
      %dma_wait3A = arith.constant 0 : i32
      %dma_wait3A_101 = arith.constant 0 : i32
      %dma_wait3A_102 = arith.constant 0 : i32
      %dma_wait3A_103 = tpu.memref_slice %arg8[%dma_wait3A, %dma_wait3A_101, %dma_wait3A_102] : memref<4x128x64xf32, #tpu.memory_space<vmem>> -> memref<1x128x64xf32, #tpu.memory_space<vmem>>
      %dma_wait3A_104 = tpu.memref_squeeze %dma_wait3A_103 : memref<1x128x64xf32, #tpu.memory_space<vmem>> -> memref<128x64xf32, #tpu.memory_space<vmem>>
      %dma_wait3A_105 = arith.constant 0 : i32
      %dma_wait3A_106 = arith.constant 0 : i32
      %dma_wait3A_107 = tpu.memref_slice %arg2[%dma_wait3A_105, %dma_wait3A_106] : memref<80896x64xf32, #tpu.memory_space<hbm>> -> memref<128x64xf32, #tpu.memory_space<hbm>>
      %dma_wait3A_108 = arith.constant 0 : i32
      %dma_wait3A_109 = arith.constant 0 : i32
      %dma_wait3A_110 = tpu.memref_slice %arg8[%dma_wait3A, %dma_wait3A_108, %dma_wait3A_109] : memref<4x128x64xf32, #tpu.memory_space<vmem>> -> memref<1x128x64xf32, #tpu.memory_space<vmem>>
      %dma_wait3A_111 = tpu.memref_squeeze %dma_wait3A_110 : memref<1x128x64xf32, #tpu.memory_space<vmem>> -> memref<128x64xf32, #tpu.memory_space<vmem>>
      %dma_wait3A_112 = arith.constant 0 : i32
      %dma_wait3A_113 = arith.constant 0 : i32
      %dma_wait3A_114 = tpu.memref_slice %arg2[%dma_wait3A_112, %dma_wait3A_113] : memref<80896x64xf32, #tpu.memory_space<hbm>> -> memref<128x64xf32, #tpu.memory_space<hbm>>
      tpu.wait_dma2 semaphore(%arg10 : memref<!tpu.dma_semaphore, #tpu.memory_space<semaphore_mem>>) src(%dma_wait3A_114 : memref<128x64xf32, #tpu.memory_space<hbm>>) dst(%dma_wait3A_111 : memref<128x64xf32, #tpu.memory_space<vmem>>)
      %run_scoped3A = arith.constant 0 : i32
      %run_scoped3A_115 = arith.constant 156 : i32
      "tpu.region"() ({
        %run_scoped3A_176 = tpu.sem_alloc : memref<!tpu.dma_semaphore, #tpu.memory_space<semaphore_mem>>
        %dma_start3A_177 = arith.constant 0 : i32
        %dma_start3A_178 = arith.constant 0 : i32
        %dma_start3A_179 = tpu.memref_slice %arg8[%run_scoped3A, %dma_start3A_177, %dma_start3A_178] : memref<4x128x64xf32, #tpu.memory_space<vmem>> -> memref<1x128x64xf32, #tpu.memory_space<vmem>>
        %dma_start3A_180 = tpu.memref_squeeze %dma_start3A_179 : memref<1x128x64xf32, #tpu.memory_space<vmem>> -> memref<128x64xf32, #tpu.memory_space<vmem>>
        %dma_start3A_181 = arith.constant 0 : i32
        %dma_start3A_182 = tpu.memref_slice %arg7[%run_scoped3A_115, %dma_start3A_181] : memref<160x128xi32, #tpu.memory_space<vmem>> -> memref<1x128xi32, #tpu.memory_space<vmem>>
        %dma_start3A_183 = tpu.memref_squeeze %dma_start3A_182 : memref<1x128xi32, #tpu.memory_space<vmem>> -> memref<128xi32, #tpu.memory_space<vmem>>
        %dma_start3A_184 = arith.constant 0 : i32
        %dma_start3A_185 = arith.constant 0 : i32
        %dma_start3A_186 = tpu.memref_slice %arg9[%dma_start3A_184, %dma_start3A_185] : memref<10112x64xf32, #tpu.memory_space<vmem_shared>> -> memref<10112x64xf32, #tpu.memory_space<vmem_shared>>
        tpu.enqueue_indirect_dma source(%dma_start3A_180 : memref<128x64xf32, #tpu.memory_space<vmem>>) target(%dma_start3A_186 : memref<10112x64xf32, #tpu.memory_space<vmem_shared>>) offsets(%dma_start3A_183 : memref<128xi32, #tpu.memory_space<vmem>>) semaphore(%run_scoped3A_176 : memref<!tpu.dma_semaphore, #tpu.memory_space<semaphore_mem>>) {add = true}
        %dma_wait3A_187 = arith.constant 0 : i32
        %dma_wait3A_188 = arith.constant 0 : i32
        %dma_wait3A_189 = tpu.memref_slice %arg8[%run_scoped3A, %dma_wait3A_187, %dma_wait3A_188] : memref<4x128x64xf32, #tpu.memory_space<vmem>> -> memref<1x128x64xf32, #tpu.memory_space<vmem>>
        %dma_wait3A_190 = tpu.memref_squeeze %dma_wait3A_189 : memref<1x128x64xf32, #tpu.memory_space<vmem>> -> memref<128x64xf32, #tpu.memory_space<vmem>>
        %dma_wait3A_191 = arith.constant 0 : i32
        %dma_wait3A_192 = tpu.memref_slice %arg7[%run_scoped3A_115, %dma_wait3A_191] : memref<160x128xi32, #tpu.memory_space<vmem>> -> memref<1x128xi32, #tpu.memory_space<vmem>>
        %dma_wait3A_193 = tpu.memref_squeeze %dma_wait3A_192 : memref<1x128xi32, #tpu.memory_space<vmem>> -> memref<128xi32, #tpu.memory_space<vmem>>
        %dma_wait3A_194 = arith.constant 0 : i32
        %dma_wait3A_195 = arith.constant 0 : i32
        %dma_wait3A_196 = tpu.memref_slice %arg9[%dma_wait3A_194, %dma_wait3A_195] : memref<10112x64xf32, #tpu.memory_space<vmem_shared>> -> memref<10112x64xf32, #tpu.memory_space<vmem_shared>>
        tpu.wait_indirect_dma semaphore(%run_scoped3A_176 : memref<!tpu.dma_semaphore, #tpu.memory_space<semaphore_mem>>) src(%dma_wait3A_190 : memref<128x64xf32, #tpu.memory_space<vmem>>) dst(%dma_wait3A_196 : memref<10112x64xf32, #tpu.memory_space<vmem_shared>>)
        tpu.yield
      }) : () -> ()
      %dma_wait3A_116 = arith.constant 1 : i32
      %dma_wait3A_117 = arith.constant 0 : i32
      %dma_wait3A_118 = arith.constant 0 : i32
      %dma_wait3A_119 = tpu.memref_slice %arg8[%dma_wait3A_116, %dma_wait3A_117, %dma_wait3A_118] : memref<4x128x64xf32, #tpu.memory_space<vmem>> -> memref<1x128x64xf32, #tpu.memory_space<vmem>>
      %dma_wait3A_120 = tpu.memref_squeeze %dma_wait3A_119 : memref<1x128x64xf32, #tpu.memory_space<vmem>> -> memref<128x64xf32, #tpu.memory_space<vmem>>
      %dma_wait3A_121 = arith.constant 0 : i32
      %dma_wait3A_122 = arith.constant 0 : i32
      %dma_wait3A_123 = tpu.memref_slice %arg2[%dma_wait3A_121, %dma_wait3A_122] : memref<80896x64xf32, #tpu.memory_space<hbm>> -> memref<128x64xf32, #tpu.memory_space<hbm>>
      %dma_wait3A_124 = arith.constant 0 : i32
      %dma_wait3A_125 = arith.constant 0 : i32
      %dma_wait3A_126 = tpu.memref_slice %arg8[%dma_wait3A_116, %dma_wait3A_124, %dma_wait3A_125] : memref<4x128x64xf32, #tpu.memory_space<vmem>> -> memref<1x128x64xf32, #tpu.memory_space<vmem>>
      %dma_wait3A_127 = tpu.memref_squeeze %dma_wait3A_126 : memref<1x128x64xf32, #tpu.memory_space<vmem>> -> memref<128x64xf32, #tpu.memory_space<vmem>>
      %dma_wait3A_128 = arith.constant 0 : i32
      %dma_wait3A_129 = arith.constant 0 : i32
      %dma_wait3A_130 = tpu.memref_slice %arg2[%dma_wait3A_128, %dma_wait3A_129] : memref<80896x64xf32, #tpu.memory_space<hbm>> -> memref<128x64xf32, #tpu.memory_space<hbm>>
      tpu.wait_dma2 semaphore(%arg11 : memref<!tpu.dma_semaphore, #tpu.memory_space<semaphore_mem>>) src(%dma_wait3A_130 : memref<128x64xf32, #tpu.memory_space<hbm>>) dst(%dma_wait3A_127 : memref<128x64xf32, #tpu.memory_space<vmem>>)
      %run_scoped3A_131 = arith.constant 1 : i32
      %run_scoped3A_132 = arith.constant 157 : i32
      "tpu.region"() ({
        %run_scoped3A_176 = tpu.sem_alloc : memref<!tpu.dma_semaphore, #tpu.memory_space<semaphore_mem>>
        %dma_start3A_177 = arith.constant 0 : i32
        %dma_start3A_178 = arith.constant 0 : i32
        %dma_start3A_179 = tpu.memref_slice %arg8[%run_scoped3A_131, %dma_start3A_177, %dma_start3A_178] : memref<4x128x64xf32, #tpu.memory_space<vmem>> -> memref<1x128x64xf32, #tpu.memory_space<vmem>>
        %dma_start3A_180 = tpu.memref_squeeze %dma_start3A_179 : memref<1x128x64xf32, #tpu.memory_space<vmem>> -> memref<128x64xf32, #tpu.memory_space<vmem>>
        %dma_start3A_181 = arith.constant 0 : i32
        %dma_start3A_182 = tpu.memref_slice %arg7[%run_scoped3A_132, %dma_start3A_181] : memref<160x128xi32, #tpu.memory_space<vmem>> -> memref<1x128xi32, #tpu.memory_space<vmem>>
        %dma_start3A_183 = tpu.memref_squeeze %dma_start3A_182 : memref<1x128xi32, #tpu.memory_space<vmem>> -> memref<128xi32, #tpu.memory_space<vmem>>
        %dma_start3A_184 = arith.constant 0 : i32
        %dma_start3A_185 = arith.constant 0 : i32
        %dma_start3A_186 = tpu.memref_slice %arg9[%dma_start3A_184, %dma_start3A_185] : memref<10112x64xf32, #tpu.memory_space<vmem_shared>> -> memref<10112x64xf32, #tpu.memory_space<vmem_shared>>
        tpu.enqueue_indirect_dma source(%dma_start3A_180 : memref<128x64xf32, #tpu.memory_space<vmem>>) target(%dma_start3A_186 : memref<10112x64xf32, #tpu.memory_space<vmem_shared>>) offsets(%dma_start3A_183 : memref<128xi32, #tpu.memory_space<vmem>>) semaphore(%run_scoped3A_176 : memref<!tpu.dma_semaphore, #tpu.memory_space<semaphore_mem>>) {add = true}
        %dma_wait3A_187 = arith.constant 0 : i32
        %dma_wait3A_188 = arith.constant 0 : i32
        %dma_wait3A_189 = tpu.memref_slice %arg8[%run_scoped3A_131, %dma_wait3A_187, %dma_wait3A_188] : memref<4x128x64xf32, #tpu.memory_space<vmem>> -> memref<1x128x64xf32, #tpu.memory_space<vmem>>
        %dma_wait3A_190 = tpu.memref_squeeze %dma_wait3A_189 : memref<1x128x64xf32, #tpu.memory_space<vmem>> -> memref<128x64xf32, #tpu.memory_space<vmem>>
        %dma_wait3A_191 = arith.constant 0 : i32
        %dma_wait3A_192 = tpu.memref_slice %arg7[%run_scoped3A_132, %dma_wait3A_191] : memref<160x128xi32, #tpu.memory_space<vmem>> -> memref<1x128xi32, #tpu.memory_space<vmem>>
        %dma_wait3A_193 = tpu.memref_squeeze %dma_wait3A_192 : memref<1x128xi32, #tpu.memory_space<vmem>> -> memref<128xi32, #tpu.memory_space<vmem>>
        %dma_wait3A_194 = arith.constant 0 : i32
        %dma_wait3A_195 = arith.constant 0 : i32
        %dma_wait3A_196 = tpu.memref_slice %arg9[%dma_wait3A_194, %dma_wait3A_195] : memref<10112x64xf32, #tpu.memory_space<vmem_shared>> -> memref<10112x64xf32, #tpu.memory_space<vmem_shared>>
        tpu.wait_indirect_dma semaphore(%run_scoped3A_176 : memref<!tpu.dma_semaphore, #tpu.memory_space<semaphore_mem>>) src(%dma_wait3A_190 : memref<128x64xf32, #tpu.memory_space<vmem>>) dst(%dma_wait3A_196 : memref<10112x64xf32, #tpu.memory_space<vmem_shared>>)
        tpu.yield
      }) : () -> ()
      %dma_wait3A_133 = arith.constant 2 : i32
      %dma_wait3A_134 = arith.constant 0 : i32
      %dma_wait3A_135 = arith.constant 0 : i32
      %dma_wait3A_136 = tpu.memref_slice %arg8[%dma_wait3A_133, %dma_wait3A_134, %dma_wait3A_135] : memref<4x128x64xf32, #tpu.memory_space<vmem>> -> memref<1x128x64xf32, #tpu.memory_space<vmem>>
      %dma_wait3A_137 = tpu.memref_squeeze %dma_wait3A_136 : memref<1x128x64xf32, #tpu.memory_space<vmem>> -> memref<128x64xf32, #tpu.memory_space<vmem>>
      %dma_wait3A_138 = arith.constant 0 : i32
      %dma_wait3A_139 = arith.constant 0 : i32
      %dma_wait3A_140 = tpu.memref_slice %arg2[%dma_wait3A_138, %dma_wait3A_139] : memref<80896x64xf32, #tpu.memory_space<hbm>> -> memref<128x64xf32, #tpu.memory_space<hbm>>
      %dma_wait3A_141 = arith.constant 0 : i32
      %dma_wait3A_142 = arith.constant 0 : i32
      %dma_wait3A_143 = tpu.memref_slice %arg8[%dma_wait3A_133, %dma_wait3A_141, %dma_wait3A_142] : memref<4x128x64xf32, #tpu.memory_space<vmem>> -> memref<1x128x64xf32, #tpu.memory_space<vmem>>
      %dma_wait3A_144 = tpu.memref_squeeze %dma_wait3A_143 : memref<1x128x64xf32, #tpu.memory_space<vmem>> -> memref<128x64xf32, #tpu.memory_space<vmem>>
      %dma_wait3A_145 = arith.constant 0 : i32
      %dma_wait3A_146 = arith.constant 0 : i32
      %dma_wait3A_147 = tpu.memref_slice %arg2[%dma_wait3A_145, %dma_wait3A_146] : memref<80896x64xf32, #tpu.memory_space<hbm>> -> memref<128x64xf32, #tpu.memory_space<hbm>>
      tpu.wait_dma2 semaphore(%arg12 : memref<!tpu.dma_semaphore, #tpu.memory_space<semaphore_mem>>) src(%dma_wait3A_147 : memref<128x64xf32, #tpu.memory_space<hbm>>) dst(%dma_wait3A_144 : memref<128x64xf32, #tpu.memory_space<vmem>>)
      %run_scoped3A_148 = arith.constant 2 : i32
      %run_scoped3A_149 = arith.constant 158 : i32
      "tpu.region"() ({
        %run_scoped3A_176 = tpu.sem_alloc : memref<!tpu.dma_semaphore, #tpu.memory_space<semaphore_mem>>
        %dma_start3A_177 = arith.constant 0 : i32
        %dma_start3A_178 = arith.constant 0 : i32
        %dma_start3A_179 = tpu.memref_slice %arg8[%run_scoped3A_148, %dma_start3A_177, %dma_start3A_178] : memref<4x128x64xf32, #tpu.memory_space<vmem>> -> memref<1x128x64xf32, #tpu.memory_space<vmem>>
        %dma_start3A_180 = tpu.memref_squeeze %dma_start3A_179 : memref<1x128x64xf32, #tpu.memory_space<vmem>> -> memref<128x64xf32, #tpu.memory_space<vmem>>
        %dma_start3A_181 = arith.constant 0 : i32
        %dma_start3A_182 = tpu.memref_slice %arg7[%run_scoped3A_149, %dma_start3A_181] : memref<160x128xi32, #tpu.memory_space<vmem>> -> memref<1x128xi32, #tpu.memory_space<vmem>>
        %dma_start3A_183 = tpu.memref_squeeze %dma_start3A_182 : memref<1x128xi32, #tpu.memory_space<vmem>> -> memref<128xi32, #tpu.memory_space<vmem>>
        %dma_start3A_184 = arith.constant 0 : i32
        %dma_start3A_185 = arith.constant 0 : i32
        %dma_start3A_186 = tpu.memref_slice %arg9[%dma_start3A_184, %dma_start3A_185] : memref<10112x64xf32, #tpu.memory_space<vmem_shared>> -> memref<10112x64xf32, #tpu.memory_space<vmem_shared>>
        tpu.enqueue_indirect_dma source(%dma_start3A_180 : memref<128x64xf32, #tpu.memory_space<vmem>>) target(%dma_start3A_186 : memref<10112x64xf32, #tpu.memory_space<vmem_shared>>) offsets(%dma_start3A_183 : memref<128xi32, #tpu.memory_space<vmem>>) semaphore(%run_scoped3A_176 : memref<!tpu.dma_semaphore, #tpu.memory_space<semaphore_mem>>) {add = true}
        %dma_wait3A_187 = arith.constant 0 : i32
        %dma_wait3A_188 = arith.constant 0 : i32
        %dma_wait3A_189 = tpu.memref_slice %arg8[%run_scoped3A_148, %dma_wait3A_187, %dma_wait3A_188] : memref<4x128x64xf32, #tpu.memory_space<vmem>> -> memref<1x128x64xf32, #tpu.memory_space<vmem>>
        %dma_wait3A_190 = tpu.memref_squeeze %dma_wait3A_189 : memref<1x128x64xf32, #tpu.memory_space<vmem>> -> memref<128x64xf32, #tpu.memory_space<vmem>>
        %dma_wait3A_191 = arith.constant 0 : i32
        %dma_wait3A_192 = tpu.memref_slice %arg7[%run_scoped3A_149, %dma_wait3A_191] : memref<160x128xi32, #tpu.memory_space<vmem>> -> memref<1x128xi32, #tpu.memory_space<vmem>>
        %dma_wait3A_193 = tpu.memref_squeeze %dma_wait3A_192 : memref<1x128xi32, #tpu.memory_space<vmem>> -> memref<128xi32, #tpu.memory_space<vmem>>
        %dma_wait3A_194 = arith.constant 0 : i32
        %dma_wait3A_195 = arith.constant 0 : i32
        %dma_wait3A_196 = tpu.memref_slice %arg9[%dma_wait3A_194, %dma_wait3A_195] : memref<10112x64xf32, #tpu.memory_space<vmem_shared>> -> memref<10112x64xf32, #tpu.memory_space<vmem_shared>>
        tpu.wait_indirect_dma semaphore(%run_scoped3A_176 : memref<!tpu.dma_semaphore, #tpu.memory_space<semaphore_mem>>) src(%dma_wait3A_190 : memref<128x64xf32, #tpu.memory_space<vmem>>) dst(%dma_wait3A_196 : memref<10112x64xf32, #tpu.memory_space<vmem_shared>>)
        tpu.yield
      }) : () -> ()
      %dma_wait3A_150 = arith.constant 3 : i32
      %dma_wait3A_151 = arith.constant 0 : i32
      %dma_wait3A_152 = arith.constant 0 : i32
      %dma_wait3A_153 = tpu.memref_slice %arg8[%dma_wait3A_150, %dma_wait3A_151, %dma_wait3A_152] : memref<4x128x64xf32, #tpu.memory_space<vmem>> -> memref<1x128x64xf32, #tpu.memory_space<vmem>>
      %dma_wait3A_154 = tpu.memref_squeeze %dma_wait3A_153 : memref<1x128x64xf32, #tpu.memory_space<vmem>> -> memref<128x64xf32, #tpu.memory_space<vmem>>
      %dma_wait3A_155 = arith.constant 0 : i32
      %dma_wait3A_156 = arith.constant 0 : i32
      %dma_wait3A_157 = tpu.memref_slice %arg2[%dma_wait3A_155, %dma_wait3A_156] : memref<80896x64xf32, #tpu.memory_space<hbm>> -> memref<128x64xf32, #tpu.memory_space<hbm>>
      %dma_wait3A_158 = arith.constant 0 : i32
      %dma_wait3A_159 = arith.constant 0 : i32
      %dma_wait3A_160 = tpu.memref_slice %arg8[%dma_wait3A_150, %dma_wait3A_158, %dma_wait3A_159] : memref<4x128x64xf32, #tpu.memory_space<vmem>> -> memref<1x128x64xf32, #tpu.memory_space<vmem>>
      %dma_wait3A_161 = tpu.memref_squeeze %dma_wait3A_160 : memref<1x128x64xf32, #tpu.memory_space<vmem>> -> memref<128x64xf32, #tpu.memory_space<vmem>>
      %dma_wait3A_162 = arith.constant 0 : i32
      %dma_wait3A_163 = arith.constant 0 : i32
      %dma_wait3A_164 = tpu.memref_slice %arg2[%dma_wait3A_162, %dma_wait3A_163] : memref<80896x64xf32, #tpu.memory_space<hbm>> -> memref<128x64xf32, #tpu.memory_space<hbm>>
      tpu.wait_dma2 semaphore(%arg13 : memref<!tpu.dma_semaphore, #tpu.memory_space<semaphore_mem>>) src(%dma_wait3A_164 : memref<128x64xf32, #tpu.memory_space<hbm>>) dst(%dma_wait3A_161 : memref<128x64xf32, #tpu.memory_space<vmem>>)
      %run_scoped3A_165 = arith.constant 3 : i32
      %run_scoped3A_166 = arith.constant 159 : i32
      "tpu.region"() ({
        %run_scoped3A_176 = tpu.sem_alloc : memref<!tpu.dma_semaphore, #tpu.memory_space<semaphore_mem>>
        %dma_start3A_177 = arith.constant 0 : i32
        %dma_start3A_178 = arith.constant 0 : i32
        %dma_start3A_179 = tpu.memref_slice %arg8[%run_scoped3A_165, %dma_start3A_177, %dma_start3A_178] : memref<4x128x64xf32, #tpu.memory_space<vmem>> -> memref<1x128x64xf32, #tpu.memory_space<vmem>>
        %dma_start3A_180 = tpu.memref_squeeze %dma_start3A_179 : memref<1x128x64xf32, #tpu.memory_space<vmem>> -> memref<128x64xf32, #tpu.memory_space<vmem>>
        %dma_start3A_181 = arith.constant 0 : i32
        %dma_start3A_182 = tpu.memref_slice %arg7[%run_scoped3A_166, %dma_start3A_181] : memref<160x128xi32, #tpu.memory_space<vmem>> -> memref<1x128xi32, #tpu.memory_space<vmem>>
        %dma_start3A_183 = tpu.memref_squeeze %dma_start3A_182 : memref<1x128xi32, #tpu.memory_space<vmem>> -> memref<128xi32, #tpu.memory_space<vmem>>
        %dma_start3A_184 = arith.constant 0 : i32
        %dma_start3A_185 = arith.constant 0 : i32
        %dma_start3A_186 = tpu.memref_slice %arg9[%dma_start3A_184, %dma_start3A_185] : memref<10112x64xf32, #tpu.memory_space<vmem_shared>> -> memref<10112x64xf32, #tpu.memory_space<vmem_shared>>
        tpu.enqueue_indirect_dma source(%dma_start3A_180 : memref<128x64xf32, #tpu.memory_space<vmem>>) target(%dma_start3A_186 : memref<10112x64xf32, #tpu.memory_space<vmem_shared>>) offsets(%dma_start3A_183 : memref<128xi32, #tpu.memory_space<vmem>>) semaphore(%run_scoped3A_176 : memref<!tpu.dma_semaphore, #tpu.memory_space<semaphore_mem>>) {add = true}
        %dma_wait3A_187 = arith.constant 0 : i32
        %dma_wait3A_188 = arith.constant 0 : i32
        %dma_wait3A_189 = tpu.memref_slice %arg8[%run_scoped3A_165, %dma_wait3A_187, %dma_wait3A_188] : memref<4x128x64xf32, #tpu.memory_space<vmem>> -> memref<1x128x64xf32, #tpu.memory_space<vmem>>
        %dma_wait3A_190 = tpu.memref_squeeze %dma_wait3A_189 : memref<1x128x64xf32, #tpu.memory_space<vmem>> -> memref<128x64xf32, #tpu.memory_space<vmem>>
        %dma_wait3A_191 = arith.constant 0 : i32
        %dma_wait3A_192 = tpu.memref_slice %arg7[%run_scoped3A_166, %dma_wait3A_191] : memref<160x128xi32, #tpu.memory_space<vmem>> -> memref<1x128xi32, #tpu.memory_space<vmem>>
        %dma_wait3A_193 = tpu.memref_squeeze %dma_wait3A_192 : memref<1x128xi32, #tpu.memory_space<vmem>> -> memref<128xi32, #tpu.memory_space<vmem>>
        %dma_wait3A_194 = arith.constant 0 : i32
        %dma_wait3A_195 = arith.constant 0 : i32
        %dma_wait3A_196 = tpu.memref_slice %arg9[%dma_wait3A_194, %dma_wait3A_195] : memref<10112x64xf32, #tpu.memory_space<vmem_shared>> -> memref<10112x64xf32, #tpu.memory_space<vmem_shared>>
        tpu.wait_indirect_dma semaphore(%run_scoped3A_176 : memref<!tpu.dma_semaphore, #tpu.memory_space<semaphore_mem>>) src(%dma_wait3A_190 : memref<128x64xf32, #tpu.memory_space<vmem>>) dst(%dma_wait3A_196 : memref<10112x64xf32, #tpu.memory_space<vmem_shared>>)
        tpu.yield
      }) : () -> ()
      %barrier3A_167 = arith.constant 0 : index
      tpu.barrier barrier_id(%barrier3A_167)
      %mul3A_168 = arith.constant 632 : i32
      %mul3A_169 = arith.muli %arg1, %mul3A_168 : i32
      %mul3A_170 = arith.constant 10112 : i32
      %mul3A_171 = arith.muli %add3A_9, %mul3A_170 : i32
      %mul3A_172 = arith.constant 632 : i32
      %mul3A_173 = arith.muli %arg1, %mul3A_172 : i32
      %add3A_174 = arith.addi %mul3A_171, %mul3A_173 : i32
      "tpu.region"() ({
        %run_scoped3A_176 = tpu.sem_alloc : memref<!tpu.dma_semaphore, #tpu.memory_space<semaphore_mem>>
        %dma_start3A_177 = arith.constant 0 : i32
        %dma_start3A_178 = tpu.memref_slice %arg5[%add3A_174, %dma_start3A_177] : memref<40448x64xf32, #tpu.memory_space<hbm>> -> memref<632x64xf32, #tpu.memory_space<hbm>>
        %dma_start3A_179 = arith.constant 0 : i32
        %dma_start3A_180 = tpu.memref_slice %arg9[%mul3A_169, %dma_start3A_179] : memref<10112x64xf32, #tpu.memory_space<vmem_shared>> -> memref<632x64xf32, #tpu.memory_space<vmem_shared>>
        tpu.enqueue_dma source(%dma_start3A_180 : memref<632x64xf32, #tpu.memory_space<vmem_shared>>) target(%dma_start3A_178 : memref<632x64xf32, #tpu.memory_space<hbm>>) target_semaphore(%run_scoped3A_176 : memref<!tpu.dma_semaphore, #tpu.memory_space<semaphore_mem>>)
        %dma_wait3A_181 = arith.constant 0 : i32
        %dma_wait3A_182 = tpu.memref_slice %arg5[%add3A_174, %dma_wait3A_181] : memref<40448x64xf32, #tpu.memory_space<hbm>> -> memref<632x64xf32, #tpu.memory_space<hbm>>
        %dma_wait3A_183 = arith.constant 0 : i32
        %dma_wait3A_184 = tpu.memref_slice %arg9[%mul3A_169, %dma_wait3A_183] : memref<10112x64xf32, #tpu.memory_space<vmem_shared>> -> memref<632x64xf32, #tpu.memory_space<vmem_shared>>
        tpu.wait_dma2 semaphore(%run_scoped3A_176 : memref<!tpu.dma_semaphore, #tpu.memory_space<semaphore_mem>>) src(%dma_wait3A_184 : memref<632x64xf32, #tpu.memory_space<vmem_shared>>) dst(%dma_wait3A_182 : memref<632x64xf32, #tpu.memory_space<hbm>>)
        tpu.yield
      }) : () -> ()
      %barrier3A_175 = arith.constant 0 : index
      tpu.barrier barrier_id(%barrier3A_175)
    }
    %scan3A_3 = arith.constant 2 : i32
    return
  }
}

#map = affine_map<(d0, d1) -> (0, 0)>
#map1 = affine_map<(d0, d1) -> (0)>
module attributes {stable_mosaic.version = 14 : i64} {
  func.func @gcn_deg(%arg0: i32, %arg1: i32, %arg2: memref<10240x128xi32, #tpu.memory_space<hbm>>, %arg3: memref<40960xf32, #tpu.memory_space<hbm>>, %arg4: memref<160x128xi32, #tpu.memory_space<vmem>>, %arg5: memref<640xf32, #tpu.memory_space<vmem>>, %arg6: memref<10240xf32, #tpu.memory_space<vmem_shared>>, %arg7: memref<!tpu.dma_semaphore, #tpu.memory_space<semaphore_mem>>) attributes {dimension_semantics = [#tpu.dimension_semantics<core_parallel>, #tpu.dimension_semantics<subcore_parallel>], iteration_bounds = array<i64: 2, 16>, scalar_prefetch = 0 : i64, scratch_operands = 4 : i64, tpu.core_type = #tpu.core_type<sc_vector_subcore>, window_params = [{transform_indices = #map}, {transform_indices = #map1}]} {
    %broadcast_in_dim3A = arith.constant 1.000000e+00 : f32
    %broadcast_in_dim3A_0 = vector.broadcast %broadcast_in_dim3A : f32 to vector<16xf32>
    %swap3A = arith.constant 0 : index
    %swap3A_1 = tpu.vector_load %arg5[%swap3A] {strides = array<i32>} : memref<640xf32, #tpu.memory_space<vmem>>, vector<16xf32>,
    %swap3A_2 = vector.shape_cast %swap3A_1 : vector<16xf32> to vector<16xf32>
    %swap3A_3 = vector.shape_cast %broadcast_in_dim3A_0 : vector<16xf32> to vector<16xf32>
    tpu.vector_store %arg5[%swap3A], %swap3A_3 {strides = array<i32>} : memref<640xf32, #tpu.memory_space<vmem>>, vector<16xf32>,
    %broadcast_in_dim3A_4 = arith.constant 1.000000e+00 : f32
    %broadcast_in_dim3A_5 = vector.broadcast %broadcast_in_dim3A_4 : f32 to vector<16xf32>
    %swap3A_6 = arith.constant 16 : index
    %swap3A_7 = tpu.vector_load %arg5[%swap3A_6] {strides = array<i32>} : memref<640xf32, #tpu.memory_space<vmem>>, vector<16xf32>,
    %swap3A_8 = vector.shape_cast %swap3A_7 : vector<16xf32> to vector<16xf32>
    %swap3A_9 = vector.shape_cast %broadcast_in_dim3A_5 : vector<16xf32> to vector<16xf32>
    tpu.vector_store %arg5[%swap3A_6], %swap3A_9 {strides = array<i32>} : memref<640xf32, #tpu.memory_space<vmem>>, vector<16xf32>,
    %broadcast_in_dim3A_10 = arith.constant 1.000000e+00 : f32
    %broadcast_in_dim3A_11 = vector.broadcast %broadcast_in_dim3A_10 : f32 to vector<16xf32>
    %swap3A_12 = arith.constant 32 : index
    %swap3A_13 = tpu.vector_load %arg5[%swap3A_12] {strides = array<i32>} : memref<640xf32, #tpu.memory_space<vmem>>, vector<16xf32>,
    %swap3A_14 = vector.shape_cast %swap3A_13 : vector<16xf32> to vector<16xf32>
    %swap3A_15 = vector.shape_cast %broadcast_in_dim3A_11 : vector<16xf32> to vector<16xf32>
    tpu.vector_store %arg5[%swap3A_12], %swap3A_15 {strides = array<i32>} : memref<640xf32, #tpu.memory_space<vmem>>, vector<16xf32>,
    %broadcast_in_dim3A_16 = arith.constant 1.000000e+00 : f32
    %broadcast_in_dim3A_17 = vector.broadcast %broadcast_in_dim3A_16 : f32 to vector<16xf32>
    %swap3A_18 = arith.constant 48 : index
    %swap3A_19 = tpu.vector_load %arg5[%swap3A_18] {strides = array<i32>} : memref<640xf32, #tpu.memory_space<vmem>>, vector<16xf32>,
    %swap3A_20 = vector.shape_cast %swap3A_19 : vector<16xf32> to vector<16xf32>
    %swap3A_21 = vector.shape_cast %broadcast_in_dim3A_17 : vector<16xf32> to vector<16xf32>
    tpu.vector_store %arg5[%swap3A_18], %swap3A_21 {strides = array<i32>} : memref<640xf32, #tpu.memory_space<vmem>>, vector<16xf32>,
    %broadcast_in_dim3A_22 = arith.constant 1.000000e+00 : f32
    %broadcast_in_dim3A_23 = vector.broadcast %broadcast_in_dim3A_22 : f32 to vector<16xf32>
    %swap3A_24 = arith.constant 64 : index
    %swap3A_25 = tpu.vector_load %arg5[%swap3A_24] {strides = array<i32>} : memref<640xf32, #tpu.memory_space<vmem>>, vector<16xf32>,
    %swap3A_26 = vector.shape_cast %swap3A_25 : vector<16xf32> to vector<16xf32>
    %swap3A_27 = vector.shape_cast %broadcast_in_dim3A_23 : vector<16xf32> to vector<16xf32>
    tpu.vector_store %arg5[%swap3A_24], %swap3A_27 {strides = array<i32>} : memref<640xf32, #tpu.memory_space<vmem>>, vector<16xf32>,
    %broadcast_in_dim3A_28 = arith.constant 1.000000e+00 : f32
    %broadcast_in_dim3A_29 = vector.broadcast %broadcast_in_dim3A_28 : f32 to vector<16xf32>
    %swap3A_30 = arith.constant 80 : index
    %swap3A_31 = tpu.vector_load %arg5[%swap3A_30] {strides = array<i32>} : memref<640xf32, #tpu.memory_space<vmem>>, vector<16xf32>,
    %swap3A_32 = vector.shape_cast %swap3A_31 : vector<16xf32> to vector<16xf32>
    %swap3A_33 = vector.shape_cast %broadcast_in_dim3A_29 : vector<16xf32> to vector<16xf32>
    tpu.vector_store %arg5[%swap3A_30], %swap3A_33 {strides = array<i32>} : memref<640xf32, #tpu.memory_space<vmem>>, vector<16xf32>,
    %broadcast_in_dim3A_34 = arith.constant 1.000000e+00 : f32
    %broadcast_in_dim3A_35 = vector.broadcast %broadcast_in_dim3A_34 : f32 to vector<16xf32>
    %swap3A_36 = arith.constant 96 : index
    %swap3A_37 = tpu.vector_load %arg5[%swap3A_36] {strides = array<i32>} : memref<640xf32, #tpu.memory_space<vmem>>, vector<16xf32>,
    %swap3A_38 = vector.shape_cast %swap3A_37 : vector<16xf32> to vector<16xf32>
    %swap3A_39 = vector.shape_cast %broadcast_in_dim3A_35 : vector<16xf32> to vector<16xf32>
    tpu.vector_store %arg5[%swap3A_36], %swap3A_39 {strides = array<i32>} : memref<640xf32, #tpu.memory_space<vmem>>, vector<16xf32>,
    %broadcast_in_dim3A_40 = arith.constant 1.000000e+00 : f32
    %broadcast_in_dim3A_41 = vector.broadcast %broadcast_in_dim3A_40 : f32 to vector<16xf32>
    %swap3A_42 = arith.constant 112 : index
    %swap3A_43 = tpu.vector_load %arg5[%swap3A_42] {strides = array<i32>} : memref<640xf32, #tpu.memory_space<vmem>>, vector<16xf32>,
    %swap3A_44 = vector.shape_cast %swap3A_43 : vector<16xf32> to vector<16xf32>
    %swap3A_45 = vector.shape_cast %broadcast_in_dim3A_41 : vector<16xf32> to vector<16xf32>
    tpu.vector_store %arg5[%swap3A_42], %swap3A_45 {strides = array<i32>} : memref<640xf32, #tpu.memory_space<vmem>>, vector<16xf32>,
    %broadcast_in_dim3A_46 = arith.constant 1.000000e+00 : f32
    %broadcast_in_dim3A_47 = vector.broadcast %broadcast_in_dim3A_46 : f32 to vector<16xf32>
    %swap3A_48 = arith.constant 128 : index
    %swap3A_49 = tpu.vector_load %arg5[%swap3A_48] {strides = array<i32>} : memref<640xf32, #tpu.memory_space<vmem>>, vector<16xf32>,
    %swap3A_50 = vector.shape_cast %swap3A_49 : vector<16xf32> to vector<16xf32>
    %swap3A_51 = vector.shape_cast %broadcast_in_dim3A_47 : vector<16xf32> to vector<16xf32>
    tpu.vector_store %arg5[%swap3A_48], %swap3A_51 {strides = array<i32>} : memref<640xf32, #tpu.memory_space<vmem>>, vector<16xf32>,
    %broadcast_in_dim3A_52 = arith.constant 1.000000e+00 : f32
    %broadcast_in_dim3A_53 = vector.broadcast %broadcast_in_dim3A_52 : f32 to vector<16xf32>
    %swap3A_54 = arith.constant 144 : index
    %swap3A_55 = tpu.vector_load %arg5[%swap3A_54] {strides = array<i32>} : memref<640xf32, #tpu.memory_space<vmem>>, vector<16xf32>,
    %swap3A_56 = vector.shape_cast %swap3A_55 : vector<16xf32> to vector<16xf32>
    %swap3A_57 = vector.shape_cast %broadcast_in_dim3A_53 : vector<16xf32> to vector<16xf32>
    tpu.vector_store %arg5[%swap3A_54], %swap3A_57 {strides = array<i32>} : memref<640xf32, #tpu.memory_space<vmem>>, vector<16xf32>,
    %broadcast_in_dim3A_58 = arith.constant 1.000000e+00 : f32
    %broadcast_in_dim3A_59 = vector.broadcast %broadcast_in_dim3A_58 : f32 to vector<16xf32>
    %swap3A_60 = arith.constant 160 : index
    %swap3A_61 = tpu.vector_load %arg5[%swap3A_60] {strides = array<i32>} : memref<640xf32, #tpu.memory_space<vmem>>, vector<16xf32>,
    %swap3A_62 = vector.shape_cast %swap3A_61 : vector<16xf32> to vector<16xf32>
    %swap3A_63 = vector.shape_cast %broadcast_in_dim3A_59 : vector<16xf32> to vector<16xf32>
    tpu.vector_store %arg5[%swap3A_60], %swap3A_63 {strides = array<i32>} : memref<640xf32, #tpu.memory_space<vmem>>, vector<16xf32>,
    %broadcast_in_dim3A_64 = arith.constant 1.000000e+00 : f32
    %broadcast_in_dim3A_65 = vector.broadcast %broadcast_in_dim3A_64 : f32 to vector<16xf32>
    %swap3A_66 = arith.constant 176 : index
    %swap3A_67 = tpu.vector_load %arg5[%swap3A_66] {strides = array<i32>} : memref<640xf32, #tpu.memory_space<vmem>>, vector<16xf32>,
    %swap3A_68 = vector.shape_cast %swap3A_67 : vector<16xf32> to vector<16xf32>
    %swap3A_69 = vector.shape_cast %broadcast_in_dim3A_65 : vector<16xf32> to vector<16xf32>
    tpu.vector_store %arg5[%swap3A_66], %swap3A_69 {strides = array<i32>} : memref<640xf32, #tpu.memory_space<vmem>>, vector<16xf32>,
    %broadcast_in_dim3A_70 = arith.constant 1.000000e+00 : f32
    %broadcast_in_dim3A_71 = vector.broadcast %broadcast_in_dim3A_70 : f32 to vector<16xf32>
    %swap3A_72 = arith.constant 192 : index
    %swap3A_73 = tpu.vector_load %arg5[%swap3A_72] {strides = array<i32>} : memref<640xf32, #tpu.memory_space<vmem>>, vector<16xf32>,
    %swap3A_74 = vector.shape_cast %swap3A_73 : vector<16xf32> to vector<16xf32>
    %swap3A_75 = vector.shape_cast %broadcast_in_dim3A_71 : vector<16xf32> to vector<16xf32>
    tpu.vector_store %arg5[%swap3A_72], %swap3A_75 {strides = array<i32>} : memref<640xf32, #tpu.memory_space<vmem>>, vector<16xf32>,
    %broadcast_in_dim3A_76 = arith.constant 1.000000e+00 : f32
    %broadcast_in_dim3A_77 = vector.broadcast %broadcast_in_dim3A_76 : f32 to vector<16xf32>
    %swap3A_78 = arith.constant 208 : index
    %swap3A_79 = tpu.vector_load %arg5[%swap3A_78] {strides = array<i32>} : memref<640xf32, #tpu.memory_space<vmem>>, vector<16xf32>,
    %swap3A_80 = vector.shape_cast %swap3A_79 : vector<16xf32> to vector<16xf32>
    %swap3A_81 = vector.shape_cast %broadcast_in_dim3A_77 : vector<16xf32> to vector<16xf32>
    tpu.vector_store %arg5[%swap3A_78], %swap3A_81 {strides = array<i32>} : memref<640xf32, #tpu.memory_space<vmem>>, vector<16xf32>,
    %broadcast_in_dim3A_82 = arith.constant 1.000000e+00 : f32
    %broadcast_in_dim3A_83 = vector.broadcast %broadcast_in_dim3A_82 : f32 to vector<16xf32>
    %swap3A_84 = arith.constant 224 : index
    %swap3A_85 = tpu.vector_load %arg5[%swap3A_84] {strides = array<i32>} : memref<640xf32, #tpu.memory_space<vmem>>, vector<16xf32>,
    %swap3A_86 = vector.shape_cast %swap3A_85 : vector<16xf32> to vector<16xf32>
    %swap3A_87 = vector.shape_cast %broadcast_in_dim3A_83 : vector<16xf32> to vector<16xf32>
    tpu.vector_store %arg5[%swap3A_84], %swap3A_87 {strides = array<i32>} : memref<640xf32, #tpu.memory_space<vmem>>, vector<16xf32>,
    %broadcast_in_dim3A_88 = arith.constant 1.000000e+00 : f32
    %broadcast_in_dim3A_89 = vector.broadcast %broadcast_in_dim3A_88 : f32 to vector<16xf32>
    %swap3A_90 = arith.constant 240 : index
    %swap3A_91 = tpu.vector_load %arg5[%swap3A_90] {strides = array<i32>} : memref<640xf32, #tpu.memory_space<vmem>>, vector<16xf32>,
    %swap3A_92 = vector.shape_cast %swap3A_91 : vector<16xf32> to vector<16xf32>
    %swap3A_93 = vector.shape_cast %broadcast_in_dim3A_89 : vector<16xf32> to vector<16xf32>
    tpu.vector_store %arg5[%swap3A_90], %swap3A_93 {strides = array<i32>} : memref<640xf32, #tpu.memory_space<vmem>>, vector<16xf32>,
    %broadcast_in_dim3A_94 = arith.constant 1.000000e+00 : f32
    %broadcast_in_dim3A_95 = vector.broadcast %broadcast_in_dim3A_94 : f32 to vector<16xf32>
    %swap3A_96 = arith.constant 256 : index
    %swap3A_97 = tpu.vector_load %arg5[%swap3A_96] {strides = array<i32>} : memref<640xf32, #tpu.memory_space<vmem>>, vector<16xf32>,
    %swap3A_98 = vector.shape_cast %swap3A_97 : vector<16xf32> to vector<16xf32>
    %swap3A_99 = vector.shape_cast %broadcast_in_dim3A_95 : vector<16xf32> to vector<16xf32>
    tpu.vector_store %arg5[%swap3A_96], %swap3A_99 {strides = array<i32>} : memref<640xf32, #tpu.memory_space<vmem>>, vector<16xf32>,
    %broadcast_in_dim3A_100 = arith.constant 1.000000e+00 : f32
    %broadcast_in_dim3A_101 = vector.broadcast %broadcast_in_dim3A_100 : f32 to vector<16xf32>
    %swap3A_102 = arith.constant 272 : index
    %swap3A_103 = tpu.vector_load %arg5[%swap3A_102] {strides = array<i32>} : memref<640xf32, #tpu.memory_space<vmem>>, vector<16xf32>,
    %swap3A_104 = vector.shape_cast %swap3A_103 : vector<16xf32> to vector<16xf32>
    %swap3A_105 = vector.shape_cast %broadcast_in_dim3A_101 : vector<16xf32> to vector<16xf32>
    tpu.vector_store %arg5[%swap3A_102], %swap3A_105 {strides = array<i32>} : memref<640xf32, #tpu.memory_space<vmem>>, vector<16xf32>,
    %broadcast_in_dim3A_106 = arith.constant 1.000000e+00 : f32
    %broadcast_in_dim3A_107 = vector.broadcast %broadcast_in_dim3A_106 : f32 to vector<16xf32>
    %swap3A_108 = arith.constant 288 : index
    %swap3A_109 = tpu.vector_load %arg5[%swap3A_108] {strides = array<i32>} : memref<640xf32, #tpu.memory_space<vmem>>, vector<16xf32>,
    %swap3A_110 = vector.shape_cast %swap3A_109 : vector<16xf32> to vector<16xf32>
    %swap3A_111 = vector.shape_cast %broadcast_in_dim3A_107 : vector<16xf32> to vector<16xf32>
    tpu.vector_store %arg5[%swap3A_108], %swap3A_111 {strides = array<i32>} : memref<640xf32, #tpu.memory_space<vmem>>, vector<16xf32>,
    %broadcast_in_dim3A_112 = arith.constant 1.000000e+00 : f32
    %broadcast_in_dim3A_113 = vector.broadcast %broadcast_in_dim3A_112 : f32 to vector<16xf32>
    %swap3A_114 = arith.constant 304 : index
    %swap3A_115 = tpu.vector_load %arg5[%swap3A_114] {strides = array<i32>} : memref<640xf32, #tpu.memory_space<vmem>>, vector<16xf32>,
    %swap3A_116 = vector.shape_cast %swap3A_115 : vector<16xf32> to vector<16xf32>
    %swap3A_117 = vector.shape_cast %broadcast_in_dim3A_113 : vector<16xf32> to vector<16xf32>
    tpu.vector_store %arg5[%swap3A_114], %swap3A_117 {strides = array<i32>} : memref<640xf32, #tpu.memory_space<vmem>>, vector<16xf32>,
    %broadcast_in_dim3A_118 = arith.constant 1.000000e+00 : f32
    %broadcast_in_dim3A_119 = vector.broadcast %broadcast_in_dim3A_118 : f32 to vector<16xf32>
    %swap3A_120 = arith.constant 320 : index
    %swap3A_121 = tpu.vector_load %arg5[%swap3A_120] {strides = array<i32>} : memref<640xf32, #tpu.memory_space<vmem>>, vector<16xf32>,
    %swap3A_122 = vector.shape_cast %swap3A_121 : vector<16xf32> to vector<16xf32>
    %swap3A_123 = vector.shape_cast %broadcast_in_dim3A_119 : vector<16xf32> to vector<16xf32>
    tpu.vector_store %arg5[%swap3A_120], %swap3A_123 {strides = array<i32>} : memref<640xf32, #tpu.memory_space<vmem>>, vector<16xf32>,
    %broadcast_in_dim3A_124 = arith.constant 1.000000e+00 : f32
    %broadcast_in_dim3A_125 = vector.broadcast %broadcast_in_dim3A_124 : f32 to vector<16xf32>
    %swap3A_126 = arith.constant 336 : index
    %swap3A_127 = tpu.vector_load %arg5[%swap3A_126] {strides = array<i32>} : memref<640xf32, #tpu.memory_space<vmem>>, vector<16xf32>,
    %swap3A_128 = vector.shape_cast %swap3A_127 : vector<16xf32> to vector<16xf32>
    %swap3A_129 = vector.shape_cast %broadcast_in_dim3A_125 : vector<16xf32> to vector<16xf32>
    tpu.vector_store %arg5[%swap3A_126], %swap3A_129 {strides = array<i32>} : memref<640xf32, #tpu.memory_space<vmem>>, vector<16xf32>,
    %broadcast_in_dim3A_130 = arith.constant 1.000000e+00 : f32
    %broadcast_in_dim3A_131 = vector.broadcast %broadcast_in_dim3A_130 : f32 to vector<16xf32>
    %swap3A_132 = arith.constant 352 : index
    %swap3A_133 = tpu.vector_load %arg5[%swap3A_132] {strides = array<i32>} : memref<640xf32, #tpu.memory_space<vmem>>, vector<16xf32>,
    %swap3A_134 = vector.shape_cast %swap3A_133 : vector<16xf32> to vector<16xf32>
    %swap3A_135 = vector.shape_cast %broadcast_in_dim3A_131 : vector<16xf32> to vector<16xf32>
    tpu.vector_store %arg5[%swap3A_132], %swap3A_135 {strides = array<i32>} : memref<640xf32, #tpu.memory_space<vmem>>, vector<16xf32>,
    %broadcast_in_dim3A_136 = arith.constant 1.000000e+00 : f32
    %broadcast_in_dim3A_137 = vector.broadcast %broadcast_in_dim3A_136 : f32 to vector<16xf32>
    %swap3A_138 = arith.constant 368 : index
    %swap3A_139 = tpu.vector_load %arg5[%swap3A_138] {strides = array<i32>} : memref<640xf32, #tpu.memory_space<vmem>>, vector<16xf32>,
    %swap3A_140 = vector.shape_cast %swap3A_139 : vector<16xf32> to vector<16xf32>
    %swap3A_141 = vector.shape_cast %broadcast_in_dim3A_137 : vector<16xf32> to vector<16xf32>
    tpu.vector_store %arg5[%swap3A_138], %swap3A_141 {strides = array<i32>} : memref<640xf32, #tpu.memory_space<vmem>>, vector<16xf32>,
    %broadcast_in_dim3A_142 = arith.constant 1.000000e+00 : f32
    %broadcast_in_dim3A_143 = vector.broadcast %broadcast_in_dim3A_142 : f32 to vector<16xf32>
    %swap3A_144 = arith.constant 384 : index
    %swap3A_145 = tpu.vector_load %arg5[%swap3A_144] {strides = array<i32>} : memref<640xf32, #tpu.memory_space<vmem>>, vector<16xf32>,
    %swap3A_146 = vector.shape_cast %swap3A_145 : vector<16xf32> to vector<16xf32>
    %swap3A_147 = vector.shape_cast %broadcast_in_dim3A_143 : vector<16xf32> to vector<16xf32>
    tpu.vector_store %arg5[%swap3A_144], %swap3A_147 {strides = array<i32>} : memref<640xf32, #tpu.memory_space<vmem>>, vector<16xf32>,
    %broadcast_in_dim3A_148 = arith.constant 1.000000e+00 : f32
    %broadcast_in_dim3A_149 = vector.broadcast %broadcast_in_dim3A_148 : f32 to vector<16xf32>
    %swap3A_150 = arith.constant 400 : index
    %swap3A_151 = tpu.vector_load %arg5[%swap3A_150] {strides = array<i32>} : memref<640xf32, #tpu.memory_space<vmem>>, vector<16xf32>,
    %swap3A_152 = vector.shape_cast %swap3A_151 : vector<16xf32> to vector<16xf32>
    %swap3A_153 = vector.shape_cast %broadcast_in_dim3A_149 : vector<16xf32> to vector<16xf32>
    tpu.vector_store %arg5[%swap3A_150], %swap3A_153 {strides = array<i32>} : memref<640xf32, #tpu.memory_space<vmem>>, vector<16xf32>,
    %broadcast_in_dim3A_154 = arith.constant 1.000000e+00 : f32
    %broadcast_in_dim3A_155 = vector.broadcast %broadcast_in_dim3A_154 : f32 to vector<16xf32>
    %swap3A_156 = arith.constant 416 : index
    %swap3A_157 = tpu.vector_load %arg5[%swap3A_156] {strides = array<i32>} : memref<640xf32, #tpu.memory_space<vmem>>, vector<16xf32>,
    %swap3A_158 = vector.shape_cast %swap3A_157 : vector<16xf32> to vector<16xf32>
    %swap3A_159 = vector.shape_cast %broadcast_in_dim3A_155 : vector<16xf32> to vector<16xf32>
    tpu.vector_store %arg5[%swap3A_156], %swap3A_159 {strides = array<i32>} : memref<640xf32, #tpu.memory_space<vmem>>, vector<16xf32>,
    %broadcast_in_dim3A_160 = arith.constant 1.000000e+00 : f32
    %broadcast_in_dim3A_161 = vector.broadcast %broadcast_in_dim3A_160 : f32 to vector<16xf32>
    %swap3A_162 = arith.constant 432 : index
    %swap3A_163 = tpu.vector_load %arg5[%swap3A_162] {strides = array<i32>} : memref<640xf32, #tpu.memory_space<vmem>>, vector<16xf32>,
    %swap3A_164 = vector.shape_cast %swap3A_163 : vector<16xf32> to vector<16xf32>
    %swap3A_165 = vector.shape_cast %broadcast_in_dim3A_161 : vector<16xf32> to vector<16xf32>
    tpu.vector_store %arg5[%swap3A_162], %swap3A_165 {strides = array<i32>} : memref<640xf32, #tpu.memory_space<vmem>>, vector<16xf32>,
    %broadcast_in_dim3A_166 = arith.constant 1.000000e+00 : f32
    %broadcast_in_dim3A_167 = vector.broadcast %broadcast_in_dim3A_166 : f32 to vector<16xf32>
    %swap3A_168 = arith.constant 448 : index
    %swap3A_169 = tpu.vector_load %arg5[%swap3A_168] {strides = array<i32>} : memref<640xf32, #tpu.memory_space<vmem>>, vector<16xf32>,
    %swap3A_170 = vector.shape_cast %swap3A_169 : vector<16xf32> to vector<16xf32>
    %swap3A_171 = vector.shape_cast %broadcast_in_dim3A_167 : vector<16xf32> to vector<16xf32>
    tpu.vector_store %arg5[%swap3A_168], %swap3A_171 {strides = array<i32>} : memref<640xf32, #tpu.memory_space<vmem>>, vector<16xf32>,
    %broadcast_in_dim3A_172 = arith.constant 1.000000e+00 : f32
    %broadcast_in_dim3A_173 = vector.broadcast %broadcast_in_dim3A_172 : f32 to vector<16xf32>
    %swap3A_174 = arith.constant 464 : index
    %swap3A_175 = tpu.vector_load %arg5[%swap3A_174] {strides = array<i32>} : memref<640xf32, #tpu.memory_space<vmem>>, vector<16xf32>,
    %swap3A_176 = vector.shape_cast %swap3A_175 : vector<16xf32> to vector<16xf32>
    %swap3A_177 = vector.shape_cast %broadcast_in_dim3A_173 : vector<16xf32> to vector<16xf32>
    tpu.vector_store %arg5[%swap3A_174], %swap3A_177 {strides = array<i32>} : memref<640xf32, #tpu.memory_space<vmem>>, vector<16xf32>,
    %broadcast_in_dim3A_178 = arith.constant 1.000000e+00 : f32
    %broadcast_in_dim3A_179 = vector.broadcast %broadcast_in_dim3A_178 : f32 to vector<16xf32>
    %swap3A_180 = arith.constant 480 : index
    %swap3A_181 = tpu.vector_load %arg5[%swap3A_180] {strides = array<i32>} : memref<640xf32, #tpu.memory_space<vmem>>, vector<16xf32>,
    %swap3A_182 = vector.shape_cast %swap3A_181 : vector<16xf32> to vector<16xf32>
    %swap3A_183 = vector.shape_cast %broadcast_in_dim3A_179 : vector<16xf32> to vector<16xf32>
    tpu.vector_store %arg5[%swap3A_180], %swap3A_183 {strides = array<i32>} : memref<640xf32, #tpu.memory_space<vmem>>, vector<16xf32>,
    %broadcast_in_dim3A_184 = arith.constant 1.000000e+00 : f32
    %broadcast_in_dim3A_185 = vector.broadcast %broadcast_in_dim3A_184 : f32 to vector<16xf32>
    %swap3A_186 = arith.constant 496 : index
    %swap3A_187 = tpu.vector_load %arg5[%swap3A_186] {strides = array<i32>} : memref<640xf32, #tpu.memory_space<vmem>>, vector<16xf32>,
    %swap3A_188 = vector.shape_cast %swap3A_187 : vector<16xf32> to vector<16xf32>
    %swap3A_189 = vector.shape_cast %broadcast_in_dim3A_185 : vector<16xf32> to vector<16xf32>
    tpu.vector_store %arg5[%swap3A_186], %swap3A_189 {strides = array<i32>} : memref<640xf32, #tpu.memory_space<vmem>>, vector<16xf32>,
    %broadcast_in_dim3A_190 = arith.constant 1.000000e+00 : f32
    %broadcast_in_dim3A_191 = vector.broadcast %broadcast_in_dim3A_190 : f32 to vector<16xf32>
    %swap3A_192 = arith.constant 512 : index
    %swap3A_193 = tpu.vector_load %arg5[%swap3A_192] {strides = array<i32>} : memref<640xf32, #tpu.memory_space<vmem>>, vector<16xf32>,
    %swap3A_194 = vector.shape_cast %swap3A_193 : vector<16xf32> to vector<16xf32>
    %swap3A_195 = vector.shape_cast %broadcast_in_dim3A_191 : vector<16xf32> to vector<16xf32>
    tpu.vector_store %arg5[%swap3A_192], %swap3A_195 {strides = array<i32>} : memref<640xf32, #tpu.memory_space<vmem>>, vector<16xf32>,
    %broadcast_in_dim3A_196 = arith.constant 1.000000e+00 : f32
    %broadcast_in_dim3A_197 = vector.broadcast %broadcast_in_dim3A_196 : f32 to vector<16xf32>
    %swap3A_198 = arith.constant 528 : index
    %swap3A_199 = tpu.vector_load %arg5[%swap3A_198] {strides = array<i32>} : memref<640xf32, #tpu.memory_space<vmem>>, vector<16xf32>,
    %swap3A_200 = vector.shape_cast %swap3A_199 : vector<16xf32> to vector<16xf32>
    %swap3A_201 = vector.shape_cast %broadcast_in_dim3A_197 : vector<16xf32> to vector<16xf32>
    tpu.vector_store %arg5[%swap3A_198], %swap3A_201 {strides = array<i32>} : memref<640xf32, #tpu.memory_space<vmem>>, vector<16xf32>,
    %broadcast_in_dim3A_202 = arith.constant 1.000000e+00 : f32
    %broadcast_in_dim3A_203 = vector.broadcast %broadcast_in_dim3A_202 : f32 to vector<16xf32>
    %swap3A_204 = arith.constant 544 : index
    %swap3A_205 = tpu.vector_load %arg5[%swap3A_204] {strides = array<i32>} : memref<640xf32, #tpu.memory_space<vmem>>, vector<16xf32>,
    %swap3A_206 = vector.shape_cast %swap3A_205 : vector<16xf32> to vector<16xf32>
    %swap3A_207 = vector.shape_cast %broadcast_in_dim3A_203 : vector<16xf32> to vector<16xf32>
    tpu.vector_store %arg5[%swap3A_204], %swap3A_207 {strides = array<i32>} : memref<640xf32, #tpu.memory_space<vmem>>, vector<16xf32>,
    %broadcast_in_dim3A_208 = arith.constant 1.000000e+00 : f32
    %broadcast_in_dim3A_209 = vector.broadcast %broadcast_in_dim3A_208 : f32 to vector<16xf32>
    %swap3A_210 = arith.constant 560 : index
    %swap3A_211 = tpu.vector_load %arg5[%swap3A_210] {strides = array<i32>} : memref<640xf32, #tpu.memory_space<vmem>>, vector<16xf32>,
    %swap3A_212 = vector.shape_cast %swap3A_211 : vector<16xf32> to vector<16xf32>
    %swap3A_213 = vector.shape_cast %broadcast_in_dim3A_209 : vector<16xf32> to vector<16xf32>
    tpu.vector_store %arg5[%swap3A_210], %swap3A_213 {strides = array<i32>} : memref<640xf32, #tpu.memory_space<vmem>>, vector<16xf32>,
    %broadcast_in_dim3A_214 = arith.constant 1.000000e+00 : f32
    %broadcast_in_dim3A_215 = vector.broadcast %broadcast_in_dim3A_214 : f32 to vector<16xf32>
    %swap3A_216 = arith.constant 576 : index
    %swap3A_217 = tpu.vector_load %arg5[%swap3A_216] {strides = array<i32>} : memref<640xf32, #tpu.memory_space<vmem>>, vector<16xf32>,
    %swap3A_218 = vector.shape_cast %swap3A_217 : vector<16xf32> to vector<16xf32>
    %swap3A_219 = vector.shape_cast %broadcast_in_dim3A_215 : vector<16xf32> to vector<16xf32>
    tpu.vector_store %arg5[%swap3A_216], %swap3A_219 {strides = array<i32>} : memref<640xf32, #tpu.memory_space<vmem>>, vector<16xf32>,
    %broadcast_in_dim3A_220 = arith.constant 1.000000e+00 : f32
    %broadcast_in_dim3A_221 = vector.broadcast %broadcast_in_dim3A_220 : f32 to vector<16xf32>
    %swap3A_222 = arith.constant 592 : index
    %swap3A_223 = tpu.vector_load %arg5[%swap3A_222] {strides = array<i32>} : memref<640xf32, #tpu.memory_space<vmem>>, vector<16xf32>,
    %swap3A_224 = vector.shape_cast %swap3A_223 : vector<16xf32> to vector<16xf32>
    %swap3A_225 = vector.shape_cast %broadcast_in_dim3A_221 : vector<16xf32> to vector<16xf32>
    tpu.vector_store %arg5[%swap3A_222], %swap3A_225 {strides = array<i32>} : memref<640xf32, #tpu.memory_space<vmem>>, vector<16xf32>,
    %broadcast_in_dim3A_226 = arith.constant 1.000000e+00 : f32
    %broadcast_in_dim3A_227 = vector.broadcast %broadcast_in_dim3A_226 : f32 to vector<16xf32>
    %swap3A_228 = arith.constant 608 : index
    %swap3A_229 = tpu.vector_load %arg5[%swap3A_228] {strides = array<i32>} : memref<640xf32, #tpu.memory_space<vmem>>, vector<16xf32>,
    %swap3A_230 = vector.shape_cast %swap3A_229 : vector<16xf32> to vector<16xf32>
    %swap3A_231 = vector.shape_cast %broadcast_in_dim3A_227 : vector<16xf32> to vector<16xf32>
    tpu.vector_store %arg5[%swap3A_228], %swap3A_231 {strides = array<i32>} : memref<640xf32, #tpu.memory_space<vmem>>, vector<16xf32>,
    %broadcast_in_dim3A_232 = arith.constant 1.000000e+00 : f32
    %broadcast_in_dim3A_233 = vector.broadcast %broadcast_in_dim3A_232 : f32 to vector<16xf32>
    %swap3A_234 = arith.constant 624 : index
    %swap3A_235 = tpu.vector_load %arg5[%swap3A_234] {strides = array<i32>} : memref<640xf32, #tpu.memory_space<vmem>>, vector<16xf32>,
    %swap3A_236 = vector.shape_cast %swap3A_235 : vector<16xf32> to vector<16xf32>
    %swap3A_237 = vector.shape_cast %broadcast_in_dim3A_233 : vector<16xf32> to vector<16xf32>
    tpu.vector_store %arg5[%swap3A_234], %swap3A_237 {strides = array<i32>} : memref<640xf32, #tpu.memory_space<vmem>>, vector<16xf32>,
    %scan3A = arith.constant 0 : i32
    %scan3A_238 = arith.constant 2 : i32
    %scan3A_239 = arith.addi %scan3A, %scan3A_238 : i32
    %scan3A_240 = arith.constant 1 : i32
    scf.for %scan3A_242 = %scan3A to %scan3A_239 step %scan3A_240  : i32 {
      %mul3A = arith.constant 1 : i32
      %mul3A_243 = arith.muli %scan3A_242, %mul3A : i32
      %add3A = arith.constant 0 : i32
      %add3A_244 = arith.addi %add3A, %mul3A_243 : i32
      %mul3A_245 = arith.constant 2 : i32
      %mul3A_246 = arith.muli %mul3A_245, %arg0 : i32
      %add3A_247 = arith.addi %mul3A_246, %add3A_244 : i32
      %mul3A_248 = arith.constant 640 : i32
      %mul3A_249 = arith.muli %arg1, %mul3A_248 : i32
      "tpu.region"() ({
        %run_scoped3A = tpu.sem_alloc : memref<!tpu.dma_semaphore, #tpu.memory_space<semaphore_mem>>
        %dma_start3A = tpu.memref_slice %arg6[%mul3A_249] : memref<10240xf32, #tpu.memory_space<vmem_shared>> -> memref<640xf32, #tpu.memory_space<vmem_shared>>
        %dma_start3A_269 = tpu.memref_slice %arg6[%mul3A_249] : memref<10240xf32, #tpu.memory_space<vmem_shared>> -> memref<640xf32, #tpu.memory_space<vmem_shared>>
        tpu.enqueue_dma source(%arg5 : memref<640xf32, #tpu.memory_space<vmem>>) target(%dma_start3A_269 : memref<640xf32, #tpu.memory_space<vmem_shared>>) target_semaphore(%run_scoped3A : memref<!tpu.dma_semaphore, #tpu.memory_space<semaphore_mem>>)
        %dma_wait3A = tpu.memref_slice %arg6[%mul3A_249] : memref<10240xf32, #tpu.memory_space<vmem_shared>> -> memref<640xf32, #tpu.memory_space<vmem_shared>>
        %dma_wait3A_270 = tpu.memref_slice %arg6[%mul3A_249] : memref<10240xf32, #tpu.memory_space<vmem_shared>> -> memref<640xf32, #tpu.memory_space<vmem_shared>>
        tpu.wait_dma2 semaphore(%run_scoped3A : memref<!tpu.dma_semaphore, #tpu.memory_space<semaphore_mem>>) src(%arg5 : memref<640xf32, #tpu.memory_space<vmem>>) dst(%dma_wait3A_270 : memref<640xf32, #tpu.memory_space<vmem_shared>>)
        tpu.yield
      }) : () -> ()
      %mul3A_250 = arith.constant 2560 : i32
      %mul3A_251 = arith.muli %add3A_247, %mul3A_250 : i32
      %mul3A_252 = arith.constant 160 : i32
      %mul3A_253 = arith.muli %arg1, %mul3A_252 : i32
      %add3A_254 = arith.addi %mul3A_251, %mul3A_253 : i32
      "tpu.region"() ({
        %run_scoped3A = tpu.sem_alloc : memref<!tpu.dma_semaphore, #tpu.memory_space<semaphore_mem>>
        %dma_start3A = arith.constant 0 : i32
        %dma_start3A_269 = tpu.memref_slice %arg2[%add3A_254, %dma_start3A] : memref<10240x128xi32, #tpu.memory_space<hbm>> -> memref<160x128xi32, #tpu.memory_space<hbm>>
        %dma_start3A_270 = arith.constant 0 : i32
        %dma_start3A_271 = tpu.memref_slice %arg2[%add3A_254, %dma_start3A_270] : memref<10240x128xi32, #tpu.memory_space<hbm>> -> memref<160x128xi32, #tpu.memory_space<hbm>>
        tpu.enqueue_dma source(%dma_start3A_271 : memref<160x128xi32, #tpu.memory_space<hbm>>) target(%arg4 : memref<160x128xi32, #tpu.memory_space<vmem>>) target_semaphore(%run_scoped3A : memref<!tpu.dma_semaphore, #tpu.memory_space<semaphore_mem>>)
        %dma_wait3A = arith.constant 0 : i32
        %dma_wait3A_272 = tpu.memref_slice %arg2[%add3A_254, %dma_wait3A] : memref<10240x128xi32, #tpu.memory_space<hbm>> -> memref<160x128xi32, #tpu.memory_space<hbm>>
        %dma_wait3A_273 = arith.constant 0 : i32
        %dma_wait3A_274 = tpu.memref_slice %arg2[%add3A_254, %dma_wait3A_273] : memref<10240x128xi32, #tpu.memory_space<hbm>> -> memref<160x128xi32, #tpu.memory_space<hbm>>
        tpu.wait_dma2 semaphore(%run_scoped3A : memref<!tpu.dma_semaphore, #tpu.memory_space<semaphore_mem>>) src(%dma_wait3A_274 : memref<160x128xi32, #tpu.memory_space<hbm>>) dst(%arg4 : memref<160x128xi32, #tpu.memory_space<vmem>>)
        tpu.yield
      }) : () -> ()
      %barrier3A = arith.constant 0 : index
      tpu.barrier barrier_id(%barrier3A)
      %scan3A_255 = arith.constant 0 : i32
      %scan3A_256 = arith.constant 20 : i32
      %scan3A_257 = arith.addi %scan3A_255, %scan3A_256 : i32
      %scan3A_258 = arith.constant 1 : i32
      scf.for %scan3A_269 = %scan3A_255 to %scan3A_257 step %scan3A_258  : i32 {
        %mul3A_270 = arith.constant 1 : i32
        %mul3A_271 = arith.muli %scan3A_269, %mul3A_270 : i32
        %add3A_272 = arith.constant 0 : i32
        %add3A_273 = arith.addi %add3A_272, %mul3A_271 : i32
        %mul3A_274 = arith.constant 8 : i32
        %mul3A_275 = arith.muli %add3A_273, %mul3A_274 : i32
        %add3A_276 = arith.constant 0 : i32
        %add3A_277 = arith.addi %mul3A_275, %add3A_276 : i32
        %dma_start3A = arith.constant 0 : i32
        %dma_start3A_278 = tpu.memref_slice %arg5[%dma_start3A] : memref<640xf32, #tpu.memory_space<vmem>> -> memref<128xf32, #tpu.memory_space<vmem>>
        %dma_start3A_279 = arith.constant 0 : i32
        %dma_start3A_280 = tpu.memref_slice %arg4[%add3A_277, %dma_start3A_279] : memref<160x128xi32, #tpu.memory_space<vmem>> -> memref<1x128xi32, #tpu.memory_space<vmem>>
        %dma_start3A_281 = tpu.memref_squeeze %dma_start3A_280 : memref<1x128xi32, #tpu.memory_space<vmem>> -> memref<128xi32, #tpu.memory_space<vmem>>
        %dma_start3A_282 = arith.constant 0 : i32
        %dma_start3A_283 = tpu.memref_slice %arg6[%dma_start3A_282] : memref<10240xf32, #tpu.memory_space<vmem_shared>> -> memref<10240xf32, #tpu.memory_space<vmem_shared>>
        tpu.enqueue_indirect_dma source(%dma_start3A_278 : memref<128xf32, #tpu.memory_space<vmem>>) target(%dma_start3A_283 : memref<10240xf32, #tpu.memory_space<vmem_shared>>) offsets(%dma_start3A_281 : memref<128xi32, #tpu.memory_space<vmem>>) semaphore(%arg7 : memref<!tpu.dma_semaphore, #tpu.memory_space<semaphore_mem>>) {add = true}
        %mul3A_284 = arith.constant 8 : i32
        %mul3A_285 = arith.muli %add3A_273, %mul3A_284 : i32
        %add3A_286 = arith.constant 1 : i32
        %add3A_287 = arith.addi %mul3A_285, %add3A_286 : i32
        %dma_start3A_288 = arith.constant 0 : i32
        %dma_start3A_289 = tpu.memref_slice %arg5[%dma_start3A_288] : memref<640xf32, #tpu.memory_space<vmem>> -> memref<128xf32, #tpu.memory_space<vmem>>
        %dma_start3A_290 = arith.constant 0 : i32
        %dma_start3A_291 = tpu.memref_slice %arg4[%add3A_287, %dma_start3A_290] : memref<160x128xi32, #tpu.memory_space<vmem>> -> memref<1x128xi32, #tpu.memory_space<vmem>>
        %dma_start3A_292 = tpu.memref_squeeze %dma_start3A_291 : memref<1x128xi32, #tpu.memory_space<vmem>> -> memref<128xi32, #tpu.memory_space<vmem>>
        %dma_start3A_293 = arith.constant 0 : i32
        %dma_start3A_294 = tpu.memref_slice %arg6[%dma_start3A_293] : memref<10240xf32, #tpu.memory_space<vmem_shared>> -> memref<10240xf32, #tpu.memory_space<vmem_shared>>
        tpu.enqueue_indirect_dma source(%dma_start3A_289 : memref<128xf32, #tpu.memory_space<vmem>>) target(%dma_start3A_294 : memref<10240xf32, #tpu.memory_space<vmem_shared>>) offsets(%dma_start3A_292 : memref<128xi32, #tpu.memory_space<vmem>>) semaphore(%arg7 : memref<!tpu.dma_semaphore, #tpu.memory_space<semaphore_mem>>) {add = true}
        %mul3A_295 = arith.constant 8 : i32
        %mul3A_296 = arith.muli %add3A_273, %mul3A_295 : i32
        %add3A_297 = arith.constant 2 : i32
        %add3A_298 = arith.addi %mul3A_296, %add3A_297 : i32
        %dma_start3A_299 = arith.constant 0 : i32
        %dma_start3A_300 = tpu.memref_slice %arg5[%dma_start3A_299] : memref<640xf32, #tpu.memory_space<vmem>> -> memref<128xf32, #tpu.memory_space<vmem>>
        %dma_start3A_301 = arith.constant 0 : i32
        %dma_start3A_302 = tpu.memref_slice %arg4[%add3A_298, %dma_start3A_301] : memref<160x128xi32, #tpu.memory_space<vmem>> -> memref<1x128xi32, #tpu.memory_space<vmem>>
        %dma_start3A_303 = tpu.memref_squeeze %dma_start3A_302 : memref<1x128xi32, #tpu.memory_space<vmem>> -> memref<128xi32, #tpu.memory_space<vmem>>
        %dma_start3A_304 = arith.constant 0 : i32
        %dma_start3A_305 = tpu.memref_slice %arg6[%dma_start3A_304] : memref<10240xf32, #tpu.memory_space<vmem_shared>> -> memref<10240xf32, #tpu.memory_space<vmem_shared>>
        tpu.enqueue_indirect_dma source(%dma_start3A_300 : memref<128xf32, #tpu.memory_space<vmem>>) target(%dma_start3A_305 : memref<10240xf32, #tpu.memory_space<vmem_shared>>) offsets(%dma_start3A_303 : memref<128xi32, #tpu.memory_space<vmem>>) semaphore(%arg7 : memref<!tpu.dma_semaphore, #tpu.memory_space<semaphore_mem>>) {add = true}
        %mul3A_306 = arith.constant 8 : i32
        %mul3A_307 = arith.muli %add3A_273, %mul3A_306 : i32
        %add3A_308 = arith.constant 3 : i32
        %add3A_309 = arith.addi %mul3A_307, %add3A_308 : i32
        %dma_start3A_310 = arith.constant 0 : i32
        %dma_start3A_311 = tpu.memref_slice %arg5[%dma_start3A_310] : memref<640xf32, #tpu.memory_space<vmem>> -> memref<128xf32, #tpu.memory_space<vmem>>
        %dma_start3A_312 = arith.constant 0 : i32
        %dma_start3A_313 = tpu.memref_slice %arg4[%add3A_309, %dma_start3A_312] : memref<160x128xi32, #tpu.memory_space<vmem>> -> memref<1x128xi32, #tpu.memory_space<vmem>>
        %dma_start3A_314 = tpu.memref_squeeze %dma_start3A_313 : memref<1x128xi32, #tpu.memory_space<vmem>> -> memref<128xi32, #tpu.memory_space<vmem>>
        %dma_start3A_315 = arith.constant 0 : i32
        %dma_start3A_316 = tpu.memref_slice %arg6[%dma_start3A_315] : memref<10240xf32, #tpu.memory_space<vmem_shared>> -> memref<10240xf32, #tpu.memory_space<vmem_shared>>
        tpu.enqueue_indirect_dma source(%dma_start3A_311 : memref<128xf32, #tpu.memory_space<vmem>>) target(%dma_start3A_316 : memref<10240xf32, #tpu.memory_space<vmem_shared>>) offsets(%dma_start3A_314 : memref<128xi32, #tpu.memory_space<vmem>>) semaphore(%arg7 : memref<!tpu.dma_semaphore, #tpu.memory_space<semaphore_mem>>) {add = true}
        %mul3A_317 = arith.constant 8 : i32
        %mul3A_318 = arith.muli %add3A_273, %mul3A_317 : i32
        %add3A_319 = arith.constant 4 : i32
        %add3A_320 = arith.addi %mul3A_318, %add3A_319 : i32
        %dma_start3A_321 = arith.constant 0 : i32
        %dma_start3A_322 = tpu.memref_slice %arg5[%dma_start3A_321] : memref<640xf32, #tpu.memory_space<vmem>> -> memref<128xf32, #tpu.memory_space<vmem>>
        %dma_start3A_323 = arith.constant 0 : i32
        %dma_start3A_324 = tpu.memref_slice %arg4[%add3A_320, %dma_start3A_323] : memref<160x128xi32, #tpu.memory_space<vmem>> -> memref<1x128xi32, #tpu.memory_space<vmem>>
        %dma_start3A_325 = tpu.memref_squeeze %dma_start3A_324 : memref<1x128xi32, #tpu.memory_space<vmem>> -> memref<128xi32, #tpu.memory_space<vmem>>
        %dma_start3A_326 = arith.constant 0 : i32
        %dma_start3A_327 = tpu.memref_slice %arg6[%dma_start3A_326] : memref<10240xf32, #tpu.memory_space<vmem_shared>> -> memref<10240xf32, #tpu.memory_space<vmem_shared>>
        tpu.enqueue_indirect_dma source(%dma_start3A_322 : memref<128xf32, #tpu.memory_space<vmem>>) target(%dma_start3A_327 : memref<10240xf32, #tpu.memory_space<vmem_shared>>) offsets(%dma_start3A_325 : memref<128xi32, #tpu.memory_space<vmem>>) semaphore(%arg7 : memref<!tpu.dma_semaphore, #tpu.memory_space<semaphore_mem>>) {add = true}
        %mul3A_328 = arith.constant 8 : i32
        %mul3A_329 = arith.muli %add3A_273, %mul3A_328 : i32
        %add3A_330 = arith.constant 5 : i32
        %add3A_331 = arith.addi %mul3A_329, %add3A_330 : i32
        %dma_start3A_332 = arith.constant 0 : i32
        %dma_start3A_333 = tpu.memref_slice %arg5[%dma_start3A_332] : memref<640xf32, #tpu.memory_space<vmem>> -> memref<128xf32, #tpu.memory_space<vmem>>
        %dma_start3A_334 = arith.constant 0 : i32
        %dma_start3A_335 = tpu.memref_slice %arg4[%add3A_331, %dma_start3A_334] : memref<160x128xi32, #tpu.memory_space<vmem>> -> memref<1x128xi32, #tpu.memory_space<vmem>>
        %dma_start3A_336 = tpu.memref_squeeze %dma_start3A_335 : memref<1x128xi32, #tpu.memory_space<vmem>> -> memref<128xi32, #tpu.memory_space<vmem>>
        %dma_start3A_337 = arith.constant 0 : i32
        %dma_start3A_338 = tpu.memref_slice %arg6[%dma_start3A_337] : memref<10240xf32, #tpu.memory_space<vmem_shared>> -> memref<10240xf32, #tpu.memory_space<vmem_shared>>
        tpu.enqueue_indirect_dma source(%dma_start3A_333 : memref<128xf32, #tpu.memory_space<vmem>>) target(%dma_start3A_338 : memref<10240xf32, #tpu.memory_space<vmem_shared>>) offsets(%dma_start3A_336 : memref<128xi32, #tpu.memory_space<vmem>>) semaphore(%arg7 : memref<!tpu.dma_semaphore, #tpu.memory_space<semaphore_mem>>) {add = true}
        %mul3A_339 = arith.constant 8 : i32
        %mul3A_340 = arith.muli %add3A_273, %mul3A_339 : i32
        %add3A_341 = arith.constant 6 : i32
        %add3A_342 = arith.addi %mul3A_340, %add3A_341 : i32
        %dma_start3A_343 = arith.constant 0 : i32
        %dma_start3A_344 = tpu.memref_slice %arg5[%dma_start3A_343] : memref<640xf32, #tpu.memory_space<vmem>> -> memref<128xf32, #tpu.memory_space<vmem>>
        %dma_start3A_345 = arith.constant 0 : i32
        %dma_start3A_346 = tpu.memref_slice %arg4[%add3A_342, %dma_start3A_345] : memref<160x128xi32, #tpu.memory_space<vmem>> -> memref<1x128xi32, #tpu.memory_space<vmem>>
        %dma_start3A_347 = tpu.memref_squeeze %dma_start3A_346 : memref<1x128xi32, #tpu.memory_space<vmem>> -> memref<128xi32, #tpu.memory_space<vmem>>
        %dma_start3A_348 = arith.constant 0 : i32
        %dma_start3A_349 = tpu.memref_slice %arg6[%dma_start3A_348] : memref<10240xf32, #tpu.memory_space<vmem_shared>> -> memref<10240xf32, #tpu.memory_space<vmem_shared>>
        tpu.enqueue_indirect_dma source(%dma_start3A_344 : memref<128xf32, #tpu.memory_space<vmem>>) target(%dma_start3A_349 : memref<10240xf32, #tpu.memory_space<vmem_shared>>) offsets(%dma_start3A_347 : memref<128xi32, #tpu.memory_space<vmem>>) semaphore(%arg7 : memref<!tpu.dma_semaphore, #tpu.memory_space<semaphore_mem>>) {add = true}
        %mul3A_350 = arith.constant 8 : i32
        %mul3A_351 = arith.muli %add3A_273, %mul3A_350 : i32
        %add3A_352 = arith.constant 7 : i32
        %add3A_353 = arith.addi %mul3A_351, %add3A_352 : i32
        %dma_start3A_354 = arith.constant 0 : i32
        %dma_start3A_355 = tpu.memref_slice %arg5[%dma_start3A_354] : memref<640xf32, #tpu.memory_space<vmem>> -> memref<128xf32, #tpu.memory_space<vmem>>
        %dma_start3A_356 = arith.constant 0 : i32
        %dma_start3A_357 = tpu.memref_slice %arg4[%add3A_353, %dma_start3A_356] : memref<160x128xi32, #tpu.memory_space<vmem>> -> memref<1x128xi32, #tpu.memory_space<vmem>>
        %dma_start3A_358 = tpu.memref_squeeze %dma_start3A_357 : memref<1x128xi32, #tpu.memory_space<vmem>> -> memref<128xi32, #tpu.memory_space<vmem>>
        %dma_start3A_359 = arith.constant 0 : i32
        %dma_start3A_360 = tpu.memref_slice %arg6[%dma_start3A_359] : memref<10240xf32, #tpu.memory_space<vmem_shared>> -> memref<10240xf32, #tpu.memory_space<vmem_shared>>
        tpu.enqueue_indirect_dma source(%dma_start3A_355 : memref<128xf32, #tpu.memory_space<vmem>>) target(%dma_start3A_360 : memref<10240xf32, #tpu.memory_space<vmem_shared>>) offsets(%dma_start3A_358 : memref<128xi32, #tpu.memory_space<vmem>>) semaphore(%arg7 : memref<!tpu.dma_semaphore, #tpu.memory_space<semaphore_mem>>) {add = true}
        %dma_wait3A = arith.constant 0 : i32
        %dma_wait3A_361 = tpu.memref_slice %arg5[%dma_wait3A] : memref<640xf32, #tpu.memory_space<vmem>> -> memref<128xf32, #tpu.memory_space<vmem>>
        %dma_wait3A_362 = arith.constant 0 : i32
        %dma_wait3A_363 = tpu.memref_slice %arg6[%dma_wait3A_362] : memref<10240xf32, #tpu.memory_space<vmem_shared>> -> memref<128xf32, #tpu.memory_space<vmem_shared>>
        %dma_wait3A_364 = arith.constant 0 : i32
        %dma_wait3A_365 = tpu.memref_slice %arg6[%dma_wait3A_364] : memref<10240xf32, #tpu.memory_space<vmem_shared>> -> memref<128xf32, #tpu.memory_space<vmem_shared>>
        %dma_wait3A_366 = arith.constant 0 : i32
        %dma_wait3A_367 = tpu.memref_slice %arg5[%dma_wait3A_366] : memref<640xf32, #tpu.memory_space<vmem>> -> memref<128xf32, #tpu.memory_space<vmem>>
        tpu.wait_dma2 semaphore(%arg7 : memref<!tpu.dma_semaphore, #tpu.memory_space<semaphore_mem>>) src(%dma_wait3A_367 : memref<128xf32, #tpu.memory_space<vmem>>) dst(%dma_wait3A_365 : memref<128xf32, #tpu.memory_space<vmem_shared>>)
        %dma_wait3A_368 = arith.constant 0 : i32
        %dma_wait3A_369 = tpu.memref_slice %arg5[%dma_wait3A_368] : memref<640xf32, #tpu.memory_space<vmem>> -> memref<128xf32, #tpu.memory_space<vmem>>
        %dma_wait3A_370 = arith.constant 0 : i32
        %dma_wait3A_371 = tpu.memref_slice %arg6[%dma_wait3A_370] : memref<10240xf32, #tpu.memory_space<vmem_shared>> -> memref<128xf32, #tpu.memory_space<vmem_shared>>
        %dma_wait3A_372 = arith.constant 0 : i32
        %dma_wait3A_373 = tpu.memref_slice %arg6[%dma_wait3A_372] : memref<10240xf32, #tpu.memory_space<vmem_shared>> -> memref<128xf32, #tpu.memory_space<vmem_shared>>
        %dma_wait3A_374 = arith.constant 0 : i32
        %dma_wait3A_375 = tpu.memref_slice %arg5[%dma_wait3A_374] : memref<640xf32, #tpu.memory_space<vmem>> -> memref<128xf32, #tpu.memory_space<vmem>>
        tpu.wait_dma2 semaphore(%arg7 : memref<!tpu.dma_semaphore, #tpu.memory_space<semaphore_mem>>) src(%dma_wait3A_375 : memref<128xf32, #tpu.memory_space<vmem>>) dst(%dma_wait3A_373 : memref<128xf32, #tpu.memory_space<vmem_shared>>)
        %dma_wait3A_376 = arith.constant 0 : i32
        %dma_wait3A_377 = tpu.memref_slice %arg5[%dma_wait3A_376] : memref<640xf32, #tpu.memory_space<vmem>> -> memref<128xf32, #tpu.memory_space<vmem>>
        %dma_wait3A_378 = arith.constant 0 : i32
        %dma_wait3A_379 = tpu.memref_slice %arg6[%dma_wait3A_378] : memref<10240xf32, #tpu.memory_space<vmem_shared>> -> memref<128xf32, #tpu.memory_space<vmem_shared>>
        %dma_wait3A_380 = arith.constant 0 : i32
        %dma_wait3A_381 = tpu.memref_slice %arg6[%dma_wait3A_380] : memref<10240xf32, #tpu.memory_space<vmem_shared>> -> memref<128xf32, #tpu.memory_space<vmem_shared>>
        %dma_wait3A_382 = arith.constant 0 : i32
        %dma_wait3A_383 = tpu.memref_slice %arg5[%dma_wait3A_382] : memref<640xf32, #tpu.memory_space<vmem>> -> memref<128xf32, #tpu.memory_space<vmem>>
        tpu.wait_dma2 semaphore(%arg7 : memref<!tpu.dma_semaphore, #tpu.memory_space<semaphore_mem>>) src(%dma_wait3A_383 : memref<128xf32, #tpu.memory_space<vmem>>) dst(%dma_wait3A_381 : memref<128xf32, #tpu.memory_space<vmem_shared>>)
        %dma_wait3A_384 = arith.constant 0 : i32
        %dma_wait3A_385 = tpu.memref_slice %arg5[%dma_wait3A_384] : memref<640xf32, #tpu.memory_space<vmem>> -> memref<128xf32, #tpu.memory_space<vmem>>
        %dma_wait3A_386 = arith.constant 0 : i32
        %dma_wait3A_387 = tpu.memref_slice %arg6[%dma_wait3A_386] : memref<10240xf32, #tpu.memory_space<vmem_shared>> -> memref<128xf32, #tpu.memory_space<vmem_shared>>
        %dma_wait3A_388 = arith.constant 0 : i32
        %dma_wait3A_389 = tpu.memref_slice %arg6[%dma_wait3A_388] : memref<10240xf32, #tpu.memory_space<vmem_shared>> -> memref<128xf32, #tpu.memory_space<vmem_shared>>
        %dma_wait3A_390 = arith.constant 0 : i32
        %dma_wait3A_391 = tpu.memref_slice %arg5[%dma_wait3A_390] : memref<640xf32, #tpu.memory_space<vmem>> -> memref<128xf32, #tpu.memory_space<vmem>>
        tpu.wait_dma2 semaphore(%arg7 : memref<!tpu.dma_semaphore, #tpu.memory_space<semaphore_mem>>) src(%dma_wait3A_391 : memref<128xf32, #tpu.memory_space<vmem>>) dst(%dma_wait3A_389 : memref<128xf32, #tpu.memory_space<vmem_shared>>)
        %dma_wait3A_392 = arith.constant 0 : i32
        %dma_wait3A_393 = tpu.memref_slice %arg5[%dma_wait3A_392] : memref<640xf32, #tpu.memory_space<vmem>> -> memref<128xf32, #tpu.memory_space<vmem>>
        %dma_wait3A_394 = arith.constant 0 : i32
        %dma_wait3A_395 = tpu.memref_slice %arg6[%dma_wait3A_394] : memref<10240xf32, #tpu.memory_space<vmem_shared>> -> memref<128xf32, #tpu.memory_space<vmem_shared>>
        %dma_wait3A_396 = arith.constant 0 : i32
        %dma_wait3A_397 = tpu.memref_slice %arg6[%dma_wait3A_396] : memref<10240xf32, #tpu.memory_space<vmem_shared>> -> memref<128xf32, #tpu.memory_space<vmem_shared>>
        %dma_wait3A_398 = arith.constant 0 : i32
        %dma_wait3A_399 = tpu.memref_slice %arg5[%dma_wait3A_398] : memref<640xf32, #tpu.memory_space<vmem>> -> memref<128xf32, #tpu.memory_space<vmem>>
        tpu.wait_dma2 semaphore(%arg7 : memref<!tpu.dma_semaphore, #tpu.memory_space<semaphore_mem>>) src(%dma_wait3A_399 : memref<128xf32, #tpu.memory_space<vmem>>) dst(%dma_wait3A_397 : memref<128xf32, #tpu.memory_space<vmem_shared>>)
        %dma_wait3A_400 = arith.constant 0 : i32
        %dma_wait3A_401 = tpu.memref_slice %arg5[%dma_wait3A_400] : memref<640xf32, #tpu.memory_space<vmem>> -> memref<128xf32, #tpu.memory_space<vmem>>
        %dma_wait3A_402 = arith.constant 0 : i32
        %dma_wait3A_403 = tpu.memref_slice %arg6[%dma_wait3A_402] : memref<10240xf32, #tpu.memory_space<vmem_shared>> -> memref<128xf32, #tpu.memory_space<vmem_shared>>
        %dma_wait3A_404 = arith.constant 0 : i32
        %dma_wait3A_405 = tpu.memref_slice %arg6[%dma_wait3A_404] : memref<10240xf32, #tpu.memory_space<vmem_shared>> -> memref<128xf32, #tpu.memory_space<vmem_shared>>
        %dma_wait3A_406 = arith.constant 0 : i32
        %dma_wait3A_407 = tpu.memref_slice %arg5[%dma_wait3A_406] : memref<640xf32, #tpu.memory_space<vmem>> -> memref<128xf32, #tpu.memory_space<vmem>>
        tpu.wait_dma2 semaphore(%arg7 : memref<!tpu.dma_semaphore, #tpu.memory_space<semaphore_mem>>) src(%dma_wait3A_407 : memref<128xf32, #tpu.memory_space<vmem>>) dst(%dma_wait3A_405 : memref<128xf32, #tpu.memory_space<vmem_shared>>)
        %dma_wait3A_408 = arith.constant 0 : i32
        %dma_wait3A_409 = tpu.memref_slice %arg5[%dma_wait3A_408] : memref<640xf32, #tpu.memory_space<vmem>> -> memref<128xf32, #tpu.memory_space<vmem>>
        %dma_wait3A_410 = arith.constant 0 : i32
        %dma_wait3A_411 = tpu.memref_slice %arg6[%dma_wait3A_410] : memref<10240xf32, #tpu.memory_space<vmem_shared>> -> memref<128xf32, #tpu.memory_space<vmem_shared>>
        %dma_wait3A_412 = arith.constant 0 : i32
        %dma_wait3A_413 = tpu.memref_slice %arg6[%dma_wait3A_412] : memref<10240xf32, #tpu.memory_space<vmem_shared>> -> memref<128xf32, #tpu.memory_space<vmem_shared>>
        %dma_wait3A_414 = arith.constant 0 : i32
        %dma_wait3A_415 = tpu.memref_slice %arg5[%dma_wait3A_414] : memref<640xf32, #tpu.memory_space<vmem>> -> memref<128xf32, #tpu.memory_space<vmem>>
        tpu.wait_dma2 semaphore(%arg7 : memref<!tpu.dma_semaphore, #tpu.memory_space<semaphore_mem>>) src(%dma_wait3A_415 : memref<128xf32, #tpu.memory_space<vmem>>) dst(%dma_wait3A_413 : memref<128xf32, #tpu.memory_space<vmem_shared>>)
        %dma_wait3A_416 = arith.constant 0 : i32
        %dma_wait3A_417 = tpu.memref_slice %arg5[%dma_wait3A_416] : memref<640xf32, #tpu.memory_space<vmem>> -> memref<128xf32, #tpu.memory_space<vmem>>
        %dma_wait3A_418 = arith.constant 0 : i32
        %dma_wait3A_419 = tpu.memref_slice %arg6[%dma_wait3A_418] : memref<10240xf32, #tpu.memory_space<vmem_shared>> -> memref<128xf32, #tpu.memory_space<vmem_shared>>
        %dma_wait3A_420 = arith.constant 0 : i32
        %dma_wait3A_421 = tpu.memref_slice %arg6[%dma_wait3A_420] : memref<10240xf32, #tpu.memory_space<vmem_shared>> -> memref<128xf32, #tpu.memory_space<vmem_shared>>
        %dma_wait3A_422 = arith.constant 0 : i32
        %dma_wait3A_423 = tpu.memref_slice %arg5[%dma_wait3A_422] : memref<640xf32, #tpu.memory_space<vmem>> -> memref<128xf32, #tpu.memory_space<vmem>>
        tpu.wait_dma2 semaphore(%arg7 : memref<!tpu.dma_semaphore, #tpu.memory_space<semaphore_mem>>) src(%dma_wait3A_423 : memref<128xf32, #tpu.memory_space<vmem>>) dst(%dma_wait3A_421 : memref<128xf32, #tpu.memory_space<vmem_shared>>)
      }
      %scan3A_259 = arith.constant 20 : i32
      %barrier3A_260 = arith.constant 0 : index
      tpu.barrier barrier_id(%barrier3A_260)
      %mul3A_261 = arith.constant 640 : i32
      %mul3A_262 = arith.muli %arg1, %mul3A_261 : i32
      %mul3A_263 = arith.constant 10240 : i32
      %mul3A_264 = arith.muli %add3A_247, %mul3A_263 : i32
      %mul3A_265 = arith.constant 640 : i32
      %mul3A_266 = arith.muli %arg1, %mul3A_265 : i32
      %add3A_267 = arith.addi %mul3A_264, %mul3A_266 : i32
      "tpu.region"() ({
        %run_scoped3A = tpu.sem_alloc : memref<!tpu.dma_semaphore, #tpu.memory_space<semaphore_mem>>
        %dma_start3A = tpu.memref_slice %arg3[%add3A_267] : memref<40960xf32, #tpu.memory_space<hbm>> -> memref<640xf32, #tpu.memory_space<hbm>>
        %dma_start3A_269 = tpu.memref_slice %arg6[%mul3A_262] : memref<10240xf32, #tpu.memory_space<vmem_shared>> -> memref<640xf32, #tpu.memory_space<vmem_shared>>
        tpu.enqueue_dma source(%dma_start3A_269 : memref<640xf32, #tpu.memory_space<vmem_shared>>) target(%dma_start3A : memref<640xf32, #tpu.memory_space<hbm>>) target_semaphore(%run_scoped3A : memref<!tpu.dma_semaphore, #tpu.memory_space<semaphore_mem>>)
        %dma_wait3A = tpu.memref_slice %arg3[%add3A_267] : memref<40960xf32, #tpu.memory_space<hbm>> -> memref<640xf32, #tpu.memory_space<hbm>>
        %dma_wait3A_270 = tpu.memref_slice %arg6[%mul3A_262] : memref<10240xf32, #tpu.memory_space<vmem_shared>> -> memref<640xf32, #tpu.memory_space<vmem_shared>>
        tpu.wait_dma2 semaphore(%run_scoped3A : memref<!tpu.dma_semaphore, #tpu.memory_space<semaphore_mem>>) src(%dma_wait3A_270 : memref<640xf32, #tpu.memory_space<vmem_shared>>) dst(%dma_wait3A : memref<640xf32, #tpu.memory_space<hbm>>)
        tpu.yield
      }) : () -> ()
      %barrier3A_268 = arith.constant 0 : index
      tpu.barrier barrier_id(%barrier3A_268)
    }
    %scan3A_241 = arith.constant 2 : i32
    return
  }
}

#map = affine_map<(d0, d1) -> (0, 0)>
module attributes {stable_mosaic.version = 14 : i64} {
  func.func @gcn_agg_p1g1(%arg0: i32, %arg1: i32, %arg2: memref<20224x64xf32, #tpu.memory_space<hbm>>, %arg3: memref<10240x128xi32, #tpu.memory_space<hbm>>, %arg4: memref<10240x128xi32, #tpu.memory_space<hbm>>, %arg5: memref<20224x64xf32, #tpu.memory_space<hbm>>, %arg6: memref<160x128xi32, #tpu.memory_space<vmem>>, %arg7: memref<160x128xi32, #tpu.memory_space<vmem>>, %arg8: memref<4x128x64xf32, #tpu.memory_space<vmem>>, %arg9: memref<10112x64xf32, #tpu.memory_space<vmem_shared>>, %arg10: memref<!tpu.dma_semaphore, #tpu.memory_space<semaphore_mem>>, %arg11: memref<!tpu.dma_semaphore, #tpu.memory_space<semaphore_mem>>, %arg12: memref<!tpu.dma_semaphore, #tpu.memory_space<semaphore_mem>>, %arg13: memref<!tpu.dma_semaphore, #tpu.memory_space<semaphore_mem>>) attributes {dimension_semantics = [#tpu.dimension_semantics<core_parallel>, #tpu.dimension_semantics<subcore_parallel>], iteration_bounds = array<i64: 2, 16>, scalar_prefetch = 0 : i64, scratch_operands = 8 : i64, tpu.core_type = #tpu.core_type<sc_vector_subcore>, window_params = [{transform_indices = #map}, {transform_indices = #map}, {transform_indices = #map}, {transform_indices = #map}]} {
    %scan3A = arith.constant 0 : i32
    %mul3A = arith.constant 1 : i32
    %mul3A_0 = arith.muli %scan3A, %mul3A : i32
    %add3A = arith.constant 0 : i32
    %add3A_1 = arith.addi %add3A, %mul3A_0 : i32
    %mul3A_2 = arith.constant 1 : i32
    %mul3A_3 = arith.muli %mul3A_2, %arg0 : i32
    %add3A_4 = arith.addi %mul3A_3, %add3A_1 : i32
    %mul3A_5 = arith.constant 10112 : i32
    %mul3A_6 = arith.muli %add3A_4, %mul3A_5 : i32
    %add3A_7 = arith.constant 0 : i32
    %add3A_8 = arith.addi %add3A_7, %mul3A_6 : i32
    %mul3A_9 = arith.constant 632 : i32
    %mul3A_10 = arith.muli %arg1, %mul3A_9 : i32
    %mul3A_11 = arith.constant 632 : i32
    %mul3A_12 = arith.muli %arg1, %mul3A_11 : i32
    "tpu.region"() ({
      %run_scoped3A_172 = tpu.sem_alloc : memref<!tpu.dma_semaphore, #tpu.memory_space<semaphore_mem>>
      %dma_start3A_173 = arith.constant 0 : i32
      %dma_start3A_174 = tpu.memref_slice %arg9[%mul3A_12, %dma_start3A_173] : memref<10112x64xf32, #tpu.memory_space<vmem_shared>> -> memref<632x64xf32, #tpu.memory_space<vmem_shared>>
      %dma_start3A_175 = arith.constant 0 : i32
      %dma_start3A_176 = tpu.memref_slice %arg2[%add3A_8, %dma_start3A_175] : memref<20224x64xf32, #tpu.memory_space<hbm>> -> memref<10112x64xf32, #tpu.memory_space<hbm>>
      %dma_start3A_177 = arith.constant 0 : i32
      %dma_start3A_178 = tpu.memref_slice %dma_start3A_176[%mul3A_10, %dma_start3A_177] : memref<10112x64xf32, #tpu.memory_space<hbm>> -> memref<632x64xf32, #tpu.memory_space<hbm>>
      tpu.enqueue_dma source(%dma_start3A_178 : memref<632x64xf32, #tpu.memory_space<hbm>>) target(%dma_start3A_174 : memref<632x64xf32, #tpu.memory_space<vmem_shared>>) target_semaphore(%run_scoped3A_172 : memref<!tpu.dma_semaphore, #tpu.memory_space<semaphore_mem>>)
      %dma_wait3A_179 = arith.constant 0 : i32
      %dma_wait3A_180 = tpu.memref_slice %arg9[%mul3A_12, %dma_wait3A_179] : memref<10112x64xf32, #tpu.memory_space<vmem_shared>> -> memref<632x64xf32, #tpu.memory_space<vmem_shared>>
      %dma_wait3A_181 = arith.constant 0 : i32
      %dma_wait3A_182 = tpu.memref_slice %arg2[%add3A_8, %dma_wait3A_181] : memref<20224x64xf32, #tpu.memory_space<hbm>> -> memref<10112x64xf32, #tpu.memory_space<hbm>>
      %dma_wait3A_183 = arith.constant 0 : i32
      %dma_wait3A_184 = tpu.memref_slice %dma_wait3A_182[%mul3A_10, %dma_wait3A_183] : memref<10112x64xf32, #tpu.memory_space<hbm>> -> memref<632x64xf32, #tpu.memory_space<hbm>>
      tpu.wait_dma2 semaphore(%run_scoped3A_172 : memref<!tpu.dma_semaphore, #tpu.memory_space<semaphore_mem>>) src(%dma_wait3A_184 : memref<632x64xf32, #tpu.memory_space<hbm>>) dst(%dma_wait3A_180 : memref<632x64xf32, #tpu.memory_space<vmem_shared>>)
      tpu.yield
    }) : () -> ()
    %jit3A = arith.constant 1 : i32
    %div3A = arith.divsi %add3A_4, %jit3A : i32
    %sign3A = arith.constant 0 : i32
    %sign3A_13 = arith.cmpi sgt, %add3A_4, %sign3A : i32
    %sign3A_14 = arith.extui %sign3A_13 : i1 to i32
    %sign3A_15 = arith.constant 0 : i32
    %sign3A_16 = arith.cmpi slt, %add3A_4, %sign3A_15 : i32
    %sign3A_17 = arith.extui %sign3A_16 : i1 to i32
    %sign3A_18 = arith.subi %sign3A_14, %sign3A_17 : i32
    %sign3A_19 = arith.constant 0 : i32
    %sign3A_20 = arith.cmpi sgt, %jit3A, %sign3A_19 : i32
    %sign3A_21 = arith.extui %sign3A_20 : i1 to i32
    %sign3A_22 = arith.constant 0 : i32
    %sign3A_23 = arith.cmpi slt, %jit3A, %sign3A_22 : i32
    %sign3A_24 = arith.extui %sign3A_23 : i1 to i32
    %sign3A_25 = arith.subi %sign3A_21, %sign3A_24 : i32
    %ne3A = arith.cmpi ne, %sign3A_18, %sign3A_25 : i32
    %rem3A = arith.remsi %add3A_4, %jit3A : i32
    %ne3A_26 = arith.constant 0 : i32
    %ne3A_27 = arith.cmpi ne, %rem3A, %ne3A_26 : i32
    %and3A = arith.andi %ne3A, %ne3A_27 : i1
    %sub3A = arith.constant 1 : i32
    %sub3A_28 = arith.subi %div3A, %sub3A : i32
    %select_n3A = arith.select %and3A, %sub3A_28, %div3A : i32
    %add3A_29 = arith.constant 2 : i32
    %add3A_30 = arith.addi %add3A_29, %select_n3A : i32
    %mul3A_31 = arith.constant 2560 : i32
    %mul3A_32 = arith.muli %add3A_30, %mul3A_31 : i32
    %mul3A_33 = arith.constant 160 : i32
    %mul3A_34 = arith.muli %arg1, %mul3A_33 : i32
    %add3A_35 = arith.addi %mul3A_32, %mul3A_34 : i32
    "tpu.region"() ({
      %run_scoped3A_172 = tpu.sem_alloc : memref<!tpu.dma_semaphore, #tpu.memory_space<semaphore_mem>>
      %dma_start3A_173 = arith.constant 0 : i32
      %dma_start3A_174 = tpu.memref_slice %arg3[%add3A_35, %dma_start3A_173] : memref<10240x128xi32, #tpu.memory_space<hbm>> -> memref<160x128xi32, #tpu.memory_space<hbm>>
      %dma_start3A_175 = arith.constant 0 : i32
      %dma_start3A_176 = tpu.memref_slice %arg3[%add3A_35, %dma_start3A_175] : memref<10240x128xi32, #tpu.memory_space<hbm>> -> memref<160x128xi32, #tpu.memory_space<hbm>>
      tpu.enqueue_dma source(%dma_start3A_176 : memref<160x128xi32, #tpu.memory_space<hbm>>) target(%arg6 : memref<160x128xi32, #tpu.memory_space<vmem>>) target_semaphore(%run_scoped3A_172 : memref<!tpu.dma_semaphore, #tpu.memory_space<semaphore_mem>>)
      %dma_wait3A_177 = arith.constant 0 : i32
      %dma_wait3A_178 = tpu.memref_slice %arg3[%add3A_35, %dma_wait3A_177] : memref<10240x128xi32, #tpu.memory_space<hbm>> -> memref<160x128xi32, #tpu.memory_space<hbm>>
      %dma_wait3A_179 = arith.constant 0 : i32
      %dma_wait3A_180 = tpu.memref_slice %arg3[%add3A_35, %dma_wait3A_179] : memref<10240x128xi32, #tpu.memory_space<hbm>> -> memref<160x128xi32, #tpu.memory_space<hbm>>
      tpu.wait_dma2 semaphore(%run_scoped3A_172 : memref<!tpu.dma_semaphore, #tpu.memory_space<semaphore_mem>>) src(%dma_wait3A_180 : memref<160x128xi32, #tpu.memory_space<hbm>>) dst(%arg6 : memref<160x128xi32, #tpu.memory_space<vmem>>)
      tpu.yield
    }) : () -> ()
    "tpu.region"() ({
      %run_scoped3A_172 = tpu.sem_alloc : memref<!tpu.dma_semaphore, #tpu.memory_space<semaphore_mem>>
      %dma_start3A_173 = arith.constant 0 : i32
      %dma_start3A_174 = tpu.memref_slice %arg4[%add3A_35, %dma_start3A_173] : memref<10240x128xi32, #tpu.memory_space<hbm>> -> memref<160x128xi32, #tpu.memory_space<hbm>>
      %dma_start3A_175 = arith.constant 0 : i32
      %dma_start3A_176 = tpu.memref_slice %arg4[%add3A_35, %dma_start3A_175] : memref<10240x128xi32, #tpu.memory_space<hbm>> -> memref<160x128xi32, #tpu.memory_space<hbm>>
      tpu.enqueue_dma source(%dma_start3A_176 : memref<160x128xi32, #tpu.memory_space<hbm>>) target(%arg7 : memref<160x128xi32, #tpu.memory_space<vmem>>) target_semaphore(%run_scoped3A_172 : memref<!tpu.dma_semaphore, #tpu.memory_space<semaphore_mem>>)
      %dma_wait3A_177 = arith.constant 0 : i32
      %dma_wait3A_178 = tpu.memref_slice %arg4[%add3A_35, %dma_wait3A_177] : memref<10240x128xi32, #tpu.memory_space<hbm>> -> memref<160x128xi32, #tpu.memory_space<hbm>>
      %dma_wait3A_179 = arith.constant 0 : i32
      %dma_wait3A_180 = tpu.memref_slice %arg4[%add3A_35, %dma_wait3A_179] : memref<10240x128xi32, #tpu.memory_space<hbm>> -> memref<160x128xi32, #tpu.memory_space<hbm>>
      tpu.wait_dma2 semaphore(%run_scoped3A_172 : memref<!tpu.dma_semaphore, #tpu.memory_space<semaphore_mem>>) src(%dma_wait3A_180 : memref<160x128xi32, #tpu.memory_space<hbm>>) dst(%arg7 : memref<160x128xi32, #tpu.memory_space<vmem>>)
      tpu.yield
    }) : () -> ()
    %dma_start3A = arith.constant 0 : i32
    %dma_start3A_36 = arith.constant 0 : i32
    %dma_start3A_37 = arith.constant 0 : i32
    %dma_start3A_38 = arith.constant 0 : i32
    %dma_start3A_39 = tpu.memref_slice %arg8[%dma_start3A_36, %dma_start3A_37, %dma_start3A_38] : memref<4x128x64xf32, #tpu.memory_space<vmem>> -> memref<1x128x64xf32, #tpu.memory_space<vmem>>
    %dma_start3A_40 = tpu.memref_squeeze %dma_start3A_39 : memref<1x128x64xf32, #tpu.memory_space<vmem>> -> memref<128x64xf32, #tpu.memory_space<vmem>>
    %dma_start3A_41 = arith.constant 0 : i32
    %dma_start3A_42 = tpu.memref_slice %arg6[%dma_start3A, %dma_start3A_41] : memref<160x128xi32, #tpu.memory_space<vmem>> -> memref<1x128xi32, #tpu.memory_space<vmem>>
    %dma_start3A_43 = tpu.memref_squeeze %dma_start3A_42 : memref<1x128xi32, #tpu.memory_space<vmem>> -> memref<128xi32, #tpu.memory_space<vmem>>
    %dma_start3A_44 = arith.constant 0 : i32
    %dma_start3A_45 = tpu.memref_slice %arg2[%add3A_8, %dma_start3A_44] : memref<20224x64xf32, #tpu.memory_space<hbm>> -> memref<10112x64xf32, #tpu.memory_space<hbm>>
    %dma_start3A_46 = arith.constant 0 : i32
    %dma_start3A_47 = arith.constant 0 : i32
    %dma_start3A_48 = tpu.memref_slice %dma_start3A_45[%dma_start3A_46, %dma_start3A_47] : memref<10112x64xf32, #tpu.memory_space<hbm>> -> memref<10112x64xf32, #tpu.memory_space<hbm>>
    tpu.enqueue_indirect_dma source(%dma_start3A_48 : memref<10112x64xf32, #tpu.memory_space<hbm>>) target(%dma_start3A_40 : memref<128x64xf32, #tpu.memory_space<vmem>>) offsets(%dma_start3A_43 : memref<128xi32, #tpu.memory_space<vmem>>) semaphore(%arg10 : memref<!tpu.dma_semaphore, #tpu.memory_space<semaphore_mem>>)
    %dma_start3A_49 = arith.constant 1 : i32
    %dma_start3A_50 = arith.constant 1 : i32
    %dma_start3A_51 = arith.constant 0 : i32
    %dma_start3A_52 = arith.constant 0 : i32
    %dma_start3A_53 = tpu.memref_slice %arg8[%dma_start3A_50, %dma_start3A_51, %dma_start3A_52] : memref<4x128x64xf32, #tpu.memory_space<vmem>> -> memref<1x128x64xf32, #tpu.memory_space<vmem>>
    %dma_start3A_54 = tpu.memref_squeeze %dma_start3A_53 : memref<1x128x64xf32, #tpu.memory_space<vmem>> -> memref<128x64xf32, #tpu.memory_space<vmem>>
    %dma_start3A_55 = arith.constant 0 : i32
    %dma_start3A_56 = tpu.memref_slice %arg6[%dma_start3A_49, %dma_start3A_55] : memref<160x128xi32, #tpu.memory_space<vmem>> -> memref<1x128xi32, #tpu.memory_space<vmem>>
    %dma_start3A_57 = tpu.memref_squeeze %dma_start3A_56 : memref<1x128xi32, #tpu.memory_space<vmem>> -> memref<128xi32, #tpu.memory_space<vmem>>
    %dma_start3A_58 = arith.constant 0 : i32
    %dma_start3A_59 = tpu.memref_slice %arg2[%add3A_8, %dma_start3A_58] : memref<20224x64xf32, #tpu.memory_space<hbm>> -> memref<10112x64xf32, #tpu.memory_space<hbm>>
    %dma_start3A_60 = arith.constant 0 : i32
    %dma_start3A_61 = arith.constant 0 : i32
    %dma_start3A_62 = tpu.memref_slice %dma_start3A_59[%dma_start3A_60, %dma_start3A_61] : memref<10112x64xf32, #tpu.memory_space<hbm>> -> memref<10112x64xf32, #tpu.memory_space<hbm>>
    tpu.enqueue_indirect_dma source(%dma_start3A_62 : memref<10112x64xf32, #tpu.memory_space<hbm>>) target(%dma_start3A_54 : memref<128x64xf32, #tpu.memory_space<vmem>>) offsets(%dma_start3A_57 : memref<128xi32, #tpu.memory_space<vmem>>) semaphore(%arg11 : memref<!tpu.dma_semaphore, #tpu.memory_space<semaphore_mem>>)
    %dma_start3A_63 = arith.constant 2 : i32
    %dma_start3A_64 = arith.constant 2 : i32
    %dma_start3A_65 = arith.constant 0 : i32
    %dma_start3A_66 = arith.constant 0 : i32
    %dma_start3A_67 = tpu.memref_slice %arg8[%dma_start3A_64, %dma_start3A_65, %dma_start3A_66] : memref<4x128x64xf32, #tpu.memory_space<vmem>> -> memref<1x128x64xf32, #tpu.memory_space<vmem>>
    %dma_start3A_68 = tpu.memref_squeeze %dma_start3A_67 : memref<1x128x64xf32, #tpu.memory_space<vmem>> -> memref<128x64xf32, #tpu.memory_space<vmem>>
    %dma_start3A_69 = arith.constant 0 : i32
    %dma_start3A_70 = tpu.memref_slice %arg6[%dma_start3A_63, %dma_start3A_69] : memref<160x128xi32, #tpu.memory_space<vmem>> -> memref<1x128xi32, #tpu.memory_space<vmem>>
    %dma_start3A_71 = tpu.memref_squeeze %dma_start3A_70 : memref<1x128xi32, #tpu.memory_space<vmem>> -> memref<128xi32, #tpu.memory_space<vmem>>
    %dma_start3A_72 = arith.constant 0 : i32
    %dma_start3A_73 = tpu.memref_slice %arg2[%add3A_8, %dma_start3A_72] : memref<20224x64xf32, #tpu.memory_space<hbm>> -> memref<10112x64xf32, #tpu.memory_space<hbm>>
    %dma_start3A_74 = arith.constant 0 : i32
    %dma_start3A_75 = arith.constant 0 : i32
    %dma_start3A_76 = tpu.memref_slice %dma_start3A_73[%dma_start3A_74, %dma_start3A_75] : memref<10112x64xf32, #tpu.memory_space<hbm>> -> memref<10112x64xf32, #tpu.memory_space<hbm>>
    tpu.enqueue_indirect_dma source(%dma_start3A_76 : memref<10112x64xf32, #tpu.memory_space<hbm>>) target(%dma_start3A_68 : memref<128x64xf32, #tpu.memory_space<vmem>>) offsets(%dma_start3A_71 : memref<128xi32, #tpu.memory_space<vmem>>) semaphore(%arg12 : memref<!tpu.dma_semaphore, #tpu.memory_space<semaphore_mem>>)
    %dma_start3A_77 = arith.constant 3 : i32
    %dma_start3A_78 = arith.constant 3 : i32
    %dma_start3A_79 = arith.constant 0 : i32
    %dma_start3A_80 = arith.constant 0 : i32
    %dma_start3A_81 = tpu.memref_slice %arg8[%dma_start3A_78, %dma_start3A_79, %dma_start3A_80] : memref<4x128x64xf32, #tpu.memory_space<vmem>> -> memref<1x128x64xf32, #tpu.memory_space<vmem>>
    %dma_start3A_82 = tpu.memref_squeeze %dma_start3A_81 : memref<1x128x64xf32, #tpu.memory_space<vmem>> -> memref<128x64xf32, #tpu.memory_space<vmem>>
    %dma_start3A_83 = arith.constant 0 : i32
    %dma_start3A_84 = tpu.memref_slice %arg6[%dma_start3A_77, %dma_start3A_83] : memref<160x128xi32, #tpu.memory_space<vmem>> -> memref<1x128xi32, #tpu.memory_space<vmem>>
    %dma_start3A_85 = tpu.memref_squeeze %dma_start3A_84 : memref<1x128xi32, #tpu.memory_space<vmem>> -> memref<128xi32, #tpu.memory_space<vmem>>
    %dma_start3A_86 = arith.constant 0 : i32
    %dma_start3A_87 = tpu.memref_slice %arg2[%add3A_8, %dma_start3A_86] : memref<20224x64xf32, #tpu.memory_space<hbm>> -> memref<10112x64xf32, #tpu.memory_space<hbm>>
    %dma_start3A_88 = arith.constant 0 : i32
    %dma_start3A_89 = arith.constant 0 : i32
    %dma_start3A_90 = tpu.memref_slice %dma_start3A_87[%dma_start3A_88, %dma_start3A_89] : memref<10112x64xf32, #tpu.memory_space<hbm>> -> memref<10112x64xf32, #tpu.memory_space<hbm>>
    tpu.enqueue_indirect_dma source(%dma_start3A_90 : memref<10112x64xf32, #tpu.memory_space<hbm>>) target(%dma_start3A_82 : memref<128x64xf32, #tpu.memory_space<vmem>>) offsets(%dma_start3A_85 : memref<128xi32, #tpu.memory_space<vmem>>) semaphore(%arg13 : memref<!tpu.dma_semaphore, #tpu.memory_space<semaphore_mem>>)
    %barrier3A = arith.constant 0 : index
    tpu.barrier barrier_id(%barrier3A)
    %scan3A_91 = arith.constant 0 : i32
    %scan3A_92 = arith.constant 39 : i32
    %scan3A_93 = arith.addi %scan3A_91, %scan3A_92 : i32
    %scan3A_94 = arith.constant 1 : i32
    scf.for %scan3A_172 = %scan3A_91 to %scan3A_93 step %scan3A_94  : i32 {
      %mul3A_173 = arith.constant 1 : i32
      %mul3A_174 = arith.muli %scan3A_172, %mul3A_173 : i32
      %add3A_175 = arith.constant 0 : i32
      %add3A_176 = arith.addi %add3A_175, %mul3A_174 : i32
      %dma_wait3A_177 = arith.constant 0 : i32
      %dma_wait3A_178 = arith.constant 0 : i32
      %dma_wait3A_179 = arith.constant 0 : i32
      %dma_wait3A_180 = tpu.memref_slice %arg8[%dma_wait3A_177, %dma_wait3A_178, %dma_wait3A_179] : memref<4x128x64xf32, #tpu.memory_space<vmem>> -> memref<1x128x64xf32, #tpu.memory_space<vmem>>
      %dma_wait3A_181 = tpu.memref_squeeze %dma_wait3A_180 : memref<1x128x64xf32, #tpu.memory_space<vmem>> -> memref<128x64xf32, #tpu.memory_space<vmem>>
      %dma_wait3A_182 = arith.constant 0 : i32
      %dma_wait3A_183 = arith.constant 0 : i32
      %dma_wait3A_184 = tpu.memref_slice %arg2[%dma_wait3A_182, %dma_wait3A_183] : memref<20224x64xf32, #tpu.memory_space<hbm>> -> memref<128x64xf32, #tpu.memory_space<hbm>>
      %dma_wait3A_185 = arith.constant 0 : i32
      %dma_wait3A_186 = arith.constant 0 : i32
      %dma_wait3A_187 = tpu.memref_slice %arg8[%dma_wait3A_177, %dma_wait3A_185, %dma_wait3A_186] : memref<4x128x64xf32, #tpu.memory_space<vmem>> -> memref<1x128x64xf32, #tpu.memory_space<vmem>>
      %dma_wait3A_188 = tpu.memref_squeeze %dma_wait3A_187 : memref<1x128x64xf32, #tpu.memory_space<vmem>> -> memref<128x64xf32, #tpu.memory_space<vmem>>
      %dma_wait3A_189 = arith.constant 0 : i32
      %dma_wait3A_190 = arith.constant 0 : i32
      %dma_wait3A_191 = tpu.memref_slice %arg2[%dma_wait3A_189, %dma_wait3A_190] : memref<20224x64xf32, #tpu.memory_space<hbm>> -> memref<128x64xf32, #tpu.memory_space<hbm>>
      tpu.wait_dma2 semaphore(%arg10 : memref<!tpu.dma_semaphore, #tpu.memory_space<semaphore_mem>>) src(%dma_wait3A_191 : memref<128x64xf32, #tpu.memory_space<hbm>>) dst(%dma_wait3A_188 : memref<128x64xf32, #tpu.memory_space<vmem>>)
      %mul3A_192 = arith.constant 4 : i32
      %mul3A_193 = arith.muli %add3A_176, %mul3A_192 : i32
      %add3A_194 = arith.constant 0 : i32
      %add3A_195 = arith.addi %mul3A_193, %add3A_194 : i32
      %run_scoped3A_196 = arith.constant 0 : i32
      "tpu.region"() ({
        %run_scoped3A_333 = tpu.sem_alloc : memref<!tpu.dma_semaphore, #tpu.memory_space<semaphore_mem>>
        %dma_start3A_334 = arith.constant 0 : i32
        %dma_start3A_335 = arith.constant 0 : i32
        %dma_start3A_336 = tpu.memref_slice %arg8[%run_scoped3A_196, %dma_start3A_334, %dma_start3A_335] : memref<4x128x64xf32, #tpu.memory_space<vmem>> -> memref<1x128x64xf32, #tpu.memory_space<vmem>>
        %dma_start3A_337 = tpu.memref_squeeze %dma_start3A_336 : memref<1x128x64xf32, #tpu.memory_space<vmem>> -> memref<128x64xf32, #tpu.memory_space<vmem>>
        %dma_start3A_338 = arith.constant 0 : i32
        %dma_start3A_339 = tpu.memref_slice %arg7[%add3A_195, %dma_start3A_338] : memref<160x128xi32, #tpu.memory_space<vmem>> -> memref<1x128xi32, #tpu.memory_space<vmem>>
        %dma_start3A_340 = tpu.memref_squeeze %dma_start3A_339 : memref<1x128xi32, #tpu.memory_space<vmem>> -> memref<128xi32, #tpu.memory_space<vmem>>
        %dma_start3A_341 = arith.constant 0 : i32
        %dma_start3A_342 = arith.constant 0 : i32
        %dma_start3A_343 = tpu.memref_slice %arg9[%dma_start3A_341, %dma_start3A_342] : memref<10112x64xf32, #tpu.memory_space<vmem_shared>> -> memref<10112x64xf32, #tpu.memory_space<vmem_shared>>
        tpu.enqueue_indirect_dma source(%dma_start3A_337 : memref<128x64xf32, #tpu.memory_space<vmem>>) target(%dma_start3A_343 : memref<10112x64xf32, #tpu.memory_space<vmem_shared>>) offsets(%dma_start3A_340 : memref<128xi32, #tpu.memory_space<vmem>>) semaphore(%run_scoped3A_333 : memref<!tpu.dma_semaphore, #tpu.memory_space<semaphore_mem>>) {add = true}
        %dma_wait3A_344 = arith.constant 0 : i32
        %dma_wait3A_345 = arith.constant 0 : i32
        %dma_wait3A_346 = tpu.memref_slice %arg8[%run_scoped3A_196, %dma_wait3A_344, %dma_wait3A_345] : memref<4x128x64xf32, #tpu.memory_space<vmem>> -> memref<1x128x64xf32, #tpu.memory_space<vmem>>
        %dma_wait3A_347 = tpu.memref_squeeze %dma_wait3A_346 : memref<1x128x64xf32, #tpu.memory_space<vmem>> -> memref<128x64xf32, #tpu.memory_space<vmem>>
        %dma_wait3A_348 = arith.constant 0 : i32
        %dma_wait3A_349 = tpu.memref_slice %arg7[%add3A_195, %dma_wait3A_348] : memref<160x128xi32, #tpu.memory_space<vmem>> -> memref<1x128xi32, #tpu.memory_space<vmem>>
        %dma_wait3A_350 = tpu.memref_squeeze %dma_wait3A_349 : memref<1x128xi32, #tpu.memory_space<vmem>> -> memref<128xi32, #tpu.memory_space<vmem>>
        %dma_wait3A_351 = arith.constant 0 : i32
        %dma_wait3A_352 = arith.constant 0 : i32
        %dma_wait3A_353 = tpu.memref_slice %arg9[%dma_wait3A_351, %dma_wait3A_352] : memref<10112x64xf32, #tpu.memory_space<vmem_shared>> -> memref<10112x64xf32, #tpu.memory_space<vmem_shared>>
        tpu.wait_indirect_dma semaphore(%run_scoped3A_333 : memref<!tpu.dma_semaphore, #tpu.memory_space<semaphore_mem>>) src(%dma_wait3A_347 : memref<128x64xf32, #tpu.memory_space<vmem>>) dst(%dma_wait3A_353 : memref<10112x64xf32, #tpu.memory_space<vmem_shared>>)
        tpu.yield
      }) : () -> ()
      %add3A_197 = arith.constant 1 : i32
      %add3A_198 = arith.addi %add3A_176, %add3A_197 : i32
      %mul3A_199 = arith.constant 4 : i32
      %mul3A_200 = arith.muli %add3A_198, %mul3A_199 : i32
      %add3A_201 = arith.constant 0 : i32
      %add3A_202 = arith.addi %mul3A_200, %add3A_201 : i32
      %dma_start3A_203 = arith.constant 0 : i32
      %dma_start3A_204 = arith.constant 0 : i32
      %dma_start3A_205 = arith.constant 0 : i32
      %dma_start3A_206 = tpu.memref_slice %arg8[%dma_start3A_203, %dma_start3A_204, %dma_start3A_205] : memref<4x128x64xf32, #tpu.memory_space<vmem>> -> memref<1x128x64xf32, #tpu.memory_space<vmem>>
      %dma_start3A_207 = tpu.memref_squeeze %dma_start3A_206 : memref<1x128x64xf32, #tpu.memory_space<vmem>> -> memref<128x64xf32, #tpu.memory_space<vmem>>
      %dma_start3A_208 = arith.constant 0 : i32
      %dma_start3A_209 = tpu.memref_slice %arg6[%add3A_202, %dma_start3A_208] : memref<160x128xi32, #tpu.memory_space<vmem>> -> memref<1x128xi32, #tpu.memory_space<vmem>>
      %dma_start3A_210 = tpu.memref_squeeze %dma_start3A_209 : memref<1x128xi32, #tpu.memory_space<vmem>> -> memref<128xi32, #tpu.memory_space<vmem>>
      %dma_start3A_211 = arith.constant 0 : i32
      %dma_start3A_212 = tpu.memref_slice %arg2[%add3A_8, %dma_start3A_211] : memref<20224x64xf32, #tpu.memory_space<hbm>> -> memref<10112x64xf32, #tpu.memory_space<hbm>>
      %dma_start3A_213 = arith.constant 0 : i32
      %dma_start3A_214 = arith.constant 0 : i32
      %dma_start3A_215 = tpu.memref_slice %dma_start3A_212[%dma_start3A_213, %dma_start3A_214] : memref<10112x64xf32, #tpu.memory_space<hbm>> -> memref<10112x64xf32, #tpu.memory_space<hbm>>
      tpu.enqueue_indirect_dma source(%dma_start3A_215 : memref<10112x64xf32, #tpu.memory_space<hbm>>) target(%dma_start3A_207 : memref<128x64xf32, #tpu.memory_space<vmem>>) offsets(%dma_start3A_210 : memref<128xi32, #tpu.memory_space<vmem>>) semaphore(%arg10 : memref<!tpu.dma_semaphore, #tpu.memory_space<semaphore_mem>>)
      %dma_wait3A_216 = arith.constant 1 : i32
      %dma_wait3A_217 = arith.constant 0 : i32
      %dma_wait3A_218 = arith.constant 0 : i32
      %dma_wait3A_219 = tpu.memref_slice %arg8[%dma_wait3A_216, %dma_wait3A_217, %dma_wait3A_218] : memref<4x128x64xf32, #tpu.memory_space<vmem>> -> memref<1x128x64xf32, #tpu.memory_space<vmem>>
      %dma_wait3A_220 = tpu.memref_squeeze %dma_wait3A_219 : memref<1x128x64xf32, #tpu.memory_space<vmem>> -> memref<128x64xf32, #tpu.memory_space<vmem>>
      %dma_wait3A_221 = arith.constant 0 : i32
      %dma_wait3A_222 = arith.constant 0 : i32
      %dma_wait3A_223 = tpu.memref_slice %arg2[%dma_wait3A_221, %dma_wait3A_222] : memref<20224x64xf32, #tpu.memory_space<hbm>> -> memref<128x64xf32, #tpu.memory_space<hbm>>
      %dma_wait3A_224 = arith.constant 0 : i32
      %dma_wait3A_225 = arith.constant 0 : i32
      %dma_wait3A_226 = tpu.memref_slice %arg8[%dma_wait3A_216, %dma_wait3A_224, %dma_wait3A_225] : memref<4x128x64xf32, #tpu.memory_space<vmem>> -> memref<1x128x64xf32, #tpu.memory_space<vmem>>
      %dma_wait3A_227 = tpu.memref_squeeze %dma_wait3A_226 : memref<1x128x64xf32, #tpu.memory_space<vmem>> -> memref<128x64xf32, #tpu.memory_space<vmem>>
      %dma_wait3A_228 = arith.constant 0 : i32
      %dma_wait3A_229 = arith.constant 0 : i32
      %dma_wait3A_230 = tpu.memref_slice %arg2[%dma_wait3A_228, %dma_wait3A_229] : memref<20224x64xf32, #tpu.memory_space<hbm>> -> memref<128x64xf32, #tpu.memory_space<hbm>>
      tpu.wait_dma2 semaphore(%arg11 : memref<!tpu.dma_semaphore, #tpu.memory_space<semaphore_mem>>) src(%dma_wait3A_230 : memref<128x64xf32, #tpu.memory_space<hbm>>) dst(%dma_wait3A_227 : memref<128x64xf32, #tpu.memory_space<vmem>>)
      %mul3A_231 = arith.constant 4 : i32
      %mul3A_232 = arith.muli %add3A_176, %mul3A_231 : i32
      %add3A_233 = arith.constant 1 : i32
      %add3A_234 = arith.addi %mul3A_232, %add3A_233 : i32
      %run_scoped3A_235 = arith.constant 1 : i32
      "tpu.region"() ({
        %run_scoped3A_333 = tpu.sem_alloc : memref<!tpu.dma_semaphore, #tpu.memory_space<semaphore_mem>>
        %dma_start3A_334 = arith.constant 0 : i32
        %dma_start3A_335 = arith.constant 0 : i32
        %dma_start3A_336 = tpu.memref_slice %arg8[%run_scoped3A_235, %dma_start3A_334, %dma_start3A_335] : memref<4x128x64xf32, #tpu.memory_space<vmem>> -> memref<1x128x64xf32, #tpu.memory_space<vmem>>
        %dma_start3A_337 = tpu.memref_squeeze %dma_start3A_336 : memref<1x128x64xf32, #tpu.memory_space<vmem>> -> memref<128x64xf32, #tpu.memory_space<vmem>>
        %dma_start3A_338 = arith.constant 0 : i32
        %dma_start3A_339 = tpu.memref_slice %arg7[%add3A_234, %dma_start3A_338] : memref<160x128xi32, #tpu.memory_space<vmem>> -> memref<1x128xi32, #tpu.memory_space<vmem>>
        %dma_start3A_340 = tpu.memref_squeeze %dma_start3A_339 : memref<1x128xi32, #tpu.memory_space<vmem>> -> memref<128xi32, #tpu.memory_space<vmem>>
        %dma_start3A_341 = arith.constant 0 : i32
        %dma_start3A_342 = arith.constant 0 : i32
        %dma_start3A_343 = tpu.memref_slice %arg9[%dma_start3A_341, %dma_start3A_342] : memref<10112x64xf32, #tpu.memory_space<vmem_shared>> -> memref<10112x64xf32, #tpu.memory_space<vmem_shared>>
        tpu.enqueue_indirect_dma source(%dma_start3A_337 : memref<128x64xf32, #tpu.memory_space<vmem>>) target(%dma_start3A_343 : memref<10112x64xf32, #tpu.memory_space<vmem_shared>>) offsets(%dma_start3A_340 : memref<128xi32, #tpu.memory_space<vmem>>) semaphore(%run_scoped3A_333 : memref<!tpu.dma_semaphore, #tpu.memory_space<semaphore_mem>>) {add = true}
        %dma_wait3A_344 = arith.constant 0 : i32
        %dma_wait3A_345 = arith.constant 0 : i32
        %dma_wait3A_346 = tpu.memref_slice %arg8[%run_scoped3A_235, %dma_wait3A_344, %dma_wait3A_345] : memref<4x128x64xf32, #tpu.memory_space<vmem>> -> memref<1x128x64xf32, #tpu.memory_space<vmem>>
        %dma_wait3A_347 = tpu.memref_squeeze %dma_wait3A_346 : memref<1x128x64xf32, #tpu.memory_space<vmem>> -> memref<128x64xf32, #tpu.memory_space<vmem>>
        %dma_wait3A_348 = arith.constant 0 : i32
        %dma_wait3A_349 = tpu.memref_slice %arg7[%add3A_234, %dma_wait3A_348] : memref<160x128xi32, #tpu.memory_space<vmem>> -> memref<1x128xi32, #tpu.memory_space<vmem>>
        %dma_wait3A_350 = tpu.memref_squeeze %dma_wait3A_349 : memref<1x128xi32, #tpu.memory_space<vmem>> -> memref<128xi32, #tpu.memory_space<vmem>>
        %dma_wait3A_351 = arith.constant 0 : i32
        %dma_wait3A_352 = arith.constant 0 : i32
        %dma_wait3A_353 = tpu.memref_slice %arg9[%dma_wait3A_351, %dma_wait3A_352] : memref<10112x64xf32, #tpu.memory_space<vmem_shared>> -> memref<10112x64xf32, #tpu.memory_space<vmem_shared>>
        tpu.wait_indirect_dma semaphore(%run_scoped3A_333 : memref<!tpu.dma_semaphore, #tpu.memory_space<semaphore_mem>>) src(%dma_wait3A_347 : memref<128x64xf32, #tpu.memory_space<vmem>>) dst(%dma_wait3A_353 : memref<10112x64xf32, #tpu.memory_space<vmem_shared>>)
        tpu.yield
      }) : () -> ()
      %add3A_236 = arith.constant 1 : i32
      %add3A_237 = arith.addi %add3A_176, %add3A_236 : i32
      %mul3A_238 = arith.constant 4 : i32
      %mul3A_239 = arith.muli %add3A_237, %mul3A_238 : i32
      %add3A_240 = arith.constant 1 : i32
      %add3A_241 = arith.addi %mul3A_239, %add3A_240 : i32
      %dma_start3A_242 = arith.constant 1 : i32
      %dma_start3A_243 = arith.constant 0 : i32
      %dma_start3A_244 = arith.constant 0 : i32
      %dma_start3A_245 = tpu.memref_slice %arg8[%dma_start3A_242, %dma_start3A_243, %dma_start3A_244] : memref<4x128x64xf32, #tpu.memory_space<vmem>> -> memref<1x128x64xf32, #tpu.memory_space<vmem>>
      %dma_start3A_246 = tpu.memref_squeeze %dma_start3A_245 : memref<1x128x64xf32, #tpu.memory_space<vmem>> -> memref<128x64xf32, #tpu.memory_space<vmem>>
      %dma_start3A_247 = arith.constant 0 : i32
      %dma_start3A_248 = tpu.memref_slice %arg6[%add3A_241, %dma_start3A_247] : memref<160x128xi32, #tpu.memory_space<vmem>> -> memref<1x128xi32, #tpu.memory_space<vmem>>
      %dma_start3A_249 = tpu.memref_squeeze %dma_start3A_248 : memref<1x128xi32, #tpu.memory_space<vmem>> -> memref<128xi32, #tpu.memory_space<vmem>>
      %dma_start3A_250 = arith.constant 0 : i32
      %dma_start3A_251 = tpu.memref_slice %arg2[%add3A_8, %dma_start3A_250] : memref<20224x64xf32, #tpu.memory_space<hbm>> -> memref<10112x64xf32, #tpu.memory_space<hbm>>
      %dma_start3A_252 = arith.constant 0 : i32
      %dma_start3A_253 = arith.constant 0 : i32
      %dma_start3A_254 = tpu.memref_slice %dma_start3A_251[%dma_start3A_252, %dma_start3A_253] : memref<10112x64xf32, #tpu.memory_space<hbm>> -> memref<10112x64xf32, #tpu.memory_space<hbm>>
      tpu.enqueue_indirect_dma source(%dma_start3A_254 : memref<10112x64xf32, #tpu.memory_space<hbm>>) target(%dma_start3A_246 : memref<128x64xf32, #tpu.memory_space<vmem>>) offsets(%dma_start3A_249 : memref<128xi32, #tpu.memory_space<vmem>>) semaphore(%arg11 : memref<!tpu.dma_semaphore, #tpu.memory_space<semaphore_mem>>)
      %dma_wait3A_255 = arith.constant 2 : i32
      %dma_wait3A_256 = arith.constant 0 : i32
      %dma_wait3A_257 = arith.constant 0 : i32
      %dma_wait3A_258 = tpu.memref_slice %arg8[%dma_wait3A_255, %dma_wait3A_256, %dma_wait3A_257] : memref<4x128x64xf32, #tpu.memory_space<vmem>> -> memref<1x128x64xf32, #tpu.memory_space<vmem>>
      %dma_wait3A_259 = tpu.memref_squeeze %dma_wait3A_258 : memref<1x128x64xf32, #tpu.memory_space<vmem>> -> memref<128x64xf32, #tpu.memory_space<vmem>>
      %dma_wait3A_260 = arith.constant 0 : i32
      %dma_wait3A_261 = arith.constant 0 : i32
      %dma_wait3A_262 = tpu.memref_slice %arg2[%dma_wait3A_260, %dma_wait3A_261] : memref<20224x64xf32, #tpu.memory_space<hbm>> -> memref<128x64xf32, #tpu.memory_space<hbm>>
      %dma_wait3A_263 = arith.constant 0 : i32
      %dma_wait3A_264 = arith.constant 0 : i32
      %dma_wait3A_265 = tpu.memref_slice %arg8[%dma_wait3A_255, %dma_wait3A_263, %dma_wait3A_264] : memref<4x128x64xf32, #tpu.memory_space<vmem>> -> memref<1x128x64xf32, #tpu.memory_space<vmem>>
      %dma_wait3A_266 = tpu.memref_squeeze %dma_wait3A_265 : memref<1x128x64xf32, #tpu.memory_space<vmem>> -> memref<128x64xf32, #tpu.memory_space<vmem>>
      %dma_wait3A_267 = arith.constant 0 : i32
      %dma_wait3A_268 = arith.constant 0 : i32
      %dma_wait3A_269 = tpu.memref_slice %arg2[%dma_wait3A_267, %dma_wait3A_268] : memref<20224x64xf32, #tpu.memory_space<hbm>> -> memref<128x64xf32, #tpu.memory_space<hbm>>
      tpu.wait_dma2 semaphore(%arg12 : memref<!tpu.dma_semaphore, #tpu.memory_space<semaphore_mem>>) src(%dma_wait3A_269 : memref<128x64xf32, #tpu.memory_space<hbm>>) dst(%dma_wait3A_266 : memref<128x64xf32, #tpu.memory_space<vmem>>)
      %mul3A_270 = arith.constant 4 : i32
      %mul3A_271 = arith.muli %add3A_176, %mul3A_270 : i32
      %add3A_272 = arith.constant 2 : i32
      %add3A_273 = arith.addi %mul3A_271, %add3A_272 : i32
      %run_scoped3A_274 = arith.constant 2 : i32
      "tpu.region"() ({
        %run_scoped3A_333 = tpu.sem_alloc : memref<!tpu.dma_semaphore, #tpu.memory_space<semaphore_mem>>
        %dma_start3A_334 = arith.constant 0 : i32
        %dma_start3A_335 = arith.constant 0 : i32
        %dma_start3A_336 = tpu.memref_slice %arg8[%run_scoped3A_274, %dma_start3A_334, %dma_start3A_335] : memref<4x128x64xf32, #tpu.memory_space<vmem>> -> memref<1x128x64xf32, #tpu.memory_space<vmem>>
        %dma_start3A_337 = tpu.memref_squeeze %dma_start3A_336 : memref<1x128x64xf32, #tpu.memory_space<vmem>> -> memref<128x64xf32, #tpu.memory_space<vmem>>
        %dma_start3A_338 = arith.constant 0 : i32
        %dma_start3A_339 = tpu.memref_slice %arg7[%add3A_273, %dma_start3A_338] : memref<160x128xi32, #tpu.memory_space<vmem>> -> memref<1x128xi32, #tpu.memory_space<vmem>>
        %dma_start3A_340 = tpu.memref_squeeze %dma_start3A_339 : memref<1x128xi32, #tpu.memory_space<vmem>> -> memref<128xi32, #tpu.memory_space<vmem>>
        %dma_start3A_341 = arith.constant 0 : i32
        %dma_start3A_342 = arith.constant 0 : i32
        %dma_start3A_343 = tpu.memref_slice %arg9[%dma_start3A_341, %dma_start3A_342] : memref<10112x64xf32, #tpu.memory_space<vmem_shared>> -> memref<10112x64xf32, #tpu.memory_space<vmem_shared>>
        tpu.enqueue_indirect_dma source(%dma_start3A_337 : memref<128x64xf32, #tpu.memory_space<vmem>>) target(%dma_start3A_343 : memref<10112x64xf32, #tpu.memory_space<vmem_shared>>) offsets(%dma_start3A_340 : memref<128xi32, #tpu.memory_space<vmem>>) semaphore(%run_scoped3A_333 : memref<!tpu.dma_semaphore, #tpu.memory_space<semaphore_mem>>) {add = true}
        %dma_wait3A_344 = arith.constant 0 : i32
        %dma_wait3A_345 = arith.constant 0 : i32
        %dma_wait3A_346 = tpu.memref_slice %arg8[%run_scoped3A_274, %dma_wait3A_344, %dma_wait3A_345] : memref<4x128x64xf32, #tpu.memory_space<vmem>> -> memref<1x128x64xf32, #tpu.memory_space<vmem>>
        %dma_wait3A_347 = tpu.memref_squeeze %dma_wait3A_346 : memref<1x128x64xf32, #tpu.memory_space<vmem>> -> memref<128x64xf32, #tpu.memory_space<vmem>>
        %dma_wait3A_348 = arith.constant 0 : i32
        %dma_wait3A_349 = tpu.memref_slice %arg7[%add3A_273, %dma_wait3A_348] : memref<160x128xi32, #tpu.memory_space<vmem>> -> memref<1x128xi32, #tpu.memory_space<vmem>>
        %dma_wait3A_350 = tpu.memref_squeeze %dma_wait3A_349 : memref<1x128xi32, #tpu.memory_space<vmem>> -> memref<128xi32, #tpu.memory_space<vmem>>
        %dma_wait3A_351 = arith.constant 0 : i32
        %dma_wait3A_352 = arith.constant 0 : i32
        %dma_wait3A_353 = tpu.memref_slice %arg9[%dma_wait3A_351, %dma_wait3A_352] : memref<10112x64xf32, #tpu.memory_space<vmem_shared>> -> memref<10112x64xf32, #tpu.memory_space<vmem_shared>>
        tpu.wait_indirect_dma semaphore(%run_scoped3A_333 : memref<!tpu.dma_semaphore, #tpu.memory_space<semaphore_mem>>) src(%dma_wait3A_347 : memref<128x64xf32, #tpu.memory_space<vmem>>) dst(%dma_wait3A_353 : memref<10112x64xf32, #tpu.memory_space<vmem_shared>>)
        tpu.yield
      }) : () -> ()
      %add3A_275 = arith.constant 1 : i32
      %add3A_276 = arith.addi %add3A_176, %add3A_275 : i32
      %mul3A_277 = arith.constant 4 : i32
      %mul3A_278 = arith.muli %add3A_276, %mul3A_277 : i32
      %add3A_279 = arith.constant 2 : i32
      %add3A_280 = arith.addi %mul3A_278, %add3A_279 : i32
      %dma_start3A_281 = arith.constant 2 : i32
      %dma_start3A_282 = arith.constant 0 : i32
      %dma_start3A_283 = arith.constant 0 : i32
      %dma_start3A_284 = tpu.memref_slice %arg8[%dma_start3A_281, %dma_start3A_282, %dma_start3A_283] : memref<4x128x64xf32, #tpu.memory_space<vmem>> -> memref<1x128x64xf32, #tpu.memory_space<vmem>>
      %dma_start3A_285 = tpu.memref_squeeze %dma_start3A_284 : memref<1x128x64xf32, #tpu.memory_space<vmem>> -> memref<128x64xf32, #tpu.memory_space<vmem>>
      %dma_start3A_286 = arith.constant 0 : i32
      %dma_start3A_287 = tpu.memref_slice %arg6[%add3A_280, %dma_start3A_286] : memref<160x128xi32, #tpu.memory_space<vmem>> -> memref<1x128xi32, #tpu.memory_space<vmem>>
      %dma_start3A_288 = tpu.memref_squeeze %dma_start3A_287 : memref<1x128xi32, #tpu.memory_space<vmem>> -> memref<128xi32, #tpu.memory_space<vmem>>
      %dma_start3A_289 = arith.constant 0 : i32
      %dma_start3A_290 = tpu.memref_slice %arg2[%add3A_8, %dma_start3A_289] : memref<20224x64xf32, #tpu.memory_space<hbm>> -> memref<10112x64xf32, #tpu.memory_space<hbm>>
      %dma_start3A_291 = arith.constant 0 : i32
      %dma_start3A_292 = arith.constant 0 : i32
      %dma_start3A_293 = tpu.memref_slice %dma_start3A_290[%dma_start3A_291, %dma_start3A_292] : memref<10112x64xf32, #tpu.memory_space<hbm>> -> memref<10112x64xf32, #tpu.memory_space<hbm>>
      tpu.enqueue_indirect_dma source(%dma_start3A_293 : memref<10112x64xf32, #tpu.memory_space<hbm>>) target(%dma_start3A_285 : memref<128x64xf32, #tpu.memory_space<vmem>>) offsets(%dma_start3A_288 : memref<128xi32, #tpu.memory_space<vmem>>) semaphore(%arg12 : memref<!tpu.dma_semaphore, #tpu.memory_space<semaphore_mem>>)
      %dma_wait3A_294 = arith.constant 3 : i32
      %dma_wait3A_295 = arith.constant 0 : i32
      %dma_wait3A_296 = arith.constant 0 : i32
      %dma_wait3A_297 = tpu.memref_slice %arg8[%dma_wait3A_294, %dma_wait3A_295, %dma_wait3A_296] : memref<4x128x64xf32, #tpu.memory_space<vmem>> -> memref<1x128x64xf32, #tpu.memory_space<vmem>>
      %dma_wait3A_298 = tpu.memref_squeeze %dma_wait3A_297 : memref<1x128x64xf32, #tpu.memory_space<vmem>> -> memref<128x64xf32, #tpu.memory_space<vmem>>
      %dma_wait3A_299 = arith.constant 0 : i32
      %dma_wait3A_300 = arith.constant 0 : i32
      %dma_wait3A_301 = tpu.memref_slice %arg2[%dma_wait3A_299, %dma_wait3A_300] : memref<20224x64xf32, #tpu.memory_space<hbm>> -> memref<128x64xf32, #tpu.memory_space<hbm>>
      %dma_wait3A_302 = arith.constant 0 : i32
      %dma_wait3A_303 = arith.constant 0 : i32
      %dma_wait3A_304 = tpu.memref_slice %arg8[%dma_wait3A_294, %dma_wait3A_302, %dma_wait3A_303] : memref<4x128x64xf32, #tpu.memory_space<vmem>> -> memref<1x128x64xf32, #tpu.memory_space<vmem>>
      %dma_wait3A_305 = tpu.memref_squeeze %dma_wait3A_304 : memref<1x128x64xf32, #tpu.memory_space<vmem>> -> memref<128x64xf32, #tpu.memory_space<vmem>>
      %dma_wait3A_306 = arith.constant 0 : i32
      %dma_wait3A_307 = arith.constant 0 : i32
      %dma_wait3A_308 = tpu.memref_slice %arg2[%dma_wait3A_306, %dma_wait3A_307] : memref<20224x64xf32, #tpu.memory_space<hbm>> -> memref<128x64xf32, #tpu.memory_space<hbm>>
      tpu.wait_dma2 semaphore(%arg13 : memref<!tpu.dma_semaphore, #tpu.memory_space<semaphore_mem>>) src(%dma_wait3A_308 : memref<128x64xf32, #tpu.memory_space<hbm>>) dst(%dma_wait3A_305 : memref<128x64xf32, #tpu.memory_space<vmem>>)
      %mul3A_309 = arith.constant 4 : i32
      %mul3A_310 = arith.muli %add3A_176, %mul3A_309 : i32
      %add3A_311 = arith.constant 3 : i32
      %add3A_312 = arith.addi %mul3A_310, %add3A_311 : i32
      %run_scoped3A_313 = arith.constant 3 : i32
      "tpu.region"() ({
        %run_scoped3A_333 = tpu.sem_alloc : memref<!tpu.dma_semaphore, #tpu.memory_space<semaphore_mem>>
        %dma_start3A_334 = arith.constant 0 : i32
        %dma_start3A_335 = arith.constant 0 : i32
        %dma_start3A_336 = tpu.memref_slice %arg8[%run_scoped3A_313, %dma_start3A_334, %dma_start3A_335] : memref<4x128x64xf32, #tpu.memory_space<vmem>> -> memref<1x128x64xf32, #tpu.memory_space<vmem>>
        %dma_start3A_337 = tpu.memref_squeeze %dma_start3A_336 : memref<1x128x64xf32, #tpu.memory_space<vmem>> -> memref<128x64xf32, #tpu.memory_space<vmem>>
        %dma_start3A_338 = arith.constant 0 : i32
        %dma_start3A_339 = tpu.memref_slice %arg7[%add3A_312, %dma_start3A_338] : memref<160x128xi32, #tpu.memory_space<vmem>> -> memref<1x128xi32, #tpu.memory_space<vmem>>
        %dma_start3A_340 = tpu.memref_squeeze %dma_start3A_339 : memref<1x128xi32, #tpu.memory_space<vmem>> -> memref<128xi32, #tpu.memory_space<vmem>>
        %dma_start3A_341 = arith.constant 0 : i32
        %dma_start3A_342 = arith.constant 0 : i32
        %dma_start3A_343 = tpu.memref_slice %arg9[%dma_start3A_341, %dma_start3A_342] : memref<10112x64xf32, #tpu.memory_space<vmem_shared>> -> memref<10112x64xf32, #tpu.memory_space<vmem_shared>>
        tpu.enqueue_indirect_dma source(%dma_start3A_337 : memref<128x64xf32, #tpu.memory_space<vmem>>) target(%dma_start3A_343 : memref<10112x64xf32, #tpu.memory_space<vmem_shared>>) offsets(%dma_start3A_340 : memref<128xi32, #tpu.memory_space<vmem>>) semaphore(%run_scoped3A_333 : memref<!tpu.dma_semaphore, #tpu.memory_space<semaphore_mem>>) {add = true}
        %dma_wait3A_344 = arith.constant 0 : i32
        %dma_wait3A_345 = arith.constant 0 : i32
        %dma_wait3A_346 = tpu.memref_slice %arg8[%run_scoped3A_313, %dma_wait3A_344, %dma_wait3A_345] : memref<4x128x64xf32, #tpu.memory_space<vmem>> -> memref<1x128x64xf32, #tpu.memory_space<vmem>>
        %dma_wait3A_347 = tpu.memref_squeeze %dma_wait3A_346 : memref<1x128x64xf32, #tpu.memory_space<vmem>> -> memref<128x64xf32, #tpu.memory_space<vmem>>
        %dma_wait3A_348 = arith.constant 0 : i32
        %dma_wait3A_349 = tpu.memref_slice %arg7[%add3A_312, %dma_wait3A_348] : memref<160x128xi32, #tpu.memory_space<vmem>> -> memref<1x128xi32, #tpu.memory_space<vmem>>
        %dma_wait3A_350 = tpu.memref_squeeze %dma_wait3A_349 : memref<1x128xi32, #tpu.memory_space<vmem>> -> memref<128xi32, #tpu.memory_space<vmem>>
        %dma_wait3A_351 = arith.constant 0 : i32
        %dma_wait3A_352 = arith.constant 0 : i32
        %dma_wait3A_353 = tpu.memref_slice %arg9[%dma_wait3A_351, %dma_wait3A_352] : memref<10112x64xf32, #tpu.memory_space<vmem_shared>> -> memref<10112x64xf32, #tpu.memory_space<vmem_shared>>
        tpu.wait_indirect_dma semaphore(%run_scoped3A_333 : memref<!tpu.dma_semaphore, #tpu.memory_space<semaphore_mem>>) src(%dma_wait3A_347 : memref<128x64xf32, #tpu.memory_space<vmem>>) dst(%dma_wait3A_353 : memref<10112x64xf32, #tpu.memory_space<vmem_shared>>)
        tpu.yield
      }) : () -> ()
      %add3A_314 = arith.constant 1 : i32
      %add3A_315 = arith.addi %add3A_176, %add3A_314 : i32
      %mul3A_316 = arith.constant 4 : i32
      %mul3A_317 = arith.muli %add3A_315, %mul3A_316 : i32
      %add3A_318 = arith.constant 3 : i32
      %add3A_319 = arith.addi %mul3A_317, %add3A_318 : i32
      %dma_start3A_320 = arith.constant 3 : i32
      %dma_start3A_321 = arith.constant 0 : i32
      %dma_start3A_322 = arith.constant 0 : i32
      %dma_start3A_323 = tpu.memref_slice %arg8[%dma_start3A_320, %dma_start3A_321, %dma_start3A_322] : memref<4x128x64xf32, #tpu.memory_space<vmem>> -> memref<1x128x64xf32, #tpu.memory_space<vmem>>
      %dma_start3A_324 = tpu.memref_squeeze %dma_start3A_323 : memref<1x128x64xf32, #tpu.memory_space<vmem>> -> memref<128x64xf32, #tpu.memory_space<vmem>>
      %dma_start3A_325 = arith.constant 0 : i32
      %dma_start3A_326 = tpu.memref_slice %arg6[%add3A_319, %dma_start3A_325] : memref<160x128xi32, #tpu.memory_space<vmem>> -> memref<1x128xi32, #tpu.memory_space<vmem>>
      %dma_start3A_327 = tpu.memref_squeeze %dma_start3A_326 : memref<1x128xi32, #tpu.memory_space<vmem>> -> memref<128xi32, #tpu.memory_space<vmem>>
      %dma_start3A_328 = arith.constant 0 : i32
      %dma_start3A_329 = tpu.memref_slice %arg2[%add3A_8, %dma_start3A_328] : memref<20224x64xf32, #tpu.memory_space<hbm>> -> memref<10112x64xf32, #tpu.memory_space<hbm>>
      %dma_start3A_330 = arith.constant 0 : i32
      %dma_start3A_331 = arith.constant 0 : i32
      %dma_start3A_332 = tpu.memref_slice %dma_start3A_329[%dma_start3A_330, %dma_start3A_331] : memref<10112x64xf32, #tpu.memory_space<hbm>> -> memref<10112x64xf32, #tpu.memory_space<hbm>>
      tpu.enqueue_indirect_dma source(%dma_start3A_332 : memref<10112x64xf32, #tpu.memory_space<hbm>>) target(%dma_start3A_324 : memref<128x64xf32, #tpu.memory_space<vmem>>) offsets(%dma_start3A_327 : memref<128xi32, #tpu.memory_space<vmem>>) semaphore(%arg13 : memref<!tpu.dma_semaphore, #tpu.memory_space<semaphore_mem>>)
    }
    %scan3A_95 = arith.constant 39 : i32
    %dma_wait3A = arith.constant 0 : i32
    %dma_wait3A_96 = arith.constant 0 : i32
    %dma_wait3A_97 = arith.constant 0 : i32
    %dma_wait3A_98 = tpu.memref_slice %arg8[%dma_wait3A, %dma_wait3A_96, %dma_wait3A_97] : memref<4x128x64xf32, #tpu.memory_space<vmem>> -> memref<1x128x64xf32, #tpu.memory_space<vmem>>
    %dma_wait3A_99 = tpu.memref_squeeze %dma_wait3A_98 : memref<1x128x64xf32, #tpu.memory_space<vmem>> -> memref<128x64xf32, #tpu.memory_space<vmem>>
    %dma_wait3A_100 = arith.constant 0 : i32
    %dma_wait3A_101 = arith.constant 0 : i32
    %dma_wait3A_102 = tpu.memref_slice %arg2[%dma_wait3A_100, %dma_wait3A_101] : memref<20224x64xf32, #tpu.memory_space<hbm>> -> memref<128x64xf32, #tpu.memory_space<hbm>>
    %dma_wait3A_103 = arith.constant 0 : i32
    %dma_wait3A_104 = arith.constant 0 : i32
    %dma_wait3A_105 = tpu.memref_slice %arg8[%dma_wait3A, %dma_wait3A_103, %dma_wait3A_104] : memref<4x128x64xf32, #tpu.memory_space<vmem>> -> memref<1x128x64xf32, #tpu.memory_space<vmem>>
    %dma_wait3A_106 = tpu.memref_squeeze %dma_wait3A_105 : memref<1x128x64xf32, #tpu.memory_space<vmem>> -> memref<128x64xf32, #tpu.memory_space<vmem>>
    %dma_wait3A_107 = arith.constant 0 : i32
    %dma_wait3A_108 = arith.constant 0 : i32
    %dma_wait3A_109 = tpu.memref_slice %arg2[%dma_wait3A_107, %dma_wait3A_108] : memref<20224x64xf32, #tpu.memory_space<hbm>> -> memref<128x64xf32, #tpu.memory_space<hbm>>
    tpu.wait_dma2 semaphore(%arg10 : memref<!tpu.dma_semaphore, #tpu.memory_space<semaphore_mem>>) src(%dma_wait3A_109 : memref<128x64xf32, #tpu.memory_space<hbm>>) dst(%dma_wait3A_106 : memref<128x64xf32, #tpu.memory_space<vmem>>)
    %run_scoped3A = arith.constant 0 : i32
    %run_scoped3A_110 = arith.constant 156 : i32
    "tpu.region"() ({
      %run_scoped3A_172 = tpu.sem_alloc : memref<!tpu.dma_semaphore, #tpu.memory_space<semaphore_mem>>
      %dma_start3A_173 = arith.constant 0 : i32
      %dma_start3A_174 = arith.constant 0 : i32
      %dma_start3A_175 = tpu.memref_slice %arg8[%run_scoped3A, %dma_start3A_173, %dma_start3A_174] : memref<4x128x64xf32, #tpu.memory_space<vmem>> -> memref<1x128x64xf32, #tpu.memory_space<vmem>>
      %dma_start3A_176 = tpu.memref_squeeze %dma_start3A_175 : memref<1x128x64xf32, #tpu.memory_space<vmem>> -> memref<128x64xf32, #tpu.memory_space<vmem>>
      %dma_start3A_177 = arith.constant 0 : i32
      %dma_start3A_178 = tpu.memref_slice %arg7[%run_scoped3A_110, %dma_start3A_177] : memref<160x128xi32, #tpu.memory_space<vmem>> -> memref<1x128xi32, #tpu.memory_space<vmem>>
      %dma_start3A_179 = tpu.memref_squeeze %dma_start3A_178 : memref<1x128xi32, #tpu.memory_space<vmem>> -> memref<128xi32, #tpu.memory_space<vmem>>
      %dma_start3A_180 = arith.constant 0 : i32
      %dma_start3A_181 = arith.constant 0 : i32
      %dma_start3A_182 = tpu.memref_slice %arg9[%dma_start3A_180, %dma_start3A_181] : memref<10112x64xf32, #tpu.memory_space<vmem_shared>> -> memref<10112x64xf32, #tpu.memory_space<vmem_shared>>
      tpu.enqueue_indirect_dma source(%dma_start3A_176 : memref<128x64xf32, #tpu.memory_space<vmem>>) target(%dma_start3A_182 : memref<10112x64xf32, #tpu.memory_space<vmem_shared>>) offsets(%dma_start3A_179 : memref<128xi32, #tpu.memory_space<vmem>>) semaphore(%run_scoped3A_172 : memref<!tpu.dma_semaphore, #tpu.memory_space<semaphore_mem>>) {add = true}
      %dma_wait3A_183 = arith.constant 0 : i32
      %dma_wait3A_184 = arith.constant 0 : i32
      %dma_wait3A_185 = tpu.memref_slice %arg8[%run_scoped3A, %dma_wait3A_183, %dma_wait3A_184] : memref<4x128x64xf32, #tpu.memory_space<vmem>> -> memref<1x128x64xf32, #tpu.memory_space<vmem>>
      %dma_wait3A_186 = tpu.memref_squeeze %dma_wait3A_185 : memref<1x128x64xf32, #tpu.memory_space<vmem>> -> memref<128x64xf32, #tpu.memory_space<vmem>>
      %dma_wait3A_187 = arith.constant 0 : i32
      %dma_wait3A_188 = tpu.memref_slice %arg7[%run_scoped3A_110, %dma_wait3A_187] : memref<160x128xi32, #tpu.memory_space<vmem>> -> memref<1x128xi32, #tpu.memory_space<vmem>>
      %dma_wait3A_189 = tpu.memref_squeeze %dma_wait3A_188 : memref<1x128xi32, #tpu.memory_space<vmem>> -> memref<128xi32, #tpu.memory_space<vmem>>
      %dma_wait3A_190 = arith.constant 0 : i32
      %dma_wait3A_191 = arith.constant 0 : i32
      %dma_wait3A_192 = tpu.memref_slice %arg9[%dma_wait3A_190, %dma_wait3A_191] : memref<10112x64xf32, #tpu.memory_space<vmem_shared>> -> memref<10112x64xf32, #tpu.memory_space<vmem_shared>>
      tpu.wait_indirect_dma semaphore(%run_scoped3A_172 : memref<!tpu.dma_semaphore, #tpu.memory_space<semaphore_mem>>) src(%dma_wait3A_186 : memref<128x64xf32, #tpu.memory_space<vmem>>) dst(%dma_wait3A_192 : memref<10112x64xf32, #tpu.memory_space<vmem_shared>>)
      tpu.yield
    }) : () -> ()
    %dma_wait3A_111 = arith.constant 1 : i32
    %dma_wait3A_112 = arith.constant 0 : i32
    %dma_wait3A_113 = arith.constant 0 : i32
    %dma_wait3A_114 = tpu.memref_slice %arg8[%dma_wait3A_111, %dma_wait3A_112, %dma_wait3A_113] : memref<4x128x64xf32, #tpu.memory_space<vmem>> -> memref<1x128x64xf32, #tpu.memory_space<vmem>>
    %dma_wait3A_115 = tpu.memref_squeeze %dma_wait3A_114 : memref<1x128x64xf32, #tpu.memory_space<vmem>> -> memref<128x64xf32, #tpu.memory_space<vmem>>
    %dma_wait3A_116 = arith.constant 0 : i32
    %dma_wait3A_117 = arith.constant 0 : i32
    %dma_wait3A_118 = tpu.memref_slice %arg2[%dma_wait3A_116, %dma_wait3A_117] : memref<20224x64xf32, #tpu.memory_space<hbm>> -> memref<128x64xf32, #tpu.memory_space<hbm>>
    %dma_wait3A_119 = arith.constant 0 : i32
    %dma_wait3A_120 = arith.constant 0 : i32
    %dma_wait3A_121 = tpu.memref_slice %arg8[%dma_wait3A_111, %dma_wait3A_119, %dma_wait3A_120] : memref<4x128x64xf32, #tpu.memory_space<vmem>> -> memref<1x128x64xf32, #tpu.memory_space<vmem>>
    %dma_wait3A_122 = tpu.memref_squeeze %dma_wait3A_121 : memref<1x128x64xf32, #tpu.memory_space<vmem>> -> memref<128x64xf32, #tpu.memory_space<vmem>>
    %dma_wait3A_123 = arith.constant 0 : i32
    %dma_wait3A_124 = arith.constant 0 : i32
    %dma_wait3A_125 = tpu.memref_slice %arg2[%dma_wait3A_123, %dma_wait3A_124] : memref<20224x64xf32, #tpu.memory_space<hbm>> -> memref<128x64xf32, #tpu.memory_space<hbm>>
    tpu.wait_dma2 semaphore(%arg11 : memref<!tpu.dma_semaphore, #tpu.memory_space<semaphore_mem>>) src(%dma_wait3A_125 : memref<128x64xf32, #tpu.memory_space<hbm>>) dst(%dma_wait3A_122 : memref<128x64xf32, #tpu.memory_space<vmem>>)
    %run_scoped3A_126 = arith.constant 1 : i32
    %run_scoped3A_127 = arith.constant 157 : i32
    "tpu.region"() ({
      %run_scoped3A_172 = tpu.sem_alloc : memref<!tpu.dma_semaphore, #tpu.memory_space<semaphore_mem>>
      %dma_start3A_173 = arith.constant 0 : i32
      %dma_start3A_174 = arith.constant 0 : i32
      %dma_start3A_175 = tpu.memref_slice %arg8[%run_scoped3A_126, %dma_start3A_173, %dma_start3A_174] : memref<4x128x64xf32, #tpu.memory_space<vmem>> -> memref<1x128x64xf32, #tpu.memory_space<vmem>>
      %dma_start3A_176 = tpu.memref_squeeze %dma_start3A_175 : memref<1x128x64xf32, #tpu.memory_space<vmem>> -> memref<128x64xf32, #tpu.memory_space<vmem>>
      %dma_start3A_177 = arith.constant 0 : i32
      %dma_start3A_178 = tpu.memref_slice %arg7[%run_scoped3A_127, %dma_start3A_177] : memref<160x128xi32, #tpu.memory_space<vmem>> -> memref<1x128xi32, #tpu.memory_space<vmem>>
      %dma_start3A_179 = tpu.memref_squeeze %dma_start3A_178 : memref<1x128xi32, #tpu.memory_space<vmem>> -> memref<128xi32, #tpu.memory_space<vmem>>
      %dma_start3A_180 = arith.constant 0 : i32
      %dma_start3A_181 = arith.constant 0 : i32
      %dma_start3A_182 = tpu.memref_slice %arg9[%dma_start3A_180, %dma_start3A_181] : memref<10112x64xf32, #tpu.memory_space<vmem_shared>> -> memref<10112x64xf32, #tpu.memory_space<vmem_shared>>
      tpu.enqueue_indirect_dma source(%dma_start3A_176 : memref<128x64xf32, #tpu.memory_space<vmem>>) target(%dma_start3A_182 : memref<10112x64xf32, #tpu.memory_space<vmem_shared>>) offsets(%dma_start3A_179 : memref<128xi32, #tpu.memory_space<vmem>>) semaphore(%run_scoped3A_172 : memref<!tpu.dma_semaphore, #tpu.memory_space<semaphore_mem>>) {add = true}
      %dma_wait3A_183 = arith.constant 0 : i32
      %dma_wait3A_184 = arith.constant 0 : i32
      %dma_wait3A_185 = tpu.memref_slice %arg8[%run_scoped3A_126, %dma_wait3A_183, %dma_wait3A_184] : memref<4x128x64xf32, #tpu.memory_space<vmem>> -> memref<1x128x64xf32, #tpu.memory_space<vmem>>
      %dma_wait3A_186 = tpu.memref_squeeze %dma_wait3A_185 : memref<1x128x64xf32, #tpu.memory_space<vmem>> -> memref<128x64xf32, #tpu.memory_space<vmem>>
      %dma_wait3A_187 = arith.constant 0 : i32
      %dma_wait3A_188 = tpu.memref_slice %arg7[%run_scoped3A_127, %dma_wait3A_187] : memref<160x128xi32, #tpu.memory_space<vmem>> -> memref<1x128xi32, #tpu.memory_space<vmem>>
      %dma_wait3A_189 = tpu.memref_squeeze %dma_wait3A_188 : memref<1x128xi32, #tpu.memory_space<vmem>> -> memref<128xi32, #tpu.memory_space<vmem>>
      %dma_wait3A_190 = arith.constant 0 : i32
      %dma_wait3A_191 = arith.constant 0 : i32
      %dma_wait3A_192 = tpu.memref_slice %arg9[%dma_wait3A_190, %dma_wait3A_191] : memref<10112x64xf32, #tpu.memory_space<vmem_shared>> -> memref<10112x64xf32, #tpu.memory_space<vmem_shared>>
      tpu.wait_indirect_dma semaphore(%run_scoped3A_172 : memref<!tpu.dma_semaphore, #tpu.memory_space<semaphore_mem>>) src(%dma_wait3A_186 : memref<128x64xf32, #tpu.memory_space<vmem>>) dst(%dma_wait3A_192 : memref<10112x64xf32, #tpu.memory_space<vmem_shared>>)
      tpu.yield
    }) : () -> ()
    %dma_wait3A_128 = arith.constant 2 : i32
    %dma_wait3A_129 = arith.constant 0 : i32
    %dma_wait3A_130 = arith.constant 0 : i32
    %dma_wait3A_131 = tpu.memref_slice %arg8[%dma_wait3A_128, %dma_wait3A_129, %dma_wait3A_130] : memref<4x128x64xf32, #tpu.memory_space<vmem>> -> memref<1x128x64xf32, #tpu.memory_space<vmem>>
    %dma_wait3A_132 = tpu.memref_squeeze %dma_wait3A_131 : memref<1x128x64xf32, #tpu.memory_space<vmem>> -> memref<128x64xf32, #tpu.memory_space<vmem>>
    %dma_wait3A_133 = arith.constant 0 : i32
    %dma_wait3A_134 = arith.constant 0 : i32
    %dma_wait3A_135 = tpu.memref_slice %arg2[%dma_wait3A_133, %dma_wait3A_134] : memref<20224x64xf32, #tpu.memory_space<hbm>> -> memref<128x64xf32, #tpu.memory_space<hbm>>
    %dma_wait3A_136 = arith.constant 0 : i32
    %dma_wait3A_137 = arith.constant 0 : i32
    %dma_wait3A_138 = tpu.memref_slice %arg8[%dma_wait3A_128, %dma_wait3A_136, %dma_wait3A_137] : memref<4x128x64xf32, #tpu.memory_space<vmem>> -> memref<1x128x64xf32, #tpu.memory_space<vmem>>
    %dma_wait3A_139 = tpu.memref_squeeze %dma_wait3A_138 : memref<1x128x64xf32, #tpu.memory_space<vmem>> -> memref<128x64xf32, #tpu.memory_space<vmem>>
    %dma_wait3A_140 = arith.constant 0 : i32
    %dma_wait3A_141 = arith.constant 0 : i32
    %dma_wait3A_142 = tpu.memref_slice %arg2[%dma_wait3A_140, %dma_wait3A_141] : memref<20224x64xf32, #tpu.memory_space<hbm>> -> memref<128x64xf32, #tpu.memory_space<hbm>>
    tpu.wait_dma2 semaphore(%arg12 : memref<!tpu.dma_semaphore, #tpu.memory_space<semaphore_mem>>) src(%dma_wait3A_142 : memref<128x64xf32, #tpu.memory_space<hbm>>) dst(%dma_wait3A_139 : memref<128x64xf32, #tpu.memory_space<vmem>>)
    %run_scoped3A_143 = arith.constant 2 : i32
    %run_scoped3A_144 = arith.constant 158 : i32
    "tpu.region"() ({
      %run_scoped3A_172 = tpu.sem_alloc : memref<!tpu.dma_semaphore, #tpu.memory_space<semaphore_mem>>
      %dma_start3A_173 = arith.constant 0 : i32
      %dma_start3A_174 = arith.constant 0 : i32
      %dma_start3A_175 = tpu.memref_slice %arg8[%run_scoped3A_143, %dma_start3A_173, %dma_start3A_174] : memref<4x128x64xf32, #tpu.memory_space<vmem>> -> memref<1x128x64xf32, #tpu.memory_space<vmem>>
      %dma_start3A_176 = tpu.memref_squeeze %dma_start3A_175 : memref<1x128x64xf32, #tpu.memory_space<vmem>> -> memref<128x64xf32, #tpu.memory_space<vmem>>
      %dma_start3A_177 = arith.constant 0 : i32
      %dma_start3A_178 = tpu.memref_slice %arg7[%run_scoped3A_144, %dma_start3A_177] : memref<160x128xi32, #tpu.memory_space<vmem>> -> memref<1x128xi32, #tpu.memory_space<vmem>>
      %dma_start3A_179 = tpu.memref_squeeze %dma_start3A_178 : memref<1x128xi32, #tpu.memory_space<vmem>> -> memref<128xi32, #tpu.memory_space<vmem>>
      %dma_start3A_180 = arith.constant 0 : i32
      %dma_start3A_181 = arith.constant 0 : i32
      %dma_start3A_182 = tpu.memref_slice %arg9[%dma_start3A_180, %dma_start3A_181] : memref<10112x64xf32, #tpu.memory_space<vmem_shared>> -> memref<10112x64xf32, #tpu.memory_space<vmem_shared>>
      tpu.enqueue_indirect_dma source(%dma_start3A_176 : memref<128x64xf32, #tpu.memory_space<vmem>>) target(%dma_start3A_182 : memref<10112x64xf32, #tpu.memory_space<vmem_shared>>) offsets(%dma_start3A_179 : memref<128xi32, #tpu.memory_space<vmem>>) semaphore(%run_scoped3A_172 : memref<!tpu.dma_semaphore, #tpu.memory_space<semaphore_mem>>) {add = true}
      %dma_wait3A_183 = arith.constant 0 : i32
      %dma_wait3A_184 = arith.constant 0 : i32
      %dma_wait3A_185 = tpu.memref_slice %arg8[%run_scoped3A_143, %dma_wait3A_183, %dma_wait3A_184] : memref<4x128x64xf32, #tpu.memory_space<vmem>> -> memref<1x128x64xf32, #tpu.memory_space<vmem>>
      %dma_wait3A_186 = tpu.memref_squeeze %dma_wait3A_185 : memref<1x128x64xf32, #tpu.memory_space<vmem>> -> memref<128x64xf32, #tpu.memory_space<vmem>>
      %dma_wait3A_187 = arith.constant 0 : i32
      %dma_wait3A_188 = tpu.memref_slice %arg7[%run_scoped3A_144, %dma_wait3A_187] : memref<160x128xi32, #tpu.memory_space<vmem>> -> memref<1x128xi32, #tpu.memory_space<vmem>>
      %dma_wait3A_189 = tpu.memref_squeeze %dma_wait3A_188 : memref<1x128xi32, #tpu.memory_space<vmem>> -> memref<128xi32, #tpu.memory_space<vmem>>
      %dma_wait3A_190 = arith.constant 0 : i32
      %dma_wait3A_191 = arith.constant 0 : i32
      %dma_wait3A_192 = tpu.memref_slice %arg9[%dma_wait3A_190, %dma_wait3A_191] : memref<10112x64xf32, #tpu.memory_space<vmem_shared>> -> memref<10112x64xf32, #tpu.memory_space<vmem_shared>>
      tpu.wait_indirect_dma semaphore(%run_scoped3A_172 : memref<!tpu.dma_semaphore, #tpu.memory_space<semaphore_mem>>) src(%dma_wait3A_186 : memref<128x64xf32, #tpu.memory_space<vmem>>) dst(%dma_wait3A_192 : memref<10112x64xf32, #tpu.memory_space<vmem_shared>>)
      tpu.yield
    }) : () -> ()
    %dma_wait3A_145 = arith.constant 3 : i32
    %dma_wait3A_146 = arith.constant 0 : i32
    %dma_wait3A_147 = arith.constant 0 : i32
    %dma_wait3A_148 = tpu.memref_slice %arg8[%dma_wait3A_145, %dma_wait3A_146, %dma_wait3A_147] : memref<4x128x64xf32, #tpu.memory_space<vmem>> -> memref<1x128x64xf32, #tpu.memory_space<vmem>>
    %dma_wait3A_149 = tpu.memref_squeeze %dma_wait3A_148 : memref<1x128x64xf32, #tpu.memory_space<vmem>> -> memref<128x64xf32, #tpu.memory_space<vmem>>
    %dma_wait3A_150 = arith.constant 0 : i32
    %dma_wait3A_151 = arith.constant 0 : i32
    %dma_wait3A_152 = tpu.memref_slice %arg2[%dma_wait3A_150, %dma_wait3A_151] : memref<20224x64xf32, #tpu.memory_space<hbm>> -> memref<128x64xf32, #tpu.memory_space<hbm>>
    %dma_wait3A_153 = arith.constant 0 : i32
    %dma_wait3A_154 = arith.constant 0 : i32
    %dma_wait3A_155 = tpu.memref_slice %arg8[%dma_wait3A_145, %dma_wait3A_153, %dma_wait3A_154] : memref<4x128x64xf32, #tpu.memory_space<vmem>> -> memref<1x128x64xf32, #tpu.memory_space<vmem>>
    %dma_wait3A_156 = tpu.memref_squeeze %dma_wait3A_155 : memref<1x128x64xf32, #tpu.memory_space<vmem>> -> memref<128x64xf32, #tpu.memory_space<vmem>>
    %dma_wait3A_157 = arith.constant 0 : i32
    %dma_wait3A_158 = arith.constant 0 : i32
    %dma_wait3A_159 = tpu.memref_slice %arg2[%dma_wait3A_157, %dma_wait3A_158] : memref<20224x64xf32, #tpu.memory_space<hbm>> -> memref<128x64xf32, #tpu.memory_space<hbm>>
    tpu.wait_dma2 semaphore(%arg13 : memref<!tpu.dma_semaphore, #tpu.memory_space<semaphore_mem>>) src(%dma_wait3A_159 : memref<128x64xf32, #tpu.memory_space<hbm>>) dst(%dma_wait3A_156 : memref<128x64xf32, #tpu.memory_space<vmem>>)
    %run_scoped3A_160 = arith.constant 3 : i32
    %run_scoped3A_161 = arith.constant 159 : i32
    "tpu.region"() ({
      %run_scoped3A_172 = tpu.sem_alloc : memref<!tpu.dma_semaphore, #tpu.memory_space<semaphore_mem>>
      %dma_start3A_173 = arith.constant 0 : i32
      %dma_start3A_174 = arith.constant 0 : i32
      %dma_start3A_175 = tpu.memref_slice %arg8[%run_scoped3A_160, %dma_start3A_173, %dma_start3A_174] : memref<4x128x64xf32, #tpu.memory_space<vmem>> -> memref<1x128x64xf32, #tpu.memory_space<vmem>>
      %dma_start3A_176 = tpu.memref_squeeze %dma_start3A_175 : memref<1x128x64xf32, #tpu.memory_space<vmem>> -> memref<128x64xf32, #tpu.memory_space<vmem>>
      %dma_start3A_177 = arith.constant 0 : i32
      %dma_start3A_178 = tpu.memref_slice %arg7[%run_scoped3A_161, %dma_start3A_177] : memref<160x128xi32, #tpu.memory_space<vmem>> -> memref<1x128xi32, #tpu.memory_space<vmem>>
      %dma_start3A_179 = tpu.memref_squeeze %dma_start3A_178 : memref<1x128xi32, #tpu.memory_space<vmem>> -> memref<128xi32, #tpu.memory_space<vmem>>
      %dma_start3A_180 = arith.constant 0 : i32
      %dma_start3A_181 = arith.constant 0 : i32
      %dma_start3A_182 = tpu.memref_slice %arg9[%dma_start3A_180, %dma_start3A_181] : memref<10112x64xf32, #tpu.memory_space<vmem_shared>> -> memref<10112x64xf32, #tpu.memory_space<vmem_shared>>
      tpu.enqueue_indirect_dma source(%dma_start3A_176 : memref<128x64xf32, #tpu.memory_space<vmem>>) target(%dma_start3A_182 : memref<10112x64xf32, #tpu.memory_space<vmem_shared>>) offsets(%dma_start3A_179 : memref<128xi32, #tpu.memory_space<vmem>>) semaphore(%run_scoped3A_172 : memref<!tpu.dma_semaphore, #tpu.memory_space<semaphore_mem>>) {add = true}
      %dma_wait3A_183 = arith.constant 0 : i32
      %dma_wait3A_184 = arith.constant 0 : i32
      %dma_wait3A_185 = tpu.memref_slice %arg8[%run_scoped3A_160, %dma_wait3A_183, %dma_wait3A_184] : memref<4x128x64xf32, #tpu.memory_space<vmem>> -> memref<1x128x64xf32, #tpu.memory_space<vmem>>
      %dma_wait3A_186 = tpu.memref_squeeze %dma_wait3A_185 : memref<1x128x64xf32, #tpu.memory_space<vmem>> -> memref<128x64xf32, #tpu.memory_space<vmem>>
      %dma_wait3A_187 = arith.constant 0 : i32
      %dma_wait3A_188 = tpu.memref_slice %arg7[%run_scoped3A_161, %dma_wait3A_187] : memref<160x128xi32, #tpu.memory_space<vmem>> -> memref<1x128xi32, #tpu.memory_space<vmem>>
      %dma_wait3A_189 = tpu.memref_squeeze %dma_wait3A_188 : memref<1x128xi32, #tpu.memory_space<vmem>> -> memref<128xi32, #tpu.memory_space<vmem>>
      %dma_wait3A_190 = arith.constant 0 : i32
      %dma_wait3A_191 = arith.constant 0 : i32
      %dma_wait3A_192 = tpu.memref_slice %arg9[%dma_wait3A_190, %dma_wait3A_191] : memref<10112x64xf32, #tpu.memory_space<vmem_shared>> -> memref<10112x64xf32, #tpu.memory_space<vmem_shared>>
      tpu.wait_indirect_dma semaphore(%run_scoped3A_172 : memref<!tpu.dma_semaphore, #tpu.memory_space<semaphore_mem>>) src(%dma_wait3A_186 : memref<128x64xf32, #tpu.memory_space<vmem>>) dst(%dma_wait3A_192 : memref<10112x64xf32, #tpu.memory_space<vmem_shared>>)
      tpu.yield
    }) : () -> ()
    %barrier3A_162 = arith.constant 0 : index
    tpu.barrier barrier_id(%barrier3A_162)
    %mul3A_163 = arith.constant 632 : i32
    %mul3A_164 = arith.muli %arg1, %mul3A_163 : i32
    %mul3A_165 = arith.constant 10112 : i32
    %mul3A_166 = arith.muli %add3A_4, %mul3A_165 : i32
    %mul3A_167 = arith.constant 632 : i32
    %mul3A_168 = arith.muli %arg1, %mul3A_167 : i32
    %add3A_169 = arith.addi %mul3A_166, %mul3A_168 : i32
    "tpu.region"() ({
      %run_scoped3A_172 = tpu.sem_alloc : memref<!tpu.dma_semaphore, #tpu.memory_space<semaphore_mem>>
      %dma_start3A_173 = arith.constant 0 : i32
      %dma_start3A_174 = tpu.memref_slice %arg5[%add3A_169, %dma_start3A_173] : memref<20224x64xf32, #tpu.memory_space<hbm>> -> memref<632x64xf32, #tpu.memory_space<hbm>>
      %dma_start3A_175 = arith.constant 0 : i32
      %dma_start3A_176 = tpu.memref_slice %arg9[%mul3A_164, %dma_start3A_175] : memref<10112x64xf32, #tpu.memory_space<vmem_shared>> -> memref<632x64xf32, #tpu.memory_space<vmem_shared>>
      tpu.enqueue_dma source(%dma_start3A_176 : memref<632x64xf32, #tpu.memory_space<vmem_shared>>) target(%dma_start3A_174 : memref<632x64xf32, #tpu.memory_space<hbm>>) target_semaphore(%run_scoped3A_172 : memref<!tpu.dma_semaphore, #tpu.memory_space<semaphore_mem>>)
      %dma_wait3A_177 = arith.constant 0 : i32
      %dma_wait3A_178 = tpu.memref_slice %arg5[%add3A_169, %dma_wait3A_177] : memref<20224x64xf32, #tpu.memory_space<hbm>> -> memref<632x64xf32, #tpu.memory_space<hbm>>
      %dma_wait3A_179 = arith.constant 0 : i32
      %dma_wait3A_180 = tpu.memref_slice %arg9[%mul3A_164, %dma_wait3A_179] : memref<10112x64xf32, #tpu.memory_space<vmem_shared>> -> memref<632x64xf32, #tpu.memory_space<vmem_shared>>
      tpu.wait_dma2 semaphore(%run_scoped3A_172 : memref<!tpu.dma_semaphore, #tpu.memory_space<semaphore_mem>>) src(%dma_wait3A_180 : memref<632x64xf32, #tpu.memory_space<vmem_shared>>) dst(%dma_wait3A_178 : memref<632x64xf32, #tpu.memory_space<hbm>>)
      tpu.yield
    }) : () -> ()
    %barrier3A_170 = arith.constant 0 : index
    tpu.barrier barrier_id(%barrier3A_170)
    %scan3A_171 = arith.constant 1 : i32
    return
  }
}

#map = affine_map<(d0, d1) -> (0, 0)>
module attributes {stable_mosaic.version = 14 : i64} {
  func.func @gcn_agg_p2g0(%arg0: i32, %arg1: i32, %arg2: memref<80896x64xf32, #tpu.memory_space<hbm>>, %arg3: memref<10240x128xi32, #tpu.memory_space<hbm>>, %arg4: memref<10240x128xi32, #tpu.memory_space<hbm>>, %arg5: memref<40448x64xf32, #tpu.memory_space<hbm>>, %arg6: memref<160x128xi32, #tpu.memory_space<vmem>>, %arg7: memref<160x128xi32, #tpu.memory_space<vmem>>, %arg8: memref<4x128x64xf32, #tpu.memory_space<vmem>>, %arg9: memref<10112x64xf32, #tpu.memory_space<vmem_shared>>, %arg10: memref<!tpu.dma_semaphore, #tpu.memory_space<semaphore_mem>>, %arg11: memref<!tpu.dma_semaphore, #tpu.memory_space<semaphore_mem>>, %arg12: memref<!tpu.dma_semaphore, #tpu.memory_space<semaphore_mem>>, %arg13: memref<!tpu.dma_semaphore, #tpu.memory_space<semaphore_mem>>) attributes {dimension_semantics = [#tpu.dimension_semantics<core_parallel>, #tpu.dimension_semantics<subcore_parallel>], iteration_bounds = array<i64: 2, 16>, scalar_prefetch = 0 : i64, scratch_operands = 8 : i64, tpu.core_type = #tpu.core_type<sc_vector_subcore>, window_params = [{transform_indices = #map}, {transform_indices = #map}, {transform_indices = #map}, {transform_indices = #map}]} {
    %scan3A = arith.constant 0 : i32
    %scan3A_0 = arith.constant 2 : i32
    %scan3A_1 = arith.addi %scan3A, %scan3A_0 : i32
    %scan3A_2 = arith.constant 1 : i32
    scf.for %scan3A_4 = %scan3A to %scan3A_1 step %scan3A_2  : i32 {
      %mul3A = arith.constant 1 : i32
      %mul3A_5 = arith.muli %scan3A_4, %mul3A : i32
      %add3A = arith.constant 0 : i32
      %add3A_6 = arith.addi %add3A, %mul3A_5 : i32
      %mul3A_7 = arith.constant 2 : i32
      %mul3A_8 = arith.muli %mul3A_7, %arg0 : i32
      %add3A_9 = arith.addi %mul3A_8, %add3A_6 : i32
      %mul3A_10 = arith.constant 10112 : i32
      %mul3A_11 = arith.muli %add3A_9, %mul3A_10 : i32
      %add3A_12 = arith.constant 0 : i32
      %add3A_13 = arith.addi %add3A_12, %mul3A_11 : i32
      %mul3A_14 = arith.constant 632 : i32
      %mul3A_15 = arith.muli %arg1, %mul3A_14 : i32
      %mul3A_16 = arith.constant 632 : i32
      %mul3A_17 = arith.muli %arg1, %mul3A_16 : i32
      "tpu.region"() ({
        %run_scoped3A_176 = tpu.sem_alloc : memref<!tpu.dma_semaphore, #tpu.memory_space<semaphore_mem>>
        %dma_start3A_177 = arith.constant 0 : i32
        %dma_start3A_178 = tpu.memref_slice %arg9[%mul3A_17, %dma_start3A_177] : memref<10112x64xf32, #tpu.memory_space<vmem_shared>> -> memref<632x64xf32, #tpu.memory_space<vmem_shared>>
        %dma_start3A_179 = arith.constant 0 : i32
        %dma_start3A_180 = tpu.memref_slice %arg2[%add3A_13, %dma_start3A_179] : memref<80896x64xf32, #tpu.memory_space<hbm>> -> memref<10112x64xf32, #tpu.memory_space<hbm>>
        %dma_start3A_181 = arith.constant 0 : i32
        %dma_start3A_182 = tpu.memref_slice %dma_start3A_180[%mul3A_15, %dma_start3A_181] : memref<10112x64xf32, #tpu.memory_space<hbm>> -> memref<632x64xf32, #tpu.memory_space<hbm>>
        tpu.enqueue_dma source(%dma_start3A_182 : memref<632x64xf32, #tpu.memory_space<hbm>>) target(%dma_start3A_178 : memref<632x64xf32, #tpu.memory_space<vmem_shared>>) target_semaphore(%run_scoped3A_176 : memref<!tpu.dma_semaphore, #tpu.memory_space<semaphore_mem>>)
        %dma_wait3A_183 = arith.constant 0 : i32
        %dma_wait3A_184 = tpu.memref_slice %arg9[%mul3A_17, %dma_wait3A_183] : memref<10112x64xf32, #tpu.memory_space<vmem_shared>> -> memref<632x64xf32, #tpu.memory_space<vmem_shared>>
        %dma_wait3A_185 = arith.constant 0 : i32
        %dma_wait3A_186 = tpu.memref_slice %arg2[%add3A_13, %dma_wait3A_185] : memref<80896x64xf32, #tpu.memory_space<hbm>> -> memref<10112x64xf32, #tpu.memory_space<hbm>>
        %dma_wait3A_187 = arith.constant 0 : i32
        %dma_wait3A_188 = tpu.memref_slice %dma_wait3A_186[%mul3A_15, %dma_wait3A_187] : memref<10112x64xf32, #tpu.memory_space<hbm>> -> memref<632x64xf32, #tpu.memory_space<hbm>>
        tpu.wait_dma2 semaphore(%run_scoped3A_176 : memref<!tpu.dma_semaphore, #tpu.memory_space<semaphore_mem>>) src(%dma_wait3A_188 : memref<632x64xf32, #tpu.memory_space<hbm>>) dst(%dma_wait3A_184 : memref<632x64xf32, #tpu.memory_space<vmem_shared>>)
        tpu.yield
      }) : () -> ()
      %jit3A = arith.constant 2 : i32
      %div3A = arith.divsi %add3A_9, %jit3A : i32
      %sign3A = arith.constant 0 : i32
      %sign3A_18 = arith.cmpi sgt, %add3A_9, %sign3A : i32
      %sign3A_19 = arith.extui %sign3A_18 : i1 to i32
      %sign3A_20 = arith.constant 0 : i32
      %sign3A_21 = arith.cmpi slt, %add3A_9, %sign3A_20 : i32
      %sign3A_22 = arith.extui %sign3A_21 : i1 to i32
      %sign3A_23 = arith.subi %sign3A_19, %sign3A_22 : i32
      %sign3A_24 = arith.constant 0 : i32
      %sign3A_25 = arith.cmpi sgt, %jit3A, %sign3A_24 : i32
      %sign3A_26 = arith.extui %sign3A_25 : i1 to i32
      %sign3A_27 = arith.constant 0 : i32
      %sign3A_28 = arith.cmpi slt, %jit3A, %sign3A_27 : i32
      %sign3A_29 = arith.extui %sign3A_28 : i1 to i32
      %sign3A_30 = arith.subi %sign3A_26, %sign3A_29 : i32
      %ne3A = arith.cmpi ne, %sign3A_23, %sign3A_30 : i32
      %rem3A = arith.remsi %add3A_9, %jit3A : i32
      %ne3A_31 = arith.constant 0 : i32
      %ne3A_32 = arith.cmpi ne, %rem3A, %ne3A_31 : i32
      %and3A = arith.andi %ne3A, %ne3A_32 : i1
      %sub3A = arith.constant 1 : i32
      %sub3A_33 = arith.subi %div3A, %sub3A : i32
      %select_n3A = arith.select %and3A, %sub3A_33, %div3A : i32
      %add3A_34 = arith.constant 0 : i32
      %add3A_35 = arith.addi %add3A_34, %select_n3A : i32
      %mul3A_36 = arith.constant 2560 : i32
      %mul3A_37 = arith.muli %add3A_35, %mul3A_36 : i32
      %mul3A_38 = arith.constant 160 : i32
      %mul3A_39 = arith.muli %arg1, %mul3A_38 : i32
      %add3A_40 = arith.addi %mul3A_37, %mul3A_39 : i32
      "tpu.region"() ({
        %run_scoped3A_176 = tpu.sem_alloc : memref<!tpu.dma_semaphore, #tpu.memory_space<semaphore_mem>>
        %dma_start3A_177 = arith.constant 0 : i32
        %dma_start3A_178 = tpu.memref_slice %arg3[%add3A_40, %dma_start3A_177] : memref<10240x128xi32, #tpu.memory_space<hbm>> -> memref<160x128xi32, #tpu.memory_space<hbm>>
        %dma_start3A_179 = arith.constant 0 : i32
        %dma_start3A_180 = tpu.memref_slice %arg3[%add3A_40, %dma_start3A_179] : memref<10240x128xi32, #tpu.memory_space<hbm>> -> memref<160x128xi32, #tpu.memory_space<hbm>>
        tpu.enqueue_dma source(%dma_start3A_180 : memref<160x128xi32, #tpu.memory_space<hbm>>) target(%arg6 : memref<160x128xi32, #tpu.memory_space<vmem>>) target_semaphore(%run_scoped3A_176 : memref<!tpu.dma_semaphore, #tpu.memory_space<semaphore_mem>>)
        %dma_wait3A_181 = arith.constant 0 : i32
        %dma_wait3A_182 = tpu.memref_slice %arg3[%add3A_40, %dma_wait3A_181] : memref<10240x128xi32, #tpu.memory_space<hbm>> -> memref<160x128xi32, #tpu.memory_space<hbm>>
        %dma_wait3A_183 = arith.constant 0 : i32
        %dma_wait3A_184 = tpu.memref_slice %arg3[%add3A_40, %dma_wait3A_183] : memref<10240x128xi32, #tpu.memory_space<hbm>> -> memref<160x128xi32, #tpu.memory_space<hbm>>
        tpu.wait_dma2 semaphore(%run_scoped3A_176 : memref<!tpu.dma_semaphore, #tpu.memory_space<semaphore_mem>>) src(%dma_wait3A_184 : memref<160x128xi32, #tpu.memory_space<hbm>>) dst(%arg6 : memref<160x128xi32, #tpu.memory_space<vmem>>)
        tpu.yield
      }) : () -> ()
      "tpu.region"() ({
        %run_scoped3A_176 = tpu.sem_alloc : memref<!tpu.dma_semaphore, #tpu.memory_space<semaphore_mem>>
        %dma_start3A_177 = arith.constant 0 : i32
        %dma_start3A_178 = tpu.memref_slice %arg4[%add3A_40, %dma_start3A_177] : memref<10240x128xi32, #tpu.memory_space<hbm>> -> memref<160x128xi32, #tpu.memory_space<hbm>>
        %dma_start3A_179 = arith.constant 0 : i32
        %dma_start3A_180 = tpu.memref_slice %arg4[%add3A_40, %dma_start3A_179] : memref<10240x128xi32, #tpu.memory_space<hbm>> -> memref<160x128xi32, #tpu.memory_space<hbm>>
        tpu.enqueue_dma source(%dma_start3A_180 : memref<160x128xi32, #tpu.memory_space<hbm>>) target(%arg7 : memref<160x128xi32, #tpu.memory_space<vmem>>) target_semaphore(%run_scoped3A_176 : memref<!tpu.dma_semaphore, #tpu.memory_space<semaphore_mem>>)
        %dma_wait3A_181 = arith.constant 0 : i32
        %dma_wait3A_182 = tpu.memref_slice %arg4[%add3A_40, %dma_wait3A_181] : memref<10240x128xi32, #tpu.memory_space<hbm>> -> memref<160x128xi32, #tpu.memory_space<hbm>>
        %dma_wait3A_183 = arith.constant 0 : i32
        %dma_wait3A_184 = tpu.memref_slice %arg4[%add3A_40, %dma_wait3A_183] : memref<10240x128xi32, #tpu.memory_space<hbm>> -> memref<160x128xi32, #tpu.memory_space<hbm>>
        tpu.wait_dma2 semaphore(%run_scoped3A_176 : memref<!tpu.dma_semaphore, #tpu.memory_space<semaphore_mem>>) src(%dma_wait3A_184 : memref<160x128xi32, #tpu.memory_space<hbm>>) dst(%arg7 : memref<160x128xi32, #tpu.memory_space<vmem>>)
        tpu.yield
      }) : () -> ()
      %dma_start3A = arith.constant 0 : i32
      %dma_start3A_41 = arith.constant 0 : i32
      %dma_start3A_42 = arith.constant 0 : i32
      %dma_start3A_43 = arith.constant 0 : i32
      %dma_start3A_44 = tpu.memref_slice %arg8[%dma_start3A_41, %dma_start3A_42, %dma_start3A_43] : memref<4x128x64xf32, #tpu.memory_space<vmem>> -> memref<1x128x64xf32, #tpu.memory_space<vmem>>
      %dma_start3A_45 = tpu.memref_squeeze %dma_start3A_44 : memref<1x128x64xf32, #tpu.memory_space<vmem>> -> memref<128x64xf32, #tpu.memory_space<vmem>>
      %dma_start3A_46 = arith.constant 0 : i32
      %dma_start3A_47 = tpu.memref_slice %arg6[%dma_start3A, %dma_start3A_46] : memref<160x128xi32, #tpu.memory_space<vmem>> -> memref<1x128xi32, #tpu.memory_space<vmem>>
      %dma_start3A_48 = tpu.memref_squeeze %dma_start3A_47 : memref<1x128xi32, #tpu.memory_space<vmem>> -> memref<128xi32, #tpu.memory_space<vmem>>
      %dma_start3A_49 = arith.constant 0 : i32
      %dma_start3A_50 = tpu.memref_slice %arg2[%add3A_13, %dma_start3A_49] : memref<80896x64xf32, #tpu.memory_space<hbm>> -> memref<10112x64xf32, #tpu.memory_space<hbm>>
      %dma_start3A_51 = arith.constant 0 : i32
      %dma_start3A_52 = arith.constant 0 : i32
      %dma_start3A_53 = tpu.memref_slice %dma_start3A_50[%dma_start3A_51, %dma_start3A_52] : memref<10112x64xf32, #tpu.memory_space<hbm>> -> memref<10112x64xf32, #tpu.memory_space<hbm>>
      tpu.enqueue_indirect_dma source(%dma_start3A_53 : memref<10112x64xf32, #tpu.memory_space<hbm>>) target(%dma_start3A_45 : memref<128x64xf32, #tpu.memory_space<vmem>>) offsets(%dma_start3A_48 : memref<128xi32, #tpu.memory_space<vmem>>) semaphore(%arg10 : memref<!tpu.dma_semaphore, #tpu.memory_space<semaphore_mem>>)
      %dma_start3A_54 = arith.constant 1 : i32
      %dma_start3A_55 = arith.constant 1 : i32
      %dma_start3A_56 = arith.constant 0 : i32
      %dma_start3A_57 = arith.constant 0 : i32
      %dma_start3A_58 = tpu.memref_slice %arg8[%dma_start3A_55, %dma_start3A_56, %dma_start3A_57] : memref<4x128x64xf32, #tpu.memory_space<vmem>> -> memref<1x128x64xf32, #tpu.memory_space<vmem>>
      %dma_start3A_59 = tpu.memref_squeeze %dma_start3A_58 : memref<1x128x64xf32, #tpu.memory_space<vmem>> -> memref<128x64xf32, #tpu.memory_space<vmem>>
      %dma_start3A_60 = arith.constant 0 : i32
      %dma_start3A_61 = tpu.memref_slice %arg6[%dma_start3A_54, %dma_start3A_60] : memref<160x128xi32, #tpu.memory_space<vmem>> -> memref<1x128xi32, #tpu.memory_space<vmem>>
      %dma_start3A_62 = tpu.memref_squeeze %dma_start3A_61 : memref<1x128xi32, #tpu.memory_space<vmem>> -> memref<128xi32, #tpu.memory_space<vmem>>
      %dma_start3A_63 = arith.constant 0 : i32
      %dma_start3A_64 = tpu.memref_slice %arg2[%add3A_13, %dma_start3A_63] : memref<80896x64xf32, #tpu.memory_space<hbm>> -> memref<10112x64xf32, #tpu.memory_space<hbm>>
      %dma_start3A_65 = arith.constant 0 : i32
      %dma_start3A_66 = arith.constant 0 : i32
      %dma_start3A_67 = tpu.memref_slice %dma_start3A_64[%dma_start3A_65, %dma_start3A_66] : memref<10112x64xf32, #tpu.memory_space<hbm>> -> memref<10112x64xf32, #tpu.memory_space<hbm>>
      tpu.enqueue_indirect_dma source(%dma_start3A_67 : memref<10112x64xf32, #tpu.memory_space<hbm>>) target(%dma_start3A_59 : memref<128x64xf32, #tpu.memory_space<vmem>>) offsets(%dma_start3A_62 : memref<128xi32, #tpu.memory_space<vmem>>) semaphore(%arg11 : memref<!tpu.dma_semaphore, #tpu.memory_space<semaphore_mem>>)
      %dma_start3A_68 = arith.constant 2 : i32
      %dma_start3A_69 = arith.constant 2 : i32
      %dma_start3A_70 = arith.constant 0 : i32
      %dma_start3A_71 = arith.constant 0 : i32
      %dma_start3A_72 = tpu.memref_slice %arg8[%dma_start3A_69, %dma_start3A_70, %dma_start3A_71] : memref<4x128x64xf32, #tpu.memory_space<vmem>> -> memref<1x128x64xf32, #tpu.memory_space<vmem>>
      %dma_start3A_73 = tpu.memref_squeeze %dma_start3A_72 : memref<1x128x64xf32, #tpu.memory_space<vmem>> -> memref<128x64xf32, #tpu.memory_space<vmem>>
      %dma_start3A_74 = arith.constant 0 : i32
      %dma_start3A_75 = tpu.memref_slice %arg6[%dma_start3A_68, %dma_start3A_74] : memref<160x128xi32, #tpu.memory_space<vmem>> -> memref<1x128xi32, #tpu.memory_space<vmem>>
      %dma_start3A_76 = tpu.memref_squeeze %dma_start3A_75 : memref<1x128xi32, #tpu.memory_space<vmem>> -> memref<128xi32, #tpu.memory_space<vmem>>
      %dma_start3A_77 = arith.constant 0 : i32
      %dma_start3A_78 = tpu.memref_slice %arg2[%add3A_13, %dma_start3A_77] : memref<80896x64xf32, #tpu.memory_space<hbm>> -> memref<10112x64xf32, #tpu.memory_space<hbm>>
      %dma_start3A_79 = arith.constant 0 : i32
      %dma_start3A_80 = arith.constant 0 : i32
      %dma_start3A_81 = tpu.memref_slice %dma_start3A_78[%dma_start3A_79, %dma_start3A_80] : memref<10112x64xf32, #tpu.memory_space<hbm>> -> memref<10112x64xf32, #tpu.memory_space<hbm>>
      tpu.enqueue_indirect_dma source(%dma_start3A_81 : memref<10112x64xf32, #tpu.memory_space<hbm>>) target(%dma_start3A_73 : memref<128x64xf32, #tpu.memory_space<vmem>>) offsets(%dma_start3A_76 : memref<128xi32, #tpu.memory_space<vmem>>) semaphore(%arg12 : memref<!tpu.dma_semaphore, #tpu.memory_space<semaphore_mem>>)
      %dma_start3A_82 = arith.constant 3 : i32
      %dma_start3A_83 = arith.constant 3 : i32
      %dma_start3A_84 = arith.constant 0 : i32
      %dma_start3A_85 = arith.constant 0 : i32
      %dma_start3A_86 = tpu.memref_slice %arg8[%dma_start3A_83, %dma_start3A_84, %dma_start3A_85] : memref<4x128x64xf32, #tpu.memory_space<vmem>> -> memref<1x128x64xf32, #tpu.memory_space<vmem>>
      %dma_start3A_87 = tpu.memref_squeeze %dma_start3A_86 : memref<1x128x64xf32, #tpu.memory_space<vmem>> -> memref<128x64xf32, #tpu.memory_space<vmem>>
      %dma_start3A_88 = arith.constant 0 : i32
      %dma_start3A_89 = tpu.memref_slice %arg6[%dma_start3A_82, %dma_start3A_88] : memref<160x128xi32, #tpu.memory_space<vmem>> -> memref<1x128xi32, #tpu.memory_space<vmem>>
      %dma_start3A_90 = tpu.memref_squeeze %dma_start3A_89 : memref<1x128xi32, #tpu.memory_space<vmem>> -> memref<128xi32, #tpu.memory_space<vmem>>
      %dma_start3A_91 = arith.constant 0 : i32
      %dma_start3A_92 = tpu.memref_slice %arg2[%add3A_13, %dma_start3A_91] : memref<80896x64xf32, #tpu.memory_space<hbm>> -> memref<10112x64xf32, #tpu.memory_space<hbm>>
      %dma_start3A_93 = arith.constant 0 : i32
      %dma_start3A_94 = arith.constant 0 : i32
      %dma_start3A_95 = tpu.memref_slice %dma_start3A_92[%dma_start3A_93, %dma_start3A_94] : memref<10112x64xf32, #tpu.memory_space<hbm>> -> memref<10112x64xf32, #tpu.memory_space<hbm>>
      tpu.enqueue_indirect_dma source(%dma_start3A_95 : memref<10112x64xf32, #tpu.memory_space<hbm>>) target(%dma_start3A_87 : memref<128x64xf32, #tpu.memory_space<vmem>>) offsets(%dma_start3A_90 : memref<128xi32, #tpu.memory_space<vmem>>) semaphore(%arg13 : memref<!tpu.dma_semaphore, #tpu.memory_space<semaphore_mem>>)
      %barrier3A = arith.constant 0 : index
      tpu.barrier barrier_id(%barrier3A)
      %scan3A_96 = arith.constant 0 : i32
      %scan3A_97 = arith.constant 39 : i32
      %scan3A_98 = arith.addi %scan3A_96, %scan3A_97 : i32
      %scan3A_99 = arith.constant 1 : i32
      scf.for %scan3A_176 = %scan3A_96 to %scan3A_98 step %scan3A_99  : i32 {
        %mul3A_177 = arith.constant 1 : i32
        %mul3A_178 = arith.muli %scan3A_176, %mul3A_177 : i32
        %add3A_179 = arith.constant 0 : i32
        %add3A_180 = arith.addi %add3A_179, %mul3A_178 : i32
        %dma_wait3A_181 = arith.constant 0 : i32
        %dma_wait3A_182 = arith.constant 0 : i32
        %dma_wait3A_183 = arith.constant 0 : i32
        %dma_wait3A_184 = tpu.memref_slice %arg8[%dma_wait3A_181, %dma_wait3A_182, %dma_wait3A_183] : memref<4x128x64xf32, #tpu.memory_space<vmem>> -> memref<1x128x64xf32, #tpu.memory_space<vmem>>
        %dma_wait3A_185 = tpu.memref_squeeze %dma_wait3A_184 : memref<1x128x64xf32, #tpu.memory_space<vmem>> -> memref<128x64xf32, #tpu.memory_space<vmem>>
        %dma_wait3A_186 = arith.constant 0 : i32
        %dma_wait3A_187 = arith.constant 0 : i32
        %dma_wait3A_188 = tpu.memref_slice %arg2[%dma_wait3A_186, %dma_wait3A_187] : memref<80896x64xf32, #tpu.memory_space<hbm>> -> memref<128x64xf32, #tpu.memory_space<hbm>>
        %dma_wait3A_189 = arith.constant 0 : i32
        %dma_wait3A_190 = arith.constant 0 : i32
        %dma_wait3A_191 = tpu.memref_slice %arg8[%dma_wait3A_181, %dma_wait3A_189, %dma_wait3A_190] : memref<4x128x64xf32, #tpu.memory_space<vmem>> -> memref<1x128x64xf32, #tpu.memory_space<vmem>>
        %dma_wait3A_192 = tpu.memref_squeeze %dma_wait3A_191 : memref<1x128x64xf32, #tpu.memory_space<vmem>> -> memref<128x64xf32, #tpu.memory_space<vmem>>
        %dma_wait3A_193 = arith.constant 0 : i32
        %dma_wait3A_194 = arith.constant 0 : i32
        %dma_wait3A_195 = tpu.memref_slice %arg2[%dma_wait3A_193, %dma_wait3A_194] : memref<80896x64xf32, #tpu.memory_space<hbm>> -> memref<128x64xf32, #tpu.memory_space<hbm>>
        tpu.wait_dma2 semaphore(%arg10 : memref<!tpu.dma_semaphore, #tpu.memory_space<semaphore_mem>>) src(%dma_wait3A_195 : memref<128x64xf32, #tpu.memory_space<hbm>>) dst(%dma_wait3A_192 : memref<128x64xf32, #tpu.memory_space<vmem>>)
        %mul3A_196 = arith.constant 4 : i32
        %mul3A_197 = arith.muli %add3A_180, %mul3A_196 : i32
        %add3A_198 = arith.constant 0 : i32
        %add3A_199 = arith.addi %mul3A_197, %add3A_198 : i32
        %run_scoped3A_200 = arith.constant 0 : i32
        "tpu.region"() ({
          %run_scoped3A_337 = tpu.sem_alloc : memref<!tpu.dma_semaphore, #tpu.memory_space<semaphore_mem>>
          %dma_start3A_338 = arith.constant 0 : i32
          %dma_start3A_339 = arith.constant 0 : i32
          %dma_start3A_340 = tpu.memref_slice %arg8[%run_scoped3A_200, %dma_start3A_338, %dma_start3A_339] : memref<4x128x64xf32, #tpu.memory_space<vmem>> -> memref<1x128x64xf32, #tpu.memory_space<vmem>>
          %dma_start3A_341 = tpu.memref_squeeze %dma_start3A_340 : memref<1x128x64xf32, #tpu.memory_space<vmem>> -> memref<128x64xf32, #tpu.memory_space<vmem>>
          %dma_start3A_342 = arith.constant 0 : i32
          %dma_start3A_343 = tpu.memref_slice %arg7[%add3A_199, %dma_start3A_342] : memref<160x128xi32, #tpu.memory_space<vmem>> -> memref<1x128xi32, #tpu.memory_space<vmem>>
          %dma_start3A_344 = tpu.memref_squeeze %dma_start3A_343 : memref<1x128xi32, #tpu.memory_space<vmem>> -> memref<128xi32, #tpu.memory_space<vmem>>
          %dma_start3A_345 = arith.constant 0 : i32
          %dma_start3A_346 = arith.constant 0 : i32
          %dma_start3A_347 = tpu.memref_slice %arg9[%dma_start3A_345, %dma_start3A_346] : memref<10112x64xf32, #tpu.memory_space<vmem_shared>> -> memref<10112x64xf32, #tpu.memory_space<vmem_shared>>
          tpu.enqueue_indirect_dma source(%dma_start3A_341 : memref<128x64xf32, #tpu.memory_space<vmem>>) target(%dma_start3A_347 : memref<10112x64xf32, #tpu.memory_space<vmem_shared>>) offsets(%dma_start3A_344 : memref<128xi32, #tpu.memory_space<vmem>>) semaphore(%run_scoped3A_337 : memref<!tpu.dma_semaphore, #tpu.memory_space<semaphore_mem>>) {add = true}
          %dma_wait3A_348 = arith.constant 0 : i32
          %dma_wait3A_349 = arith.constant 0 : i32
          %dma_wait3A_350 = tpu.memref_slice %arg8[%run_scoped3A_200, %dma_wait3A_348, %dma_wait3A_349] : memref<4x128x64xf32, #tpu.memory_space<vmem>> -> memref<1x128x64xf32, #tpu.memory_space<vmem>>
          %dma_wait3A_351 = tpu.memref_squeeze %dma_wait3A_350 : memref<1x128x64xf32, #tpu.memory_space<vmem>> -> memref<128x64xf32, #tpu.memory_space<vmem>>
          %dma_wait3A_352 = arith.constant 0 : i32
          %dma_wait3A_353 = tpu.memref_slice %arg7[%add3A_199, %dma_wait3A_352] : memref<160x128xi32, #tpu.memory_space<vmem>> -> memref<1x128xi32, #tpu.memory_space<vmem>>
          %dma_wait3A_354 = tpu.memref_squeeze %dma_wait3A_353 : memref<1x128xi32, #tpu.memory_space<vmem>> -> memref<128xi32, #tpu.memory_space<vmem>>
          %dma_wait3A_355 = arith.constant 0 : i32
          %dma_wait3A_356 = arith.constant 0 : i32
          %dma_wait3A_357 = tpu.memref_slice %arg9[%dma_wait3A_355, %dma_wait3A_356] : memref<10112x64xf32, #tpu.memory_space<vmem_shared>> -> memref<10112x64xf32, #tpu.memory_space<vmem_shared>>
          tpu.wait_indirect_dma semaphore(%run_scoped3A_337 : memref<!tpu.dma_semaphore, #tpu.memory_space<semaphore_mem>>) src(%dma_wait3A_351 : memref<128x64xf32, #tpu.memory_space<vmem>>) dst(%dma_wait3A_357 : memref<10112x64xf32, #tpu.memory_space<vmem_shared>>)
          tpu.yield
        }) : () -> ()
        %add3A_201 = arith.constant 1 : i32
        %add3A_202 = arith.addi %add3A_180, %add3A_201 : i32
        %mul3A_203 = arith.constant 4 : i32
        %mul3A_204 = arith.muli %add3A_202, %mul3A_203 : i32
        %add3A_205 = arith.constant 0 : i32
        %add3A_206 = arith.addi %mul3A_204, %add3A_205 : i32
        %dma_start3A_207 = arith.constant 0 : i32
        %dma_start3A_208 = arith.constant 0 : i32
        %dma_start3A_209 = arith.constant 0 : i32
        %dma_start3A_210 = tpu.memref_slice %arg8[%dma_start3A_207, %dma_start3A_208, %dma_start3A_209] : memref<4x128x64xf32, #tpu.memory_space<vmem>> -> memref<1x128x64xf32, #tpu.memory_space<vmem>>
        %dma_start3A_211 = tpu.memref_squeeze %dma_start3A_210 : memref<1x128x64xf32, #tpu.memory_space<vmem>> -> memref<128x64xf32, #tpu.memory_space<vmem>>
        %dma_start3A_212 = arith.constant 0 : i32
        %dma_start3A_213 = tpu.memref_slice %arg6[%add3A_206, %dma_start3A_212] : memref<160x128xi32, #tpu.memory_space<vmem>> -> memref<1x128xi32, #tpu.memory_space<vmem>>
        %dma_start3A_214 = tpu.memref_squeeze %dma_start3A_213 : memref<1x128xi32, #tpu.memory_space<vmem>> -> memref<128xi32, #tpu.memory_space<vmem>>
        %dma_start3A_215 = arith.constant 0 : i32
        %dma_start3A_216 = tpu.memref_slice %arg2[%add3A_13, %dma_start3A_215] : memref<80896x64xf32, #tpu.memory_space<hbm>> -> memref<10112x64xf32, #tpu.memory_space<hbm>>
        %dma_start3A_217 = arith.constant 0 : i32
        %dma_start3A_218 = arith.constant 0 : i32
        %dma_start3A_219 = tpu.memref_slice %dma_start3A_216[%dma_start3A_217, %dma_start3A_218] : memref<10112x64xf32, #tpu.memory_space<hbm>> -> memref<10112x64xf32, #tpu.memory_space<hbm>>
        tpu.enqueue_indirect_dma source(%dma_start3A_219 : memref<10112x64xf32, #tpu.memory_space<hbm>>) target(%dma_start3A_211 : memref<128x64xf32, #tpu.memory_space<vmem>>) offsets(%dma_start3A_214 : memref<128xi32, #tpu.memory_space<vmem>>) semaphore(%arg10 : memref<!tpu.dma_semaphore, #tpu.memory_space<semaphore_mem>>)
        %dma_wait3A_220 = arith.constant 1 : i32
        %dma_wait3A_221 = arith.constant 0 : i32
        %dma_wait3A_222 = arith.constant 0 : i32
        %dma_wait3A_223 = tpu.memref_slice %arg8[%dma_wait3A_220, %dma_wait3A_221, %dma_wait3A_222] : memref<4x128x64xf32, #tpu.memory_space<vmem>> -> memref<1x128x64xf32, #tpu.memory_space<vmem>>
        %dma_wait3A_224 = tpu.memref_squeeze %dma_wait3A_223 : memref<1x128x64xf32, #tpu.memory_space<vmem>> -> memref<128x64xf32, #tpu.memory_space<vmem>>
        %dma_wait3A_225 = arith.constant 0 : i32
        %dma_wait3A_226 = arith.constant 0 : i32
        %dma_wait3A_227 = tpu.memref_slice %arg2[%dma_wait3A_225, %dma_wait3A_226] : memref<80896x64xf32, #tpu.memory_space<hbm>> -> memref<128x64xf32, #tpu.memory_space<hbm>>
        %dma_wait3A_228 = arith.constant 0 : i32
        %dma_wait3A_229 = arith.constant 0 : i32
        %dma_wait3A_230 = tpu.memref_slice %arg8[%dma_wait3A_220, %dma_wait3A_228, %dma_wait3A_229] : memref<4x128x64xf32, #tpu.memory_space<vmem>> -> memref<1x128x64xf32, #tpu.memory_space<vmem>>
        %dma_wait3A_231 = tpu.memref_squeeze %dma_wait3A_230 : memref<1x128x64xf32, #tpu.memory_space<vmem>> -> memref<128x64xf32, #tpu.memory_space<vmem>>
        %dma_wait3A_232 = arith.constant 0 : i32
        %dma_wait3A_233 = arith.constant 0 : i32
        %dma_wait3A_234 = tpu.memref_slice %arg2[%dma_wait3A_232, %dma_wait3A_233] : memref<80896x64xf32, #tpu.memory_space<hbm>> -> memref<128x64xf32, #tpu.memory_space<hbm>>
        tpu.wait_dma2 semaphore(%arg11 : memref<!tpu.dma_semaphore, #tpu.memory_space<semaphore_mem>>) src(%dma_wait3A_234 : memref<128x64xf32, #tpu.memory_space<hbm>>) dst(%dma_wait3A_231 : memref<128x64xf32, #tpu.memory_space<vmem>>)
        %mul3A_235 = arith.constant 4 : i32
        %mul3A_236 = arith.muli %add3A_180, %mul3A_235 : i32
        %add3A_237 = arith.constant 1 : i32
        %add3A_238 = arith.addi %mul3A_236, %add3A_237 : i32
        %run_scoped3A_239 = arith.constant 1 : i32
        "tpu.region"() ({
          %run_scoped3A_337 = tpu.sem_alloc : memref<!tpu.dma_semaphore, #tpu.memory_space<semaphore_mem>>
          %dma_start3A_338 = arith.constant 0 : i32
          %dma_start3A_339 = arith.constant 0 : i32
          %dma_start3A_340 = tpu.memref_slice %arg8[%run_scoped3A_239, %dma_start3A_338, %dma_start3A_339] : memref<4x128x64xf32, #tpu.memory_space<vmem>> -> memref<1x128x64xf32, #tpu.memory_space<vmem>>
          %dma_start3A_341 = tpu.memref_squeeze %dma_start3A_340 : memref<1x128x64xf32, #tpu.memory_space<vmem>> -> memref<128x64xf32, #tpu.memory_space<vmem>>
          %dma_start3A_342 = arith.constant 0 : i32
          %dma_start3A_343 = tpu.memref_slice %arg7[%add3A_238, %dma_start3A_342] : memref<160x128xi32, #tpu.memory_space<vmem>> -> memref<1x128xi32, #tpu.memory_space<vmem>>
          %dma_start3A_344 = tpu.memref_squeeze %dma_start3A_343 : memref<1x128xi32, #tpu.memory_space<vmem>> -> memref<128xi32, #tpu.memory_space<vmem>>
          %dma_start3A_345 = arith.constant 0 : i32
          %dma_start3A_346 = arith.constant 0 : i32
          %dma_start3A_347 = tpu.memref_slice %arg9[%dma_start3A_345, %dma_start3A_346] : memref<10112x64xf32, #tpu.memory_space<vmem_shared>> -> memref<10112x64xf32, #tpu.memory_space<vmem_shared>>
          tpu.enqueue_indirect_dma source(%dma_start3A_341 : memref<128x64xf32, #tpu.memory_space<vmem>>) target(%dma_start3A_347 : memref<10112x64xf32, #tpu.memory_space<vmem_shared>>) offsets(%dma_start3A_344 : memref<128xi32, #tpu.memory_space<vmem>>) semaphore(%run_scoped3A_337 : memref<!tpu.dma_semaphore, #tpu.memory_space<semaphore_mem>>) {add = true}
          %dma_wait3A_348 = arith.constant 0 : i32
          %dma_wait3A_349 = arith.constant 0 : i32
          %dma_wait3A_350 = tpu.memref_slice %arg8[%run_scoped3A_239, %dma_wait3A_348, %dma_wait3A_349] : memref<4x128x64xf32, #tpu.memory_space<vmem>> -> memref<1x128x64xf32, #tpu.memory_space<vmem>>
          %dma_wait3A_351 = tpu.memref_squeeze %dma_wait3A_350 : memref<1x128x64xf32, #tpu.memory_space<vmem>> -> memref<128x64xf32, #tpu.memory_space<vmem>>
          %dma_wait3A_352 = arith.constant 0 : i32
          %dma_wait3A_353 = tpu.memref_slice %arg7[%add3A_238, %dma_wait3A_352] : memref<160x128xi32, #tpu.memory_space<vmem>> -> memref<1x128xi32, #tpu.memory_space<vmem>>
          %dma_wait3A_354 = tpu.memref_squeeze %dma_wait3A_353 : memref<1x128xi32, #tpu.memory_space<vmem>> -> memref<128xi32, #tpu.memory_space<vmem>>
          %dma_wait3A_355 = arith.constant 0 : i32
          %dma_wait3A_356 = arith.constant 0 : i32
          %dma_wait3A_357 = tpu.memref_slice %arg9[%dma_wait3A_355, %dma_wait3A_356] : memref<10112x64xf32, #tpu.memory_space<vmem_shared>> -> memref<10112x64xf32, #tpu.memory_space<vmem_shared>>
          tpu.wait_indirect_dma semaphore(%run_scoped3A_337 : memref<!tpu.dma_semaphore, #tpu.memory_space<semaphore_mem>>) src(%dma_wait3A_351 : memref<128x64xf32, #tpu.memory_space<vmem>>) dst(%dma_wait3A_357 : memref<10112x64xf32, #tpu.memory_space<vmem_shared>>)
          tpu.yield
        }) : () -> ()
        %add3A_240 = arith.constant 1 : i32
        %add3A_241 = arith.addi %add3A_180, %add3A_240 : i32
        %mul3A_242 = arith.constant 4 : i32
        %mul3A_243 = arith.muli %add3A_241, %mul3A_242 : i32
        %add3A_244 = arith.constant 1 : i32
        %add3A_245 = arith.addi %mul3A_243, %add3A_244 : i32
        %dma_start3A_246 = arith.constant 1 : i32
        %dma_start3A_247 = arith.constant 0 : i32
        %dma_start3A_248 = arith.constant 0 : i32
        %dma_start3A_249 = tpu.memref_slice %arg8[%dma_start3A_246, %dma_start3A_247, %dma_start3A_248] : memref<4x128x64xf32, #tpu.memory_space<vmem>> -> memref<1x128x64xf32, #tpu.memory_space<vmem>>
        %dma_start3A_250 = tpu.memref_squeeze %dma_start3A_249 : memref<1x128x64xf32, #tpu.memory_space<vmem>> -> memref<128x64xf32, #tpu.memory_space<vmem>>
        %dma_start3A_251 = arith.constant 0 : i32
        %dma_start3A_252 = tpu.memref_slice %arg6[%add3A_245, %dma_start3A_251] : memref<160x128xi32, #tpu.memory_space<vmem>> -> memref<1x128xi32, #tpu.memory_space<vmem>>
        %dma_start3A_253 = tpu.memref_squeeze %dma_start3A_252 : memref<1x128xi32, #tpu.memory_space<vmem>> -> memref<128xi32, #tpu.memory_space<vmem>>
        %dma_start3A_254 = arith.constant 0 : i32
        %dma_start3A_255 = tpu.memref_slice %arg2[%add3A_13, %dma_start3A_254] : memref<80896x64xf32, #tpu.memory_space<hbm>> -> memref<10112x64xf32, #tpu.memory_space<hbm>>
        %dma_start3A_256 = arith.constant 0 : i32
        %dma_start3A_257 = arith.constant 0 : i32
        %dma_start3A_258 = tpu.memref_slice %dma_start3A_255[%dma_start3A_256, %dma_start3A_257] : memref<10112x64xf32, #tpu.memory_space<hbm>> -> memref<10112x64xf32, #tpu.memory_space<hbm>>
        tpu.enqueue_indirect_dma source(%dma_start3A_258 : memref<10112x64xf32, #tpu.memory_space<hbm>>) target(%dma_start3A_250 : memref<128x64xf32, #tpu.memory_space<vmem>>) offsets(%dma_start3A_253 : memref<128xi32, #tpu.memory_space<vmem>>) semaphore(%arg11 : memref<!tpu.dma_semaphore, #tpu.memory_space<semaphore_mem>>)
        %dma_wait3A_259 = arith.constant 2 : i32
        %dma_wait3A_260 = arith.constant 0 : i32
        %dma_wait3A_261 = arith.constant 0 : i32
        %dma_wait3A_262 = tpu.memref_slice %arg8[%dma_wait3A_259, %dma_wait3A_260, %dma_wait3A_261] : memref<4x128x64xf32, #tpu.memory_space<vmem>> -> memref<1x128x64xf32, #tpu.memory_space<vmem>>
        %dma_wait3A_263 = tpu.memref_squeeze %dma_wait3A_262 : memref<1x128x64xf32, #tpu.memory_space<vmem>> -> memref<128x64xf32, #tpu.memory_space<vmem>>
        %dma_wait3A_264 = arith.constant 0 : i32
        %dma_wait3A_265 = arith.constant 0 : i32
        %dma_wait3A_266 = tpu.memref_slice %arg2[%dma_wait3A_264, %dma_wait3A_265] : memref<80896x64xf32, #tpu.memory_space<hbm>> -> memref<128x64xf32, #tpu.memory_space<hbm>>
        %dma_wait3A_267 = arith.constant 0 : i32
        %dma_wait3A_268 = arith.constant 0 : i32
        %dma_wait3A_269 = tpu.memref_slice %arg8[%dma_wait3A_259, %dma_wait3A_267, %dma_wait3A_268] : memref<4x128x64xf32, #tpu.memory_space<vmem>> -> memref<1x128x64xf32, #tpu.memory_space<vmem>>
        %dma_wait3A_270 = tpu.memref_squeeze %dma_wait3A_269 : memref<1x128x64xf32, #tpu.memory_space<vmem>> -> memref<128x64xf32, #tpu.memory_space<vmem>>
        %dma_wait3A_271 = arith.constant 0 : i32
        %dma_wait3A_272 = arith.constant 0 : i32
        %dma_wait3A_273 = tpu.memref_slice %arg2[%dma_wait3A_271, %dma_wait3A_272] : memref<80896x64xf32, #tpu.memory_space<hbm>> -> memref<128x64xf32, #tpu.memory_space<hbm>>
        tpu.wait_dma2 semaphore(%arg12 : memref<!tpu.dma_semaphore, #tpu.memory_space<semaphore_mem>>) src(%dma_wait3A_273 : memref<128x64xf32, #tpu.memory_space<hbm>>) dst(%dma_wait3A_270 : memref<128x64xf32, #tpu.memory_space<vmem>>)
        %mul3A_274 = arith.constant 4 : i32
        %mul3A_275 = arith.muli %add3A_180, %mul3A_274 : i32
        %add3A_276 = arith.constant 2 : i32
        %add3A_277 = arith.addi %mul3A_275, %add3A_276 : i32
        %run_scoped3A_278 = arith.constant 2 : i32
        "tpu.region"() ({
          %run_scoped3A_337 = tpu.sem_alloc : memref<!tpu.dma_semaphore, #tpu.memory_space<semaphore_mem>>
          %dma_start3A_338 = arith.constant 0 : i32
          %dma_start3A_339 = arith.constant 0 : i32
          %dma_start3A_340 = tpu.memref_slice %arg8[%run_scoped3A_278, %dma_start3A_338, %dma_start3A_339] : memref<4x128x64xf32, #tpu.memory_space<vmem>> -> memref<1x128x64xf32, #tpu.memory_space<vmem>>
          %dma_start3A_341 = tpu.memref_squeeze %dma_start3A_340 : memref<1x128x64xf32, #tpu.memory_space<vmem>> -> memref<128x64xf32, #tpu.memory_space<vmem>>
          %dma_start3A_342 = arith.constant 0 : i32
          %dma_start3A_343 = tpu.memref_slice %arg7[%add3A_277, %dma_start3A_342] : memref<160x128xi32, #tpu.memory_space<vmem>> -> memref<1x128xi32, #tpu.memory_space<vmem>>
          %dma_start3A_344 = tpu.memref_squeeze %dma_start3A_343 : memref<1x128xi32, #tpu.memory_space<vmem>> -> memref<128xi32, #tpu.memory_space<vmem>>
          %dma_start3A_345 = arith.constant 0 : i32
          %dma_start3A_346 = arith.constant 0 : i32
          %dma_start3A_347 = tpu.memref_slice %arg9[%dma_start3A_345, %dma_start3A_346] : memref<10112x64xf32, #tpu.memory_space<vmem_shared>> -> memref<10112x64xf32, #tpu.memory_space<vmem_shared>>
          tpu.enqueue_indirect_dma source(%dma_start3A_341 : memref<128x64xf32, #tpu.memory_space<vmem>>) target(%dma_start3A_347 : memref<10112x64xf32, #tpu.memory_space<vmem_shared>>) offsets(%dma_start3A_344 : memref<128xi32, #tpu.memory_space<vmem>>) semaphore(%run_scoped3A_337 : memref<!tpu.dma_semaphore, #tpu.memory_space<semaphore_mem>>) {add = true}
          %dma_wait3A_348 = arith.constant 0 : i32
          %dma_wait3A_349 = arith.constant 0 : i32
          %dma_wait3A_350 = tpu.memref_slice %arg8[%run_scoped3A_278, %dma_wait3A_348, %dma_wait3A_349] : memref<4x128x64xf32, #tpu.memory_space<vmem>> -> memref<1x128x64xf32, #tpu.memory_space<vmem>>
          %dma_wait3A_351 = tpu.memref_squeeze %dma_wait3A_350 : memref<1x128x64xf32, #tpu.memory_space<vmem>> -> memref<128x64xf32, #tpu.memory_space<vmem>>
          %dma_wait3A_352 = arith.constant 0 : i32
          %dma_wait3A_353 = tpu.memref_slice %arg7[%add3A_277, %dma_wait3A_352] : memref<160x128xi32, #tpu.memory_space<vmem>> -> memref<1x128xi32, #tpu.memory_space<vmem>>
          %dma_wait3A_354 = tpu.memref_squeeze %dma_wait3A_353 : memref<1x128xi32, #tpu.memory_space<vmem>> -> memref<128xi32, #tpu.memory_space<vmem>>
          %dma_wait3A_355 = arith.constant 0 : i32
          %dma_wait3A_356 = arith.constant 0 : i32
          %dma_wait3A_357 = tpu.memref_slice %arg9[%dma_wait3A_355, %dma_wait3A_356] : memref<10112x64xf32, #tpu.memory_space<vmem_shared>> -> memref<10112x64xf32, #tpu.memory_space<vmem_shared>>
          tpu.wait_indirect_dma semaphore(%run_scoped3A_337 : memref<!tpu.dma_semaphore, #tpu.memory_space<semaphore_mem>>) src(%dma_wait3A_351 : memref<128x64xf32, #tpu.memory_space<vmem>>) dst(%dma_wait3A_357 : memref<10112x64xf32, #tpu.memory_space<vmem_shared>>)
          tpu.yield
        }) : () -> ()
        %add3A_279 = arith.constant 1 : i32
        %add3A_280 = arith.addi %add3A_180, %add3A_279 : i32
        %mul3A_281 = arith.constant 4 : i32
        %mul3A_282 = arith.muli %add3A_280, %mul3A_281 : i32
        %add3A_283 = arith.constant 2 : i32
        %add3A_284 = arith.addi %mul3A_282, %add3A_283 : i32
        %dma_start3A_285 = arith.constant 2 : i32
        %dma_start3A_286 = arith.constant 0 : i32
        %dma_start3A_287 = arith.constant 0 : i32
        %dma_start3A_288 = tpu.memref_slice %arg8[%dma_start3A_285, %dma_start3A_286, %dma_start3A_287] : memref<4x128x64xf32, #tpu.memory_space<vmem>> -> memref<1x128x64xf32, #tpu.memory_space<vmem>>
        %dma_start3A_289 = tpu.memref_squeeze %dma_start3A_288 : memref<1x128x64xf32, #tpu.memory_space<vmem>> -> memref<128x64xf32, #tpu.memory_space<vmem>>
        %dma_start3A_290 = arith.constant 0 : i32
        %dma_start3A_291 = tpu.memref_slice %arg6[%add3A_284, %dma_start3A_290] : memref<160x128xi32, #tpu.memory_space<vmem>> -> memref<1x128xi32, #tpu.memory_space<vmem>>
        %dma_start3A_292 = tpu.memref_squeeze %dma_start3A_291 : memref<1x128xi32, #tpu.memory_space<vmem>> -> memref<128xi32, #tpu.memory_space<vmem>>
        %dma_start3A_293 = arith.constant 0 : i32
        %dma_start3A_294 = tpu.memref_slice %arg2[%add3A_13, %dma_start3A_293] : memref<80896x64xf32, #tpu.memory_space<hbm>> -> memref<10112x64xf32, #tpu.memory_space<hbm>>
        %dma_start3A_295 = arith.constant 0 : i32
        %dma_start3A_296 = arith.constant 0 : i32
        %dma_start3A_297 = tpu.memref_slice %dma_start3A_294[%dma_start3A_295, %dma_start3A_296] : memref<10112x64xf32, #tpu.memory_space<hbm>> -> memref<10112x64xf32, #tpu.memory_space<hbm>>
        tpu.enqueue_indirect_dma source(%dma_start3A_297 : memref<10112x64xf32, #tpu.memory_space<hbm>>) target(%dma_start3A_289 : memref<128x64xf32, #tpu.memory_space<vmem>>) offsets(%dma_start3A_292 : memref<128xi32, #tpu.memory_space<vmem>>) semaphore(%arg12 : memref<!tpu.dma_semaphore, #tpu.memory_space<semaphore_mem>>)
        %dma_wait3A_298 = arith.constant 3 : i32
        %dma_wait3A_299 = arith.constant 0 : i32
        %dma_wait3A_300 = arith.constant 0 : i32
        %dma_wait3A_301 = tpu.memref_slice %arg8[%dma_wait3A_298, %dma_wait3A_299, %dma_wait3A_300] : memref<4x128x64xf32, #tpu.memory_space<vmem>> -> memref<1x128x64xf32, #tpu.memory_space<vmem>>
        %dma_wait3A_302 = tpu.memref_squeeze %dma_wait3A_301 : memref<1x128x64xf32, #tpu.memory_space<vmem>> -> memref<128x64xf32, #tpu.memory_space<vmem>>
        %dma_wait3A_303 = arith.constant 0 : i32
        %dma_wait3A_304 = arith.constant 0 : i32
        %dma_wait3A_305 = tpu.memref_slice %arg2[%dma_wait3A_303, %dma_wait3A_304] : memref<80896x64xf32, #tpu.memory_space<hbm>> -> memref<128x64xf32, #tpu.memory_space<hbm>>
        %dma_wait3A_306 = arith.constant 0 : i32
        %dma_wait3A_307 = arith.constant 0 : i32
        %dma_wait3A_308 = tpu.memref_slice %arg8[%dma_wait3A_298, %dma_wait3A_306, %dma_wait3A_307] : memref<4x128x64xf32, #tpu.memory_space<vmem>> -> memref<1x128x64xf32, #tpu.memory_space<vmem>>
        %dma_wait3A_309 = tpu.memref_squeeze %dma_wait3A_308 : memref<1x128x64xf32, #tpu.memory_space<vmem>> -> memref<128x64xf32, #tpu.memory_space<vmem>>
        %dma_wait3A_310 = arith.constant 0 : i32
        %dma_wait3A_311 = arith.constant 0 : i32
        %dma_wait3A_312 = tpu.memref_slice %arg2[%dma_wait3A_310, %dma_wait3A_311] : memref<80896x64xf32, #tpu.memory_space<hbm>> -> memref<128x64xf32, #tpu.memory_space<hbm>>
        tpu.wait_dma2 semaphore(%arg13 : memref<!tpu.dma_semaphore, #tpu.memory_space<semaphore_mem>>) src(%dma_wait3A_312 : memref<128x64xf32, #tpu.memory_space<hbm>>) dst(%dma_wait3A_309 : memref<128x64xf32, #tpu.memory_space<vmem>>)
        %mul3A_313 = arith.constant 4 : i32
        %mul3A_314 = arith.muli %add3A_180, %mul3A_313 : i32
        %add3A_315 = arith.constant 3 : i32
        %add3A_316 = arith.addi %mul3A_314, %add3A_315 : i32
        %run_scoped3A_317 = arith.constant 3 : i32
        "tpu.region"() ({
          %run_scoped3A_337 = tpu.sem_alloc : memref<!tpu.dma_semaphore, #tpu.memory_space<semaphore_mem>>
          %dma_start3A_338 = arith.constant 0 : i32
          %dma_start3A_339 = arith.constant 0 : i32
          %dma_start3A_340 = tpu.memref_slice %arg8[%run_scoped3A_317, %dma_start3A_338, %dma_start3A_339] : memref<4x128x64xf32, #tpu.memory_space<vmem>> -> memref<1x128x64xf32, #tpu.memory_space<vmem>>
          %dma_start3A_341 = tpu.memref_squeeze %dma_start3A_340 : memref<1x128x64xf32, #tpu.memory_space<vmem>> -> memref<128x64xf32, #tpu.memory_space<vmem>>
          %dma_start3A_342 = arith.constant 0 : i32
          %dma_start3A_343 = tpu.memref_slice %arg7[%add3A_316, %dma_start3A_342] : memref<160x128xi32, #tpu.memory_space<vmem>> -> memref<1x128xi32, #tpu.memory_space<vmem>>
          %dma_start3A_344 = tpu.memref_squeeze %dma_start3A_343 : memref<1x128xi32, #tpu.memory_space<vmem>> -> memref<128xi32, #tpu.memory_space<vmem>>
          %dma_start3A_345 = arith.constant 0 : i32
          %dma_start3A_346 = arith.constant 0 : i32
          %dma_start3A_347 = tpu.memref_slice %arg9[%dma_start3A_345, %dma_start3A_346] : memref<10112x64xf32, #tpu.memory_space<vmem_shared>> -> memref<10112x64xf32, #tpu.memory_space<vmem_shared>>
          tpu.enqueue_indirect_dma source(%dma_start3A_341 : memref<128x64xf32, #tpu.memory_space<vmem>>) target(%dma_start3A_347 : memref<10112x64xf32, #tpu.memory_space<vmem_shared>>) offsets(%dma_start3A_344 : memref<128xi32, #tpu.memory_space<vmem>>) semaphore(%run_scoped3A_337 : memref<!tpu.dma_semaphore, #tpu.memory_space<semaphore_mem>>) {add = true}
          %dma_wait3A_348 = arith.constant 0 : i32
          %dma_wait3A_349 = arith.constant 0 : i32
          %dma_wait3A_350 = tpu.memref_slice %arg8[%run_scoped3A_317, %dma_wait3A_348, %dma_wait3A_349] : memref<4x128x64xf32, #tpu.memory_space<vmem>> -> memref<1x128x64xf32, #tpu.memory_space<vmem>>
          %dma_wait3A_351 = tpu.memref_squeeze %dma_wait3A_350 : memref<1x128x64xf32, #tpu.memory_space<vmem>> -> memref<128x64xf32, #tpu.memory_space<vmem>>
          %dma_wait3A_352 = arith.constant 0 : i32
          %dma_wait3A_353 = tpu.memref_slice %arg7[%add3A_316, %dma_wait3A_352] : memref<160x128xi32, #tpu.memory_space<vmem>> -> memref<1x128xi32, #tpu.memory_space<vmem>>
          %dma_wait3A_354 = tpu.memref_squeeze %dma_wait3A_353 : memref<1x128xi32, #tpu.memory_space<vmem>> -> memref<128xi32, #tpu.memory_space<vmem>>
          %dma_wait3A_355 = arith.constant 0 : i32
          %dma_wait3A_356 = arith.constant 0 : i32
          %dma_wait3A_357 = tpu.memref_slice %arg9[%dma_wait3A_355, %dma_wait3A_356] : memref<10112x64xf32, #tpu.memory_space<vmem_shared>> -> memref<10112x64xf32, #tpu.memory_space<vmem_shared>>
          tpu.wait_indirect_dma semaphore(%run_scoped3A_337 : memref<!tpu.dma_semaphore, #tpu.memory_space<semaphore_mem>>) src(%dma_wait3A_351 : memref<128x64xf32, #tpu.memory_space<vmem>>) dst(%dma_wait3A_357 : memref<10112x64xf32, #tpu.memory_space<vmem_shared>>)
          tpu.yield
        }) : () -> ()
        %add3A_318 = arith.constant 1 : i32
        %add3A_319 = arith.addi %add3A_180, %add3A_318 : i32
        %mul3A_320 = arith.constant 4 : i32
        %mul3A_321 = arith.muli %add3A_319, %mul3A_320 : i32
        %add3A_322 = arith.constant 3 : i32
        %add3A_323 = arith.addi %mul3A_321, %add3A_322 : i32
        %dma_start3A_324 = arith.constant 3 : i32
        %dma_start3A_325 = arith.constant 0 : i32
        %dma_start3A_326 = arith.constant 0 : i32
        %dma_start3A_327 = tpu.memref_slice %arg8[%dma_start3A_324, %dma_start3A_325, %dma_start3A_326] : memref<4x128x64xf32, #tpu.memory_space<vmem>> -> memref<1x128x64xf32, #tpu.memory_space<vmem>>
        %dma_start3A_328 = tpu.memref_squeeze %dma_start3A_327 : memref<1x128x64xf32, #tpu.memory_space<vmem>> -> memref<128x64xf32, #tpu.memory_space<vmem>>
        %dma_start3A_329 = arith.constant 0 : i32
        %dma_start3A_330 = tpu.memref_slice %arg6[%add3A_323, %dma_start3A_329] : memref<160x128xi32, #tpu.memory_space<vmem>> -> memref<1x128xi32, #tpu.memory_space<vmem>>
        %dma_start3A_331 = tpu.memref_squeeze %dma_start3A_330 : memref<1x128xi32, #tpu.memory_space<vmem>> -> memref<128xi32, #tpu.memory_space<vmem>>
        %dma_start3A_332 = arith.constant 0 : i32
        %dma_start3A_333 = tpu.memref_slice %arg2[%add3A_13, %dma_start3A_332] : memref<80896x64xf32, #tpu.memory_space<hbm>> -> memref<10112x64xf32, #tpu.memory_space<hbm>>
        %dma_start3A_334 = arith.constant 0 : i32
        %dma_start3A_335 = arith.constant 0 : i32
        %dma_start3A_336 = tpu.memref_slice %dma_start3A_333[%dma_start3A_334, %dma_start3A_335] : memref<10112x64xf32, #tpu.memory_space<hbm>> -> memref<10112x64xf32, #tpu.memory_space<hbm>>
        tpu.enqueue_indirect_dma source(%dma_start3A_336 : memref<10112x64xf32, #tpu.memory_space<hbm>>) target(%dma_start3A_328 : memref<128x64xf32, #tpu.memory_space<vmem>>) offsets(%dma_start3A_331 : memref<128xi32, #tpu.memory_space<vmem>>) semaphore(%arg13 : memref<!tpu.dma_semaphore, #tpu.memory_space<semaphore_mem>>)
      }
      %scan3A_100 = arith.constant 39 : i32
      %dma_wait3A = arith.constant 0 : i32
      %dma_wait3A_101 = arith.constant 0 : i32
      %dma_wait3A_102 = arith.constant 0 : i32
      %dma_wait3A_103 = tpu.memref_slice %arg8[%dma_wait3A, %dma_wait3A_101, %dma_wait3A_102] : memref<4x128x64xf32, #tpu.memory_space<vmem>> -> memref<1x128x64xf32, #tpu.memory_space<vmem>>
      %dma_wait3A_104 = tpu.memref_squeeze %dma_wait3A_103 : memref<1x128x64xf32, #tpu.memory_space<vmem>> -> memref<128x64xf32, #tpu.memory_space<vmem>>
      %dma_wait3A_105 = arith.constant 0 : i32
      %dma_wait3A_106 = arith.constant 0 : i32
      %dma_wait3A_107 = tpu.memref_slice %arg2[%dma_wait3A_105, %dma_wait3A_106] : memref<80896x64xf32, #tpu.memory_space<hbm>> -> memref<128x64xf32, #tpu.memory_space<hbm>>
      %dma_wait3A_108 = arith.constant 0 : i32
      %dma_wait3A_109 = arith.constant 0 : i32
      %dma_wait3A_110 = tpu.memref_slice %arg8[%dma_wait3A, %dma_wait3A_108, %dma_wait3A_109] : memref<4x128x64xf32, #tpu.memory_space<vmem>> -> memref<1x128x64xf32, #tpu.memory_space<vmem>>
      %dma_wait3A_111 = tpu.memref_squeeze %dma_wait3A_110 : memref<1x128x64xf32, #tpu.memory_space<vmem>> -> memref<128x64xf32, #tpu.memory_space<vmem>>
      %dma_wait3A_112 = arith.constant 0 : i32
      %dma_wait3A_113 = arith.constant 0 : i32
      %dma_wait3A_114 = tpu.memref_slice %arg2[%dma_wait3A_112, %dma_wait3A_113] : memref<80896x64xf32, #tpu.memory_space<hbm>> -> memref<128x64xf32, #tpu.memory_space<hbm>>
      tpu.wait_dma2 semaphore(%arg10 : memref<!tpu.dma_semaphore, #tpu.memory_space<semaphore_mem>>) src(%dma_wait3A_114 : memref<128x64xf32, #tpu.memory_space<hbm>>) dst(%dma_wait3A_111 : memref<128x64xf32, #tpu.memory_space<vmem>>)
      %run_scoped3A = arith.constant 0 : i32
      %run_scoped3A_115 = arith.constant 156 : i32
      "tpu.region"() ({
        %run_scoped3A_176 = tpu.sem_alloc : memref<!tpu.dma_semaphore, #tpu.memory_space<semaphore_mem>>
        %dma_start3A_177 = arith.constant 0 : i32
        %dma_start3A_178 = arith.constant 0 : i32
        %dma_start3A_179 = tpu.memref_slice %arg8[%run_scoped3A, %dma_start3A_177, %dma_start3A_178] : memref<4x128x64xf32, #tpu.memory_space<vmem>> -> memref<1x128x64xf32, #tpu.memory_space<vmem>>
        %dma_start3A_180 = tpu.memref_squeeze %dma_start3A_179 : memref<1x128x64xf32, #tpu.memory_space<vmem>> -> memref<128x64xf32, #tpu.memory_space<vmem>>
        %dma_start3A_181 = arith.constant 0 : i32
        %dma_start3A_182 = tpu.memref_slice %arg7[%run_scoped3A_115, %dma_start3A_181] : memref<160x128xi32, #tpu.memory_space<vmem>> -> memref<1x128xi32, #tpu.memory_space<vmem>>
        %dma_start3A_183 = tpu.memref_squeeze %dma_start3A_182 : memref<1x128xi32, #tpu.memory_space<vmem>> -> memref<128xi32, #tpu.memory_space<vmem>>
        %dma_start3A_184 = arith.constant 0 : i32
        %dma_start3A_185 = arith.constant 0 : i32
        %dma_start3A_186 = tpu.memref_slice %arg9[%dma_start3A_184, %dma_start3A_185] : memref<10112x64xf32, #tpu.memory_space<vmem_shared>> -> memref<10112x64xf32, #tpu.memory_space<vmem_shared>>
        tpu.enqueue_indirect_dma source(%dma_start3A_180 : memref<128x64xf32, #tpu.memory_space<vmem>>) target(%dma_start3A_186 : memref<10112x64xf32, #tpu.memory_space<vmem_shared>>) offsets(%dma_start3A_183 : memref<128xi32, #tpu.memory_space<vmem>>) semaphore(%run_scoped3A_176 : memref<!tpu.dma_semaphore, #tpu.memory_space<semaphore_mem>>) {add = true}
        %dma_wait3A_187 = arith.constant 0 : i32
        %dma_wait3A_188 = arith.constant 0 : i32
        %dma_wait3A_189 = tpu.memref_slice %arg8[%run_scoped3A, %dma_wait3A_187, %dma_wait3A_188] : memref<4x128x64xf32, #tpu.memory_space<vmem>> -> memref<1x128x64xf32, #tpu.memory_space<vmem>>
        %dma_wait3A_190 = tpu.memref_squeeze %dma_wait3A_189 : memref<1x128x64xf32, #tpu.memory_space<vmem>> -> memref<128x64xf32, #tpu.memory_space<vmem>>
        %dma_wait3A_191 = arith.constant 0 : i32
        %dma_wait3A_192 = tpu.memref_slice %arg7[%run_scoped3A_115, %dma_wait3A_191] : memref<160x128xi32, #tpu.memory_space<vmem>> -> memref<1x128xi32, #tpu.memory_space<vmem>>
        %dma_wait3A_193 = tpu.memref_squeeze %dma_wait3A_192 : memref<1x128xi32, #tpu.memory_space<vmem>> -> memref<128xi32, #tpu.memory_space<vmem>>
        %dma_wait3A_194 = arith.constant 0 : i32
        %dma_wait3A_195 = arith.constant 0 : i32
        %dma_wait3A_196 = tpu.memref_slice %arg9[%dma_wait3A_194, %dma_wait3A_195] : memref<10112x64xf32, #tpu.memory_space<vmem_shared>> -> memref<10112x64xf32, #tpu.memory_space<vmem_shared>>
        tpu.wait_indirect_dma semaphore(%run_scoped3A_176 : memref<!tpu.dma_semaphore, #tpu.memory_space<semaphore_mem>>) src(%dma_wait3A_190 : memref<128x64xf32, #tpu.memory_space<vmem>>) dst(%dma_wait3A_196 : memref<10112x64xf32, #tpu.memory_space<vmem_shared>>)
        tpu.yield
      }) : () -> ()
      %dma_wait3A_116 = arith.constant 1 : i32
      %dma_wait3A_117 = arith.constant 0 : i32
      %dma_wait3A_118 = arith.constant 0 : i32
      %dma_wait3A_119 = tpu.memref_slice %arg8[%dma_wait3A_116, %dma_wait3A_117, %dma_wait3A_118] : memref<4x128x64xf32, #tpu.memory_space<vmem>> -> memref<1x128x64xf32, #tpu.memory_space<vmem>>
      %dma_wait3A_120 = tpu.memref_squeeze %dma_wait3A_119 : memref<1x128x64xf32, #tpu.memory_space<vmem>> -> memref<128x64xf32, #tpu.memory_space<vmem>>
      %dma_wait3A_121 = arith.constant 0 : i32
      %dma_wait3A_122 = arith.constant 0 : i32
      %dma_wait3A_123 = tpu.memref_slice %arg2[%dma_wait3A_121, %dma_wait3A_122] : memref<80896x64xf32, #tpu.memory_space<hbm>> -> memref<128x64xf32, #tpu.memory_space<hbm>>
      %dma_wait3A_124 = arith.constant 0 : i32
      %dma_wait3A_125 = arith.constant 0 : i32
      %dma_wait3A_126 = tpu.memref_slice %arg8[%dma_wait3A_116, %dma_wait3A_124, %dma_wait3A_125] : memref<4x128x64xf32, #tpu.memory_space<vmem>> -> memref<1x128x64xf32, #tpu.memory_space<vmem>>
      %dma_wait3A_127 = tpu.memref_squeeze %dma_wait3A_126 : memref<1x128x64xf32, #tpu.memory_space<vmem>> -> memref<128x64xf32, #tpu.memory_space<vmem>>
      %dma_wait3A_128 = arith.constant 0 : i32
      %dma_wait3A_129 = arith.constant 0 : i32
      %dma_wait3A_130 = tpu.memref_slice %arg2[%dma_wait3A_128, %dma_wait3A_129] : memref<80896x64xf32, #tpu.memory_space<hbm>> -> memref<128x64xf32, #tpu.memory_space<hbm>>
      tpu.wait_dma2 semaphore(%arg11 : memref<!tpu.dma_semaphore, #tpu.memory_space<semaphore_mem>>) src(%dma_wait3A_130 : memref<128x64xf32, #tpu.memory_space<hbm>>) dst(%dma_wait3A_127 : memref<128x64xf32, #tpu.memory_space<vmem>>)
      %run_scoped3A_131 = arith.constant 1 : i32
      %run_scoped3A_132 = arith.constant 157 : i32
      "tpu.region"() ({
        %run_scoped3A_176 = tpu.sem_alloc : memref<!tpu.dma_semaphore, #tpu.memory_space<semaphore_mem>>
        %dma_start3A_177 = arith.constant 0 : i32
        %dma_start3A_178 = arith.constant 0 : i32
        %dma_start3A_179 = tpu.memref_slice %arg8[%run_scoped3A_131, %dma_start3A_177, %dma_start3A_178] : memref<4x128x64xf32, #tpu.memory_space<vmem>> -> memref<1x128x64xf32, #tpu.memory_space<vmem>>
        %dma_start3A_180 = tpu.memref_squeeze %dma_start3A_179 : memref<1x128x64xf32, #tpu.memory_space<vmem>> -> memref<128x64xf32, #tpu.memory_space<vmem>>
        %dma_start3A_181 = arith.constant 0 : i32
        %dma_start3A_182 = tpu.memref_slice %arg7[%run_scoped3A_132, %dma_start3A_181] : memref<160x128xi32, #tpu.memory_space<vmem>> -> memref<1x128xi32, #tpu.memory_space<vmem>>
        %dma_start3A_183 = tpu.memref_squeeze %dma_start3A_182 : memref<1x128xi32, #tpu.memory_space<vmem>> -> memref<128xi32, #tpu.memory_space<vmem>>
        %dma_start3A_184 = arith.constant 0 : i32
        %dma_start3A_185 = arith.constant 0 : i32
        %dma_start3A_186 = tpu.memref_slice %arg9[%dma_start3A_184, %dma_start3A_185] : memref<10112x64xf32, #tpu.memory_space<vmem_shared>> -> memref<10112x64xf32, #tpu.memory_space<vmem_shared>>
        tpu.enqueue_indirect_dma source(%dma_start3A_180 : memref<128x64xf32, #tpu.memory_space<vmem>>) target(%dma_start3A_186 : memref<10112x64xf32, #tpu.memory_space<vmem_shared>>) offsets(%dma_start3A_183 : memref<128xi32, #tpu.memory_space<vmem>>) semaphore(%run_scoped3A_176 : memref<!tpu.dma_semaphore, #tpu.memory_space<semaphore_mem>>) {add = true}
        %dma_wait3A_187 = arith.constant 0 : i32
        %dma_wait3A_188 = arith.constant 0 : i32
        %dma_wait3A_189 = tpu.memref_slice %arg8[%run_scoped3A_131, %dma_wait3A_187, %dma_wait3A_188] : memref<4x128x64xf32, #tpu.memory_space<vmem>> -> memref<1x128x64xf32, #tpu.memory_space<vmem>>
        %dma_wait3A_190 = tpu.memref_squeeze %dma_wait3A_189 : memref<1x128x64xf32, #tpu.memory_space<vmem>> -> memref<128x64xf32, #tpu.memory_space<vmem>>
        %dma_wait3A_191 = arith.constant 0 : i32
        %dma_wait3A_192 = tpu.memref_slice %arg7[%run_scoped3A_132, %dma_wait3A_191] : memref<160x128xi32, #tpu.memory_space<vmem>> -> memref<1x128xi32, #tpu.memory_space<vmem>>
        %dma_wait3A_193 = tpu.memref_squeeze %dma_wait3A_192 : memref<1x128xi32, #tpu.memory_space<vmem>> -> memref<128xi32, #tpu.memory_space<vmem>>
        %dma_wait3A_194 = arith.constant 0 : i32
        %dma_wait3A_195 = arith.constant 0 : i32
        %dma_wait3A_196 = tpu.memref_slice %arg9[%dma_wait3A_194, %dma_wait3A_195] : memref<10112x64xf32, #tpu.memory_space<vmem_shared>> -> memref<10112x64xf32, #tpu.memory_space<vmem_shared>>
        tpu.wait_indirect_dma semaphore(%run_scoped3A_176 : memref<!tpu.dma_semaphore, #tpu.memory_space<semaphore_mem>>) src(%dma_wait3A_190 : memref<128x64xf32, #tpu.memory_space<vmem>>) dst(%dma_wait3A_196 : memref<10112x64xf32, #tpu.memory_space<vmem_shared>>)
        tpu.yield
      }) : () -> ()
      %dma_wait3A_133 = arith.constant 2 : i32
      %dma_wait3A_134 = arith.constant 0 : i32
      %dma_wait3A_135 = arith.constant 0 : i32
      %dma_wait3A_136 = tpu.memref_slice %arg8[%dma_wait3A_133, %dma_wait3A_134, %dma_wait3A_135] : memref<4x128x64xf32, #tpu.memory_space<vmem>> -> memref<1x128x64xf32, #tpu.memory_space<vmem>>
      %dma_wait3A_137 = tpu.memref_squeeze %dma_wait3A_136 : memref<1x128x64xf32, #tpu.memory_space<vmem>> -> memref<128x64xf32, #tpu.memory_space<vmem>>
      %dma_wait3A_138 = arith.constant 0 : i32
      %dma_wait3A_139 = arith.constant 0 : i32
      %dma_wait3A_140 = tpu.memref_slice %arg2[%dma_wait3A_138, %dma_wait3A_139] : memref<80896x64xf32, #tpu.memory_space<hbm>> -> memref<128x64xf32, #tpu.memory_space<hbm>>
      %dma_wait3A_141 = arith.constant 0 : i32
      %dma_wait3A_142 = arith.constant 0 : i32
      %dma_wait3A_143 = tpu.memref_slice %arg8[%dma_wait3A_133, %dma_wait3A_141, %dma_wait3A_142] : memref<4x128x64xf32, #tpu.memory_space<vmem>> -> memref<1x128x64xf32, #tpu.memory_space<vmem>>
      %dma_wait3A_144 = tpu.memref_squeeze %dma_wait3A_143 : memref<1x128x64xf32, #tpu.memory_space<vmem>> -> memref<128x64xf32, #tpu.memory_space<vmem>>
      %dma_wait3A_145 = arith.constant 0 : i32
      %dma_wait3A_146 = arith.constant 0 : i32
      %dma_wait3A_147 = tpu.memref_slice %arg2[%dma_wait3A_145, %dma_wait3A_146] : memref<80896x64xf32, #tpu.memory_space<hbm>> -> memref<128x64xf32, #tpu.memory_space<hbm>>
      tpu.wait_dma2 semaphore(%arg12 : memref<!tpu.dma_semaphore, #tpu.memory_space<semaphore_mem>>) src(%dma_wait3A_147 : memref<128x64xf32, #tpu.memory_space<hbm>>) dst(%dma_wait3A_144 : memref<128x64xf32, #tpu.memory_space<vmem>>)
      %run_scoped3A_148 = arith.constant 2 : i32
      %run_scoped3A_149 = arith.constant 158 : i32
      "tpu.region"() ({
        %run_scoped3A_176 = tpu.sem_alloc : memref<!tpu.dma_semaphore, #tpu.memory_space<semaphore_mem>>
        %dma_start3A_177 = arith.constant 0 : i32
        %dma_start3A_178 = arith.constant 0 : i32
        %dma_start3A_179 = tpu.memref_slice %arg8[%run_scoped3A_148, %dma_start3A_177, %dma_start3A_178] : memref<4x128x64xf32, #tpu.memory_space<vmem>> -> memref<1x128x64xf32, #tpu.memory_space<vmem>>
        %dma_start3A_180 = tpu.memref_squeeze %dma_start3A_179 : memref<1x128x64xf32, #tpu.memory_space<vmem>> -> memref<128x64xf32, #tpu.memory_space<vmem>>
        %dma_start3A_181 = arith.constant 0 : i32
        %dma_start3A_182 = tpu.memref_slice %arg7[%run_scoped3A_149, %dma_start3A_181] : memref<160x128xi32, #tpu.memory_space<vmem>> -> memref<1x128xi32, #tpu.memory_space<vmem>>
        %dma_start3A_183 = tpu.memref_squeeze %dma_start3A_182 : memref<1x128xi32, #tpu.memory_space<vmem>> -> memref<128xi32, #tpu.memory_space<vmem>>
        %dma_start3A_184 = arith.constant 0 : i32
        %dma_start3A_185 = arith.constant 0 : i32
        %dma_start3A_186 = tpu.memref_slice %arg9[%dma_start3A_184, %dma_start3A_185] : memref<10112x64xf32, #tpu.memory_space<vmem_shared>> -> memref<10112x64xf32, #tpu.memory_space<vmem_shared>>
        tpu.enqueue_indirect_dma source(%dma_start3A_180 : memref<128x64xf32, #tpu.memory_space<vmem>>) target(%dma_start3A_186 : memref<10112x64xf32, #tpu.memory_space<vmem_shared>>) offsets(%dma_start3A_183 : memref<128xi32, #tpu.memory_space<vmem>>) semaphore(%run_scoped3A_176 : memref<!tpu.dma_semaphore, #tpu.memory_space<semaphore_mem>>) {add = true}
        %dma_wait3A_187 = arith.constant 0 : i32
        %dma_wait3A_188 = arith.constant 0 : i32
        %dma_wait3A_189 = tpu.memref_slice %arg8[%run_scoped3A_148, %dma_wait3A_187, %dma_wait3A_188] : memref<4x128x64xf32, #tpu.memory_space<vmem>> -> memref<1x128x64xf32, #tpu.memory_space<vmem>>
        %dma_wait3A_190 = tpu.memref_squeeze %dma_wait3A_189 : memref<1x128x64xf32, #tpu.memory_space<vmem>> -> memref<128x64xf32, #tpu.memory_space<vmem>>
        %dma_wait3A_191 = arith.constant 0 : i32
        %dma_wait3A_192 = tpu.memref_slice %arg7[%run_scoped3A_149, %dma_wait3A_191] : memref<160x128xi32, #tpu.memory_space<vmem>> -> memref<1x128xi32, #tpu.memory_space<vmem>>
        %dma_wait3A_193 = tpu.memref_squeeze %dma_wait3A_192 : memref<1x128xi32, #tpu.memory_space<vmem>> -> memref<128xi32, #tpu.memory_space<vmem>>
        %dma_wait3A_194 = arith.constant 0 : i32
        %dma_wait3A_195 = arith.constant 0 : i32
        %dma_wait3A_196 = tpu.memref_slice %arg9[%dma_wait3A_194, %dma_wait3A_195] : memref<10112x64xf32, #tpu.memory_space<vmem_shared>> -> memref<10112x64xf32, #tpu.memory_space<vmem_shared>>
        tpu.wait_indirect_dma semaphore(%run_scoped3A_176 : memref<!tpu.dma_semaphore, #tpu.memory_space<semaphore_mem>>) src(%dma_wait3A_190 : memref<128x64xf32, #tpu.memory_space<vmem>>) dst(%dma_wait3A_196 : memref<10112x64xf32, #tpu.memory_space<vmem_shared>>)
        tpu.yield
      }) : () -> ()
      %dma_wait3A_150 = arith.constant 3 : i32
      %dma_wait3A_151 = arith.constant 0 : i32
      %dma_wait3A_152 = arith.constant 0 : i32
      %dma_wait3A_153 = tpu.memref_slice %arg8[%dma_wait3A_150, %dma_wait3A_151, %dma_wait3A_152] : memref<4x128x64xf32, #tpu.memory_space<vmem>> -> memref<1x128x64xf32, #tpu.memory_space<vmem>>
      %dma_wait3A_154 = tpu.memref_squeeze %dma_wait3A_153 : memref<1x128x64xf32, #tpu.memory_space<vmem>> -> memref<128x64xf32, #tpu.memory_space<vmem>>
      %dma_wait3A_155 = arith.constant 0 : i32
      %dma_wait3A_156 = arith.constant 0 : i32
      %dma_wait3A_157 = tpu.memref_slice %arg2[%dma_wait3A_155, %dma_wait3A_156] : memref<80896x64xf32, #tpu.memory_space<hbm>> -> memref<128x64xf32, #tpu.memory_space<hbm>>
      %dma_wait3A_158 = arith.constant 0 : i32
      %dma_wait3A_159 = arith.constant 0 : i32
      %dma_wait3A_160 = tpu.memref_slice %arg8[%dma_wait3A_150, %dma_wait3A_158, %dma_wait3A_159] : memref<4x128x64xf32, #tpu.memory_space<vmem>> -> memref<1x128x64xf32, #tpu.memory_space<vmem>>
      %dma_wait3A_161 = tpu.memref_squeeze %dma_wait3A_160 : memref<1x128x64xf32, #tpu.memory_space<vmem>> -> memref<128x64xf32, #tpu.memory_space<vmem>>
      %dma_wait3A_162 = arith.constant 0 : i32
      %dma_wait3A_163 = arith.constant 0 : i32
      %dma_wait3A_164 = tpu.memref_slice %arg2[%dma_wait3A_162, %dma_wait3A_163] : memref<80896x64xf32, #tpu.memory_space<hbm>> -> memref<128x64xf32, #tpu.memory_space<hbm>>
      tpu.wait_dma2 semaphore(%arg13 : memref<!tpu.dma_semaphore, #tpu.memory_space<semaphore_mem>>) src(%dma_wait3A_164 : memref<128x64xf32, #tpu.memory_space<hbm>>) dst(%dma_wait3A_161 : memref<128x64xf32, #tpu.memory_space<vmem>>)
      %run_scoped3A_165 = arith.constant 3 : i32
      %run_scoped3A_166 = arith.constant 159 : i32
      "tpu.region"() ({
        %run_scoped3A_176 = tpu.sem_alloc : memref<!tpu.dma_semaphore, #tpu.memory_space<semaphore_mem>>
        %dma_start3A_177 = arith.constant 0 : i32
        %dma_start3A_178 = arith.constant 0 : i32
        %dma_start3A_179 = tpu.memref_slice %arg8[%run_scoped3A_165, %dma_start3A_177, %dma_start3A_178] : memref<4x128x64xf32, #tpu.memory_space<vmem>> -> memref<1x128x64xf32, #tpu.memory_space<vmem>>
        %dma_start3A_180 = tpu.memref_squeeze %dma_start3A_179 : memref<1x128x64xf32, #tpu.memory_space<vmem>> -> memref<128x64xf32, #tpu.memory_space<vmem>>
        %dma_start3A_181 = arith.constant 0 : i32
        %dma_start3A_182 = tpu.memref_slice %arg7[%run_scoped3A_166, %dma_start3A_181] : memref<160x128xi32, #tpu.memory_space<vmem>> -> memref<1x128xi32, #tpu.memory_space<vmem>>
        %dma_start3A_183 = tpu.memref_squeeze %dma_start3A_182 : memref<1x128xi32, #tpu.memory_space<vmem>> -> memref<128xi32, #tpu.memory_space<vmem>>
        %dma_start3A_184 = arith.constant 0 : i32
        %dma_start3A_185 = arith.constant 0 : i32
        %dma_start3A_186 = tpu.memref_slice %arg9[%dma_start3A_184, %dma_start3A_185] : memref<10112x64xf32, #tpu.memory_space<vmem_shared>> -> memref<10112x64xf32, #tpu.memory_space<vmem_shared>>
        tpu.enqueue_indirect_dma source(%dma_start3A_180 : memref<128x64xf32, #tpu.memory_space<vmem>>) target(%dma_start3A_186 : memref<10112x64xf32, #tpu.memory_space<vmem_shared>>) offsets(%dma_start3A_183 : memref<128xi32, #tpu.memory_space<vmem>>) semaphore(%run_scoped3A_176 : memref<!tpu.dma_semaphore, #tpu.memory_space<semaphore_mem>>) {add = true}
        %dma_wait3A_187 = arith.constant 0 : i32
        %dma_wait3A_188 = arith.constant 0 : i32
        %dma_wait3A_189 = tpu.memref_slice %arg8[%run_scoped3A_165, %dma_wait3A_187, %dma_wait3A_188] : memref<4x128x64xf32, #tpu.memory_space<vmem>> -> memref<1x128x64xf32, #tpu.memory_space<vmem>>
        %dma_wait3A_190 = tpu.memref_squeeze %dma_wait3A_189 : memref<1x128x64xf32, #tpu.memory_space<vmem>> -> memref<128x64xf32, #tpu.memory_space<vmem>>
        %dma_wait3A_191 = arith.constant 0 : i32
        %dma_wait3A_192 = tpu.memref_slice %arg7[%run_scoped3A_166, %dma_wait3A_191] : memref<160x128xi32, #tpu.memory_space<vmem>> -> memref<1x128xi32, #tpu.memory_space<vmem>>
        %dma_wait3A_193 = tpu.memref_squeeze %dma_wait3A_192 : memref<1x128xi32, #tpu.memory_space<vmem>> -> memref<128xi32, #tpu.memory_space<vmem>>
        %dma_wait3A_194 = arith.constant 0 : i32
        %dma_wait3A_195 = arith.constant 0 : i32
        %dma_wait3A_196 = tpu.memref_slice %arg9[%dma_wait3A_194, %dma_wait3A_195] : memref<10112x64xf32, #tpu.memory_space<vmem_shared>> -> memref<10112x64xf32, #tpu.memory_space<vmem_shared>>
        tpu.wait_indirect_dma semaphore(%run_scoped3A_176 : memref<!tpu.dma_semaphore, #tpu.memory_space<semaphore_mem>>) src(%dma_wait3A_190 : memref<128x64xf32, #tpu.memory_space<vmem>>) dst(%dma_wait3A_196 : memref<10112x64xf32, #tpu.memory_space<vmem_shared>>)
        tpu.yield
      }) : () -> ()
      %barrier3A_167 = arith.constant 0 : index
      tpu.barrier barrier_id(%barrier3A_167)
      %mul3A_168 = arith.constant 632 : i32
      %mul3A_169 = arith.muli %arg1, %mul3A_168 : i32
      %mul3A_170 = arith.constant 10112 : i32
      %mul3A_171 = arith.muli %add3A_9, %mul3A_170 : i32
      %mul3A_172 = arith.constant 632 : i32
      %mul3A_173 = arith.muli %arg1, %mul3A_172 : i32
      %add3A_174 = arith.addi %mul3A_171, %mul3A_173 : i32
      "tpu.region"() ({
        %run_scoped3A_176 = tpu.sem_alloc : memref<!tpu.dma_semaphore, #tpu.memory_space<semaphore_mem>>
        %dma_start3A_177 = arith.constant 0 : i32
        %dma_start3A_178 = tpu.memref_slice %arg5[%add3A_174, %dma_start3A_177] : memref<40448x64xf32, #tpu.memory_space<hbm>> -> memref<632x64xf32, #tpu.memory_space<hbm>>
        %dma_start3A_179 = arith.constant 0 : i32
        %dma_start3A_180 = tpu.memref_slice %arg9[%mul3A_169, %dma_start3A_179] : memref<10112x64xf32, #tpu.memory_space<vmem_shared>> -> memref<632x64xf32, #tpu.memory_space<vmem_shared>>
        tpu.enqueue_dma source(%dma_start3A_180 : memref<632x64xf32, #tpu.memory_space<vmem_shared>>) target(%dma_start3A_178 : memref<632x64xf32, #tpu.memory_space<hbm>>) target_semaphore(%run_scoped3A_176 : memref<!tpu.dma_semaphore, #tpu.memory_space<semaphore_mem>>)
        %dma_wait3A_181 = arith.constant 0 : i32
        %dma_wait3A_182 = tpu.memref_slice %arg5[%add3A_174, %dma_wait3A_181] : memref<40448x64xf32, #tpu.memory_space<hbm>> -> memref<632x64xf32, #tpu.memory_space<hbm>>
        %dma_wait3A_183 = arith.constant 0 : i32
        %dma_wait3A_184 = tpu.memref_slice %arg9[%mul3A_169, %dma_wait3A_183] : memref<10112x64xf32, #tpu.memory_space<vmem_shared>> -> memref<632x64xf32, #tpu.memory_space<vmem_shared>>
        tpu.wait_dma2 semaphore(%run_scoped3A_176 : memref<!tpu.dma_semaphore, #tpu.memory_space<semaphore_mem>>) src(%dma_wait3A_184 : memref<632x64xf32, #tpu.memory_space<vmem_shared>>) dst(%dma_wait3A_182 : memref<632x64xf32, #tpu.memory_space<hbm>>)
        tpu.yield
      }) : () -> ()
      %barrier3A_175 = arith.constant 0 : index
      tpu.barrier barrier_id(%barrier3A_175)
    }
    %scan3A_3 = arith.constant 2 : i32
    return
  }
}

#map = affine_map<(d0, d1) -> (0, 0)>
module attributes {stable_mosaic.version = 14 : i64} {
  func.func @gcn_agg_p1g0(%arg0: i32, %arg1: i32, %arg2: memref<20224x64xf32, #tpu.memory_space<hbm>>, %arg3: memref<10240x128xi32, #tpu.memory_space<hbm>>, %arg4: memref<10240x128xi32, #tpu.memory_space<hbm>>, %arg5: memref<20224x64xf32, #tpu.memory_space<hbm>>, %arg6: memref<160x128xi32, #tpu.memory_space<vmem>>, %arg7: memref<160x128xi32, #tpu.memory_space<vmem>>, %arg8: memref<4x128x64xf32, #tpu.memory_space<vmem>>, %arg9: memref<10112x64xf32, #tpu.memory_space<vmem_shared>>, %arg10: memref<!tpu.dma_semaphore, #tpu.memory_space<semaphore_mem>>, %arg11: memref<!tpu.dma_semaphore, #tpu.memory_space<semaphore_mem>>, %arg12: memref<!tpu.dma_semaphore, #tpu.memory_space<semaphore_mem>>, %arg13: memref<!tpu.dma_semaphore, #tpu.memory_space<semaphore_mem>>) attributes {dimension_semantics = [#tpu.dimension_semantics<core_parallel>, #tpu.dimension_semantics<subcore_parallel>], iteration_bounds = array<i64: 2, 16>, scalar_prefetch = 0 : i64, scratch_operands = 8 : i64, tpu.core_type = #tpu.core_type<sc_vector_subcore>, window_params = [{transform_indices = #map}, {transform_indices = #map}, {transform_indices = #map}, {transform_indices = #map}]} {
    %scan3A = arith.constant 0 : i32
    %mul3A = arith.constant 1 : i32
    %mul3A_0 = arith.muli %scan3A, %mul3A : i32
    %add3A = arith.constant 0 : i32
    %add3A_1 = arith.addi %add3A, %mul3A_0 : i32
    %mul3A_2 = arith.constant 1 : i32
    %mul3A_3 = arith.muli %mul3A_2, %arg0 : i32
    %add3A_4 = arith.addi %mul3A_3, %add3A_1 : i32
    %mul3A_5 = arith.constant 10112 : i32
    %mul3A_6 = arith.muli %add3A_4, %mul3A_5 : i32
    %add3A_7 = arith.constant 0 : i32
    %add3A_8 = arith.addi %add3A_7, %mul3A_6 : i32
    %mul3A_9 = arith.constant 632 : i32
    %mul3A_10 = arith.muli %arg1, %mul3A_9 : i32
    %mul3A_11 = arith.constant 632 : i32
    %mul3A_12 = arith.muli %arg1, %mul3A_11 : i32
    "tpu.region"() ({
      %run_scoped3A_172 = tpu.sem_alloc : memref<!tpu.dma_semaphore, #tpu.memory_space<semaphore_mem>>
      %dma_start3A_173 = arith.constant 0 : i32
      %dma_start3A_174 = tpu.memref_slice %arg9[%mul3A_12, %dma_start3A_173] : memref<10112x64xf32, #tpu.memory_space<vmem_shared>> -> memref<632x64xf32, #tpu.memory_space<vmem_shared>>
      %dma_start3A_175 = arith.constant 0 : i32
      %dma_start3A_176 = tpu.memref_slice %arg2[%add3A_8, %dma_start3A_175] : memref<20224x64xf32, #tpu.memory_space<hbm>> -> memref<10112x64xf32, #tpu.memory_space<hbm>>
      %dma_start3A_177 = arith.constant 0 : i32
      %dma_start3A_178 = tpu.memref_slice %dma_start3A_176[%mul3A_10, %dma_start3A_177] : memref<10112x64xf32, #tpu.memory_space<hbm>> -> memref<632x64xf32, #tpu.memory_space<hbm>>
      tpu.enqueue_dma source(%dma_start3A_178 : memref<632x64xf32, #tpu.memory_space<hbm>>) target(%dma_start3A_174 : memref<632x64xf32, #tpu.memory_space<vmem_shared>>) target_semaphore(%run_scoped3A_172 : memref<!tpu.dma_semaphore, #tpu.memory_space<semaphore_mem>>)
      %dma_wait3A_179 = arith.constant 0 : i32
      %dma_wait3A_180 = tpu.memref_slice %arg9[%mul3A_12, %dma_wait3A_179] : memref<10112x64xf32, #tpu.memory_space<vmem_shared>> -> memref<632x64xf32, #tpu.memory_space<vmem_shared>>
      %dma_wait3A_181 = arith.constant 0 : i32
      %dma_wait3A_182 = tpu.memref_slice %arg2[%add3A_8, %dma_wait3A_181] : memref<20224x64xf32, #tpu.memory_space<hbm>> -> memref<10112x64xf32, #tpu.memory_space<hbm>>
      %dma_wait3A_183 = arith.constant 0 : i32
      %dma_wait3A_184 = tpu.memref_slice %dma_wait3A_182[%mul3A_10, %dma_wait3A_183] : memref<10112x64xf32, #tpu.memory_space<hbm>> -> memref<632x64xf32, #tpu.memory_space<hbm>>
      tpu.wait_dma2 semaphore(%run_scoped3A_172 : memref<!tpu.dma_semaphore, #tpu.memory_space<semaphore_mem>>) src(%dma_wait3A_184 : memref<632x64xf32, #tpu.memory_space<hbm>>) dst(%dma_wait3A_180 : memref<632x64xf32, #tpu.memory_space<vmem_shared>>)
      tpu.yield
    }) : () -> ()
    %jit3A = arith.constant 1 : i32
    %div3A = arith.divsi %add3A_4, %jit3A : i32
    %sign3A = arith.constant 0 : i32
    %sign3A_13 = arith.cmpi sgt, %add3A_4, %sign3A : i32
    %sign3A_14 = arith.extui %sign3A_13 : i1 to i32
    %sign3A_15 = arith.constant 0 : i32
    %sign3A_16 = arith.cmpi slt, %add3A_4, %sign3A_15 : i32
    %sign3A_17 = arith.extui %sign3A_16 : i1 to i32
    %sign3A_18 = arith.subi %sign3A_14, %sign3A_17 : i32
    %sign3A_19 = arith.constant 0 : i32
    %sign3A_20 = arith.cmpi sgt, %jit3A, %sign3A_19 : i32
    %sign3A_21 = arith.extui %sign3A_20 : i1 to i32
    %sign3A_22 = arith.constant 0 : i32
    %sign3A_23 = arith.cmpi slt, %jit3A, %sign3A_22 : i32
    %sign3A_24 = arith.extui %sign3A_23 : i1 to i32
    %sign3A_25 = arith.subi %sign3A_21, %sign3A_24 : i32
    %ne3A = arith.cmpi ne, %sign3A_18, %sign3A_25 : i32
    %rem3A = arith.remsi %add3A_4, %jit3A : i32
    %ne3A_26 = arith.constant 0 : i32
    %ne3A_27 = arith.cmpi ne, %rem3A, %ne3A_26 : i32
    %and3A = arith.andi %ne3A, %ne3A_27 : i1
    %sub3A = arith.constant 1 : i32
    %sub3A_28 = arith.subi %div3A, %sub3A : i32
    %select_n3A = arith.select %and3A, %sub3A_28, %div3A : i32
    %add3A_29 = arith.constant 0 : i32
    %add3A_30 = arith.addi %add3A_29, %select_n3A : i32
    %mul3A_31 = arith.constant 2560 : i32
    %mul3A_32 = arith.muli %add3A_30, %mul3A_31 : i32
    %mul3A_33 = arith.constant 160 : i32
    %mul3A_34 = arith.muli %arg1, %mul3A_33 : i32
    %add3A_35 = arith.addi %mul3A_32, %mul3A_34 : i32
    "tpu.region"() ({
      %run_scoped3A_172 = tpu.sem_alloc : memref<!tpu.dma_semaphore, #tpu.memory_space<semaphore_mem>>
      %dma_start3A_173 = arith.constant 0 : i32
      %dma_start3A_174 = tpu.memref_slice %arg3[%add3A_35, %dma_start3A_173] : memref<10240x128xi32, #tpu.memory_space<hbm>> -> memref<160x128xi32, #tpu.memory_space<hbm>>
      %dma_start3A_175 = arith.constant 0 : i32
      %dma_start3A_176 = tpu.memref_slice %arg3[%add3A_35, %dma_start3A_175] : memref<10240x128xi32, #tpu.memory_space<hbm>> -> memref<160x128xi32, #tpu.memory_space<hbm>>
      tpu.enqueue_dma source(%dma_start3A_176 : memref<160x128xi32, #tpu.memory_space<hbm>>) target(%arg6 : memref<160x128xi32, #tpu.memory_space<vmem>>) target_semaphore(%run_scoped3A_172 : memref<!tpu.dma_semaphore, #tpu.memory_space<semaphore_mem>>)
      %dma_wait3A_177 = arith.constant 0 : i32
      %dma_wait3A_178 = tpu.memref_slice %arg3[%add3A_35, %dma_wait3A_177] : memref<10240x128xi32, #tpu.memory_space<hbm>> -> memref<160x128xi32, #tpu.memory_space<hbm>>
      %dma_wait3A_179 = arith.constant 0 : i32
      %dma_wait3A_180 = tpu.memref_slice %arg3[%add3A_35, %dma_wait3A_179] : memref<10240x128xi32, #tpu.memory_space<hbm>> -> memref<160x128xi32, #tpu.memory_space<hbm>>
      tpu.wait_dma2 semaphore(%run_scoped3A_172 : memref<!tpu.dma_semaphore, #tpu.memory_space<semaphore_mem>>) src(%dma_wait3A_180 : memref<160x128xi32, #tpu.memory_space<hbm>>) dst(%arg6 : memref<160x128xi32, #tpu.memory_space<vmem>>)
      tpu.yield
    }) : () -> ()
    "tpu.region"() ({
      %run_scoped3A_172 = tpu.sem_alloc : memref<!tpu.dma_semaphore, #tpu.memory_space<semaphore_mem>>
      %dma_start3A_173 = arith.constant 0 : i32
      %dma_start3A_174 = tpu.memref_slice %arg4[%add3A_35, %dma_start3A_173] : memref<10240x128xi32, #tpu.memory_space<hbm>> -> memref<160x128xi32, #tpu.memory_space<hbm>>
      %dma_start3A_175 = arith.constant 0 : i32
      %dma_start3A_176 = tpu.memref_slice %arg4[%add3A_35, %dma_start3A_175] : memref<10240x128xi32, #tpu.memory_space<hbm>> -> memref<160x128xi32, #tpu.memory_space<hbm>>
      tpu.enqueue_dma source(%dma_start3A_176 : memref<160x128xi32, #tpu.memory_space<hbm>>) target(%arg7 : memref<160x128xi32, #tpu.memory_space<vmem>>) target_semaphore(%run_scoped3A_172 : memref<!tpu.dma_semaphore, #tpu.memory_space<semaphore_mem>>)
      %dma_wait3A_177 = arith.constant 0 : i32
      %dma_wait3A_178 = tpu.memref_slice %arg4[%add3A_35, %dma_wait3A_177] : memref<10240x128xi32, #tpu.memory_space<hbm>> -> memref<160x128xi32, #tpu.memory_space<hbm>>
      %dma_wait3A_179 = arith.constant 0 : i32
      %dma_wait3A_180 = tpu.memref_slice %arg4[%add3A_35, %dma_wait3A_179] : memref<10240x128xi32, #tpu.memory_space<hbm>> -> memref<160x128xi32, #tpu.memory_space<hbm>>
      tpu.wait_dma2 semaphore(%run_scoped3A_172 : memref<!tpu.dma_semaphore, #tpu.memory_space<semaphore_mem>>) src(%dma_wait3A_180 : memref<160x128xi32, #tpu.memory_space<hbm>>) dst(%arg7 : memref<160x128xi32, #tpu.memory_space<vmem>>)
      tpu.yield
    }) : () -> ()
    %dma_start3A = arith.constant 0 : i32
    %dma_start3A_36 = arith.constant 0 : i32
    %dma_start3A_37 = arith.constant 0 : i32
    %dma_start3A_38 = arith.constant 0 : i32
    %dma_start3A_39 = tpu.memref_slice %arg8[%dma_start3A_36, %dma_start3A_37, %dma_start3A_38] : memref<4x128x64xf32, #tpu.memory_space<vmem>> -> memref<1x128x64xf32, #tpu.memory_space<vmem>>
    %dma_start3A_40 = tpu.memref_squeeze %dma_start3A_39 : memref<1x128x64xf32, #tpu.memory_space<vmem>> -> memref<128x64xf32, #tpu.memory_space<vmem>>
    %dma_start3A_41 = arith.constant 0 : i32
    %dma_start3A_42 = tpu.memref_slice %arg6[%dma_start3A, %dma_start3A_41] : memref<160x128xi32, #tpu.memory_space<vmem>> -> memref<1x128xi32, #tpu.memory_space<vmem>>
    %dma_start3A_43 = tpu.memref_squeeze %dma_start3A_42 : memref<1x128xi32, #tpu.memory_space<vmem>> -> memref<128xi32, #tpu.memory_space<vmem>>
    %dma_start3A_44 = arith.constant 0 : i32
    %dma_start3A_45 = tpu.memref_slice %arg2[%add3A_8, %dma_start3A_44] : memref<20224x64xf32, #tpu.memory_space<hbm>> -> memref<10112x64xf32, #tpu.memory_space<hbm>>
    %dma_start3A_46 = arith.constant 0 : i32
    %dma_start3A_47 = arith.constant 0 : i32
    %dma_start3A_48 = tpu.memref_slice %dma_start3A_45[%dma_start3A_46, %dma_start3A_47] : memref<10112x64xf32, #tpu.memory_space<hbm>> -> memref<10112x64xf32, #tpu.memory_space<hbm>>
    tpu.enqueue_indirect_dma source(%dma_start3A_48 : memref<10112x64xf32, #tpu.memory_space<hbm>>) target(%dma_start3A_40 : memref<128x64xf32, #tpu.memory_space<vmem>>) offsets(%dma_start3A_43 : memref<128xi32, #tpu.memory_space<vmem>>) semaphore(%arg10 : memref<!tpu.dma_semaphore, #tpu.memory_space<semaphore_mem>>)
    %dma_start3A_49 = arith.constant 1 : i32
    %dma_start3A_50 = arith.constant 1 : i32
    %dma_start3A_51 = arith.constant 0 : i32
    %dma_start3A_52 = arith.constant 0 : i32
    %dma_start3A_53 = tpu.memref_slice %arg8[%dma_start3A_50, %dma_start3A_51, %dma_start3A_52] : memref<4x128x64xf32, #tpu.memory_space<vmem>> -> memref<1x128x64xf32, #tpu.memory_space<vmem>>
    %dma_start3A_54 = tpu.memref_squeeze %dma_start3A_53 : memref<1x128x64xf32, #tpu.memory_space<vmem>> -> memref<128x64xf32, #tpu.memory_space<vmem>>
    %dma_start3A_55 = arith.constant 0 : i32
    %dma_start3A_56 = tpu.memref_slice %arg6[%dma_start3A_49, %dma_start3A_55] : memref<160x128xi32, #tpu.memory_space<vmem>> -> memref<1x128xi32, #tpu.memory_space<vmem>>
    %dma_start3A_57 = tpu.memref_squeeze %dma_start3A_56 : memref<1x128xi32, #tpu.memory_space<vmem>> -> memref<128xi32, #tpu.memory_space<vmem>>
    %dma_start3A_58 = arith.constant 0 : i32
    %dma_start3A_59 = tpu.memref_slice %arg2[%add3A_8, %dma_start3A_58] : memref<20224x64xf32, #tpu.memory_space<hbm>> -> memref<10112x64xf32, #tpu.memory_space<hbm>>
    %dma_start3A_60 = arith.constant 0 : i32
    %dma_start3A_61 = arith.constant 0 : i32
    %dma_start3A_62 = tpu.memref_slice %dma_start3A_59[%dma_start3A_60, %dma_start3A_61] : memref<10112x64xf32, #tpu.memory_space<hbm>> -> memref<10112x64xf32, #tpu.memory_space<hbm>>
    tpu.enqueue_indirect_dma source(%dma_start3A_62 : memref<10112x64xf32, #tpu.memory_space<hbm>>) target(%dma_start3A_54 : memref<128x64xf32, #tpu.memory_space<vmem>>) offsets(%dma_start3A_57 : memref<128xi32, #tpu.memory_space<vmem>>) semaphore(%arg11 : memref<!tpu.dma_semaphore, #tpu.memory_space<semaphore_mem>>)
    %dma_start3A_63 = arith.constant 2 : i32
    %dma_start3A_64 = arith.constant 2 : i32
    %dma_start3A_65 = arith.constant 0 : i32
    %dma_start3A_66 = arith.constant 0 : i32
    %dma_start3A_67 = tpu.memref_slice %arg8[%dma_start3A_64, %dma_start3A_65, %dma_start3A_66] : memref<4x128x64xf32, #tpu.memory_space<vmem>> -> memref<1x128x64xf32, #tpu.memory_space<vmem>>
    %dma_start3A_68 = tpu.memref_squeeze %dma_start3A_67 : memref<1x128x64xf32, #tpu.memory_space<vmem>> -> memref<128x64xf32, #tpu.memory_space<vmem>>
    %dma_start3A_69 = arith.constant 0 : i32
    %dma_start3A_70 = tpu.memref_slice %arg6[%dma_start3A_63, %dma_start3A_69] : memref<160x128xi32, #tpu.memory_space<vmem>> -> memref<1x128xi32, #tpu.memory_space<vmem>>
    %dma_start3A_71 = tpu.memref_squeeze %dma_start3A_70 : memref<1x128xi32, #tpu.memory_space<vmem>> -> memref<128xi32, #tpu.memory_space<vmem>>
    %dma_start3A_72 = arith.constant 0 : i32
    %dma_start3A_73 = tpu.memref_slice %arg2[%add3A_8, %dma_start3A_72] : memref<20224x64xf32, #tpu.memory_space<hbm>> -> memref<10112x64xf32, #tpu.memory_space<hbm>>
    %dma_start3A_74 = arith.constant 0 : i32
    %dma_start3A_75 = arith.constant 0 : i32
    %dma_start3A_76 = tpu.memref_slice %dma_start3A_73[%dma_start3A_74, %dma_start3A_75] : memref<10112x64xf32, #tpu.memory_space<hbm>> -> memref<10112x64xf32, #tpu.memory_space<hbm>>
    tpu.enqueue_indirect_dma source(%dma_start3A_76 : memref<10112x64xf32, #tpu.memory_space<hbm>>) target(%dma_start3A_68 : memref<128x64xf32, #tpu.memory_space<vmem>>) offsets(%dma_start3A_71 : memref<128xi32, #tpu.memory_space<vmem>>) semaphore(%arg12 : memref<!tpu.dma_semaphore, #tpu.memory_space<semaphore_mem>>)
    %dma_start3A_77 = arith.constant 3 : i32
    %dma_start3A_78 = arith.constant 3 : i32
    %dma_start3A_79 = arith.constant 0 : i32
    %dma_start3A_80 = arith.constant 0 : i32
    %dma_start3A_81 = tpu.memref_slice %arg8[%dma_start3A_78, %dma_start3A_79, %dma_start3A_80] : memref<4x128x64xf32, #tpu.memory_space<vmem>> -> memref<1x128x64xf32, #tpu.memory_space<vmem>>
    %dma_start3A_82 = tpu.memref_squeeze %dma_start3A_81 : memref<1x128x64xf32, #tpu.memory_space<vmem>> -> memref<128x64xf32, #tpu.memory_space<vmem>>
    %dma_start3A_83 = arith.constant 0 : i32
    %dma_start3A_84 = tpu.memref_slice %arg6[%dma_start3A_77, %dma_start3A_83] : memref<160x128xi32, #tpu.memory_space<vmem>> -> memref<1x128xi32, #tpu.memory_space<vmem>>
    %dma_start3A_85 = tpu.memref_squeeze %dma_start3A_84 : memref<1x128xi32, #tpu.memory_space<vmem>> -> memref<128xi32, #tpu.memory_space<vmem>>
    %dma_start3A_86 = arith.constant 0 : i32
    %dma_start3A_87 = tpu.memref_slice %arg2[%add3A_8, %dma_start3A_86] : memref<20224x64xf32, #tpu.memory_space<hbm>> -> memref<10112x64xf32, #tpu.memory_space<hbm>>
    %dma_start3A_88 = arith.constant 0 : i32
    %dma_start3A_89 = arith.constant 0 : i32
    %dma_start3A_90 = tpu.memref_slice %dma_start3A_87[%dma_start3A_88, %dma_start3A_89] : memref<10112x64xf32, #tpu.memory_space<hbm>> -> memref<10112x64xf32, #tpu.memory_space<hbm>>
    tpu.enqueue_indirect_dma source(%dma_start3A_90 : memref<10112x64xf32, #tpu.memory_space<hbm>>) target(%dma_start3A_82 : memref<128x64xf32, #tpu.memory_space<vmem>>) offsets(%dma_start3A_85 : memref<128xi32, #tpu.memory_space<vmem>>) semaphore(%arg13 : memref<!tpu.dma_semaphore, #tpu.memory_space<semaphore_mem>>)
    %barrier3A = arith.constant 0 : index
    tpu.barrier barrier_id(%barrier3A)
    %scan3A_91 = arith.constant 0 : i32
    %scan3A_92 = arith.constant 39 : i32
    %scan3A_93 = arith.addi %scan3A_91, %scan3A_92 : i32
    %scan3A_94 = arith.constant 1 : i32
    scf.for %scan3A_172 = %scan3A_91 to %scan3A_93 step %scan3A_94  : i32 {
      %mul3A_173 = arith.constant 1 : i32
      %mul3A_174 = arith.muli %scan3A_172, %mul3A_173 : i32
      %add3A_175 = arith.constant 0 : i32
      %add3A_176 = arith.addi %add3A_175, %mul3A_174 : i32
      %dma_wait3A_177 = arith.constant 0 : i32
      %dma_wait3A_178 = arith.constant 0 : i32
      %dma_wait3A_179 = arith.constant 0 : i32
      %dma_wait3A_180 = tpu.memref_slice %arg8[%dma_wait3A_177, %dma_wait3A_178, %dma_wait3A_179] : memref<4x128x64xf32, #tpu.memory_space<vmem>> -> memref<1x128x64xf32, #tpu.memory_space<vmem>>
      %dma_wait3A_181 = tpu.memref_squeeze %dma_wait3A_180 : memref<1x128x64xf32, #tpu.memory_space<vmem>> -> memref<128x64xf32, #tpu.memory_space<vmem>>
      %dma_wait3A_182 = arith.constant 0 : i32
      %dma_wait3A_183 = arith.constant 0 : i32
      %dma_wait3A_184 = tpu.memref_slice %arg2[%dma_wait3A_182, %dma_wait3A_183] : memref<20224x64xf32, #tpu.memory_space<hbm>> -> memref<128x64xf32, #tpu.memory_space<hbm>>
      %dma_wait3A_185 = arith.constant 0 : i32
      %dma_wait3A_186 = arith.constant 0 : i32
      %dma_wait3A_187 = tpu.memref_slice %arg8[%dma_wait3A_177, %dma_wait3A_185, %dma_wait3A_186] : memref<4x128x64xf32, #tpu.memory_space<vmem>> -> memref<1x128x64xf32, #tpu.memory_space<vmem>>
      %dma_wait3A_188 = tpu.memref_squeeze %dma_wait3A_187 : memref<1x128x64xf32, #tpu.memory_space<vmem>> -> memref<128x64xf32, #tpu.memory_space<vmem>>
      %dma_wait3A_189 = arith.constant 0 : i32
      %dma_wait3A_190 = arith.constant 0 : i32
      %dma_wait3A_191 = tpu.memref_slice %arg2[%dma_wait3A_189, %dma_wait3A_190] : memref<20224x64xf32, #tpu.memory_space<hbm>> -> memref<128x64xf32, #tpu.memory_space<hbm>>
      tpu.wait_dma2 semaphore(%arg10 : memref<!tpu.dma_semaphore, #tpu.memory_space<semaphore_mem>>) src(%dma_wait3A_191 : memref<128x64xf32, #tpu.memory_space<hbm>>) dst(%dma_wait3A_188 : memref<128x64xf32, #tpu.memory_space<vmem>>)
      %mul3A_192 = arith.constant 4 : i32
      %mul3A_193 = arith.muli %add3A_176, %mul3A_192 : i32
      %add3A_194 = arith.constant 0 : i32
      %add3A_195 = arith.addi %mul3A_193, %add3A_194 : i32
      %run_scoped3A_196 = arith.constant 0 : i32
      "tpu.region"() ({
        %run_scoped3A_333 = tpu.sem_alloc : memref<!tpu.dma_semaphore, #tpu.memory_space<semaphore_mem>>
        %dma_start3A_334 = arith.constant 0 : i32
        %dma_start3A_335 = arith.constant 0 : i32
        %dma_start3A_336 = tpu.memref_slice %arg8[%run_scoped3A_196, %dma_start3A_334, %dma_start3A_335] : memref<4x128x64xf32, #tpu.memory_space<vmem>> -> memref<1x128x64xf32, #tpu.memory_space<vmem>>
        %dma_start3A_337 = tpu.memref_squeeze %dma_start3A_336 : memref<1x128x64xf32, #tpu.memory_space<vmem>> -> memref<128x64xf32, #tpu.memory_space<vmem>>
        %dma_start3A_338 = arith.constant 0 : i32
        %dma_start3A_339 = tpu.memref_slice %arg7[%add3A_195, %dma_start3A_338] : memref<160x128xi32, #tpu.memory_space<vmem>> -> memref<1x128xi32, #tpu.memory_space<vmem>>
        %dma_start3A_340 = tpu.memref_squeeze %dma_start3A_339 : memref<1x128xi32, #tpu.memory_space<vmem>> -> memref<128xi32, #tpu.memory_space<vmem>>
        %dma_start3A_341 = arith.constant 0 : i32
        %dma_start3A_342 = arith.constant 0 : i32
        %dma_start3A_343 = tpu.memref_slice %arg9[%dma_start3A_341, %dma_start3A_342] : memref<10112x64xf32, #tpu.memory_space<vmem_shared>> -> memref<10112x64xf32, #tpu.memory_space<vmem_shared>>
        tpu.enqueue_indirect_dma source(%dma_start3A_337 : memref<128x64xf32, #tpu.memory_space<vmem>>) target(%dma_start3A_343 : memref<10112x64xf32, #tpu.memory_space<vmem_shared>>) offsets(%dma_start3A_340 : memref<128xi32, #tpu.memory_space<vmem>>) semaphore(%run_scoped3A_333 : memref<!tpu.dma_semaphore, #tpu.memory_space<semaphore_mem>>) {add = true}
        %dma_wait3A_344 = arith.constant 0 : i32
        %dma_wait3A_345 = arith.constant 0 : i32
        %dma_wait3A_346 = tpu.memref_slice %arg8[%run_scoped3A_196, %dma_wait3A_344, %dma_wait3A_345] : memref<4x128x64xf32, #tpu.memory_space<vmem>> -> memref<1x128x64xf32, #tpu.memory_space<vmem>>
        %dma_wait3A_347 = tpu.memref_squeeze %dma_wait3A_346 : memref<1x128x64xf32, #tpu.memory_space<vmem>> -> memref<128x64xf32, #tpu.memory_space<vmem>>
        %dma_wait3A_348 = arith.constant 0 : i32
        %dma_wait3A_349 = tpu.memref_slice %arg7[%add3A_195, %dma_wait3A_348] : memref<160x128xi32, #tpu.memory_space<vmem>> -> memref<1x128xi32, #tpu.memory_space<vmem>>
        %dma_wait3A_350 = tpu.memref_squeeze %dma_wait3A_349 : memref<1x128xi32, #tpu.memory_space<vmem>> -> memref<128xi32, #tpu.memory_space<vmem>>
        %dma_wait3A_351 = arith.constant 0 : i32
        %dma_wait3A_352 = arith.constant 0 : i32
        %dma_wait3A_353 = tpu.memref_slice %arg9[%dma_wait3A_351, %dma_wait3A_352] : memref<10112x64xf32, #tpu.memory_space<vmem_shared>> -> memref<10112x64xf32, #tpu.memory_space<vmem_shared>>
        tpu.wait_indirect_dma semaphore(%run_scoped3A_333 : memref<!tpu.dma_semaphore, #tpu.memory_space<semaphore_mem>>) src(%dma_wait3A_347 : memref<128x64xf32, #tpu.memory_space<vmem>>) dst(%dma_wait3A_353 : memref<10112x64xf32, #tpu.memory_space<vmem_shared>>)
        tpu.yield
      }) : () -> ()
      %add3A_197 = arith.constant 1 : i32
      %add3A_198 = arith.addi %add3A_176, %add3A_197 : i32
      %mul3A_199 = arith.constant 4 : i32
      %mul3A_200 = arith.muli %add3A_198, %mul3A_199 : i32
      %add3A_201 = arith.constant 0 : i32
      %add3A_202 = arith.addi %mul3A_200, %add3A_201 : i32
      %dma_start3A_203 = arith.constant 0 : i32
      %dma_start3A_204 = arith.constant 0 : i32
      %dma_start3A_205 = arith.constant 0 : i32
      %dma_start3A_206 = tpu.memref_slice %arg8[%dma_start3A_203, %dma_start3A_204, %dma_start3A_205] : memref<4x128x64xf32, #tpu.memory_space<vmem>> -> memref<1x128x64xf32, #tpu.memory_space<vmem>>
      %dma_start3A_207 = tpu.memref_squeeze %dma_start3A_206 : memref<1x128x64xf32, #tpu.memory_space<vmem>> -> memref<128x64xf32, #tpu.memory_space<vmem>>
      %dma_start3A_208 = arith.constant 0 : i32
      %dma_start3A_209 = tpu.memref_slice %arg6[%add3A_202, %dma_start3A_208] : memref<160x128xi32, #tpu.memory_space<vmem>> -> memref<1x128xi32, #tpu.memory_space<vmem>>
      %dma_start3A_210 = tpu.memref_squeeze %dma_start3A_209 : memref<1x128xi32, #tpu.memory_space<vmem>> -> memref<128xi32, #tpu.memory_space<vmem>>
      %dma_start3A_211 = arith.constant 0 : i32
      %dma_start3A_212 = tpu.memref_slice %arg2[%add3A_8, %dma_start3A_211] : memref<20224x64xf32, #tpu.memory_space<hbm>> -> memref<10112x64xf32, #tpu.memory_space<hbm>>
      %dma_start3A_213 = arith.constant 0 : i32
      %dma_start3A_214 = arith.constant 0 : i32
      %dma_start3A_215 = tpu.memref_slice %dma_start3A_212[%dma_start3A_213, %dma_start3A_214] : memref<10112x64xf32, #tpu.memory_space<hbm>> -> memref<10112x64xf32, #tpu.memory_space<hbm>>
      tpu.enqueue_indirect_dma source(%dma_start3A_215 : memref<10112x64xf32, #tpu.memory_space<hbm>>) target(%dma_start3A_207 : memref<128x64xf32, #tpu.memory_space<vmem>>) offsets(%dma_start3A_210 : memref<128xi32, #tpu.memory_space<vmem>>) semaphore(%arg10 : memref<!tpu.dma_semaphore, #tpu.memory_space<semaphore_mem>>)
      %dma_wait3A_216 = arith.constant 1 : i32
      %dma_wait3A_217 = arith.constant 0 : i32
      %dma_wait3A_218 = arith.constant 0 : i32
      %dma_wait3A_219 = tpu.memref_slice %arg8[%dma_wait3A_216, %dma_wait3A_217, %dma_wait3A_218] : memref<4x128x64xf32, #tpu.memory_space<vmem>> -> memref<1x128x64xf32, #tpu.memory_space<vmem>>
      %dma_wait3A_220 = tpu.memref_squeeze %dma_wait3A_219 : memref<1x128x64xf32, #tpu.memory_space<vmem>> -> memref<128x64xf32, #tpu.memory_space<vmem>>
      %dma_wait3A_221 = arith.constant 0 : i32
      %dma_wait3A_222 = arith.constant 0 : i32
      %dma_wait3A_223 = tpu.memref_slice %arg2[%dma_wait3A_221, %dma_wait3A_222] : memref<20224x64xf32, #tpu.memory_space<hbm>> -> memref<128x64xf32, #tpu.memory_space<hbm>>
      %dma_wait3A_224 = arith.constant 0 : i32
      %dma_wait3A_225 = arith.constant 0 : i32
      %dma_wait3A_226 = tpu.memref_slice %arg8[%dma_wait3A_216, %dma_wait3A_224, %dma_wait3A_225] : memref<4x128x64xf32, #tpu.memory_space<vmem>> -> memref<1x128x64xf32, #tpu.memory_space<vmem>>
      %dma_wait3A_227 = tpu.memref_squeeze %dma_wait3A_226 : memref<1x128x64xf32, #tpu.memory_space<vmem>> -> memref<128x64xf32, #tpu.memory_space<vmem>>
      %dma_wait3A_228 = arith.constant 0 : i32
      %dma_wait3A_229 = arith.constant 0 : i32
      %dma_wait3A_230 = tpu.memref_slice %arg2[%dma_wait3A_228, %dma_wait3A_229] : memref<20224x64xf32, #tpu.memory_space<hbm>> -> memref<128x64xf32, #tpu.memory_space<hbm>>
      tpu.wait_dma2 semaphore(%arg11 : memref<!tpu.dma_semaphore, #tpu.memory_space<semaphore_mem>>) src(%dma_wait3A_230 : memref<128x64xf32, #tpu.memory_space<hbm>>) dst(%dma_wait3A_227 : memref<128x64xf32, #tpu.memory_space<vmem>>)
      %mul3A_231 = arith.constant 4 : i32
      %mul3A_232 = arith.muli %add3A_176, %mul3A_231 : i32
      %add3A_233 = arith.constant 1 : i32
      %add3A_234 = arith.addi %mul3A_232, %add3A_233 : i32
      %run_scoped3A_235 = arith.constant 1 : i32
      "tpu.region"() ({
        %run_scoped3A_333 = tpu.sem_alloc : memref<!tpu.dma_semaphore, #tpu.memory_space<semaphore_mem>>
        %dma_start3A_334 = arith.constant 0 : i32
        %dma_start3A_335 = arith.constant 0 : i32
        %dma_start3A_336 = tpu.memref_slice %arg8[%run_scoped3A_235, %dma_start3A_334, %dma_start3A_335] : memref<4x128x64xf32, #tpu.memory_space<vmem>> -> memref<1x128x64xf32, #tpu.memory_space<vmem>>
        %dma_start3A_337 = tpu.memref_squeeze %dma_start3A_336 : memref<1x128x64xf32, #tpu.memory_space<vmem>> -> memref<128x64xf32, #tpu.memory_space<vmem>>
        %dma_start3A_338 = arith.constant 0 : i32
        %dma_start3A_339 = tpu.memref_slice %arg7[%add3A_234, %dma_start3A_338] : memref<160x128xi32, #tpu.memory_space<vmem>> -> memref<1x128xi32, #tpu.memory_space<vmem>>
        %dma_start3A_340 = tpu.memref_squeeze %dma_start3A_339 : memref<1x128xi32, #tpu.memory_space<vmem>> -> memref<128xi32, #tpu.memory_space<vmem>>
        %dma_start3A_341 = arith.constant 0 : i32
        %dma_start3A_342 = arith.constant 0 : i32
        %dma_start3A_343 = tpu.memref_slice %arg9[%dma_start3A_341, %dma_start3A_342] : memref<10112x64xf32, #tpu.memory_space<vmem_shared>> -> memref<10112x64xf32, #tpu.memory_space<vmem_shared>>
        tpu.enqueue_indirect_dma source(%dma_start3A_337 : memref<128x64xf32, #tpu.memory_space<vmem>>) target(%dma_start3A_343 : memref<10112x64xf32, #tpu.memory_space<vmem_shared>>) offsets(%dma_start3A_340 : memref<128xi32, #tpu.memory_space<vmem>>) semaphore(%run_scoped3A_333 : memref<!tpu.dma_semaphore, #tpu.memory_space<semaphore_mem>>) {add = true}
        %dma_wait3A_344 = arith.constant 0 : i32
        %dma_wait3A_345 = arith.constant 0 : i32
        %dma_wait3A_346 = tpu.memref_slice %arg8[%run_scoped3A_235, %dma_wait3A_344, %dma_wait3A_345] : memref<4x128x64xf32, #tpu.memory_space<vmem>> -> memref<1x128x64xf32, #tpu.memory_space<vmem>>
        %dma_wait3A_347 = tpu.memref_squeeze %dma_wait3A_346 : memref<1x128x64xf32, #tpu.memory_space<vmem>> -> memref<128x64xf32, #tpu.memory_space<vmem>>
        %dma_wait3A_348 = arith.constant 0 : i32
        %dma_wait3A_349 = tpu.memref_slice %arg7[%add3A_234, %dma_wait3A_348] : memref<160x128xi32, #tpu.memory_space<vmem>> -> memref<1x128xi32, #tpu.memory_space<vmem>>
        %dma_wait3A_350 = tpu.memref_squeeze %dma_wait3A_349 : memref<1x128xi32, #tpu.memory_space<vmem>> -> memref<128xi32, #tpu.memory_space<vmem>>
        %dma_wait3A_351 = arith.constant 0 : i32
        %dma_wait3A_352 = arith.constant 0 : i32
        %dma_wait3A_353 = tpu.memref_slice %arg9[%dma_wait3A_351, %dma_wait3A_352] : memref<10112x64xf32, #tpu.memory_space<vmem_shared>> -> memref<10112x64xf32, #tpu.memory_space<vmem_shared>>
        tpu.wait_indirect_dma semaphore(%run_scoped3A_333 : memref<!tpu.dma_semaphore, #tpu.memory_space<semaphore_mem>>) src(%dma_wait3A_347 : memref<128x64xf32, #tpu.memory_space<vmem>>) dst(%dma_wait3A_353 : memref<10112x64xf32, #tpu.memory_space<vmem_shared>>)
        tpu.yield
      }) : () -> ()
      %add3A_236 = arith.constant 1 : i32
      %add3A_237 = arith.addi %add3A_176, %add3A_236 : i32
      %mul3A_238 = arith.constant 4 : i32
      %mul3A_239 = arith.muli %add3A_237, %mul3A_238 : i32
      %add3A_240 = arith.constant 1 : i32
      %add3A_241 = arith.addi %mul3A_239, %add3A_240 : i32
      %dma_start3A_242 = arith.constant 1 : i32
      %dma_start3A_243 = arith.constant 0 : i32
      %dma_start3A_244 = arith.constant 0 : i32
      %dma_start3A_245 = tpu.memref_slice %arg8[%dma_start3A_242, %dma_start3A_243, %dma_start3A_244] : memref<4x128x64xf32, #tpu.memory_space<vmem>> -> memref<1x128x64xf32, #tpu.memory_space<vmem>>
      %dma_start3A_246 = tpu.memref_squeeze %dma_start3A_245 : memref<1x128x64xf32, #tpu.memory_space<vmem>> -> memref<128x64xf32, #tpu.memory_space<vmem>>
      %dma_start3A_247 = arith.constant 0 : i32
      %dma_start3A_248 = tpu.memref_slice %arg6[%add3A_241, %dma_start3A_247] : memref<160x128xi32, #tpu.memory_space<vmem>> -> memref<1x128xi32, #tpu.memory_space<vmem>>
      %dma_start3A_249 = tpu.memref_squeeze %dma_start3A_248 : memref<1x128xi32, #tpu.memory_space<vmem>> -> memref<128xi32, #tpu.memory_space<vmem>>
      %dma_start3A_250 = arith.constant 0 : i32
      %dma_start3A_251 = tpu.memref_slice %arg2[%add3A_8, %dma_start3A_250] : memref<20224x64xf32, #tpu.memory_space<hbm>> -> memref<10112x64xf32, #tpu.memory_space<hbm>>
      %dma_start3A_252 = arith.constant 0 : i32
      %dma_start3A_253 = arith.constant 0 : i32
      %dma_start3A_254 = tpu.memref_slice %dma_start3A_251[%dma_start3A_252, %dma_start3A_253] : memref<10112x64xf32, #tpu.memory_space<hbm>> -> memref<10112x64xf32, #tpu.memory_space<hbm>>
      tpu.enqueue_indirect_dma source(%dma_start3A_254 : memref<10112x64xf32, #tpu.memory_space<hbm>>) target(%dma_start3A_246 : memref<128x64xf32, #tpu.memory_space<vmem>>) offsets(%dma_start3A_249 : memref<128xi32, #tpu.memory_space<vmem>>) semaphore(%arg11 : memref<!tpu.dma_semaphore, #tpu.memory_space<semaphore_mem>>)
      %dma_wait3A_255 = arith.constant 2 : i32
      %dma_wait3A_256 = arith.constant 0 : i32
      %dma_wait3A_257 = arith.constant 0 : i32
      %dma_wait3A_258 = tpu.memref_slice %arg8[%dma_wait3A_255, %dma_wait3A_256, %dma_wait3A_257] : memref<4x128x64xf32, #tpu.memory_space<vmem>> -> memref<1x128x64xf32, #tpu.memory_space<vmem>>
      %dma_wait3A_259 = tpu.memref_squeeze %dma_wait3A_258 : memref<1x128x64xf32, #tpu.memory_space<vmem>> -> memref<128x64xf32, #tpu.memory_space<vmem>>
      %dma_wait3A_260 = arith.constant 0 : i32
      %dma_wait3A_261 = arith.constant 0 : i32
      %dma_wait3A_262 = tpu.memref_slice %arg2[%dma_wait3A_260, %dma_wait3A_261] : memref<20224x64xf32, #tpu.memory_space<hbm>> -> memref<128x64xf32, #tpu.memory_space<hbm>>
      %dma_wait3A_263 = arith.constant 0 : i32
      %dma_wait3A_264 = arith.constant 0 : i32
      %dma_wait3A_265 = tpu.memref_slice %arg8[%dma_wait3A_255, %dma_wait3A_263, %dma_wait3A_264] : memref<4x128x64xf32, #tpu.memory_space<vmem>> -> memref<1x128x64xf32, #tpu.memory_space<vmem>>
      %dma_wait3A_266 = tpu.memref_squeeze %dma_wait3A_265 : memref<1x128x64xf32, #tpu.memory_space<vmem>> -> memref<128x64xf32, #tpu.memory_space<vmem>>
      %dma_wait3A_267 = arith.constant 0 : i32
      %dma_wait3A_268 = arith.constant 0 : i32
      %dma_wait3A_269 = tpu.memref_slice %arg2[%dma_wait3A_267, %dma_wait3A_268] : memref<20224x64xf32, #tpu.memory_space<hbm>> -> memref<128x64xf32, #tpu.memory_space<hbm>>
      tpu.wait_dma2 semaphore(%arg12 : memref<!tpu.dma_semaphore, #tpu.memory_space<semaphore_mem>>) src(%dma_wait3A_269 : memref<128x64xf32, #tpu.memory_space<hbm>>) dst(%dma_wait3A_266 : memref<128x64xf32, #tpu.memory_space<vmem>>)
      %mul3A_270 = arith.constant 4 : i32
      %mul3A_271 = arith.muli %add3A_176, %mul3A_270 : i32
      %add3A_272 = arith.constant 2 : i32
      %add3A_273 = arith.addi %mul3A_271, %add3A_272 : i32
      %run_scoped3A_274 = arith.constant 2 : i32
      "tpu.region"() ({
        %run_scoped3A_333 = tpu.sem_alloc : memref<!tpu.dma_semaphore, #tpu.memory_space<semaphore_mem>>
        %dma_start3A_334 = arith.constant 0 : i32
        %dma_start3A_335 = arith.constant 0 : i32
        %dma_start3A_336 = tpu.memref_slice %arg8[%run_scoped3A_274, %dma_start3A_334, %dma_start3A_335] : memref<4x128x64xf32, #tpu.memory_space<vmem>> -> memref<1x128x64xf32, #tpu.memory_space<vmem>>
        %dma_start3A_337 = tpu.memref_squeeze %dma_start3A_336 : memref<1x128x64xf32, #tpu.memory_space<vmem>> -> memref<128x64xf32, #tpu.memory_space<vmem>>
        %dma_start3A_338 = arith.constant 0 : i32
        %dma_start3A_339 = tpu.memref_slice %arg7[%add3A_273, %dma_start3A_338] : memref<160x128xi32, #tpu.memory_space<vmem>> -> memref<1x128xi32, #tpu.memory_space<vmem>>
        %dma_start3A_340 = tpu.memref_squeeze %dma_start3A_339 : memref<1x128xi32, #tpu.memory_space<vmem>> -> memref<128xi32, #tpu.memory_space<vmem>>
        %dma_start3A_341 = arith.constant 0 : i32
        %dma_start3A_342 = arith.constant 0 : i32
        %dma_start3A_343 = tpu.memref_slice %arg9[%dma_start3A_341, %dma_start3A_342] : memref<10112x64xf32, #tpu.memory_space<vmem_shared>> -> memref<10112x64xf32, #tpu.memory_space<vmem_shared>>
        tpu.enqueue_indirect_dma source(%dma_start3A_337 : memref<128x64xf32, #tpu.memory_space<vmem>>) target(%dma_start3A_343 : memref<10112x64xf32, #tpu.memory_space<vmem_shared>>) offsets(%dma_start3A_340 : memref<128xi32, #tpu.memory_space<vmem>>) semaphore(%run_scoped3A_333 : memref<!tpu.dma_semaphore, #tpu.memory_space<semaphore_mem>>) {add = true}
        %dma_wait3A_344 = arith.constant 0 : i32
        %dma_wait3A_345 = arith.constant 0 : i32
        %dma_wait3A_346 = tpu.memref_slice %arg8[%run_scoped3A_274, %dma_wait3A_344, %dma_wait3A_345] : memref<4x128x64xf32, #tpu.memory_space<vmem>> -> memref<1x128x64xf32, #tpu.memory_space<vmem>>
        %dma_wait3A_347 = tpu.memref_squeeze %dma_wait3A_346 : memref<1x128x64xf32, #tpu.memory_space<vmem>> -> memref<128x64xf32, #tpu.memory_space<vmem>>
        %dma_wait3A_348 = arith.constant 0 : i32
        %dma_wait3A_349 = tpu.memref_slice %arg7[%add3A_273, %dma_wait3A_348] : memref<160x128xi32, #tpu.memory_space<vmem>> -> memref<1x128xi32, #tpu.memory_space<vmem>>
        %dma_wait3A_350 = tpu.memref_squeeze %dma_wait3A_349 : memref<1x128xi32, #tpu.memory_space<vmem>> -> memref<128xi32, #tpu.memory_space<vmem>>
        %dma_wait3A_351 = arith.constant 0 : i32
        %dma_wait3A_352 = arith.constant 0 : i32
        %dma_wait3A_353 = tpu.memref_slice %arg9[%dma_wait3A_351, %dma_wait3A_352] : memref<10112x64xf32, #tpu.memory_space<vmem_shared>> -> memref<10112x64xf32, #tpu.memory_space<vmem_shared>>
        tpu.wait_indirect_dma semaphore(%run_scoped3A_333 : memref<!tpu.dma_semaphore, #tpu.memory_space<semaphore_mem>>) src(%dma_wait3A_347 : memref<128x64xf32, #tpu.memory_space<vmem>>) dst(%dma_wait3A_353 : memref<10112x64xf32, #tpu.memory_space<vmem_shared>>)
        tpu.yield
      }) : () -> ()
      %add3A_275 = arith.constant 1 : i32
      %add3A_276 = arith.addi %add3A_176, %add3A_275 : i32
      %mul3A_277 = arith.constant 4 : i32
      %mul3A_278 = arith.muli %add3A_276, %mul3A_277 : i32
      %add3A_279 = arith.constant 2 : i32
      %add3A_280 = arith.addi %mul3A_278, %add3A_279 : i32
      %dma_start3A_281 = arith.constant 2 : i32
      %dma_start3A_282 = arith.constant 0 : i32
      %dma_start3A_283 = arith.constant 0 : i32
      %dma_start3A_284 = tpu.memref_slice %arg8[%dma_start3A_281, %dma_start3A_282, %dma_start3A_283] : memref<4x128x64xf32, #tpu.memory_space<vmem>> -> memref<1x128x64xf32, #tpu.memory_space<vmem>>
      %dma_start3A_285 = tpu.memref_squeeze %dma_start3A_284 : memref<1x128x64xf32, #tpu.memory_space<vmem>> -> memref<128x64xf32, #tpu.memory_space<vmem>>
      %dma_start3A_286 = arith.constant 0 : i32
      %dma_start3A_287 = tpu.memref_slice %arg6[%add3A_280, %dma_start3A_286] : memref<160x128xi32, #tpu.memory_space<vmem>> -> memref<1x128xi32, #tpu.memory_space<vmem>>
      %dma_start3A_288 = tpu.memref_squeeze %dma_start3A_287 : memref<1x128xi32, #tpu.memory_space<vmem>> -> memref<128xi32, #tpu.memory_space<vmem>>
      %dma_start3A_289 = arith.constant 0 : i32
      %dma_start3A_290 = tpu.memref_slice %arg2[%add3A_8, %dma_start3A_289] : memref<20224x64xf32, #tpu.memory_space<hbm>> -> memref<10112x64xf32, #tpu.memory_space<hbm>>
      %dma_start3A_291 = arith.constant 0 : i32
      %dma_start3A_292 = arith.constant 0 : i32
      %dma_start3A_293 = tpu.memref_slice %dma_start3A_290[%dma_start3A_291, %dma_start3A_292] : memref<10112x64xf32, #tpu.memory_space<hbm>> -> memref<10112x64xf32, #tpu.memory_space<hbm>>
      tpu.enqueue_indirect_dma source(%dma_start3A_293 : memref<10112x64xf32, #tpu.memory_space<hbm>>) target(%dma_start3A_285 : memref<128x64xf32, #tpu.memory_space<vmem>>) offsets(%dma_start3A_288 : memref<128xi32, #tpu.memory_space<vmem>>) semaphore(%arg12 : memref<!tpu.dma_semaphore, #tpu.memory_space<semaphore_mem>>)
      %dma_wait3A_294 = arith.constant 3 : i32
      %dma_wait3A_295 = arith.constant 0 : i32
      %dma_wait3A_296 = arith.constant 0 : i32
      %dma_wait3A_297 = tpu.memref_slice %arg8[%dma_wait3A_294, %dma_wait3A_295, %dma_wait3A_296] : memref<4x128x64xf32, #tpu.memory_space<vmem>> -> memref<1x128x64xf32, #tpu.memory_space<vmem>>
      %dma_wait3A_298 = tpu.memref_squeeze %dma_wait3A_297 : memref<1x128x64xf32, #tpu.memory_space<vmem>> -> memref<128x64xf32, #tpu.memory_space<vmem>>
      %dma_wait3A_299 = arith.constant 0 : i32
      %dma_wait3A_300 = arith.constant 0 : i32
      %dma_wait3A_301 = tpu.memref_slice %arg2[%dma_wait3A_299, %dma_wait3A_300] : memref<20224x64xf32, #tpu.memory_space<hbm>> -> memref<128x64xf32, #tpu.memory_space<hbm>>
      %dma_wait3A_302 = arith.constant 0 : i32
      %dma_wait3A_303 = arith.constant 0 : i32
      %dma_wait3A_304 = tpu.memref_slice %arg8[%dma_wait3A_294, %dma_wait3A_302, %dma_wait3A_303] : memref<4x128x64xf32, #tpu.memory_space<vmem>> -> memref<1x128x64xf32, #tpu.memory_space<vmem>>
      %dma_wait3A_305 = tpu.memref_squeeze %dma_wait3A_304 : memref<1x128x64xf32, #tpu.memory_space<vmem>> -> memref<128x64xf32, #tpu.memory_space<vmem>>
      %dma_wait3A_306 = arith.constant 0 : i32
      %dma_wait3A_307 = arith.constant 0 : i32
      %dma_wait3A_308 = tpu.memref_slice %arg2[%dma_wait3A_306, %dma_wait3A_307] : memref<20224x64xf32, #tpu.memory_space<hbm>> -> memref<128x64xf32, #tpu.memory_space<hbm>>
      tpu.wait_dma2 semaphore(%arg13 : memref<!tpu.dma_semaphore, #tpu.memory_space<semaphore_mem>>) src(%dma_wait3A_308 : memref<128x64xf32, #tpu.memory_space<hbm>>) dst(%dma_wait3A_305 : memref<128x64xf32, #tpu.memory_space<vmem>>)
      %mul3A_309 = arith.constant 4 : i32
      %mul3A_310 = arith.muli %add3A_176, %mul3A_309 : i32
      %add3A_311 = arith.constant 3 : i32
      %add3A_312 = arith.addi %mul3A_310, %add3A_311 : i32
      %run_scoped3A_313 = arith.constant 3 : i32
      "tpu.region"() ({
        %run_scoped3A_333 = tpu.sem_alloc : memref<!tpu.dma_semaphore, #tpu.memory_space<semaphore_mem>>
        %dma_start3A_334 = arith.constant 0 : i32
        %dma_start3A_335 = arith.constant 0 : i32
        %dma_start3A_336 = tpu.memref_slice %arg8[%run_scoped3A_313, %dma_start3A_334, %dma_start3A_335] : memref<4x128x64xf32, #tpu.memory_space<vmem>> -> memref<1x128x64xf32, #tpu.memory_space<vmem>>
        %dma_start3A_337 = tpu.memref_squeeze %dma_start3A_336 : memref<1x128x64xf32, #tpu.memory_space<vmem>> -> memref<128x64xf32, #tpu.memory_space<vmem>>
        %dma_start3A_338 = arith.constant 0 : i32
        %dma_start3A_339 = tpu.memref_slice %arg7[%add3A_312, %dma_start3A_338] : memref<160x128xi32, #tpu.memory_space<vmem>> -> memref<1x128xi32, #tpu.memory_space<vmem>>
        %dma_start3A_340 = tpu.memref_squeeze %dma_start3A_339 : memref<1x128xi32, #tpu.memory_space<vmem>> -> memref<128xi32, #tpu.memory_space<vmem>>
        %dma_start3A_341 = arith.constant 0 : i32
        %dma_start3A_342 = arith.constant 0 : i32
        %dma_start3A_343 = tpu.memref_slice %arg9[%dma_start3A_341, %dma_start3A_342] : memref<10112x64xf32, #tpu.memory_space<vmem_shared>> -> memref<10112x64xf32, #tpu.memory_space<vmem_shared>>
        tpu.enqueue_indirect_dma source(%dma_start3A_337 : memref<128x64xf32, #tpu.memory_space<vmem>>) target(%dma_start3A_343 : memref<10112x64xf32, #tpu.memory_space<vmem_shared>>) offsets(%dma_start3A_340 : memref<128xi32, #tpu.memory_space<vmem>>) semaphore(%run_scoped3A_333 : memref<!tpu.dma_semaphore, #tpu.memory_space<semaphore_mem>>) {add = true}
        %dma_wait3A_344 = arith.constant 0 : i32
        %dma_wait3A_345 = arith.constant 0 : i32
        %dma_wait3A_346 = tpu.memref_slice %arg8[%run_scoped3A_313, %dma_wait3A_344, %dma_wait3A_345] : memref<4x128x64xf32, #tpu.memory_space<vmem>> -> memref<1x128x64xf32, #tpu.memory_space<vmem>>
        %dma_wait3A_347 = tpu.memref_squeeze %dma_wait3A_346 : memref<1x128x64xf32, #tpu.memory_space<vmem>> -> memref<128x64xf32, #tpu.memory_space<vmem>>
        %dma_wait3A_348 = arith.constant 0 : i32
        %dma_wait3A_349 = tpu.memref_slice %arg7[%add3A_312, %dma_wait3A_348] : memref<160x128xi32, #tpu.memory_space<vmem>> -> memref<1x128xi32, #tpu.memory_space<vmem>>
        %dma_wait3A_350 = tpu.memref_squeeze %dma_wait3A_349 : memref<1x128xi32, #tpu.memory_space<vmem>> -> memref<128xi32, #tpu.memory_space<vmem>>
        %dma_wait3A_351 = arith.constant 0 : i32
        %dma_wait3A_352 = arith.constant 0 : i32
        %dma_wait3A_353 = tpu.memref_slice %arg9[%dma_wait3A_351, %dma_wait3A_352] : memref<10112x64xf32, #tpu.memory_space<vmem_shared>> -> memref<10112x64xf32, #tpu.memory_space<vmem_shared>>
        tpu.wait_indirect_dma semaphore(%run_scoped3A_333 : memref<!tpu.dma_semaphore, #tpu.memory_space<semaphore_mem>>) src(%dma_wait3A_347 : memref<128x64xf32, #tpu.memory_space<vmem>>) dst(%dma_wait3A_353 : memref<10112x64xf32, #tpu.memory_space<vmem_shared>>)
        tpu.yield
      }) : () -> ()
      %add3A_314 = arith.constant 1 : i32
      %add3A_315 = arith.addi %add3A_176, %add3A_314 : i32
      %mul3A_316 = arith.constant 4 : i32
      %mul3A_317 = arith.muli %add3A_315, %mul3A_316 : i32
      %add3A_318 = arith.constant 3 : i32
      %add3A_319 = arith.addi %mul3A_317, %add3A_318 : i32
      %dma_start3A_320 = arith.constant 3 : i32
      %dma_start3A_321 = arith.constant 0 : i32
      %dma_start3A_322 = arith.constant 0 : i32
      %dma_start3A_323 = tpu.memref_slice %arg8[%dma_start3A_320, %dma_start3A_321, %dma_start3A_322] : memref<4x128x64xf32, #tpu.memory_space<vmem>> -> memref<1x128x64xf32, #tpu.memory_space<vmem>>
      %dma_start3A_324 = tpu.memref_squeeze %dma_start3A_323 : memref<1x128x64xf32, #tpu.memory_space<vmem>> -> memref<128x64xf32, #tpu.memory_space<vmem>>
      %dma_start3A_325 = arith.constant 0 : i32
      %dma_start3A_326 = tpu.memref_slice %arg6[%add3A_319, %dma_start3A_325] : memref<160x128xi32, #tpu.memory_space<vmem>> -> memref<1x128xi32, #tpu.memory_space<vmem>>
      %dma_start3A_327 = tpu.memref_squeeze %dma_start3A_326 : memref<1x128xi32, #tpu.memory_space<vmem>> -> memref<128xi32, #tpu.memory_space<vmem>>
      %dma_start3A_328 = arith.constant 0 : i32
      %dma_start3A_329 = tpu.memref_slice %arg2[%add3A_8, %dma_start3A_328] : memref<20224x64xf32, #tpu.memory_space<hbm>> -> memref<10112x64xf32, #tpu.memory_space<hbm>>
      %dma_start3A_330 = arith.constant 0 : i32
      %dma_start3A_331 = arith.constant 0 : i32
      %dma_start3A_332 = tpu.memref_slice %dma_start3A_329[%dma_start3A_330, %dma_start3A_331] : memref<10112x64xf32, #tpu.memory_space<hbm>> -> memref<10112x64xf32, #tpu.memory_space<hbm>>
      tpu.enqueue_indirect_dma source(%dma_start3A_332 : memref<10112x64xf32, #tpu.memory_space<hbm>>) target(%dma_start3A_324 : memref<128x64xf32, #tpu.memory_space<vmem>>) offsets(%dma_start3A_327 : memref<128xi32, #tpu.memory_space<vmem>>) semaphore(%arg13 : memref<!tpu.dma_semaphore, #tpu.memory_space<semaphore_mem>>)
    }
    %scan3A_95 = arith.constant 39 : i32
    %dma_wait3A = arith.constant 0 : i32
    %dma_wait3A_96 = arith.constant 0 : i32
    %dma_wait3A_97 = arith.constant 0 : i32
    %dma_wait3A_98 = tpu.memref_slice %arg8[%dma_wait3A, %dma_wait3A_96, %dma_wait3A_97] : memref<4x128x64xf32, #tpu.memory_space<vmem>> -> memref<1x128x64xf32, #tpu.memory_space<vmem>>
    %dma_wait3A_99 = tpu.memref_squeeze %dma_wait3A_98 : memref<1x128x64xf32, #tpu.memory_space<vmem>> -> memref<128x64xf32, #tpu.memory_space<vmem>>
    %dma_wait3A_100 = arith.constant 0 : i32
    %dma_wait3A_101 = arith.constant 0 : i32
    %dma_wait3A_102 = tpu.memref_slice %arg2[%dma_wait3A_100, %dma_wait3A_101] : memref<20224x64xf32, #tpu.memory_space<hbm>> -> memref<128x64xf32, #tpu.memory_space<hbm>>
    %dma_wait3A_103 = arith.constant 0 : i32
    %dma_wait3A_104 = arith.constant 0 : i32
    %dma_wait3A_105 = tpu.memref_slice %arg8[%dma_wait3A, %dma_wait3A_103, %dma_wait3A_104] : memref<4x128x64xf32, #tpu.memory_space<vmem>> -> memref<1x128x64xf32, #tpu.memory_space<vmem>>
    %dma_wait3A_106 = tpu.memref_squeeze %dma_wait3A_105 : memref<1x128x64xf32, #tpu.memory_space<vmem>> -> memref<128x64xf32, #tpu.memory_space<vmem>>
    %dma_wait3A_107 = arith.constant 0 : i32
    %dma_wait3A_108 = arith.constant 0 : i32
    %dma_wait3A_109 = tpu.memref_slice %arg2[%dma_wait3A_107, %dma_wait3A_108] : memref<20224x64xf32, #tpu.memory_space<hbm>> -> memref<128x64xf32, #tpu.memory_space<hbm>>
    tpu.wait_dma2 semaphore(%arg10 : memref<!tpu.dma_semaphore, #tpu.memory_space<semaphore_mem>>) src(%dma_wait3A_109 : memref<128x64xf32, #tpu.memory_space<hbm>>) dst(%dma_wait3A_106 : memref<128x64xf32, #tpu.memory_space<vmem>>)
    %run_scoped3A = arith.constant 0 : i32
    %run_scoped3A_110 = arith.constant 156 : i32
    "tpu.region"() ({
      %run_scoped3A_172 = tpu.sem_alloc : memref<!tpu.dma_semaphore, #tpu.memory_space<semaphore_mem>>
      %dma_start3A_173 = arith.constant 0 : i32
      %dma_start3A_174 = arith.constant 0 : i32
      %dma_start3A_175 = tpu.memref_slice %arg8[%run_scoped3A, %dma_start3A_173, %dma_start3A_174] : memref<4x128x64xf32, #tpu.memory_space<vmem>> -> memref<1x128x64xf32, #tpu.memory_space<vmem>>
      %dma_start3A_176 = tpu.memref_squeeze %dma_start3A_175 : memref<1x128x64xf32, #tpu.memory_space<vmem>> -> memref<128x64xf32, #tpu.memory_space<vmem>>
      %dma_start3A_177 = arith.constant 0 : i32
      %dma_start3A_178 = tpu.memref_slice %arg7[%run_scoped3A_110, %dma_start3A_177] : memref<160x128xi32, #tpu.memory_space<vmem>> -> memref<1x128xi32, #tpu.memory_space<vmem>>
      %dma_start3A_179 = tpu.memref_squeeze %dma_start3A_178 : memref<1x128xi32, #tpu.memory_space<vmem>> -> memref<128xi32, #tpu.memory_space<vmem>>
      %dma_start3A_180 = arith.constant 0 : i32
      %dma_start3A_181 = arith.constant 0 : i32
      %dma_start3A_182 = tpu.memref_slice %arg9[%dma_start3A_180, %dma_start3A_181] : memref<10112x64xf32, #tpu.memory_space<vmem_shared>> -> memref<10112x64xf32, #tpu.memory_space<vmem_shared>>
      tpu.enqueue_indirect_dma source(%dma_start3A_176 : memref<128x64xf32, #tpu.memory_space<vmem>>) target(%dma_start3A_182 : memref<10112x64xf32, #tpu.memory_space<vmem_shared>>) offsets(%dma_start3A_179 : memref<128xi32, #tpu.memory_space<vmem>>) semaphore(%run_scoped3A_172 : memref<!tpu.dma_semaphore, #tpu.memory_space<semaphore_mem>>) {add = true}
      %dma_wait3A_183 = arith.constant 0 : i32
      %dma_wait3A_184 = arith.constant 0 : i32
      %dma_wait3A_185 = tpu.memref_slice %arg8[%run_scoped3A, %dma_wait3A_183, %dma_wait3A_184] : memref<4x128x64xf32, #tpu.memory_space<vmem>> -> memref<1x128x64xf32, #tpu.memory_space<vmem>>
      %dma_wait3A_186 = tpu.memref_squeeze %dma_wait3A_185 : memref<1x128x64xf32, #tpu.memory_space<vmem>> -> memref<128x64xf32, #tpu.memory_space<vmem>>
      %dma_wait3A_187 = arith.constant 0 : i32
      %dma_wait3A_188 = tpu.memref_slice %arg7[%run_scoped3A_110, %dma_wait3A_187] : memref<160x128xi32, #tpu.memory_space<vmem>> -> memref<1x128xi32, #tpu.memory_space<vmem>>
      %dma_wait3A_189 = tpu.memref_squeeze %dma_wait3A_188 : memref<1x128xi32, #tpu.memory_space<vmem>> -> memref<128xi32, #tpu.memory_space<vmem>>
      %dma_wait3A_190 = arith.constant 0 : i32
      %dma_wait3A_191 = arith.constant 0 : i32
      %dma_wait3A_192 = tpu.memref_slice %arg9[%dma_wait3A_190, %dma_wait3A_191] : memref<10112x64xf32, #tpu.memory_space<vmem_shared>> -> memref<10112x64xf32, #tpu.memory_space<vmem_shared>>
      tpu.wait_indirect_dma semaphore(%run_scoped3A_172 : memref<!tpu.dma_semaphore, #tpu.memory_space<semaphore_mem>>) src(%dma_wait3A_186 : memref<128x64xf32, #tpu.memory_space<vmem>>) dst(%dma_wait3A_192 : memref<10112x64xf32, #tpu.memory_space<vmem_shared>>)
      tpu.yield
    }) : () -> ()
    %dma_wait3A_111 = arith.constant 1 : i32
    %dma_wait3A_112 = arith.constant 0 : i32
    %dma_wait3A_113 = arith.constant 0 : i32
    %dma_wait3A_114 = tpu.memref_slice %arg8[%dma_wait3A_111, %dma_wait3A_112, %dma_wait3A_113] : memref<4x128x64xf32, #tpu.memory_space<vmem>> -> memref<1x128x64xf32, #tpu.memory_space<vmem>>
    %dma_wait3A_115 = tpu.memref_squeeze %dma_wait3A_114 : memref<1x128x64xf32, #tpu.memory_space<vmem>> -> memref<128x64xf32, #tpu.memory_space<vmem>>
    %dma_wait3A_116 = arith.constant 0 : i32
    %dma_wait3A_117 = arith.constant 0 : i32
    %dma_wait3A_118 = tpu.memref_slice %arg2[%dma_wait3A_116, %dma_wait3A_117] : memref<20224x64xf32, #tpu.memory_space<hbm>> -> memref<128x64xf32, #tpu.memory_space<hbm>>
    %dma_wait3A_119 = arith.constant 0 : i32
    %dma_wait3A_120 = arith.constant 0 : i32
    %dma_wait3A_121 = tpu.memref_slice %arg8[%dma_wait3A_111, %dma_wait3A_119, %dma_wait3A_120] : memref<4x128x64xf32, #tpu.memory_space<vmem>> -> memref<1x128x64xf32, #tpu.memory_space<vmem>>
    %dma_wait3A_122 = tpu.memref_squeeze %dma_wait3A_121 : memref<1x128x64xf32, #tpu.memory_space<vmem>> -> memref<128x64xf32, #tpu.memory_space<vmem>>
    %dma_wait3A_123 = arith.constant 0 : i32
    %dma_wait3A_124 = arith.constant 0 : i32
    %dma_wait3A_125 = tpu.memref_slice %arg2[%dma_wait3A_123, %dma_wait3A_124] : memref<20224x64xf32, #tpu.memory_space<hbm>> -> memref<128x64xf32, #tpu.memory_space<hbm>>
    tpu.wait_dma2 semaphore(%arg11 : memref<!tpu.dma_semaphore, #tpu.memory_space<semaphore_mem>>) src(%dma_wait3A_125 : memref<128x64xf32, #tpu.memory_space<hbm>>) dst(%dma_wait3A_122 : memref<128x64xf32, #tpu.memory_space<vmem>>)
    %run_scoped3A_126 = arith.constant 1 : i32
    %run_scoped3A_127 = arith.constant 157 : i32
    "tpu.region"() ({
      %run_scoped3A_172 = tpu.sem_alloc : memref<!tpu.dma_semaphore, #tpu.memory_space<semaphore_mem>>
      %dma_start3A_173 = arith.constant 0 : i32
      %dma_start3A_174 = arith.constant 0 : i32
      %dma_start3A_175 = tpu.memref_slice %arg8[%run_scoped3A_126, %dma_start3A_173, %dma_start3A_174] : memref<4x128x64xf32, #tpu.memory_space<vmem>> -> memref<1x128x64xf32, #tpu.memory_space<vmem>>
      %dma_start3A_176 = tpu.memref_squeeze %dma_start3A_175 : memref<1x128x64xf32, #tpu.memory_space<vmem>> -> memref<128x64xf32, #tpu.memory_space<vmem>>
      %dma_start3A_177 = arith.constant 0 : i32
      %dma_start3A_178 = tpu.memref_slice %arg7[%run_scoped3A_127, %dma_start3A_177] : memref<160x128xi32, #tpu.memory_space<vmem>> -> memref<1x128xi32, #tpu.memory_space<vmem>>
      %dma_start3A_179 = tpu.memref_squeeze %dma_start3A_178 : memref<1x128xi32, #tpu.memory_space<vmem>> -> memref<128xi32, #tpu.memory_space<vmem>>
      %dma_start3A_180 = arith.constant 0 : i32
      %dma_start3A_181 = arith.constant 0 : i32
      %dma_start3A_182 = tpu.memref_slice %arg9[%dma_start3A_180, %dma_start3A_181] : memref<10112x64xf32, #tpu.memory_space<vmem_shared>> -> memref<10112x64xf32, #tpu.memory_space<vmem_shared>>
      tpu.enqueue_indirect_dma source(%dma_start3A_176 : memref<128x64xf32, #tpu.memory_space<vmem>>) target(%dma_start3A_182 : memref<10112x64xf32, #tpu.memory_space<vmem_shared>>) offsets(%dma_start3A_179 : memref<128xi32, #tpu.memory_space<vmem>>) semaphore(%run_scoped3A_172 : memref<!tpu.dma_semaphore, #tpu.memory_space<semaphore_mem>>) {add = true}
      %dma_wait3A_183 = arith.constant 0 : i32
      %dma_wait3A_184 = arith.constant 0 : i32
      %dma_wait3A_185 = tpu.memref_slice %arg8[%run_scoped3A_126, %dma_wait3A_183, %dma_wait3A_184] : memref<4x128x64xf32, #tpu.memory_space<vmem>> -> memref<1x128x64xf32, #tpu.memory_space<vmem>>
      %dma_wait3A_186 = tpu.memref_squeeze %dma_wait3A_185 : memref<1x128x64xf32, #tpu.memory_space<vmem>> -> memref<128x64xf32, #tpu.memory_space<vmem>>
      %dma_wait3A_187 = arith.constant 0 : i32
      %dma_wait3A_188 = tpu.memref_slice %arg7[%run_scoped3A_127, %dma_wait3A_187] : memref<160x128xi32, #tpu.memory_space<vmem>> -> memref<1x128xi32, #tpu.memory_space<vmem>>
      %dma_wait3A_189 = tpu.memref_squeeze %dma_wait3A_188 : memref<1x128xi32, #tpu.memory_space<vmem>> -> memref<128xi32, #tpu.memory_space<vmem>>
      %dma_wait3A_190 = arith.constant 0 : i32
      %dma_wait3A_191 = arith.constant 0 : i32
      %dma_wait3A_192 = tpu.memref_slice %arg9[%dma_wait3A_190, %dma_wait3A_191] : memref<10112x64xf32, #tpu.memory_space<vmem_shared>> -> memref<10112x64xf32, #tpu.memory_space<vmem_shared>>
      tpu.wait_indirect_dma semaphore(%run_scoped3A_172 : memref<!tpu.dma_semaphore, #tpu.memory_space<semaphore_mem>>) src(%dma_wait3A_186 : memref<128x64xf32, #tpu.memory_space<vmem>>) dst(%dma_wait3A_192 : memref<10112x64xf32, #tpu.memory_space<vmem_shared>>)
      tpu.yield
    }) : () -> ()
    %dma_wait3A_128 = arith.constant 2 : i32
    %dma_wait3A_129 = arith.constant 0 : i32
    %dma_wait3A_130 = arith.constant 0 : i32
    %dma_wait3A_131 = tpu.memref_slice %arg8[%dma_wait3A_128, %dma_wait3A_129, %dma_wait3A_130] : memref<4x128x64xf32, #tpu.memory_space<vmem>> -> memref<1x128x64xf32, #tpu.memory_space<vmem>>
    %dma_wait3A_132 = tpu.memref_squeeze %dma_wait3A_131 : memref<1x128x64xf32, #tpu.memory_space<vmem>> -> memref<128x64xf32, #tpu.memory_space<vmem>>
    %dma_wait3A_133 = arith.constant 0 : i32
    %dma_wait3A_134 = arith.constant 0 : i32
    %dma_wait3A_135 = tpu.memref_slice %arg2[%dma_wait3A_133, %dma_wait3A_134] : memref<20224x64xf32, #tpu.memory_space<hbm>> -> memref<128x64xf32, #tpu.memory_space<hbm>>
    %dma_wait3A_136 = arith.constant 0 : i32
    %dma_wait3A_137 = arith.constant 0 : i32
    %dma_wait3A_138 = tpu.memref_slice %arg8[%dma_wait3A_128, %dma_wait3A_136, %dma_wait3A_137] : memref<4x128x64xf32, #tpu.memory_space<vmem>> -> memref<1x128x64xf32, #tpu.memory_space<vmem>>
    %dma_wait3A_139 = tpu.memref_squeeze %dma_wait3A_138 : memref<1x128x64xf32, #tpu.memory_space<vmem>> -> memref<128x64xf32, #tpu.memory_space<vmem>>
    %dma_wait3A_140 = arith.constant 0 : i32
    %dma_wait3A_141 = arith.constant 0 : i32
    %dma_wait3A_142 = tpu.memref_slice %arg2[%dma_wait3A_140, %dma_wait3A_141] : memref<20224x64xf32, #tpu.memory_space<hbm>> -> memref<128x64xf32, #tpu.memory_space<hbm>>
    tpu.wait_dma2 semaphore(%arg12 : memref<!tpu.dma_semaphore, #tpu.memory_space<semaphore_mem>>) src(%dma_wait3A_142 : memref<128x64xf32, #tpu.memory_space<hbm>>) dst(%dma_wait3A_139 : memref<128x64xf32, #tpu.memory_space<vmem>>)
    %run_scoped3A_143 = arith.constant 2 : i32
    %run_scoped3A_144 = arith.constant 158 : i32
    "tpu.region"() ({
      %run_scoped3A_172 = tpu.sem_alloc : memref<!tpu.dma_semaphore, #tpu.memory_space<semaphore_mem>>
      %dma_start3A_173 = arith.constant 0 : i32
      %dma_start3A_174 = arith.constant 0 : i32
      %dma_start3A_175 = tpu.memref_slice %arg8[%run_scoped3A_143, %dma_start3A_173, %dma_start3A_174] : memref<4x128x64xf32, #tpu.memory_space<vmem>> -> memref<1x128x64xf32, #tpu.memory_space<vmem>>
      %dma_start3A_176 = tpu.memref_squeeze %dma_start3A_175 : memref<1x128x64xf32, #tpu.memory_space<vmem>> -> memref<128x64xf32, #tpu.memory_space<vmem>>
      %dma_start3A_177 = arith.constant 0 : i32
      %dma_start3A_178 = tpu.memref_slice %arg7[%run_scoped3A_144, %dma_start3A_177] : memref<160x128xi32, #tpu.memory_space<vmem>> -> memref<1x128xi32, #tpu.memory_space<vmem>>
      %dma_start3A_179 = tpu.memref_squeeze %dma_start3A_178 : memref<1x128xi32, #tpu.memory_space<vmem>> -> memref<128xi32, #tpu.memory_space<vmem>>
      %dma_start3A_180 = arith.constant 0 : i32
      %dma_start3A_181 = arith.constant 0 : i32
      %dma_start3A_182 = tpu.memref_slice %arg9[%dma_start3A_180, %dma_start3A_181] : memref<10112x64xf32, #tpu.memory_space<vmem_shared>> -> memref<10112x64xf32, #tpu.memory_space<vmem_shared>>
      tpu.enqueue_indirect_dma source(%dma_start3A_176 : memref<128x64xf32, #tpu.memory_space<vmem>>) target(%dma_start3A_182 : memref<10112x64xf32, #tpu.memory_space<vmem_shared>>) offsets(%dma_start3A_179 : memref<128xi32, #tpu.memory_space<vmem>>) semaphore(%run_scoped3A_172 : memref<!tpu.dma_semaphore, #tpu.memory_space<semaphore_mem>>) {add = true}
      %dma_wait3A_183 = arith.constant 0 : i32
      %dma_wait3A_184 = arith.constant 0 : i32
      %dma_wait3A_185 = tpu.memref_slice %arg8[%run_scoped3A_143, %dma_wait3A_183, %dma_wait3A_184] : memref<4x128x64xf32, #tpu.memory_space<vmem>> -> memref<1x128x64xf32, #tpu.memory_space<vmem>>
      %dma_wait3A_186 = tpu.memref_squeeze %dma_wait3A_185 : memref<1x128x64xf32, #tpu.memory_space<vmem>> -> memref<128x64xf32, #tpu.memory_space<vmem>>
      %dma_wait3A_187 = arith.constant 0 : i32
      %dma_wait3A_188 = tpu.memref_slice %arg7[%run_scoped3A_144, %dma_wait3A_187] : memref<160x128xi32, #tpu.memory_space<vmem>> -> memref<1x128xi32, #tpu.memory_space<vmem>>
      %dma_wait3A_189 = tpu.memref_squeeze %dma_wait3A_188 : memref<1x128xi32, #tpu.memory_space<vmem>> -> memref<128xi32, #tpu.memory_space<vmem>>
      %dma_wait3A_190 = arith.constant 0 : i32
      %dma_wait3A_191 = arith.constant 0 : i32
      %dma_wait3A_192 = tpu.memref_slice %arg9[%dma_wait3A_190, %dma_wait3A_191] : memref<10112x64xf32, #tpu.memory_space<vmem_shared>> -> memref<10112x64xf32, #tpu.memory_space<vmem_shared>>
      tpu.wait_indirect_dma semaphore(%run_scoped3A_172 : memref<!tpu.dma_semaphore, #tpu.memory_space<semaphore_mem>>) src(%dma_wait3A_186 : memref<128x64xf32, #tpu.memory_space<vmem>>) dst(%dma_wait3A_192 : memref<10112x64xf32, #tpu.memory_space<vmem_shared>>)
      tpu.yield
    }) : () -> ()
    %dma_wait3A_145 = arith.constant 3 : i32
    %dma_wait3A_146 = arith.constant 0 : i32
    %dma_wait3A_147 = arith.constant 0 : i32
    %dma_wait3A_148 = tpu.memref_slice %arg8[%dma_wait3A_145, %dma_wait3A_146, %dma_wait3A_147] : memref<4x128x64xf32, #tpu.memory_space<vmem>> -> memref<1x128x64xf32, #tpu.memory_space<vmem>>
    %dma_wait3A_149 = tpu.memref_squeeze %dma_wait3A_148 : memref<1x128x64xf32, #tpu.memory_space<vmem>> -> memref<128x64xf32, #tpu.memory_space<vmem>>
    %dma_wait3A_150 = arith.constant 0 : i32
    %dma_wait3A_151 = arith.constant 0 : i32
    %dma_wait3A_152 = tpu.memref_slice %arg2[%dma_wait3A_150, %dma_wait3A_151] : memref<20224x64xf32, #tpu.memory_space<hbm>> -> memref<128x64xf32, #tpu.memory_space<hbm>>
    %dma_wait3A_153 = arith.constant 0 : i32
    %dma_wait3A_154 = arith.constant 0 : i32
    %dma_wait3A_155 = tpu.memref_slice %arg8[%dma_wait3A_145, %dma_wait3A_153, %dma_wait3A_154] : memref<4x128x64xf32, #tpu.memory_space<vmem>> -> memref<1x128x64xf32, #tpu.memory_space<vmem>>
    %dma_wait3A_156 = tpu.memref_squeeze %dma_wait3A_155 : memref<1x128x64xf32, #tpu.memory_space<vmem>> -> memref<128x64xf32, #tpu.memory_space<vmem>>
    %dma_wait3A_157 = arith.constant 0 : i32
    %dma_wait3A_158 = arith.constant 0 : i32
    %dma_wait3A_159 = tpu.memref_slice %arg2[%dma_wait3A_157, %dma_wait3A_158] : memref<20224x64xf32, #tpu.memory_space<hbm>> -> memref<128x64xf32, #tpu.memory_space<hbm>>
    tpu.wait_dma2 semaphore(%arg13 : memref<!tpu.dma_semaphore, #tpu.memory_space<semaphore_mem>>) src(%dma_wait3A_159 : memref<128x64xf32, #tpu.memory_space<hbm>>) dst(%dma_wait3A_156 : memref<128x64xf32, #tpu.memory_space<vmem>>)
    %run_scoped3A_160 = arith.constant 3 : i32
    %run_scoped3A_161 = arith.constant 159 : i32
    "tpu.region"() ({
      %run_scoped3A_172 = tpu.sem_alloc : memref<!tpu.dma_semaphore, #tpu.memory_space<semaphore_mem>>
      %dma_start3A_173 = arith.constant 0 : i32
      %dma_start3A_174 = arith.constant 0 : i32
      %dma_start3A_175 = tpu.memref_slice %arg8[%run_scoped3A_160, %dma_start3A_173, %dma_start3A_174] : memref<4x128x64xf32, #tpu.memory_space<vmem>> -> memref<1x128x64xf32, #tpu.memory_space<vmem>>
      %dma_start3A_176 = tpu.memref_squeeze %dma_start3A_175 : memref<1x128x64xf32, #tpu.memory_space<vmem>> -> memref<128x64xf32, #tpu.memory_space<vmem>>
      %dma_start3A_177 = arith.constant 0 : i32
      %dma_start3A_178 = tpu.memref_slice %arg7[%run_scoped3A_161, %dma_start3A_177] : memref<160x128xi32, #tpu.memory_space<vmem>> -> memref<1x128xi32, #tpu.memory_space<vmem>>
      %dma_start3A_179 = tpu.memref_squeeze %dma_start3A_178 : memref<1x128xi32, #tpu.memory_space<vmem>> -> memref<128xi32, #tpu.memory_space<vmem>>
      %dma_start3A_180 = arith.constant 0 : i32
      %dma_start3A_181 = arith.constant 0 : i32
      %dma_start3A_182 = tpu.memref_slice %arg9[%dma_start3A_180, %dma_start3A_181] : memref<10112x64xf32, #tpu.memory_space<vmem_shared>> -> memref<10112x64xf32, #tpu.memory_space<vmem_shared>>
      tpu.enqueue_indirect_dma source(%dma_start3A_176 : memref<128x64xf32, #tpu.memory_space<vmem>>) target(%dma_start3A_182 : memref<10112x64xf32, #tpu.memory_space<vmem_shared>>) offsets(%dma_start3A_179 : memref<128xi32, #tpu.memory_space<vmem>>) semaphore(%run_scoped3A_172 : memref<!tpu.dma_semaphore, #tpu.memory_space<semaphore_mem>>) {add = true}
      %dma_wait3A_183 = arith.constant 0 : i32
      %dma_wait3A_184 = arith.constant 0 : i32
      %dma_wait3A_185 = tpu.memref_slice %arg8[%run_scoped3A_160, %dma_wait3A_183, %dma_wait3A_184] : memref<4x128x64xf32, #tpu.memory_space<vmem>> -> memref<1x128x64xf32, #tpu.memory_space<vmem>>
      %dma_wait3A_186 = tpu.memref_squeeze %dma_wait3A_185 : memref<1x128x64xf32, #tpu.memory_space<vmem>> -> memref<128x64xf32, #tpu.memory_space<vmem>>
      %dma_wait3A_187 = arith.constant 0 : i32
      %dma_wait3A_188 = tpu.memref_slice %arg7[%run_scoped3A_161, %dma_wait3A_187] : memref<160x128xi32, #tpu.memory_space<vmem>> -> memref<1x128xi32, #tpu.memory_space<vmem>>
      %dma_wait3A_189 = tpu.memref_squeeze %dma_wait3A_188 : memref<1x128xi32, #tpu.memory_space<vmem>> -> memref<128xi32, #tpu.memory_space<vmem>>
      %dma_wait3A_190 = arith.constant 0 : i32
      %dma_wait3A_191 = arith.constant 0 : i32
      %dma_wait3A_192 = tpu.memref_slice %arg9[%dma_wait3A_190, %dma_wait3A_191] : memref<10112x64xf32, #tpu.memory_space<vmem_shared>> -> memref<10112x64xf32, #tpu.memory_space<vmem_shared>>
      tpu.wait_indirect_dma semaphore(%run_scoped3A_172 : memref<!tpu.dma_semaphore, #tpu.memory_space<semaphore_mem>>) src(%dma_wait3A_186 : memref<128x64xf32, #tpu.memory_space<vmem>>) dst(%dma_wait3A_192 : memref<10112x64xf32, #tpu.memory_space<vmem_shared>>)
      tpu.yield
    }) : () -> ()
    %barrier3A_162 = arith.constant 0 : index
    tpu.barrier barrier_id(%barrier3A_162)
    %mul3A_163 = arith.constant 632 : i32
    %mul3A_164 = arith.muli %arg1, %mul3A_163 : i32
    %mul3A_165 = arith.constant 10112 : i32
    %mul3A_166 = arith.muli %add3A_4, %mul3A_165 : i32
    %mul3A_167 = arith.constant 632 : i32
    %mul3A_168 = arith.muli %arg1, %mul3A_167 : i32
    %add3A_169 = arith.addi %mul3A_166, %mul3A_168 : i32
    "tpu.region"() ({
      %run_scoped3A_172 = tpu.sem_alloc : memref<!tpu.dma_semaphore, #tpu.memory_space<semaphore_mem>>
      %dma_start3A_173 = arith.constant 0 : i32
      %dma_start3A_174 = tpu.memref_slice %arg5[%add3A_169, %dma_start3A_173] : memref<20224x64xf32, #tpu.memory_space<hbm>> -> memref<632x64xf32, #tpu.memory_space<hbm>>
      %dma_start3A_175 = arith.constant 0 : i32
      %dma_start3A_176 = tpu.memref_slice %arg9[%mul3A_164, %dma_start3A_175] : memref<10112x64xf32, #tpu.memory_space<vmem_shared>> -> memref<632x64xf32, #tpu.memory_space<vmem_shared>>
      tpu.enqueue_dma source(%dma_start3A_176 : memref<632x64xf32, #tpu.memory_space<vmem_shared>>) target(%dma_start3A_174 : memref<632x64xf32, #tpu.memory_space<hbm>>) target_semaphore(%run_scoped3A_172 : memref<!tpu.dma_semaphore, #tpu.memory_space<semaphore_mem>>)
      %dma_wait3A_177 = arith.constant 0 : i32
      %dma_wait3A_178 = tpu.memref_slice %arg5[%add3A_169, %dma_wait3A_177] : memref<20224x64xf32, #tpu.memory_space<hbm>> -> memref<632x64xf32, #tpu.memory_space<hbm>>
      %dma_wait3A_179 = arith.constant 0 : i32
      %dma_wait3A_180 = tpu.memref_slice %arg9[%mul3A_164, %dma_wait3A_179] : memref<10112x64xf32, #tpu.memory_space<vmem_shared>> -> memref<632x64xf32, #tpu.memory_space<vmem_shared>>
      tpu.wait_dma2 semaphore(%run_scoped3A_172 : memref<!tpu.dma_semaphore, #tpu.memory_space<semaphore_mem>>) src(%dma_wait3A_180 : memref<632x64xf32, #tpu.memory_space<vmem_shared>>) dst(%dma_wait3A_178 : memref<632x64xf32, #tpu.memory_space<hbm>>)
      tpu.yield
    }) : () -> ()
    %barrier3A_170 = arith.constant 0 : index
    tpu.barrier barrier_id(%barrier3A_170)
    %scan3A_171 = arith.constant 1 : i32
    return
  }
}

module attributes {stable_mosaic.version = 14 : i64} {
  func.func @body(%arg0: i32, %arg1: i32, %arg2: memref<4x1x1x2000xf32, #tpu.memory_space<vmem>>, %arg3: memref<2000x128xf32, #tpu.memory_space<vmem>>, %arg4: memref<2000x128xf32, #tpu.memory_space<vmem>>, %arg5: memref<2000x128xf32, #tpu.memory_space<vmem>>, %arg6: memref<2000x128xf32, #tpu.memory_space<vmem>>, %arg7: memref<4x1x128x64xf32, #tpu.memory_space<vmem>>, %arg8: memref<4x1x2000x64xf32, #tpu.memory_space<vmem>>, %arg9: memref<4x1x1x2000xf32, #tpu.memory_space<vmem>>) attributes {dimension_semantics = [#tpu.dimension_semantics<arbitrary>, #tpu.dimension_semantics<arbitrary>], iteration_bounds = array<i64: 5, 2>, scalar_prefetch = 0 : i64, scratch_operands = 0 : i64, tpu.core_type = #tpu.core_type<tc>, window_params = [{transform_indices = @transform_0, window_bounds = array<i64: 4, 1, 1, 2000>}, {transform_indices = @transform_1, window_bounds = array<i64: 2000, 128>}, {transform_indices = @transform_2, window_bounds = array<i64: 2000, 128>}, {transform_indices = @transform_3, window_bounds = array<i64: 2000, 128>}, {transform_indices = @transform_4, window_bounds = array<i64: 2000, 128>}, {transform_indices = @transform_5, window_bounds = array<i64: 4, 1, 128, 64>}, {transform_indices = @transform_6, window_bounds = array<i64: 4, 1, 2000, 64>}, {transform_indices = @transform_7, window_bounds = array<i64: 4, 1, 1, 2000>}]} {
    %get3A = arith.constant 0 : index
    %get3A_0 = arith.constant 0 : index
    %get3A_1 = arith.constant 0 : index
    %get3A_2 = arith.constant 0 : index
    %get3A_3 = vector.load %arg2[%get3A, %get3A_0, %get3A_1, %get3A_2] : memref<4x1x1x2000xf32, #tpu.memory_space<vmem>>, vector<1x1x1x2000xf32>
    %get3A_4 = vector.shape_cast %get3A_3 : vector<1x1x1x2000xf32> to vector<1x2000xf32>
    %sqrt3A = math.sqrt %get3A_4 : vector<1x2000xf32>
    %div3A = arith.constant 1.000000e+00 : f32
    %div3A_5 = vector.broadcast %div3A : f32 to vector<1x2000xf32>
    %div3A_6 = arith.divf %div3A_5, %sqrt3A : vector<1x2000xf32>
    %transpose3A = tpu.transpose %div3A_6, [1, 0] : vector<1x2000xf32> -> vector<2000x1xf32>
    %get3A_7 = arith.constant 0 : index
    %get3A_8 = arith.constant 0 : index
    %get3A_9 = vector.load %arg3[%get3A_7, %get3A_8] : memref<2000x128xf32, #tpu.memory_space<vmem>>, vector<2000x128xf32>
    %get3A_10 = arith.constant 0 : index
    %get3A_11 = arith.constant 0 : index
    %get3A_12 = arith.constant 0 : index
    %get3A_13 = arith.constant 0 : index
    %get3A_14 = vector.load %arg7[%get3A_10, %get3A_11, %get3A_12, %get3A_13] : memref<4x1x128x64xf32, #tpu.memory_space<vmem>>, vector<1x1x128x64xf32>
    %get3A_15 = vector.shape_cast %get3A_14 : vector<1x1x128x64xf32> to vector<128x64xf32>
    %dot_general3A = arith.constant dense<0.000000e+00> : vector<2000x64xf32>
    %dot_general3A_16 = tpu.matmul %get3A_9, %get3A_15, %dot_general3A {dimension_numbers = #tpu.dot_dimension_numbers<[1], [0], [0], [1], [0, 0, 1, 1], [], []>, transpose_lhs_hint = false} : vector<2000x128xf32>, vector<128x64xf32>, vector<2000x64xf32> -> vector<2000x64xf32>
    %mul3A = vector.broadcast %transpose3A : vector<2000x1xf32> to vector<2000x64xf32>
    %mul3A_17 = arith.mulf %dot_general3A_16, %mul3A : vector<2000x64xf32>
    %swap3A = arith.constant 0 : index
    %swap3A_18 = arith.constant 0 : index
    %swap3A_19 = arith.constant 0 : index
    %swap3A_20 = arith.constant 0 : index
    %swap3A_21 = vector.load %arg8[%swap3A, %swap3A_18, %swap3A_19, %swap3A_20] : memref<4x1x2000x64xf32, #tpu.memory_space<vmem>>, vector<1x1x2000x64xf32>
    %swap3A_22 = vector.shape_cast %swap3A_21 : vector<1x1x2000x64xf32> to vector<2000x64xf32>
    %swap3A_23 = vector.shape_cast %mul3A_17 : vector<2000x64xf32> to vector<1x1x2000x64xf32>
    tpu.vector_store %arg8[%swap3A, %swap3A_18, %swap3A_19, %swap3A_20], %swap3A_23 {strides = array<i32>} : memref<4x1x2000x64xf32, #tpu.memory_space<vmem>>, vector<1x1x2000x64xf32>,
    %swap3A_24 = arith.constant 0 : index
    %swap3A_25 = arith.constant 0 : index
    %swap3A_26 = arith.constant 0 : index
    %swap3A_27 = arith.constant 0 : index
    %swap3A_28 = vector.load %arg9[%swap3A_24, %swap3A_25, %swap3A_26, %swap3A_27] : memref<4x1x1x2000xf32, #tpu.memory_space<vmem>>, vector<1x1x1x2000xf32>
    %swap3A_29 = vector.shape_cast %swap3A_28 : vector<1x1x1x2000xf32> to vector<1x2000xf32>
    %swap3A_30 = vector.shape_cast %div3A_6 : vector<1x2000xf32> to vector<1x1x1x2000xf32>
    tpu.vector_store %arg9[%swap3A_24, %swap3A_25, %swap3A_26, %swap3A_27], %swap3A_30 {strides = array<i32>} : memref<4x1x1x2000xf32, #tpu.memory_space<vmem>>, vector<1x1x1x2000xf32>,
    %get3A_31 = arith.constant 1 : index
    %get3A_32 = arith.constant 0 : index
    %get3A_33 = arith.constant 0 : index
    %get3A_34 = arith.constant 0 : index
    %get3A_35 = vector.load %arg2[%get3A_31, %get3A_32, %get3A_33, %get3A_34] : memref<4x1x1x2000xf32, #tpu.memory_space<vmem>>, vector<1x1x1x2000xf32>
    %get3A_36 = vector.shape_cast %get3A_35 : vector<1x1x1x2000xf32> to vector<1x2000xf32>
    %sqrt3A_37 = math.sqrt %get3A_36 : vector<1x2000xf32>
    %div3A_38 = arith.constant 1.000000e+00 : f32
    %div3A_39 = vector.broadcast %div3A_38 : f32 to vector<1x2000xf32>
    %div3A_40 = arith.divf %div3A_39, %sqrt3A_37 : vector<1x2000xf32>
    %transpose3A_41 = tpu.transpose %div3A_40, [1, 0] : vector<1x2000xf32> -> vector<2000x1xf32>
    %get3A_42 = arith.constant 0 : index
    %get3A_43 = arith.constant 0 : index
    %get3A_44 = vector.load %arg4[%get3A_42, %get3A_43] : memref<2000x128xf32, #tpu.memory_space<vmem>>, vector<2000x128xf32>
    %get3A_45 = arith.constant 1 : index
    %get3A_46 = arith.constant 0 : index
    %get3A_47 = arith.constant 0 : index
    %get3A_48 = arith.constant 0 : index
    %get3A_49 = vector.load %arg7[%get3A_45, %get3A_46, %get3A_47, %get3A_48] : memref<4x1x128x64xf32, #tpu.memory_space<vmem>>, vector<1x1x128x64xf32>
    %get3A_50 = vector.shape_cast %get3A_49 : vector<1x1x128x64xf32> to vector<128x64xf32>
    %dot_general3A_51 = arith.constant dense<0.000000e+00> : vector<2000x64xf32>
    %dot_general3A_52 = tpu.matmul %get3A_44, %get3A_50, %dot_general3A_51 {dimension_numbers = #tpu.dot_dimension_numbers<[1], [0], [0], [1], [0, 0, 1, 1], [], []>, transpose_lhs_hint = false} : vector<2000x128xf32>, vector<128x64xf32>, vector<2000x64xf32> -> vector<2000x64xf32>
    %mul3A_53 = vector.broadcast %transpose3A_41 : vector<2000x1xf32> to vector<2000x64xf32>
    %mul3A_54 = arith.mulf %dot_general3A_52, %mul3A_53 : vector<2000x64xf32>
    %swap3A_55 = arith.constant 1 : index
    %swap3A_56 = arith.constant 0 : index
    %swap3A_57 = arith.constant 0 : index
    %swap3A_58 = arith.constant 0 : index
    %swap3A_59 = vector.load %arg8[%swap3A_55, %swap3A_56, %swap3A_57, %swap3A_58] : memref<4x1x2000x64xf32, #tpu.memory_space<vmem>>, vector<1x1x2000x64xf32>
    %swap3A_60 = vector.shape_cast %swap3A_59 : vector<1x1x2000x64xf32> to vector<2000x64xf32>
    %swap3A_61 = vector.shape_cast %mul3A_54 : vector<2000x64xf32> to vector<1x1x2000x64xf32>
    tpu.vector_store %arg8[%swap3A_55, %swap3A_56, %swap3A_57, %swap3A_58], %swap3A_61 {strides = array<i32>} : memref<4x1x2000x64xf32, #tpu.memory_space<vmem>>, vector<1x1x2000x64xf32>,
    %swap3A_62 = arith.constant 1 : index
    %swap3A_63 = arith.constant 0 : index
    %swap3A_64 = arith.constant 0 : index
    %swap3A_65 = arith.constant 0 : index
    %swap3A_66 = vector.load %arg9[%swap3A_62, %swap3A_63, %swap3A_64, %swap3A_65] : memref<4x1x1x2000xf32, #tpu.memory_space<vmem>>, vector<1x1x1x2000xf32>
    %swap3A_67 = vector.shape_cast %swap3A_66 : vector<1x1x1x2000xf32> to vector<1x2000xf32>
    %swap3A_68 = vector.shape_cast %div3A_40 : vector<1x2000xf32> to vector<1x1x1x2000xf32>
    tpu.vector_store %arg9[%swap3A_62, %swap3A_63, %swap3A_64, %swap3A_65], %swap3A_68 {strides = array<i32>} : memref<4x1x1x2000xf32, #tpu.memory_space<vmem>>, vector<1x1x1x2000xf32>,
    %get3A_69 = arith.constant 2 : index
    %get3A_70 = arith.constant 0 : index
    %get3A_71 = arith.constant 0 : index
    %get3A_72 = arith.constant 0 : index
    %get3A_73 = vector.load %arg2[%get3A_69, %get3A_70, %get3A_71, %get3A_72] : memref<4x1x1x2000xf32, #tpu.memory_space<vmem>>, vector<1x1x1x2000xf32>
    %get3A_74 = vector.shape_cast %get3A_73 : vector<1x1x1x2000xf32> to vector<1x2000xf32>
    %sqrt3A_75 = math.sqrt %get3A_74 : vector<1x2000xf32>
    %div3A_76 = arith.constant 1.000000e+00 : f32
    %div3A_77 = vector.broadcast %div3A_76 : f32 to vector<1x2000xf32>
    %div3A_78 = arith.divf %div3A_77, %sqrt3A_75 : vector<1x2000xf32>
    %transpose3A_79 = tpu.transpose %div3A_78, [1, 0] : vector<1x2000xf32> -> vector<2000x1xf32>
    %get3A_80 = arith.constant 0 : index
    %get3A_81 = arith.constant 0 : index
    %get3A_82 = vector.load %arg5[%get3A_80, %get3A_81] : memref<2000x128xf32, #tpu.memory_space<vmem>>, vector<2000x128xf32>
    %get3A_83 = arith.constant 2 : index
    %get3A_84 = arith.constant 0 : index
    %get3A_85 = arith.constant 0 : index
    %get3A_86 = arith.constant 0 : index
    %get3A_87 = vector.load %arg7[%get3A_83, %get3A_84, %get3A_85, %get3A_86] : memref<4x1x128x64xf32, #tpu.memory_space<vmem>>, vector<1x1x128x64xf32>
    %get3A_88 = vector.shape_cast %get3A_87 : vector<1x1x128x64xf32> to vector<128x64xf32>
    %dot_general3A_89 = arith.constant dense<0.000000e+00> : vector<2000x64xf32>
    %dot_general3A_90 = tpu.matmul %get3A_82, %get3A_88, %dot_general3A_89 {dimension_numbers = #tpu.dot_dimension_numbers<[1], [0], [0], [1], [0, 0, 1, 1], [], []>, transpose_lhs_hint = false} : vector<2000x128xf32>, vector<128x64xf32>, vector<2000x64xf32> -> vector<2000x64xf32>
    %mul3A_91 = vector.broadcast %transpose3A_79 : vector<2000x1xf32> to vector<2000x64xf32>
    %mul3A_92 = arith.mulf %dot_general3A_90, %mul3A_91 : vector<2000x64xf32>
    %swap3A_93 = arith.constant 2 : index
    %swap3A_94 = arith.constant 0 : index
    %swap3A_95 = arith.constant 0 : index
    %swap3A_96 = arith.constant 0 : index
    %swap3A_97 = vector.load %arg8[%swap3A_93, %swap3A_94, %swap3A_95, %swap3A_96] : memref<4x1x2000x64xf32, #tpu.memory_space<vmem>>, vector<1x1x2000x64xf32>
    %swap3A_98 = vector.shape_cast %swap3A_97 : vector<1x1x2000x64xf32> to vector<2000x64xf32>
    %swap3A_99 = vector.shape_cast %mul3A_92 : vector<2000x64xf32> to vector<1x1x2000x64xf32>
    tpu.vector_store %arg8[%swap3A_93, %swap3A_94, %swap3A_95, %swap3A_96], %swap3A_99 {strides = array<i32>} : memref<4x1x2000x64xf32, #tpu.memory_space<vmem>>, vector<1x1x2000x64xf32>,
    %swap3A_100 = arith.constant 2 : index
    %swap3A_101 = arith.constant 0 : index
    %swap3A_102 = arith.constant 0 : index
    %swap3A_103 = arith.constant 0 : index
    %swap3A_104 = vector.load %arg9[%swap3A_100, %swap3A_101, %swap3A_102, %swap3A_103] : memref<4x1x1x2000xf32, #tpu.memory_space<vmem>>, vector<1x1x1x2000xf32>
    %swap3A_105 = vector.shape_cast %swap3A_104 : vector<1x1x1x2000xf32> to vector<1x2000xf32>
    %swap3A_106 = vector.shape_cast %div3A_78 : vector<1x2000xf32> to vector<1x1x1x2000xf32>
    tpu.vector_store %arg9[%swap3A_100, %swap3A_101, %swap3A_102, %swap3A_103], %swap3A_106 {strides = array<i32>} : memref<4x1x1x2000xf32, #tpu.memory_space<vmem>>, vector<1x1x1x2000xf32>,
    %get3A_107 = arith.constant 3 : index
    %get3A_108 = arith.constant 0 : index
    %get3A_109 = arith.constant 0 : index
    %get3A_110 = arith.constant 0 : index
    %get3A_111 = vector.load %arg2[%get3A_107, %get3A_108, %get3A_109, %get3A_110] : memref<4x1x1x2000xf32, #tpu.memory_space<vmem>>, vector<1x1x1x2000xf32>
    %get3A_112 = vector.shape_cast %get3A_111 : vector<1x1x1x2000xf32> to vector<1x2000xf32>
    %sqrt3A_113 = math.sqrt %get3A_112 : vector<1x2000xf32>
    %div3A_114 = arith.constant 1.000000e+00 : f32
    %div3A_115 = vector.broadcast %div3A_114 : f32 to vector<1x2000xf32>
    %div3A_116 = arith.divf %div3A_115, %sqrt3A_113 : vector<1x2000xf32>
    %transpose3A_117 = tpu.transpose %div3A_116, [1, 0] : vector<1x2000xf32> -> vector<2000x1xf32>
    %get3A_118 = arith.constant 0 : index
    %get3A_119 = arith.constant 0 : index
    %get3A_120 = vector.load %arg6[%get3A_118, %get3A_119] : memref<2000x128xf32, #tpu.memory_space<vmem>>, vector<2000x128xf32>
    %get3A_121 = arith.constant 3 : index
    %get3A_122 = arith.constant 0 : index
    %get3A_123 = arith.constant 0 : index
    %get3A_124 = arith.constant 0 : index
    %get3A_125 = vector.load %arg7[%get3A_121, %get3A_122, %get3A_123, %get3A_124] : memref<4x1x128x64xf32, #tpu.memory_space<vmem>>, vector<1x1x128x64xf32>
    %get3A_126 = vector.shape_cast %get3A_125 : vector<1x1x128x64xf32> to vector<128x64xf32>
    %dot_general3A_127 = arith.constant dense<0.000000e+00> : vector<2000x64xf32>
    %dot_general3A_128 = tpu.matmul %get3A_120, %get3A_126, %dot_general3A_127 {dimension_numbers = #tpu.dot_dimension_numbers<[1], [0], [0], [1], [0, 0, 1, 1], [], []>, transpose_lhs_hint = false} : vector<2000x128xf32>, vector<128x64xf32>, vector<2000x64xf32> -> vector<2000x64xf32>
    %mul3A_129 = vector.broadcast %transpose3A_117 : vector<2000x1xf32> to vector<2000x64xf32>
    %mul3A_130 = arith.mulf %dot_general3A_128, %mul3A_129 : vector<2000x64xf32>
    %swap3A_131 = arith.constant 3 : index
    %swap3A_132 = arith.constant 0 : index
    %swap3A_133 = arith.constant 0 : index
    %swap3A_134 = arith.constant 0 : index
    %swap3A_135 = vector.load %arg8[%swap3A_131, %swap3A_132, %swap3A_133, %swap3A_134] : memref<4x1x2000x64xf32, #tpu.memory_space<vmem>>, vector<1x1x2000x64xf32>
    %swap3A_136 = vector.shape_cast %swap3A_135 : vector<1x1x2000x64xf32> to vector<2000x64xf32>
    %swap3A_137 = vector.shape_cast %mul3A_130 : vector<2000x64xf32> to vector<1x1x2000x64xf32>
    tpu.vector_store %arg8[%swap3A_131, %swap3A_132, %swap3A_133, %swap3A_134], %swap3A_137 {strides = array<i32>} : memref<4x1x2000x64xf32, #tpu.memory_space<vmem>>, vector<1x1x2000x64xf32>,
    %swap3A_138 = arith.constant 3 : index
    %swap3A_139 = arith.constant 0 : index
    %swap3A_140 = arith.constant 0 : index
    %swap3A_141 = arith.constant 0 : index
    %swap3A_142 = vector.load %arg9[%swap3A_138, %swap3A_139, %swap3A_140, %swap3A_141] : memref<4x1x1x2000xf32, #tpu.memory_space<vmem>>, vector<1x1x1x2000xf32>
    %swap3A_143 = vector.shape_cast %swap3A_142 : vector<1x1x1x2000xf32> to vector<1x2000xf32>
    %swap3A_144 = vector.shape_cast %div3A_116 : vector<1x2000xf32> to vector<1x1x1x2000xf32>
    tpu.vector_store %arg9[%swap3A_138, %swap3A_139, %swap3A_140, %swap3A_141], %swap3A_144 {strides = array<i32>} : memref<4x1x1x2000xf32, #tpu.memory_space<vmem>>, vector<1x1x1x2000xf32>,
    return
  }
  func.func @transform_0(%arg0: i32, %arg1: i32) -> (i32, i32, i32, i32) {
    %c0_i32 = arith.constant 0 : i32
    %c0_i32_0 = arith.constant 0 : i32
    %c0_i32_1 = arith.constant 0 : i32
    %c0_i32_2 = arith.constant 0 : i32
    return %c0_i32, %arg0, %c0_i32_0, %c0_i32_1 : i32, i32, i32, i32
  }
  func.func @transform_1(%arg0: i32, %arg1: i32) -> (i32, i32) {
    %c0_i32 = arith.constant 0 : i32
    %c0_i32_0 = arith.constant 0 : i32
    return %arg0, %c0_i32 : i32, i32
  }
  func.func @transform_2(%arg0: i32, %arg1: i32) -> (i32, i32) {
    %c0_i32 = arith.constant 0 : i32
    %c0_i32_0 = arith.constant 0 : i32
    return %arg0, %c0_i32 : i32, i32
  }
  func.func @transform_3(%arg0: i32, %arg1: i32) -> (i32, i32) {
    %c0_i32 = arith.constant 0 : i32
    %c0_i32_0 = arith.constant 0 : i32
    return %arg0, %c0_i32 : i32, i32
  }
  func.func @transform_4(%arg0: i32, %arg1: i32) -> (i32, i32) {
    %c0_i32 = arith.constant 0 : i32
    %c0_i32_0 = arith.constant 0 : i32
    return %arg0, %c0_i32 : i32, i32
  }
  func.func @transform_5(%arg0: i32, %arg1: i32) -> (i32, i32, i32, i32) {
    %c0_i32 = arith.constant 0 : i32
    %c0_i32_0 = arith.constant 0 : i32
    %c0_i32_1 = arith.constant 0 : i32
    %c0_i32_2 = arith.constant 0 : i32
    return %c0_i32, %arg1, %c0_i32_0, %c0_i32_1 : i32, i32, i32, i32
  }
  func.func @transform_6(%arg0: i32, %arg1: i32) -> (i32, i32, i32, i32) {
    %c0_i32 = arith.constant 0 : i32
    %c0_i32_0 = arith.constant 0 : i32
    %c0_i32_1 = arith.constant 0 : i32
    return %c0_i32, %arg1, %arg0, %c0_i32_0 : i32, i32, i32, i32
  }
  func.func @transform_7(%arg0: i32, %arg1: i32) -> (i32, i32, i32, i32) {
    %c0_i32 = arith.constant 0 : i32
    %c0_i32_0 = arith.constant 0 : i32
    %c0_i32_1 = arith.constant 0 : i32
    %c0_i32_2 = arith.constant 0 : i32
    return %c0_i32, %arg0, %c0_i32_0, %c0_i32_1 : i32, i32, i32, i32
  }
}

module attributes {stable_mosaic.version = 14 : i64} {
  func.func @body(%arg0: i32, %arg1: i32, %arg2: memref<1x1x2000x64xf32, #tpu.memory_space<vmem>>, %arg3: memref<1x1x2000x64xf32, #tpu.memory_space<vmem>>, %arg4: memref<1x1x1x2000xf32, #tpu.memory_space<vmem>>, %arg5: memref<1x1x128xf32, #tpu.memory_space<vmem>>, %arg6: memref<1x64x64xf32, #tpu.memory_space<vmem>>, %arg7: memref<1x64x64xf32, #tpu.memory_space<vmem>>, %arg8: memref<1x2000x64xf32, #tpu.memory_space<vmem>>) attributes {dimension_semantics = [#tpu.dimension_semantics<arbitrary>, #tpu.dimension_semantics<arbitrary>], iteration_bounds = array<i64: 2, 5>, scalar_prefetch = 0 : i64, scratch_operands = 0 : i64, tpu.core_type = #tpu.core_type<tc>, window_params = [{transform_indices = @transform_0, window_bounds = array<i64: 1, 1, 2000, 64>}, {transform_indices = @transform_1, window_bounds = array<i64: 1, 1, 2000, 64>}, {transform_indices = @transform_2, window_bounds = array<i64: 1, 1, 1, 2000>}, {transform_indices = @transform_3, window_bounds = array<i64: 1, 1, 128>}, {transform_indices = @transform_4, window_bounds = array<i64: 1, 64, 64>}, {transform_indices = @transform_5, window_bounds = array<i64: 1, 64, 64>}, {transform_indices = @transform_6, window_bounds = array<i64: 1, 2000, 64>}]} {
    %get3A = arith.constant 0 : index
    %get3A_0 = arith.constant 0 : index
    %get3A_1 = arith.constant 0 : index
    %get3A_2 = arith.constant 0 : index
    %get3A_3 = vector.load %arg4[%get3A, %get3A_0, %get3A_1, %get3A_2] : memref<1x1x1x2000xf32, #tpu.memory_space<vmem>>, vector<1x1x1x2000xf32>
    %get3A_4 = vector.shape_cast %get3A_3 : vector<1x1x1x2000xf32> to vector<1x2000xf32>
    %transpose3A = tpu.transpose %get3A_4, [1, 0] : vector<1x2000xf32> -> vector<2000x1xf32>
    %get3A_5 = arith.constant 0 : index
    %get3A_6 = arith.constant 0 : index
    %get3A_7 = arith.constant 0 : index
    %get3A_8 = arith.constant 0 : index
    %get3A_9 = vector.load %arg2[%get3A_5, %get3A_6, %get3A_7, %get3A_8] : memref<1x1x2000x64xf32, #tpu.memory_space<vmem>>, vector<1x1x2000x64xf32>
    %get3A_10 = vector.shape_cast %get3A_9 : vector<1x1x2000x64xf32> to vector<2000x64xf32>
    %mul3A = vector.broadcast %transpose3A : vector<2000x1xf32> to vector<2000x64xf32>
    %mul3A_11 = arith.mulf %get3A_10, %mul3A : vector<2000x64xf32>
    %get3A_12 = arith.constant 0 : index
    %get3A_13 = arith.constant 0 : index
    %get3A_14 = arith.constant 0 : index
    %get3A_15 = vector.load %arg5[%get3A_12, %get3A_13, %get3A_14] : memref<1x1x128xf32, #tpu.memory_space<vmem>>, vector<1x1x64xf32>
    %get3A_16 = vector.shape_cast %get3A_15 : vector<1x1x64xf32> to vector<1x64xf32>
    %add3A = vector.broadcast %get3A_16 : vector<1x64xf32> to vector<2000x64xf32>
    %add3A_17 = arith.addf %mul3A_11, %add3A : vector<2000x64xf32>
    %jit3A = arith.constant 2.000000e-01 : f32
    %ge3A = arith.constant 0.000000e+00 : f32
    %ge3A_18 = vector.broadcast %ge3A : f32 to vector<2000x64xf32>
    %ge3A_19 = arith.cmpf oge, %add3A_17, %ge3A_18 : vector<2000x64xf32>
    %mul3A_20 = vector.broadcast %jit3A : f32 to vector<2000x64xf32>
    %mul3A_21 = arith.mulf %mul3A_20, %add3A_17 : vector<2000x64xf32>
    %select_n3A = arith.select %ge3A_19, %add3A_17, %mul3A_21 : vector<2000x64xi1>, vector<2000x64xf32>
    %get3A_22 = arith.constant 0 : index
    %get3A_23 = arith.constant 0 : index
    %get3A_24 = arith.constant 0 : index
    %get3A_25 = arith.constant 0 : index
    %get3A_26 = vector.load %arg3[%get3A_22, %get3A_23, %get3A_24, %get3A_25] : memref<1x1x2000x64xf32, #tpu.memory_space<vmem>>, vector<1x1x2000x64xf32>
    %get3A_27 = vector.shape_cast %get3A_26 : vector<1x1x2000x64xf32> to vector<2000x64xf32>
    %mul3A_28 = vector.broadcast %transpose3A : vector<2000x1xf32> to vector<2000x64xf32>
    %mul3A_29 = arith.mulf %get3A_27, %mul3A_28 : vector<2000x64xf32>
    %get3A_30 = arith.constant 0 : index
    %get3A_31 = arith.constant 0 : index
    %get3A_32 = arith.constant 64 : index
    %get3A_33 = vector.load %arg5[%get3A_30, %get3A_31, %get3A_32] : memref<1x1x128xf32, #tpu.memory_space<vmem>>, vector<1x1x64xf32>
    %get3A_34 = vector.shape_cast %get3A_33 : vector<1x1x64xf32> to vector<1x64xf32>
    %add3A_35 = vector.broadcast %get3A_34 : vector<1x64xf32> to vector<2000x64xf32>
    %add3A_36 = arith.addf %mul3A_29, %add3A_35 : vector<2000x64xf32>
    %jit3A_37 = arith.constant 2.000000e-01 : f32
    %ge3A_38 = arith.constant 0.000000e+00 : f32
    %ge3A_39 = vector.broadcast %ge3A_38 : f32 to vector<2000x64xf32>
    %ge3A_40 = arith.cmpf oge, %add3A_36, %ge3A_39 : vector<2000x64xf32>
    %mul3A_41 = vector.broadcast %jit3A_37 : f32 to vector<2000x64xf32>
    %mul3A_42 = arith.mulf %mul3A_41, %add3A_36 : vector<2000x64xf32>
    %select_n3A_43 = arith.select %ge3A_40, %add3A_36, %mul3A_42 : vector<2000x64xi1>, vector<2000x64xf32>
    %get3A_44 = arith.constant 0 : index
    %get3A_45 = arith.constant 0 : index
    %get3A_46 = arith.constant 0 : index
    %get3A_47 = vector.load %arg6[%get3A_44, %get3A_45, %get3A_46] : memref<1x64x64xf32, #tpu.memory_space<vmem>>, vector<1x64x64xf32>
    %get3A_48 = vector.shape_cast %get3A_47 : vector<1x64x64xf32> to vector<64x64xf32>
    %dot_general3A = arith.constant dense<0.000000e+00> : vector<2000x64xf32>
    %dot_general3A_49 = tpu.matmul %select_n3A, %get3A_48, %dot_general3A {dimension_numbers = #tpu.dot_dimension_numbers<[1], [0], [0], [1], [0, 0, 1, 1], [], []>, transpose_lhs_hint = false} : vector<2000x64xf32>, vector<64x64xf32>, vector<2000x64xf32> -> vector<2000x64xf32>
    %get3A_50 = arith.constant 0 : index
    %get3A_51 = arith.constant 0 : index
    %get3A_52 = arith.constant 0 : index
    %get3A_53 = vector.load %arg7[%get3A_50, %get3A_51, %get3A_52] : memref<1x64x64xf32, #tpu.memory_space<vmem>>, vector<1x64x64xf32>
    %get3A_54 = vector.shape_cast %get3A_53 : vector<1x64x64xf32> to vector<64x64xf32>
    %dot_general3A_55 = arith.constant dense<0.000000e+00> : vector<2000x64xf32>
    %dot_general3A_56 = tpu.matmul %select_n3A_43, %get3A_54, %dot_general3A_55 {dimension_numbers = #tpu.dot_dimension_numbers<[1], [0], [0], [1], [0, 0, 1, 1], [], []>, transpose_lhs_hint = false} : vector<2000x64xf32>, vector<64x64xf32>, vector<2000x64xf32> -> vector<2000x64xf32>
    %add3A_57 = arith.addf %dot_general3A_49, %dot_general3A_56 : vector<2000x64xf32>
    %mul3A_58 = vector.broadcast %transpose3A : vector<2000x1xf32> to vector<2000x64xf32>
    %mul3A_59 = arith.mulf %add3A_57, %mul3A_58 : vector<2000x64xf32>
    %swap3A = arith.constant 0 : index
    %swap3A_60 = arith.constant 0 : index
    %swap3A_61 = arith.constant 0 : index
    %swap3A_62 = vector.load %arg8[%swap3A, %swap3A_60, %swap3A_61] : memref<1x2000x64xf32, #tpu.memory_space<vmem>>, vector<1x2000x64xf32>
    %swap3A_63 = vector.shape_cast %swap3A_62 : vector<1x2000x64xf32> to vector<2000x64xf32>
    %swap3A_64 = vector.shape_cast %mul3A_59 : vector<2000x64xf32> to vector<1x2000x64xf32>
    tpu.vector_store %arg8[%swap3A, %swap3A_60, %swap3A_61], %swap3A_64 {strides = array<i32>} : memref<1x2000x64xf32, #tpu.memory_space<vmem>>, vector<1x2000x64xf32>,
    return
  }
  func.func @transform_0(%arg0: i32, %arg1: i32) -> (i32, i32, i32, i32) {
    %c0_i32 = arith.constant 0 : i32
    %c0_i32_0 = arith.constant 0 : i32
    %c0_i32_1 = arith.constant 0 : i32
    return %arg0, %c0_i32, %arg1, %c0_i32_0 : i32, i32, i32, i32
  }
  func.func @transform_1(%arg0: i32, %arg1: i32) -> (i32, i32, i32, i32) {
    %c1_i32 = arith.constant 1 : i32
    %c0_i32 = arith.constant 0 : i32
    %c0_i32_0 = arith.constant 0 : i32
    return %arg0, %c1_i32, %arg1, %c0_i32 : i32, i32, i32, i32
  }
  func.func @transform_2(%arg0: i32, %arg1: i32) -> (i32, i32, i32, i32) {
    %add3A = arith.constant 2 : i32
    %add3A_0 = arith.addi %add3A, %arg0 : i32
    %c0_i32 = arith.constant 0 : i32
    %c0_i32_1 = arith.constant 0 : i32
    %c0_i32_2 = arith.constant 0 : i32
    return %add3A_0, %arg1, %c0_i32, %c0_i32_1 : i32, i32, i32, i32
  }
  func.func @transform_3(%arg0: i32, %arg1: i32) -> (i32, i32, i32) {
    %c0_i32 = arith.constant 0 : i32
    %c0_i32_0 = arith.constant 0 : i32
    %c0_i32_1 = arith.constant 0 : i32
    return %arg0, %c0_i32, %c0_i32_0 : i32, i32, i32
  }
  func.func @transform_4(%arg0: i32, %arg1: i32) -> (i32, i32, i32) {
    %c0_i32 = arith.constant 0 : i32
    %c0_i32_0 = arith.constant 0 : i32
    %c0_i32_1 = arith.constant 0 : i32
    return %arg0, %c0_i32, %c0_i32_0 : i32, i32, i32
  }
  func.func @transform_5(%arg0: i32, %arg1: i32) -> (i32, i32, i32) {
    %c0_i32 = arith.constant 0 : i32
    %c0_i32_0 = arith.constant 0 : i32
    %c0_i32_1 = arith.constant 0 : i32
    return %arg0, %c0_i32, %c0_i32_0 : i32, i32, i32
  }
  func.func @transform_6(%arg0: i32, %arg1: i32) -> (i32, i32, i32) {
    %c0_i32 = arith.constant 0 : i32
    %c0_i32_0 = arith.constant 0 : i32
    return %arg0, %arg1, %c0_i32 : i32, i32, i32
  }
}

module attributes {stable_mosaic.version = 14 : i64} {
  func.func @body(%arg0: i32, %arg1: i32, %arg2: memref<1x1x2000x64xf32, #tpu.memory_space<vmem>>, %arg3: memref<1x1x2000x64xf32, #tpu.memory_space<vmem>>, %arg4: memref<1x1x1x2000xf32, #tpu.memory_space<vmem>>, %arg5: memref<1x1x128xf32, #tpu.memory_space<vmem>>, %arg6: memref<1x64x64xf32, #tpu.memory_space<vmem>>, %arg7: memref<1x64x64xf32, #tpu.memory_space<vmem>>, %arg8: memref<1x2000x64xf32, #tpu.memory_space<vmem>>) attributes {dimension_semantics = [#tpu.dimension_semantics<arbitrary>, #tpu.dimension_semantics<arbitrary>], iteration_bounds = array<i64: 2, 5>, scalar_prefetch = 0 : i64, scratch_operands = 0 : i64, tpu.core_type = #tpu.core_type<tc>, window_params = [{transform_indices = @transform_0, window_bounds = array<i64: 1, 1, 2000, 64>}, {transform_indices = @transform_1, window_bounds = array<i64: 1, 1, 2000, 64>}, {transform_indices = @transform_2, window_bounds = array<i64: 1, 1, 1, 2000>}, {transform_indices = @transform_3, window_bounds = array<i64: 1, 1, 128>}, {transform_indices = @transform_4, window_bounds = array<i64: 1, 64, 64>}, {transform_indices = @transform_5, window_bounds = array<i64: 1, 64, 64>}, {transform_indices = @transform_6, window_bounds = array<i64: 1, 2000, 64>}]} {
    %get3A = arith.constant 0 : index
    %get3A_0 = arith.constant 0 : index
    %get3A_1 = arith.constant 0 : index
    %get3A_2 = arith.constant 0 : index
    %get3A_3 = vector.load %arg4[%get3A, %get3A_0, %get3A_1, %get3A_2] : memref<1x1x1x2000xf32, #tpu.memory_space<vmem>>, vector<1x1x1x2000xf32>
    %get3A_4 = vector.shape_cast %get3A_3 : vector<1x1x1x2000xf32> to vector<1x2000xf32>
    %transpose3A = tpu.transpose %get3A_4, [1, 0] : vector<1x2000xf32> -> vector<2000x1xf32>
    %get3A_5 = arith.constant 0 : index
    %get3A_6 = arith.constant 0 : index
    %get3A_7 = arith.constant 0 : index
    %get3A_8 = arith.constant 0 : index
    %get3A_9 = vector.load %arg2[%get3A_5, %get3A_6, %get3A_7, %get3A_8] : memref<1x1x2000x64xf32, #tpu.memory_space<vmem>>, vector<1x1x2000x64xf32>
    %get3A_10 = vector.shape_cast %get3A_9 : vector<1x1x2000x64xf32> to vector<2000x64xf32>
    %mul3A = vector.broadcast %transpose3A : vector<2000x1xf32> to vector<2000x64xf32>
    %mul3A_11 = arith.mulf %get3A_10, %mul3A : vector<2000x64xf32>
    %get3A_12 = arith.constant 0 : index
    %get3A_13 = arith.constant 0 : index
    %get3A_14 = arith.constant 0 : index
    %get3A_15 = vector.load %arg5[%get3A_12, %get3A_13, %get3A_14] : memref<1x1x128xf32, #tpu.memory_space<vmem>>, vector<1x1x64xf32>
    %get3A_16 = vector.shape_cast %get3A_15 : vector<1x1x64xf32> to vector<1x64xf32>
    %add3A = vector.broadcast %get3A_16 : vector<1x64xf32> to vector<2000x64xf32>
    %add3A_17 = arith.addf %mul3A_11, %add3A : vector<2000x64xf32>
    %jit3A = arith.constant 2.000000e-01 : f32
    %ge3A = arith.constant 0.000000e+00 : f32
    %ge3A_18 = vector.broadcast %ge3A : f32 to vector<2000x64xf32>
    %ge3A_19 = arith.cmpf oge, %add3A_17, %ge3A_18 : vector<2000x64xf32>
    %mul3A_20 = vector.broadcast %jit3A : f32 to vector<2000x64xf32>
    %mul3A_21 = arith.mulf %mul3A_20, %add3A_17 : vector<2000x64xf32>
    %select_n3A = arith.select %ge3A_19, %add3A_17, %mul3A_21 : vector<2000x64xi1>, vector<2000x64xf32>
    %get3A_22 = arith.constant 0 : index
    %get3A_23 = arith.constant 0 : index
    %get3A_24 = arith.constant 0 : index
    %get3A_25 = arith.constant 0 : index
    %get3A_26 = vector.load %arg3[%get3A_22, %get3A_23, %get3A_24, %get3A_25] : memref<1x1x2000x64xf32, #tpu.memory_space<vmem>>, vector<1x1x2000x64xf32>
    %get3A_27 = vector.shape_cast %get3A_26 : vector<1x1x2000x64xf32> to vector<2000x64xf32>
    %mul3A_28 = vector.broadcast %transpose3A : vector<2000x1xf32> to vector<2000x64xf32>
    %mul3A_29 = arith.mulf %get3A_27, %mul3A_28 : vector<2000x64xf32>
    %get3A_30 = arith.constant 0 : index
    %get3A_31 = arith.constant 0 : index
    %get3A_32 = arith.constant 64 : index
    %get3A_33 = vector.load %arg5[%get3A_30, %get3A_31, %get3A_32] : memref<1x1x128xf32, #tpu.memory_space<vmem>>, vector<1x1x64xf32>
    %get3A_34 = vector.shape_cast %get3A_33 : vector<1x1x64xf32> to vector<1x64xf32>
    %add3A_35 = vector.broadcast %get3A_34 : vector<1x64xf32> to vector<2000x64xf32>
    %add3A_36 = arith.addf %mul3A_29, %add3A_35 : vector<2000x64xf32>
    %jit3A_37 = arith.constant 2.000000e-01 : f32
    %ge3A_38 = arith.constant 0.000000e+00 : f32
    %ge3A_39 = vector.broadcast %ge3A_38 : f32 to vector<2000x64xf32>
    %ge3A_40 = arith.cmpf oge, %add3A_36, %ge3A_39 : vector<2000x64xf32>
    %mul3A_41 = vector.broadcast %jit3A_37 : f32 to vector<2000x64xf32>
    %mul3A_42 = arith.mulf %mul3A_41, %add3A_36 : vector<2000x64xf32>
    %select_n3A_43 = arith.select %ge3A_40, %add3A_36, %mul3A_42 : vector<2000x64xi1>, vector<2000x64xf32>
    %get3A_44 = arith.constant 0 : index
    %get3A_45 = arith.constant 0 : index
    %get3A_46 = arith.constant 0 : index
    %get3A_47 = vector.load %arg6[%get3A_44, %get3A_45, %get3A_46] : memref<1x64x64xf32, #tpu.memory_space<vmem>>, vector<1x64x64xf32>
    %get3A_48 = vector.shape_cast %get3A_47 : vector<1x64x64xf32> to vector<64x64xf32>
    %dot_general3A = arith.constant dense<0.000000e+00> : vector<2000x64xf32>
    %dot_general3A_49 = tpu.matmul %select_n3A, %get3A_48, %dot_general3A {dimension_numbers = #tpu.dot_dimension_numbers<[1], [0], [0], [1], [0, 0, 1, 1], [], []>, transpose_lhs_hint = false} : vector<2000x64xf32>, vector<64x64xf32>, vector<2000x64xf32> -> vector<2000x64xf32>
    %get3A_50 = arith.constant 0 : index
    %get3A_51 = arith.constant 0 : index
    %get3A_52 = arith.constant 0 : index
    %get3A_53 = vector.load %arg7[%get3A_50, %get3A_51, %get3A_52] : memref<1x64x64xf32, #tpu.memory_space<vmem>>, vector<1x64x64xf32>
    %get3A_54 = vector.shape_cast %get3A_53 : vector<1x64x64xf32> to vector<64x64xf32>
    %dot_general3A_55 = arith.constant dense<0.000000e+00> : vector<2000x64xf32>
    %dot_general3A_56 = tpu.matmul %select_n3A_43, %get3A_54, %dot_general3A_55 {dimension_numbers = #tpu.dot_dimension_numbers<[1], [0], [0], [1], [0, 0, 1, 1], [], []>, transpose_lhs_hint = false} : vector<2000x64xf32>, vector<64x64xf32>, vector<2000x64xf32> -> vector<2000x64xf32>
    %add3A_57 = arith.addf %dot_general3A_49, %dot_general3A_56 : vector<2000x64xf32>
    %mul3A_58 = vector.broadcast %transpose3A : vector<2000x1xf32> to vector<2000x64xf32>
    %mul3A_59 = arith.mulf %add3A_57, %mul3A_58 : vector<2000x64xf32>
    %swap3A = arith.constant 0 : index
    %swap3A_60 = arith.constant 0 : index
    %swap3A_61 = arith.constant 0 : index
    %swap3A_62 = vector.load %arg8[%swap3A, %swap3A_60, %swap3A_61] : memref<1x2000x64xf32, #tpu.memory_space<vmem>>, vector<1x2000x64xf32>
    %swap3A_63 = vector.shape_cast %swap3A_62 : vector<1x2000x64xf32> to vector<2000x64xf32>
    %swap3A_64 = vector.shape_cast %mul3A_59 : vector<2000x64xf32> to vector<1x2000x64xf32>
    tpu.vector_store %arg8[%swap3A, %swap3A_60, %swap3A_61], %swap3A_64 {strides = array<i32>} : memref<1x2000x64xf32, #tpu.memory_space<vmem>>, vector<1x2000x64xf32>,
    return
  }
  func.func @transform_0(%arg0: i32, %arg1: i32) -> (i32, i32, i32, i32) {
    %c0_i32 = arith.constant 0 : i32
    %c0_i32_0 = arith.constant 0 : i32
    %c0_i32_1 = arith.constant 0 : i32
    return %arg0, %c0_i32, %arg1, %c0_i32_0 : i32, i32, i32, i32
  }
  func.func @transform_1(%arg0: i32, %arg1: i32) -> (i32, i32, i32, i32) {
    %c1_i32 = arith.constant 1 : i32
    %c0_i32 = arith.constant 0 : i32
    %c0_i32_0 = arith.constant 0 : i32
    return %arg0, %c1_i32, %arg1, %c0_i32 : i32, i32, i32, i32
  }
  func.func @transform_2(%arg0: i32, %arg1: i32) -> (i32, i32, i32, i32) {
    %add3A = arith.constant 0 : i32
    %add3A_0 = arith.addi %add3A, %arg0 : i32
    %c0_i32 = arith.constant 0 : i32
    %c0_i32_1 = arith.constant 0 : i32
    %c0_i32_2 = arith.constant 0 : i32
    return %add3A_0, %arg1, %c0_i32, %c0_i32_1 : i32, i32, i32, i32
  }
  func.func @transform_3(%arg0: i32, %arg1: i32) -> (i32, i32, i32) {
    %c0_i32 = arith.constant 0 : i32
    %c0_i32_0 = arith.constant 0 : i32
    %c0_i32_1 = arith.constant 0 : i32
    return %arg0, %c0_i32, %c0_i32_0 : i32, i32, i32
  }
  func.func @transform_4(%arg0: i32, %arg1: i32) -> (i32, i32, i32) {
    %c0_i32 = arith.constant 0 : i32
    %c0_i32_0 = arith.constant 0 : i32
    %c0_i32_1 = arith.constant 0 : i32
    return %arg0, %c0_i32, %c0_i32_0 : i32, i32, i32
  }
  func.func @transform_5(%arg0: i32, %arg1: i32) -> (i32, i32, i32) {
    %c0_i32 = arith.constant 0 : i32
    %c0_i32_0 = arith.constant 0 : i32
    %c0_i32_1 = arith.constant 0 : i32
    return %arg0, %c0_i32, %c0_i32_0 : i32, i32, i32
  }
  func.func @transform_6(%arg0: i32, %arg1: i32) -> (i32, i32, i32) {
    %c0_i32 = arith.constant 0 : i32
    %c0_i32_0 = arith.constant 0 : i32
    return %arg0, %arg1, %c0_i32 : i32, i32, i32
  }
}

module attributes {stable_mosaic.version = 14 : i64} {
  func.func @body(%arg0: i32, %arg1: memref<1x2000x64xf32, #tpu.memory_space<vmem>>, %arg2: memref<1x2000x64xf32, #tpu.memory_space<vmem>>, %arg3: memref<1x2000x64xf32, #tpu.memory_space<vmem>>, %arg4: memref<1x2000x64xf32, #tpu.memory_space<vmem>>, %arg5: memref<1x1x1x2000xf32, #tpu.memory_space<vmem>>, %arg6: memref<1x1x1x2000xf32, #tpu.memory_space<vmem>>, %arg7: memref<1x1x1x2000xf32, #tpu.memory_space<vmem>>, %arg8: memref<1x1x1x2000xf32, #tpu.memory_space<vmem>>, %arg9: memref<1x4x64xf32, #tpu.memory_space<vmem>>, %arg10: memref<2000x128xf32, #tpu.memory_space<vmem>>, %arg11: memref<2000x128xf32, #tpu.memory_space<vmem>>, %arg12: memref<1x2x128x64xf32, #tpu.memory_space<vmem>>, %arg13: memref<1x2x64xf32, #tpu.memory_space<vmem>>, %arg14: memref<2000x64xf32, #tpu.memory_space<vmem>>, %arg15: memref<2000x64xf32, #tpu.memory_space<vmem>>, %arg16: memref<2000x64xf32, #tpu.memory_space<vmem>>, %arg17: memref<2000x64xf32, #tpu.memory_space<vmem>>, %arg18: memref<2000x64xf32, #tpu.memory_space<vmem>>, %arg19: memref<2000x64xf32, #tpu.memory_space<vmem>>) attributes {dimension_semantics = [#tpu.dimension_semantics<arbitrary>], iteration_bounds = array<i64: 5>, scalar_prefetch = 0 : i64, scratch_operands = 0 : i64, tpu.core_type = #tpu.core_type<tc>, window_params = [{transform_indices = @transform_0, window_bounds = array<i64: 1, 2000, 64>}, {transform_indices = @transform_1, window_bounds = array<i64: 1, 2000, 64>}, {transform_indices = @transform_2, window_bounds = array<i64: 1, 2000, 64>}, {transform_indices = @transform_3, window_bounds = array<i64: 1, 2000, 64>}, {transform_indices = @transform_4, window_bounds = array<i64: 1, 1, 1, 2000>}, {transform_indices = @transform_5, window_bounds = array<i64: 1, 1, 1, 2000>}, {transform_indices = @transform_6, window_bounds = array<i64: 1, 1, 1, 2000>}, {transform_indices = @transform_7, window_bounds = array<i64: 1, 1, 1, 2000>}, {pipeline_mode = #tpu.pipeline_mode<synchronous>, transform_indices = @transform_8, window_bounds = array<i64: 1, 4, 64>}, {transform_indices = @transform_9, window_bounds = array<i64: 2000, 128>}, {transform_indices = @transform_10, window_bounds = array<i64: 2000, 128>}, {pipeline_mode = #tpu.pipeline_mode<synchronous>, transform_indices = @transform_11, window_bounds = array<i64: 1, 2, 128, 64>}, {pipeline_mode = #tpu.pipeline_mode<synchronous>, transform_indices = @transform_12, window_bounds = array<i64: 1, 2, 64>}, {transform_indices = @transform_13, window_bounds = array<i64: 2000, 64>}, {transform_indices = @transform_14, window_bounds = array<i64: 2000, 64>}, {transform_indices = @transform_15, window_bounds = array<i64: 2000, 64>}, {transform_indices = @transform_16, window_bounds = array<i64: 2000, 64>}, {transform_indices = @transform_17, window_bounds = array<i64: 2000, 64>}, {transform_indices = @transform_18, window_bounds = array<i64: 2000, 64>}]} {
    %get3A = arith.constant 0 : index
    %get3A_0 = arith.constant 0 : index
    %get3A_1 = arith.constant 0 : index
    %get3A_2 = arith.constant 0 : index
    %get3A_3 = vector.load %arg5[%get3A, %get3A_0, %get3A_1, %get3A_2] : memref<1x1x1x2000xf32, #tpu.memory_space<vmem>>, vector<1x1x1x2000xf32>
    %get3A_4 = vector.shape_cast %get3A_3 : vector<1x1x1x2000xf32> to vector<1x2000xf32>
    %transpose3A = tpu.transpose %get3A_4, [1, 0] : vector<1x2000xf32> -> vector<2000x1xf32>
    %get3A_5 = arith.constant 0 : index
    %get3A_6 = arith.constant 0 : index
    %get3A_7 = arith.constant 0 : index
    %get3A_8 = vector.load %arg1[%get3A_5, %get3A_6, %get3A_7] : memref<1x2000x64xf32, #tpu.memory_space<vmem>>, vector<1x2000x64xf32>
    %get3A_9 = vector.shape_cast %get3A_8 : vector<1x2000x64xf32> to vector<2000x64xf32>
    %mul3A = vector.broadcast %transpose3A : vector<2000x1xf32> to vector<2000x64xf32>
    %mul3A_10 = arith.mulf %get3A_9, %mul3A : vector<2000x64xf32>
    %get3A_11 = arith.constant 0 : index
    %get3A_12 = arith.constant 0 : index
    %get3A_13 = arith.constant 0 : index
    %get3A_14 = vector.load %arg9[%get3A_11, %get3A_12, %get3A_13] : memref<1x4x64xf32, #tpu.memory_space<vmem>>, vector<1x1x64xf32>
    %get3A_15 = vector.shape_cast %get3A_14 : vector<1x1x64xf32> to vector<64xf32>
    %broadcast_in_dim3A = vector.shape_cast %get3A_15 : vector<64xf32> to vector<1x64xf32>
    %add3A = vector.broadcast %broadcast_in_dim3A : vector<1x64xf32> to vector<2000x64xf32>
    %add3A_16 = arith.addf %mul3A_10, %add3A : vector<2000x64xf32>
    %jit3A = arith.constant 2.000000e-01 : f32
    %ge3A = arith.constant 0.000000e+00 : f32
    %ge3A_17 = vector.broadcast %ge3A : f32 to vector<2000x64xf32>
    %ge3A_18 = arith.cmpf oge, %add3A_16, %ge3A_17 : vector<2000x64xf32>
    %mul3A_19 = vector.broadcast %jit3A : f32 to vector<2000x64xf32>
    %mul3A_20 = arith.mulf %mul3A_19, %add3A_16 : vector<2000x64xf32>
    %select_n3A = arith.select %ge3A_18, %add3A_16, %mul3A_20 : vector<2000x64xi1>, vector<2000x64xf32>
    %swap3A = arith.constant 0 : index
    %swap3A_21 = arith.constant 0 : index
    %swap3A_22 = vector.load %arg16[%swap3A, %swap3A_21] : memref<2000x64xf32, #tpu.memory_space<vmem>>, vector<2000x64xf32>
    tpu.vector_store %arg16[%swap3A, %swap3A_21], %select_n3A {strides = array<i32>} : memref<2000x64xf32, #tpu.memory_space<vmem>>, vector<2000x64xf32>,
    %get3A_23 = arith.constant 0 : index
    %get3A_24 = arith.constant 0 : index
    %get3A_25 = arith.constant 0 : index
    %get3A_26 = arith.constant 0 : index
    %get3A_27 = vector.load %arg6[%get3A_23, %get3A_24, %get3A_25, %get3A_26] : memref<1x1x1x2000xf32, #tpu.memory_space<vmem>>, vector<1x1x1x2000xf32>
    %get3A_28 = vector.shape_cast %get3A_27 : vector<1x1x1x2000xf32> to vector<1x2000xf32>
    %transpose3A_29 = tpu.transpose %get3A_28, [1, 0] : vector<1x2000xf32> -> vector<2000x1xf32>
    %get3A_30 = arith.constant 0 : index
    %get3A_31 = arith.constant 0 : index
    %get3A_32 = arith.constant 0 : index
    %get3A_33 = vector.load %arg2[%get3A_30, %get3A_31, %get3A_32] : memref<1x2000x64xf32, #tpu.memory_space<vmem>>, vector<1x2000x64xf32>
    %get3A_34 = vector.shape_cast %get3A_33 : vector<1x2000x64xf32> to vector<2000x64xf32>
    %mul3A_35 = vector.broadcast %transpose3A_29 : vector<2000x1xf32> to vector<2000x64xf32>
    %mul3A_36 = arith.mulf %get3A_34, %mul3A_35 : vector<2000x64xf32>
    %get3A_37 = arith.constant 0 : index
    %get3A_38 = arith.constant 1 : index
    %get3A_39 = arith.constant 0 : index
    %get3A_40 = vector.load %arg9[%get3A_37, %get3A_38, %get3A_39] : memref<1x4x64xf32, #tpu.memory_space<vmem>>, vector<1x1x64xf32>
    %get3A_41 = vector.shape_cast %get3A_40 : vector<1x1x64xf32> to vector<64xf32>
    %broadcast_in_dim3A_42 = vector.shape_cast %get3A_41 : vector<64xf32> to vector<1x64xf32>
    %add3A_43 = vector.broadcast %broadcast_in_dim3A_42 : vector<1x64xf32> to vector<2000x64xf32>
    %add3A_44 = arith.addf %mul3A_36, %add3A_43 : vector<2000x64xf32>
    %jit3A_45 = arith.constant 2.000000e-01 : f32
    %ge3A_46 = arith.constant 0.000000e+00 : f32
    %ge3A_47 = vector.broadcast %ge3A_46 : f32 to vector<2000x64xf32>
    %ge3A_48 = arith.cmpf oge, %add3A_44, %ge3A_47 : vector<2000x64xf32>
    %mul3A_49 = vector.broadcast %jit3A_45 : f32 to vector<2000x64xf32>
    %mul3A_50 = arith.mulf %mul3A_49, %add3A_44 : vector<2000x64xf32>
    %select_n3A_51 = arith.select %ge3A_48, %add3A_44, %mul3A_50 : vector<2000x64xi1>, vector<2000x64xf32>
    %swap3A_52 = arith.constant 0 : index
    %swap3A_53 = arith.constant 0 : index
    %swap3A_54 = vector.load %arg17[%swap3A_52, %swap3A_53] : memref<2000x64xf32, #tpu.memory_space<vmem>>, vector<2000x64xf32>
    tpu.vector_store %arg17[%swap3A_52, %swap3A_53], %select_n3A_51 {strides = array<i32>} : memref<2000x64xf32, #tpu.memory_space<vmem>>, vector<2000x64xf32>,
    %get3A_55 = arith.constant 0 : index
    %get3A_56 = arith.constant 0 : index
    %get3A_57 = arith.constant 0 : index
    %get3A_58 = arith.constant 0 : index
    %get3A_59 = vector.load %arg7[%get3A_55, %get3A_56, %get3A_57, %get3A_58] : memref<1x1x1x2000xf32, #tpu.memory_space<vmem>>, vector<1x1x1x2000xf32>
    %get3A_60 = vector.shape_cast %get3A_59 : vector<1x1x1x2000xf32> to vector<1x2000xf32>
    %transpose3A_61 = tpu.transpose %get3A_60, [1, 0] : vector<1x2000xf32> -> vector<2000x1xf32>
    %get3A_62 = arith.constant 0 : index
    %get3A_63 = arith.constant 0 : index
    %get3A_64 = arith.constant 0 : index
    %get3A_65 = vector.load %arg3[%get3A_62, %get3A_63, %get3A_64] : memref<1x2000x64xf32, #tpu.memory_space<vmem>>, vector<1x2000x64xf32>
    %get3A_66 = vector.shape_cast %get3A_65 : vector<1x2000x64xf32> to vector<2000x64xf32>
    %mul3A_67 = vector.broadcast %transpose3A_61 : vector<2000x1xf32> to vector<2000x64xf32>
    %mul3A_68 = arith.mulf %get3A_66, %mul3A_67 : vector<2000x64xf32>
    %get3A_69 = arith.constant 0 : index
    %get3A_70 = arith.constant 2 : index
    %get3A_71 = arith.constant 0 : index
    %get3A_72 = vector.load %arg9[%get3A_69, %get3A_70, %get3A_71] : memref<1x4x64xf32, #tpu.memory_space<vmem>>, vector<1x1x64xf32>
    %get3A_73 = vector.shape_cast %get3A_72 : vector<1x1x64xf32> to vector<64xf32>
    %broadcast_in_dim3A_74 = vector.shape_cast %get3A_73 : vector<64xf32> to vector<1x64xf32>
    %add3A_75 = vector.broadcast %broadcast_in_dim3A_74 : vector<1x64xf32> to vector<2000x64xf32>
    %add3A_76 = arith.addf %mul3A_68, %add3A_75 : vector<2000x64xf32>
    %jit3A_77 = arith.constant 2.000000e-01 : f32
    %ge3A_78 = arith.constant 0.000000e+00 : f32
    %ge3A_79 = vector.broadcast %ge3A_78 : f32 to vector<2000x64xf32>
    %ge3A_80 = arith.cmpf oge, %add3A_76, %ge3A_79 : vector<2000x64xf32>
    %mul3A_81 = vector.broadcast %jit3A_77 : f32 to vector<2000x64xf32>
    %mul3A_82 = arith.mulf %mul3A_81, %add3A_76 : vector<2000x64xf32>
    %select_n3A_83 = arith.select %ge3A_80, %add3A_76, %mul3A_82 : vector<2000x64xi1>, vector<2000x64xf32>
    %swap3A_84 = arith.constant 0 : index
    %swap3A_85 = arith.constant 0 : index
    %swap3A_86 = vector.load %arg18[%swap3A_84, %swap3A_85] : memref<2000x64xf32, #tpu.memory_space<vmem>>, vector<2000x64xf32>
    tpu.vector_store %arg18[%swap3A_84, %swap3A_85], %select_n3A_83 {strides = array<i32>} : memref<2000x64xf32, #tpu.memory_space<vmem>>, vector<2000x64xf32>,
    %get3A_87 = arith.constant 0 : index
    %get3A_88 = arith.constant 0 : index
    %get3A_89 = arith.constant 0 : index
    %get3A_90 = arith.constant 0 : index
    %get3A_91 = vector.load %arg8[%get3A_87, %get3A_88, %get3A_89, %get3A_90] : memref<1x1x1x2000xf32, #tpu.memory_space<vmem>>, vector<1x1x1x2000xf32>
    %get3A_92 = vector.shape_cast %get3A_91 : vector<1x1x1x2000xf32> to vector<1x2000xf32>
    %transpose3A_93 = tpu.transpose %get3A_92, [1, 0] : vector<1x2000xf32> -> vector<2000x1xf32>
    %get3A_94 = arith.constant 0 : index
    %get3A_95 = arith.constant 0 : index
    %get3A_96 = arith.constant 0 : index
    %get3A_97 = vector.load %arg4[%get3A_94, %get3A_95, %get3A_96] : memref<1x2000x64xf32, #tpu.memory_space<vmem>>, vector<1x2000x64xf32>
    %get3A_98 = vector.shape_cast %get3A_97 : vector<1x2000x64xf32> to vector<2000x64xf32>
    %mul3A_99 = vector.broadcast %transpose3A_93 : vector<2000x1xf32> to vector<2000x64xf32>
    %mul3A_100 = arith.mulf %get3A_98, %mul3A_99 : vector<2000x64xf32>
    %get3A_101 = arith.constant 0 : index
    %get3A_102 = arith.constant 3 : index
    %get3A_103 = arith.constant 0 : index
    %get3A_104 = vector.load %arg9[%get3A_101, %get3A_102, %get3A_103] : memref<1x4x64xf32, #tpu.memory_space<vmem>>, vector<1x1x64xf32>
    %get3A_105 = vector.shape_cast %get3A_104 : vector<1x1x64xf32> to vector<64xf32>
    %broadcast_in_dim3A_106 = vector.shape_cast %get3A_105 : vector<64xf32> to vector<1x64xf32>
    %add3A_107 = vector.broadcast %broadcast_in_dim3A_106 : vector<1x64xf32> to vector<2000x64xf32>
    %add3A_108 = arith.addf %mul3A_100, %add3A_107 : vector<2000x64xf32>
    %jit3A_109 = arith.constant 2.000000e-01 : f32
    %ge3A_110 = arith.constant 0.000000e+00 : f32
    %ge3A_111 = vector.broadcast %ge3A_110 : f32 to vector<2000x64xf32>
    %ge3A_112 = arith.cmpf oge, %add3A_108, %ge3A_111 : vector<2000x64xf32>
    %mul3A_113 = vector.broadcast %jit3A_109 : f32 to vector<2000x64xf32>
    %mul3A_114 = arith.mulf %mul3A_113, %add3A_108 : vector<2000x64xf32>
    %select_n3A_115 = arith.select %ge3A_112, %add3A_108, %mul3A_114 : vector<2000x64xi1>, vector<2000x64xf32>
    %swap3A_116 = arith.constant 0 : index
    %swap3A_117 = arith.constant 0 : index
    %swap3A_118 = vector.load %arg19[%swap3A_116, %swap3A_117] : memref<2000x64xf32, #tpu.memory_space<vmem>>, vector<2000x64xf32>
    tpu.vector_store %arg19[%swap3A_116, %swap3A_117], %select_n3A_115 {strides = array<i32>} : memref<2000x64xf32, #tpu.memory_space<vmem>>, vector<2000x64xf32>,
    %get3A_119 = arith.constant 0 : index
    %get3A_120 = arith.constant 0 : index
    %get3A_121 = vector.load %arg10[%get3A_119, %get3A_120] : memref<2000x128xf32, #tpu.memory_space<vmem>>, vector<2000x128xf32>
    %get3A_122 = arith.constant 0 : index
    %get3A_123 = arith.constant 0 : index
    %get3A_124 = arith.constant 0 : index
    %get3A_125 = arith.constant 0 : index
    %get3A_126 = vector.load %arg12[%get3A_122, %get3A_123, %get3A_124, %get3A_125] : memref<1x2x128x64xf32, #tpu.memory_space<vmem>>, vector<1x1x128x64xf32>
    %get3A_127 = vector.shape_cast %get3A_126 : vector<1x1x128x64xf32> to vector<128x64xf32>
    %dot_general3A = arith.constant dense<0.000000e+00> : vector<2000x64xf32>
    %dot_general3A_128 = tpu.matmul %get3A_121, %get3A_127, %dot_general3A {dimension_numbers = #tpu.dot_dimension_numbers<[1], [0], [0], [1], [0, 0, 1, 1], [], []>, transpose_lhs_hint = false} : vector<2000x128xf32>, vector<128x64xf32>, vector<2000x64xf32> -> vector<2000x64xf32>
    %get3A_129 = arith.constant 0 : index
    %get3A_130 = arith.constant 0 : index
    %get3A_131 = vector.load %arg11[%get3A_129, %get3A_130] : memref<2000x128xf32, #tpu.memory_space<vmem>>, vector<2000x128xf32>
    %get3A_132 = arith.constant 0 : index
    %get3A_133 = arith.constant 1 : index
    %get3A_134 = arith.constant 0 : index
    %get3A_135 = arith.constant 0 : index
    %get3A_136 = vector.load %arg12[%get3A_132, %get3A_133, %get3A_134, %get3A_135] : memref<1x2x128x64xf32, #tpu.memory_space<vmem>>, vector<1x1x128x64xf32>
    %get3A_137 = vector.shape_cast %get3A_136 : vector<1x1x128x64xf32> to vector<128x64xf32>
    %dot_general3A_138 = arith.constant dense<0.000000e+00> : vector<2000x64xf32>
    %dot_general3A_139 = tpu.matmul %get3A_131, %get3A_137, %dot_general3A_138 {dimension_numbers = #tpu.dot_dimension_numbers<[1], [0], [0], [1], [0, 0, 1, 1], [], []>, transpose_lhs_hint = false} : vector<2000x128xf32>, vector<128x64xf32>, vector<2000x64xf32> -> vector<2000x64xf32>
    %add3A_140 = arith.addf %select_n3A, %select_n3A_83 : vector<2000x64xf32>
    %mul3A_141 = arith.constant 5.000000e-01 : f32
    %mul3A_142 = vector.broadcast %mul3A_141 : f32 to vector<2000x64xf32>
    %mul3A_143 = arith.mulf %add3A_140, %mul3A_142 : vector<2000x64xf32>
    %add3A_144 = arith.addf %mul3A_143, %dot_general3A_128 : vector<2000x64xf32>
    %get3A_145 = arith.constant 0 : index
    %get3A_146 = arith.constant 0 : index
    %get3A_147 = arith.constant 0 : index
    %get3A_148 = vector.load %arg13[%get3A_145, %get3A_146, %get3A_147] : memref<1x2x64xf32, #tpu.memory_space<vmem>>, vector<1x1x64xf32>
    %get3A_149 = vector.shape_cast %get3A_148 : vector<1x1x64xf32> to vector<64xf32>
    %broadcast_in_dim3A_150 = vector.shape_cast %get3A_149 : vector<64xf32> to vector<1x64xf32>
    %add3A_151 = vector.broadcast %broadcast_in_dim3A_150 : vector<1x64xf32> to vector<2000x64xf32>
    %add3A_152 = arith.addf %add3A_144, %add3A_151 : vector<2000x64xf32>
    %swap3A_153 = arith.constant 0 : index
    %swap3A_154 = arith.constant 0 : index
    %swap3A_155 = vector.load %arg14[%swap3A_153, %swap3A_154] : memref<2000x64xf32, #tpu.memory_space<vmem>>, vector<2000x64xf32>
    tpu.vector_store %arg14[%swap3A_153, %swap3A_154], %add3A_152 {strides = array<i32>} : memref<2000x64xf32, #tpu.memory_space<vmem>>, vector<2000x64xf32>,
    %add3A_156 = arith.addf %select_n3A_51, %select_n3A_115 : vector<2000x64xf32>
    %mul3A_157 = arith.constant 5.000000e-01 : f32
    %mul3A_158 = vector.broadcast %mul3A_157 : f32 to vector<2000x64xf32>
    %mul3A_159 = arith.mulf %add3A_156, %mul3A_158 : vector<2000x64xf32>
    %add3A_160 = arith.addf %mul3A_159, %dot_general3A_139 : vector<2000x64xf32>
    %get3A_161 = arith.constant 0 : index
    %get3A_162 = arith.constant 1 : index
    %get3A_163 = arith.constant 0 : index
    %get3A_164 = vector.load %arg13[%get3A_161, %get3A_162, %get3A_163] : memref<1x2x64xf32, #tpu.memory_space<vmem>>, vector<1x1x64xf32>
    %get3A_165 = vector.shape_cast %get3A_164 : vector<1x1x64xf32> to vector<64xf32>
    %broadcast_in_dim3A_166 = vector.shape_cast %get3A_165 : vector<64xf32> to vector<1x64xf32>
    %add3A_167 = vector.broadcast %broadcast_in_dim3A_166 : vector<1x64xf32> to vector<2000x64xf32>
    %add3A_168 = arith.addf %add3A_160, %add3A_167 : vector<2000x64xf32>
    %swap3A_169 = arith.constant 0 : index
    %swap3A_170 = arith.constant 0 : index
    %swap3A_171 = vector.load %arg15[%swap3A_169, %swap3A_170] : memref<2000x64xf32, #tpu.memory_space<vmem>>, vector<2000x64xf32>
    tpu.vector_store %arg15[%swap3A_169, %swap3A_170], %add3A_168 {strides = array<i32>} : memref<2000x64xf32, #tpu.memory_space<vmem>>, vector<2000x64xf32>,
    return
  }
  func.func @transform_0(%arg0: i32) -> (i32, i32, i32) {
    %c0_i32 = arith.constant 0 : i32
    %c0_i32_0 = arith.constant 0 : i32
    %c0_i32_1 = arith.constant 0 : i32
    return %c0_i32, %arg0, %c0_i32_0 : i32, i32, i32
  }
  func.func @transform_1(%arg0: i32) -> (i32, i32, i32) {
    %c1_i32 = arith.constant 1 : i32
    %c0_i32 = arith.constant 0 : i32
    %c0_i32_0 = arith.constant 0 : i32
    return %c1_i32, %arg0, %c0_i32 : i32, i32, i32
  }
  func.func @transform_2(%arg0: i32) -> (i32, i32, i32) {
    %c0_i32 = arith.constant 0 : i32
    %c0_i32_0 = arith.constant 0 : i32
    %c0_i32_1 = arith.constant 0 : i32
    return %c0_i32, %arg0, %c0_i32_0 : i32, i32, i32
  }
  func.func @transform_3(%arg0: i32) -> (i32, i32, i32) {
    %c1_i32 = arith.constant 1 : i32
    %c0_i32 = arith.constant 0 : i32
    %c0_i32_0 = arith.constant 0 : i32
    return %c1_i32, %arg0, %c0_i32 : i32, i32, i32
  }
  func.func @transform_4(%arg0: i32) -> (i32, i32, i32, i32) {
    %c0_i32 = arith.constant 0 : i32
    %c0_i32_0 = arith.constant 0 : i32
    %c0_i32_1 = arith.constant 0 : i32
    %c0_i32_2 = arith.constant 0 : i32
    return %c0_i32, %arg0, %c0_i32_0, %c0_i32_1 : i32, i32, i32, i32
  }
  func.func @transform_5(%arg0: i32) -> (i32, i32, i32, i32) {
    %c1_i32 = arith.constant 1 : i32
    %c0_i32 = arith.constant 0 : i32
    %c0_i32_0 = arith.constant 0 : i32
    %c0_i32_1 = arith.constant 0 : i32
    return %c1_i32, %arg0, %c0_i32, %c0_i32_0 : i32, i32, i32, i32
  }
  func.func @transform_6(%arg0: i32) -> (i32, i32, i32, i32) {
    %c2_i32 = arith.constant 2 : i32
    %c0_i32 = arith.constant 0 : i32
    %c0_i32_0 = arith.constant 0 : i32
    %c0_i32_1 = arith.constant 0 : i32
    return %c2_i32, %arg0, %c0_i32, %c0_i32_0 : i32, i32, i32, i32
  }
  func.func @transform_7(%arg0: i32) -> (i32, i32, i32, i32) {
    %c3_i32 = arith.constant 3 : i32
    %c0_i32 = arith.constant 0 : i32
    %c0_i32_0 = arith.constant 0 : i32
    %c0_i32_1 = arith.constant 0 : i32
    return %c3_i32, %arg0, %c0_i32, %c0_i32_0 : i32, i32, i32, i32
  }
  func.func @transform_8(%arg0: i32) -> (i32, i32, i32) {
    %c0_i32 = arith.constant 0 : i32
    %c0_i32_0 = arith.constant 0 : i32
    %c0_i32_1 = arith.constant 0 : i32
    %c0_i32_2 = arith.constant 0 : i32
    return %c0_i32, %c0_i32_0, %c0_i32_1 : i32, i32, i32
  }
  func.func @transform_9(%arg0: i32) -> (i32, i32) {
    %c0_i32 = arith.constant 0 : i32
    %c0_i32_0 = arith.constant 0 : i32
    return %arg0, %c0_i32 : i32, i32
  }
  func.func @transform_10(%arg0: i32) -> (i32, i32) {
    %c0_i32 = arith.constant 0 : i32
    %c0_i32_0 = arith.constant 0 : i32
    return %arg0, %c0_i32 : i32, i32
  }
  func.func @transform_11(%arg0: i32) -> (i32, i32, i32, i32) {
    %c0_i32 = arith.constant 0 : i32
    %c0_i32_0 = arith.constant 0 : i32
    %c0_i32_1 = arith.constant 0 : i32
    %c0_i32_2 = arith.constant 0 : i32
    %c0_i32_3 = arith.constant 0 : i32
    return %c0_i32, %c0_i32_0, %c0_i32_1, %c0_i32_2 : i32, i32, i32, i32
  }
  func.func @transform_12(%arg0: i32) -> (i32, i32, i32) {
    %c0_i32 = arith.constant 0 : i32
    %c0_i32_0 = arith.constant 0 : i32
    %c0_i32_1 = arith.constant 0 : i32
    %c0_i32_2 = arith.constant 0 : i32
    return %c0_i32, %c0_i32_0, %c0_i32_1 : i32, i32, i32
  }
  func.func @transform_13(%arg0: i32) -> (i32, i32) {
    %c0_i32 = arith.constant 0 : i32
    %c0_i32_0 = arith.constant 0 : i32
    return %arg0, %c0_i32 : i32, i32
  }
  func.func @transform_14(%arg0: i32) -> (i32, i32) {
    %c0_i32 = arith.constant 0 : i32
    %c0_i32_0 = arith.constant 0 : i32
    return %arg0, %c0_i32 : i32, i32
  }
  func.func @transform_15(%arg0: i32) -> (i32, i32) {
    %c0_i32 = arith.constant 0 : i32
    %c0_i32_0 = arith.constant 0 : i32
    return %arg0, %c0_i32 : i32, i32
  }
  func.func @transform_16(%arg0: i32) -> (i32, i32) {
    %c0_i32 = arith.constant 0 : i32
    %c0_i32_0 = arith.constant 0 : i32
    return %arg0, %c0_i32 : i32, i32
  }
  func.func @transform_17(%arg0: i32) -> (i32, i32) {
    %c0_i32 = arith.constant 0 : i32
    %c0_i32_0 = arith.constant 0 : i32
    return %arg0, %c0_i32 : i32, i32
  }
  func.func @transform_18(%arg0: i32) -> (i32, i32) {
    %c0_i32 = arith.constant 0 : i32
    %c0_i32_0 = arith.constant 0 : i32
    return %arg0, %c0_i32 : i32, i32
  }
}

</mosaic_0001>

<sc_bundles>
// kernel: gcn_agg_p1g0.3.cloned.1.call-start
scs
__scs_entry_jumppad:
0x0: {  	(pc) =	sbr.rel $0x88, $3  }
0x1: {  	(tag) =	ssettag $0x0;
	lr =	simm.s32 $0x1  }
0x2: {  	[smem:$0x3F85] =	sst lr;
	_ =	strace $0xD0000000  }
0x3: {  	_ = 	snop  }
0x4: {  	_ = 	snop  }
0x5: {  	_ = 	snop  }
0x6: {  	_ = 	snop  }
0x7: {  	_ = 	snop  }
__scs_overlays_trampoline_lowered:
0x8: {  	[smem:$0x3F94] =	sst s0  }
0x9: {  	[smem:$0x3F95] =	sst s1  }
0xa: {  	[smem:$0x3F96] =	sst s2  }
0xb: {  	[smem:$0x3F97] =	sst s3  }
0xc: {  	[smem:$0x3F98] =	sst s4  }
0xd: {  	[smem:$0x3F99] =	sst s5  }
0xe: {  	[smem:$0x3F9A] =	sst s6  }
0xf: {  	[smem:$0x3F9B] =	sst s7  }
0x10: {  	[smem:$0x3F9C] =	sst s8  }
0x11: {  	[smem:$0x3F9D] =	sst s9;
	s0 =	simm.s32 @!p0 $0x0  }
0x12: {  	s1 =	sld [smem:$0x3F83];
	s0 =	simm.s32 @p0 $0x1  }
0x13: {  	[smem:$0x3F9E] =	sst s0;
	s0 =	simm.s32 @!p1 $0x0  }
0x14: {  	s2 =	sld [smem:$0x3F82];
	s0 =	simm.s32 @p1 $0x1  }
0x15: {  	[smem:$0x3F9F] =	sst s0;
	s0 =	simm.s32 @!p2 $0x0  }
0x16: {  	s3 =	sld [smem:$0x3FDB];
	s0 =	simm.s32 @p2 $0x1  }
0x17: {  	s4 =	simm.s32 $0x1BF5;
	[smem:$0x3FA1] =	sst s0  }
0x18: {  	s0 =	sld [smem:$0x3F84];
	_ =	swait.ge [sflag:s4], $0x0  }
0x19: {  	s7 =	sld [smem:$0x3F85]  }
0x1a: {  	s8 =	sadd.s32 $0xFFFFE003, lr  }
0x1b: {  	s9 =	sadd.s32 $0xFFFFFEF7, lr;
	s5 =	simm.s32 $0xFFFFFFFF;
	p2 =	slt.u32 s8, $0xFFFFF086  }
0x1c: {  	p1 =	slt.u32 s9, $0xF7A;
	s5 =	simm.s32 @!p2 $0x0  }
0x1d: {  	s5 =	simm.s32 @p1 $0x1;
	p0 =	seq.s32 s7, s2  }
0x1e: {  	s7 =	smul.u32 @!p0 $0xF7A, s2;
	p2 =	seq.s32 @!p0 s5, $0x0  }
0x1f: {  	s9 =	smul.u32 $0xF7A, s1;
	s8 =	simm.s32 @!p0 $0x1BF5;
	p2 =	por !p2, p0  }
0x20: {  	[sflag:s8] =	ssyncset.s32 @!p0 $0xFFFFF086;
	s6 =	sadd.s32 @!p0 s3, s7;
	s7 =	simm.s32 @!p0 $0x108  }
0x21: {  	s3 =	sadd.s32 s3, s9;
	s6 =	sadd.s32 @!p0 $0x88, s6;
	s7 =	simm.s32 @p2 $0x1082  }
0x22: {  	[simem:s7], [sflag:s8] =	dma.local @!p0 [hbm:s6], $0xF7A  }
0x23: {  	s9 =	sor.u32 $0xD0000000, s2;
	s6 =	simm.s32 $0x108;
	_ =	swait.ge @!p0 [sflag:s8], $0x0  }
0x24: {  	s3 =	sadd.s32 $0x88, s3;
	s6 =	simm.s32 @!p1 $0x1082;
	[sflag:s4] =	ssyncset.s32 $0xFFFFF086  }
0x25: {  	[simem:s6], [sflag:s4] =	dma.local [hbm:s3], $0xF7A  }
0x26: {  	[smem:$0x3F85] =	sst s1;
	(tag) =	ssettag s2;
	_ =	strace s9  }
0x27: {  	s1 =	sld [smem:$0x3F95]  }
0x28: {  	s2 =	sld [smem:$0x3F96]  }
0x29: {  	s4 =	sld [smem:$0x3F98]  }
0x2a: {  	p0 =	seq.s32 s5, $0x0;
	s5 =	sld [smem:$0x3F99]  }
0x2b: {  	s6 =	sld [smem:$0x3F9A]  }
0x2c: {  	s7 =	sld [smem:$0x3F9B]  }
0x2d: {  	s3 =	simm.s32 $0x108;
	s8 =	sld [smem:$0x3F9C]  }
0x2e: {  	s3 =	simm.s32 @!p0 $0x1082;
	s9 =	sld [smem:$0x3F9D]  }
0x2f: {  	lr =	sadd.s32 s0, s3;
	s0 =	sld [smem:$0x3F94]  }
0x30: {  	s3 =	sld [smem:$0x3F97]  }
0x31: {  	[smem:$0x3FA0] =	sst s10  }
0x32: {  	s10 =	sld [smem:$0x3F9E];
	_ =	sdelay $0x3  }
0x33: {  	p0 =	seq.s32 s10, $0x1;
	s10 =	sld [smem:$0x3FA0];
	_ =	sdelay $0x3  }
0x34: {  	[smem:$0x3FA0] =	sst s10  }
0x35: {  	s10 =	sld [smem:$0x3F9F];
	_ =	sdelay $0x3  }
0x36: {  	p1 =	seq.s32 s10, $0x1;
	s10 =	sld [smem:$0x3FA0];
	_ =	sdelay $0x3  }
0x37: {  	[smem:$0x3FA0] =	sst s10  }
0x38: {  	s10 =	sld [smem:$0x3FA1]  }
0x39: {  	_ = 	snop;
	(pc) =	sbr.ind lr, $3  }
0x3a: {  	_ = 	snop  }
0x3b: {  	_ = 	snop  }
0x3c: {  	p2 =	seq.s32 s10, $0x1;
	s10 =	sld [smem:$0x3FA0]  }
0x3d: {  	_ =	shalt  }
0x3e: {  	_ =	shalt  }
0x3f: {  	_ =	shalt  }
0x40: {  	_ =	shalt  }
0x41: {  	_ =	shalt  }
0x42: {  	_ =	shalt  }
0x43: {  	_ =	shalt  }
0x44: {  	_ =	shalt  }
0x45: {  	_ =	shalt  }
0x46: {  	_ =	shalt  }
0x47: {  	_ =	shalt  }
0x48: {  	_ =	shalt  }
0x49: {  	_ =	shalt  }
0x4a: {  	_ =	shalt  }
0x4b: {  	_ =	shalt  }
0x4c: {  	_ =	shalt  }
0x4d: {  	_ =	shalt  }
0x4e: {  	_ =	shalt  }
0x4f: {  	_ =	shalt  }
0x50: {  	_ =	shalt  }
0x51: {  	_ =	shalt  }
0x52: {  	_ =	shalt  }
0x53: {  	_ =	shalt  }
0x54: {  	_ =	shalt  }
0x55: {  	_ =	shalt  }
0x56: {  	_ =	shalt  }
0x57: {  	_ =	shalt  }
0x58: {  	_ =	shalt  }
0x59: {  	_ =	shalt  }
0x5a: {  	_ =	shalt  }
0x5b: {  	_ =	shalt  }
0x5c: {  	_ =	shalt  }
0x5d: {  	_ =	shalt  }
0x5e: {  	_ =	shalt  }
0x5f: {  	_ =	shalt  }
0x60: {  	_ =	shalt  }
0x61: {  	_ =	shalt  }
0x62: {  	_ =	shalt  }
0x63: {  	_ =	shalt  }
0x64: {  	_ =	shalt  }
0x65: {  	_ =	shalt  }
0x66: {  	_ =	shalt  }
0x67: {  	_ =	shalt  }
0x68: {  	_ =	shalt  }
0x69: {  	_ =	shalt  }
0x6a: {  	_ =	shalt  }
0x6b: {  	_ =	shalt  }
0x6c: {  	_ =	shalt  }
0x6d: {  	_ =	shalt  }
0x6e: {  	_ =	shalt  }
0x6f: {  	_ =	shalt  }
0x70: {  	_ =	shalt  }
0x71: {  	_ =	shalt  }
0x72: {  	_ =	shalt  }
0x73: {  	_ =	shalt  }
0x74: {  	_ =	shalt  }
0x75: {  	_ =	shalt  }
0x76: {  	_ =	shalt  }
0x77: {  	_ =	shalt  }
0x78: {  	_ =	shalt  }
0x79: {  	_ =	shalt  }
0x7a: {  	_ =	shalt  }
0x7b: {  	_ =	shalt  }
0x7c: {  	_ =	shalt  }
0x7d: {  	_ =	shalt  }
0x7e: {  	_ =	shalt  }
0x7f: {  	_ =	shalt  }
0x80: {  	_ =	shalt  }
0x81: {  	_ =	shalt  }
0x82: {  	_ =	shalt  }
0x83: {  	_ =	shalt  }
0x84: {  	_ =	shalt  }
0x85: {  	_ =	shalt  }
0x86: {  	_ =	shalt  }
0x87: {  	_ =	shalt  }
.Lfunc_end0:
.L_simem_size_0:
called_computation.3_lowered:
.L_overlay_start_0:
0x88: {  	s2 =	sld [smem:$0x3FD9]  }
0x89: {  	s3 =	sld [smem:$0x3FFE];
	_ =	sdelay $0x1  }
0x8a: {  	s1 =	srdreg.scid  }
0x8b: {  	s0 =	sand.u32 $0x1, s1  }
0x8c: {  	s17 =	sshll.u32 s0, $0xA;
	s2 =	sadd.s32 s3, s2  }
0x8d: {  	s2 =	sadd.s32 s2, s17  }
0x8e: {  	[smem:$0x3FAC] =	sst s2  }
0x8f: {  	_ = 	snop  }
0x90: {  	(tm) =	ssettm $0x1  }
0x91: {  	s18 =	sld [smem:$0x3FFB];
	_ =	sdelay $0x3  }
0x92: {  	_ =	strace s18  }
0x93: {  	s2 =	sld [smem:$0x3FFC];
	_ =	sdelay $0x3  }
0x94: {  	_ =	strace s2  }
0x95: {  	s2 =	sld [smem:$0x3FFD];
	_ =	sdelay $0x3  }
0x96: {  	_ =	strace s2  }
0x97: {  	_ =	strace $0x8FFFFFFF  }
0x98: {  	s19 =	sld [smem:$0x3FDB];
	_ =	sdelay $0x1  }
0x99: {  	s20 =	simm.s32 $_scs_section_size  }
0x9a: {  	s4 =	simm.s32 $_size__tile_overlayer_lowered;
	s5 =	simm.s32 $_tile_overlayer_lowered  }
0x9b: {  	s6 =	simm.s32 $0x1BFF;
	s21 =	sshll.u32 s5, $0x1;
	s3 =	sadd.s32 s20, s19  }
0x9c: {  	s22 =	simm.s32 $0x0;
	s4 =	sshll.u32 s4, $0x1;
	s5 =	sadd.s32 s21, s3  }
0x9d: {  	[timem:s22], [sflag:s6] =	dma.local [hbm:s5], s4  }
0x9e: {  	_ =	swait.ge [sflag:s6], s4  }
0x9f: {  	s4 =	ssub.s32 $0x0, s4;
	[sflag:s6] =	ssyncset.done $0x0  }
0xa0: {  	[sflag:s6] =	ssyncadd.s32 s4;
	_ =	sdelay $0x1  }
0xa1: {  	s23 =	simm.s32 $0x1B8B  }
0xa2: {  	_ =	swait.ge [sflag:s23], $0x1  }
0xa3: {  	[sflag:s23] =	ssyncset.done $0x0  }
0xa4: {  	[sflag:s23] =	ssyncadd.s32 $0xFFFFFFFF  }
0xa5: {  	s4 =	sld [smem:$0x0]  }
0xa6: {  	s5 =	sand.u32 $0xFFFFFFFE, s1  }
0xa7: {  	p0 =	sne.s32 s1, s5  }
0xa8: {  	s5 =	sshll.u32 @p0 s5, $0xE  }
0xa9: {  	s5 =	sadd.s32 @p0 $0x11B8D, s5;
	s6 =	sshll.u32 @p0 s4, $0x11  }
0xaa: {  	s5 =	sor.u32 @p0 s6, s5  }
0xab: {  	[sflag:s5] =	ssyncadd.remote.s32 @p0 $0x1;
	_ =	sdelay $0x1  }
0xac: {  	s5 =	simm.s32 @p0 $0x1B8D  }
0xad: {  	_ =	swait.eq @p0 [sflag:s5], $0x1  }
0xae: {  	[sflag:s5] =	ssyncadd.s32 @p0 $0xFFFFFFFF  }
0xaf: {  	s6 =	sshll.u32 @!p0 s1, $0xE  }
0xb0: {  	s6 =	sor.u32 @!p0 $0x4000, s6;
	s5 =	simm.s32 @!p0 $0x1B8D  }
0xb1: {  	s4 =	sshll.u32 @!p0 s4, $0x11;
	s6 =	sadd.s32 @!p0 $0x11B8D, s6;
	_ =	swait.eq @!p0 [sflag:s5], $0x1  }
0xb2: {  	s4 =	sor.u32 @!p0 s4, s6;
	[sflag:s5] =	ssyncadd.s32 @!p0 $0xFFFFFFFF  }
0xb3: {  	s25 =	simm.s32 $0x1B8E;
	s24 =	sld [smem:$0x3FFE];
	[sflag:s4] =	ssyncadd.remote.s32 @!p0 $0x1  }
0xb4: {  	s26 =	simm.s32 $execute0_lowered;
	[smem:$0x3FD2] =	sst s25  }
0xb5: {  	s5 =	sshll.u32 s26, $0x1;
	_ =	strace $0x80000052;
	[dreg:$0x1] =	wrdreg $0xFFFFFFFF  }
0xb6: {  	s28 =	simm.s32 $_size_execute0_lowered;
	s3 =	sadd.s32 s3, s5;
	[dreg:$0x0] =	wrdreg $0x0  }
0xb7: {  	s5 =	sshll.u32 s28, $0x1;
	[dreg:$0x2] =	wrdreg s3  }
0xb8: {  	[dreg:$0x3] =	wrdreg s5  }
0xb9: {  	[dreg:$0x4] =	wrdreg $0xC0  }
0xba: {  	_ =	task [dreg:s22], $0x5FFFF  }
0xbb: {  	[dreg:$0x1] =	wrdreg $0xFFFFFFFF  }
0xbc: {  	[dreg:$0x0] =	wrdreg $0x60  }
0xbd: {  	[dreg:$0x2] =	wrdreg s24  }
0xbe: {  	[dreg:$0x3] =	wrdreg $0x120000  }
0xbf: {  	[dreg:$0x4] =	wrdreg $0x9  }
0xc0: {  	_ =	task.clear_ibuf [dreg:s22], $0x5FFFF;
	_ =	strace $0x90000052  }
0xc1: {  	s29 =	simm.s32 $0x9;
	_ =	strace $0x80000054  }
0xc2: {  	_ =	swait.ge [sflag:s29], $0x1  }
0xc3: {  	[sflag:s29] =	ssyncadd.s32 $0xFFFFFFFF  }
0xc4: {  	_ =	strace $0x90000054  }
0xc5: {  	_ =	sfence  }
0xc6: {  	s30 =	sld [smem:$0x0];
	_ =	sdelay $0x2  }
0xc7: {  	s31 =	sshll.u32 s1, $0xD;
	s1 =	sshrl.u32 s1, $0x2  }
0xc8: {  	s4 =	sand.u32 $0x4000, s31;
	s1 =	sadd.s32 s1, s30  }
0xc9: {  	s0 =	sor.u32 s4, s0;
	s1 =	sshll.u32 s1, $0x11  }
0xca: {  	s0 =	sor.u32 s1, s0  }
0xcb: {  	s0 =	sadd.s32 $0x8F2B, s0  }
0xcc: {  	[sflag:s0] =	ssyncadd.remote.s32 $0x1  }
0xcd: {  	_ =	sfence.sel $0xFFFF  }
0xce: {  	[dreg:$0x0] =	wrdreg $0xFFFFFFFF;
	(pc) =	sbr.abs _section_cstart, $3  }
0xcf: {  	[dreg:$0x1] =	wrdreg $0xFFFFFFFF  }
0xd0: {  	_ =	task.clear_ibuf [dreg:s22], $0x2FFFF;
	_ =	strace $0x9FFFFFFF  }
0xd1: {  	(tm) =	ssettm $0x7FFFFFFF  }
tec
execute0_lowered:
.L_overlay_start_1:
0x0: {  	(tag) =	ssettag $0x1  }
0x1: {  	s0 =	srdreg.scid  }
0x2: {  	s1 =	rddreg [dreg:$0x0];
	s22 =	stileid.u32  }
0x3: {  	s2 =	rddreg [dreg:$0x1];
	s3 =	simm.s32 $0x0;
	s12 =	simm.s32 $0x5  }
0x4: {  	s13 =	simm.s32 $0x5000;
	s14 =	simm.s32 $0x80;
	s15 =	simm.s32 $0xA000  }
0x5: {  	s16 =	simm.s32 $0xC000;
	s17 =	simm.s32 $0x100;
	s18 =	simm.s32 $0xE000  }
0x6: {  	s19 =	simm.s32 $0x180;
	s20 =	simm.s32 $0x10000;
	s6 =	smul.u32 $0xA0, s22  }
0x7: {  	s21 =	simm.s32 $0x1;
	s28 =	simm.s32 $0x9F00;
	s23 =	smul.u32 $0x13C0, s22  }
0x8: {  	s29 =	simm.s32 $0x9F80;
	s4 =	sand.u32 $0x1, s0;
	s24 =	smul.u32 $0x9E00, s22  }
0x9: {  	s30 =	simm.s32 $0x0;
	[smem:$0x7FF] =	sst s3;
	s5 =	smul.u32 $0xA00, s4  }
0xa: {  	s31 =	sshll.u32 s22, $0x6;
	s7 =	smul.u32 $0x13C00, s4;
	s4 =	ssub.s32 $0x2, s4  }
0xb: {  	s22 =	simm.s32 $0x2;
	_ =	strace $0x80000053;
	s25 =	sshrl.u32 s4, $0x1  }
0xc: {  	s26 =	sshrl.u32 s24, $0x3;
	s11 =	sadd.s32 s24, s2;
	s24 =	simm.s32 $0x4  }
0xd: {  	s5 =	sadd.s32 s6, s5;
	s8 =	sadd.s32 s7, s1;
	s6 =	sadd.s32 s23, s7  }
0xe: {  	s10 =	ssub.s32 s4, s25;
	s11 =	sshrl.u32 s11, $0x3;
	s23 =	simm.s32 $0x3  }
0xf: {  	s25 =	simm.s32 $0x9E00;
	s5 =	sshll.u32 s5, $0x4;
	s4 =	sadd.s32 $0xA4200, s8  }
0x10: {  	s10 =	smax.u32 s10, $0x1;
	s9 =	sadd.s32 s5, s1;
	s1 =	sadd.s32 s6, s1  }
0x11: {  	s5 =	sadd.s32 s26, s4;
	s6 =	sor.u32 $0x1C05, s31;
	s26 =	simm.s32 $0x9E80  }
0x12: {  	s7 =	sadd.s32 $0x2D200, s9;
	s8 =	sadd.s32 $0x5200, s9;
	s9 =	sadd.s32 $0xCBA00, s1  }
.LBB2_1:
0x13: {  	[spmem:s11], [sflag:s6] =	dma.local [hbm:s5], $0x13C0  }
0x14: {  	_ =	swait.ge [sflag:s12], $0x13C0  }
0x15: {  	[sflag:s12] =	ssyncset.done $0x0  }
0x16: {  	[sflag:s12] =	ssyncadd.s32 $0xFFFFEC40  }
0x17: {  	[tilespmem:s3], [sflag:$0x5] =	stream.linear.gather [hbm4b:s7+s3], $0x5000, $0x38;
	[tilespmem:$0x1BE00] =	vst v63  }
0x18: {  	_ =	swait.ge [sflag:s12], $0x5000  }
0x19: {  	[sflag:s12] =	ssyncset.done $0x0  }
0x1a: {  	[sflag:s12] =	ssyncadd.s32 $0xFFFFB000  }
0x1b: {  	[tilespmem:s13], [sflag:$0x5] =	stream.linear.gather [hbm4b:s8+s3], $0x5000, $0x38;
	[tilespmem:$0x1BE00] =	vst v63  }
0x1c: {  	_ =	swait.ge [sflag:s12], $0x5000  }
0x1d: {  	[sflag:s12] =	ssyncset.done $0x0  }
0x1e: {  	[sflag:s12] =	ssyncadd.s32 $0xFFFFB000  }
0x1f: {  	[tilespmem:s15], [sflag:$0x1] =	stream.indirect.gather [hbm4b:s4+s14], $0x40, s3, s14, $0xb8;
	[tilespmem:$0x1BE00] =	vst v63  }
0x20: {  	_ = 	snop  }
0x21: {  	[tilespmem:s16], [sflag:$0x2] =	stream.indirect.gather [hbm4b:s4+s14], $0x40, s14, s14, $0xb8;
	[tilespmem:$0x1BE00] =	vst v63  }
0x22: {  	_ = 	snop  }
0x23: {  	[tilespmem:s18], [sflag:$0x3] =	stream.indirect.gather [hbm4b:s4+s14], $0x40, s17, s14, $0xb8;
	[tilespmem:$0x1BE00] =	vst v63  }
0x24: {  	_ = 	snop  }
0x25: {  	[tilespmem:s20], [sflag:$0x4] =	stream.indirect.gather [hbm4b:s4+s14], $0x40, s19, s14, $0xb8;
	[tilespmem:$0x1BE00] =	vst v63  }
0x26: {  	[bflag:$0x0] =	sbarrier.arrive $0xFFFF  }
0x27: {  	_ =	swait.ge [sflag:s21], $0x2000  }
0x28: {  	[sflag:s21] =	ssyncset.done $0x0  }
0x29: {  	s1 =	simm.s32 $0x5000;
	[sflag:s21] =	ssyncadd.s32 $0xFFFFE000  }
0x2a: {  	[spmem:s2] =	stream.indirect.scatter.add.f32 [tilespmem:s15], [sflag:$0x5], $0x40, s1, s14, $0xb8;
	[tilespmem:$0x1BE00] =	vst v63  }
0x2b: {  	_ =	swait.ge [sflag:s12], $0x2000  }
0x2c: {  	[sflag:s12] =	ssyncset.done $0x0  }
0x2d: {  	s0 =	simm.s32 $0x200;
	[sflag:s12] =	ssyncadd.s32 $0xFFFFE000  }
0x2e: {  	[tilespmem:s15], [sflag:$0x1] =	stream.indirect.gather [hbm4b:s4+s14], $0x40, s0, s14, $0xb8;
	[tilespmem:$0x1BE00] =	vst v63  }
0x2f: {  	_ =	swait.ge [sflag:s22], $0x2000  }
0x30: {  	[sflag:s22] =	ssyncset.done $0x0  }
0x31: {  	s0 =	simm.s32 $0x5080;
	[sflag:s22] =	ssyncadd.s32 $0xFFFFE000  }
0x32: {  	[spmem:s2] =	stream.indirect.scatter.add.f32 [tilespmem:s16], [sflag:$0x5], $0x40, s0, s14, $0xb8;
	[tilespmem:$0x1BE00] =	vst v63  }
0x33: {  	_ =	swait.ge [sflag:s12], $0x2000  }
0x34: {  	[sflag:s12] =	ssyncset.done $0x0  }
0x35: {  	s0 =	simm.s32 $0x280;
	[sflag:s12] =	ssyncadd.s32 $0xFFFFE000  }
0x36: {  	[tilespmem:s16], [sflag:$0x2] =	stream.indirect.gather [hbm4b:s4+s14], $0x40, s0, s14, $0xb8;
	[tilespmem:$0x1BE00] =	vst v63  }
0x37: {  	_ =	swait.ge [sflag:s23], $0x2000  }
0x38: {  	[sflag:s23] =	ssyncset.done $0x0  }
0x39: {  	s0 =	simm.s32 $0x5100;
	[sflag:s23] =	ssyncadd.s32 $0xFFFFE000  }
0x3a: {  	[spmem:s2] =	stream.indirect.scatter.add.f32 [tilespmem:s18], [sflag:$0x5], $0x40, s0, s14, $0xb8;
	[tilespmem:$0x1BE00] =	vst v63  }
0x3b: {  	_ =	swait.ge [sflag:s12], $0x2000  }
0x3c: {  	[sflag:s12] =	ssyncset.done $0x0  }
0x3d: {  	s0 =	simm.s32 $0x300;
	[sflag:s12] =	ssyncadd.s32 $0xFFFFE000  }
0x3e: {  	[tilespmem:s18], [sflag:$0x3] =	stream.indirect.gather [hbm4b:s4+s14], $0x40, s0, s14, $0xb8;
	[tilespmem:$0x1BE00] =	vst v63  }
0x3f: {  	_ =	swait.ge [sflag:s24], $0x2000  }
0x40: {  	[sflag:s24] =	ssyncset.done $0x0  }
0x41: {  	s0 =	simm.s32 $0x5180;
	[sflag:s24] =	ssyncadd.s32 $0xFFFFE000  }
0x42: {  	[spmem:s2] =	stream.indirect.scatter.add.f32 [tilespmem:s20], [sflag:$0x5], $0x40, s0, s14, $0xb8;
	[tilespmem:$0x1BE00] =	vst v63  }
0x43: {  	_ =	swait.ge [sflag:s12], $0x2000  }
0x44: {  	[sflag:s12] =	ssyncset.done $0x0  }
0x45: {  	s31 =	simm.s32 $0x800;
	s1 =	simm.s32 $0x380;
	[sflag:s12] =	ssyncadd.s32 $0xFFFFE000  }
.LBB2_2:
0x46: {  	[tilespmem:s20], [sflag:$0x4] =	stream.indirect.gather [hbm4b:s4+s14], $0x40, s1, s14, $0xb8;
	[tilespmem:$0x1BE00] =	vst v63  }
0x47: {  	s1 =	smov.u32 s31  }
0x48: {  	p0 =	sne.s32 s31, $0x13000;
	s31 =	sadd.s32 $0x800, s31;
	_ =	swait.ge [sflag:s21], $0x2000  }
0x49: {  	s1 =	sshra.s32 s1, $0x2;
	[sflag:s21] =	ssyncset.done $0x0  }
0x4a: {  	s0 =	sadd.s32 $0x5000, s1;
	[sflag:s21] =	ssyncadd.s32 $0xFFFFE000  }
0x4b: {  	[spmem:s2] =	stream.indirect.scatter.add.f32 [tilespmem:s15], [sflag:$0x5], $0x40, s0, s14, $0xb8;
	[tilespmem:$0x1BE00] =	vst v63  }
0x4c: {  	_ =	swait.ge [sflag:s12], $0x2000  }
0x4d: {  	[sflag:s12] =	ssyncset.done $0x0  }
0x4e: {  	s0 =	sadd.s32 $0x200, s1;
	[sflag:s12] =	ssyncadd.s32 $0xFFFFE000  }
0x4f: {  	[tilespmem:s15], [sflag:$0x1] =	stream.indirect.gather [hbm4b:s4+s14], $0x40, s0, s14, $0xb8;
	[tilespmem:$0x1BE00] =	vst v63  }
0x50: {  	_ =	swait.ge [sflag:s22], $0x2000  }
0x51: {  	[sflag:s22] =	ssyncset.done $0x0  }
0x52: {  	s0 =	sadd.s32 $0x5080, s1;
	[sflag:s22] =	ssyncadd.s32 $0xFFFFE000  }
0x53: {  	[spmem:s2] =	stream.indirect.scatter.add.f32 [tilespmem:s16], [sflag:$0x5], $0x40, s0, s14, $0xb8;
	[tilespmem:$0x1BE00] =	vst v63  }
0x54: {  	_ =	swait.ge [sflag:s12], $0x2000  }
0x55: {  	[sflag:s12] =	ssyncset.done $0x0  }
0x56: {  	s0 =	sadd.s32 $0x280, s1;
	[sflag:s12] =	ssyncadd.s32 $0xFFFFE000  }
0x57: {  	[tilespmem:s16], [sflag:$0x2] =	stream.indirect.gather [hbm4b:s4+s14], $0x40, s0, s14, $0xb8;
	[tilespmem:$0x1BE00] =	vst v63  }
0x58: {  	_ =	swait.ge [sflag:s23], $0x2000  }
0x59: {  	[sflag:s23] =	ssyncset.done $0x0  }
0x5a: {  	s0 =	sadd.s32 $0x5100, s1;
	[sflag:s23] =	ssyncadd.s32 $0xFFFFE000  }
0x5b: {  	[spmem:s2] =	stream.indirect.scatter.add.f32 [tilespmem:s18], [sflag:$0x5], $0x40, s0, s14, $0xb8;
	[tilespmem:$0x1BE00] =	vst v63  }
0x5c: {  	_ =	swait.ge [sflag:s12], $0x2000  }
0x5d: {  	[sflag:s12] =	ssyncset.done $0x0  }
0x5e: {  	s0 =	sadd.s32 $0x300, s1;
	[sflag:s12] =	ssyncadd.s32 $0xFFFFE000  }
0x5f: {  	[tilespmem:s18], [sflag:$0x3] =	stream.indirect.gather [hbm4b:s4+s14], $0x40, s0, s14, $0xb8;
	[tilespmem:$0x1BE00] =	vst v63  }
0x60: {  	_ =	swait.ge [sflag:s24], $0x2000  }
0x61: {  	[sflag:s24] =	ssyncset.done $0x0  }
.Ltmp0:
0x62: {  	s0 =	sadd.s32 $0x5180, s1;
	[sflag:s24] =	ssyncadd.s32 $0xFFFFE000;
	(pc) =	sbr.rel @p0 .LBB2_2-.Ltmp0, $4  }
0x63: {  	[spmem:s2] =	stream.indirect.scatter.add.f32 [tilespmem:s20], [sflag:$0x5], $0x40, s0, s14, $0xb8;
	[tilespmem:$0x1BE00] =	vst v63  }
0x64: {  	_ =	swait.ge [sflag:s12], $0x2000  }
0x65: {  	[sflag:s12] =	ssyncset.done $0x0  }
0x66: {  	s1 =	sadd.s32 $0x380, s1;
	[sflag:s12] =	ssyncadd.s32 $0xFFFFE000  }
0x67: {  	[tilespmem:s20], [sflag:$0x4] =	stream.indirect.gather [hbm4b:s4+s14], $0x40, s1, s14, $0xb8;
	[tilespmem:$0x1BE00] =	vst v63  }
0x68: {  	_ =	swait.ge [sflag:s21], $0x2000  }
0x69: {  	[sflag:s21] =	ssyncset.done $0x0  }
0x6a: {  	[sflag:s21] =	ssyncadd.s32 $0xFFFFE000  }
0x6b: {  	[spmem:s2] =	stream.indirect.scatter.add.f32 [tilespmem:s15], [sflag:$0x5], $0x40, s25, s14, $0xb8;
	[tilespmem:$0x1BE00] =	vst v63  }
0x6c: {  	_ =	swait.ge [sflag:s12], $0x2000  }
0x6d: {  	[sflag:s12] =	ssyncset.done $0x0  }
0x6e: {  	[sflag:s12] =	ssyncadd.s32 $0xFFFFE000  }
0x6f: {  	_ =	swait.ge [sflag:s22], $0x2000  }
0x70: {  	[sflag:s22] =	ssyncset.done $0x0  }
0x71: {  	[sflag:s22] =	ssyncadd.s32 $0xFFFFE000  }
0x72: {  	[spmem:s2] =	stream.indirect.scatter.add.f32 [tilespmem:s16], [sflag:$0x5], $0x40, s26, s14, $0xb8;
	[tilespmem:$0x1BE00] =	vst v63  }
0x73: {  	_ =	swait.ge [sflag:s12], $0x2000  }
0x74: {  	[sflag:s12] =	ssyncset.done $0x0  }
0x75: {  	[sflag:s12] =	ssyncadd.s32 $0xFFFFE000  }
0x76: {  	_ =	swait.ge [sflag:s23], $0x2000  }
0x77: {  	[sflag:s23] =	ssyncset.done $0x0  }
0x78: {  	[sflag:s23] =	ssyncadd.s32 $0xFFFFE000  }
0x79: {  	[spmem:s2] =	stream.indirect.scatter.add.f32 [tilespmem:s18], [sflag:$0x5], $0x40, s28, s14, $0xb8;
	[tilespmem:$0x1BE00] =	vst v63  }
0x7a: {  	_ =	swait.ge [sflag:s12], $0x2000  }
0x7b: {  	[sflag:s12] =	ssyncset.done $0x0  }
0x7c: {  	[sflag:s12] =	ssyncadd.s32 $0xFFFFE000  }
0x7d: {  	_ =	swait.ge [sflag:s24], $0x2000  }
0x7e: {  	[sflag:s24] =	ssyncset.done $0x0  }
0x7f: {  	[sflag:s24] =	ssyncadd.s32 $0xFFFFE000  }
0x80: {  	[spmem:s2] =	stream.indirect.scatter.add.f32 [tilespmem:s20], [sflag:$0x5], $0x40, s29, s14, $0xb8;
	[tilespmem:$0x1BE00] =	vst v63  }
0x81: {  	_ =	swait.ge [sflag:s12], $0x2000  }
0x82: {  	[sflag:s12] =	ssyncset.done $0x0  }
0x83: {  	s30 =	sadd.s32 $0x1, s30;
	[sflag:s12] =	ssyncadd.s32 $0xFFFFE000  }
0x84: {  	p0 =	sne.s32 s30, s10;
	[bflag:$0x0] =	sbarrier.arrive $0xFFFF  }
0x85: {  	[hbm:s9], [sflag:s6] =	dma.local [spmem:s11], $0x13C0  }
.Ltmp1:
0x86: {  	_ =	swait.ge [sflag:s12], $0x13C0;
	(pc) =	sbr.rel @p0 .LBB2_1-.Ltmp1, $3  }
0x87: {  	[sflag:s12] =	ssyncset.done $0x0  }
0x88: {  	[sflag:s12] =	ssyncadd.s32 $0xFFFFEC40  }
0x89: {  	[bflag:$0x0] =	sbarrier.arrive $0xFFFF;
	_ =	sdelay $0x1  }
0x8a: {  	_ =	sfence.sel $0x180000  }
0x8b: {  	[bflag:$0x0] =	sbarrier.arrive $0xFFFF  }
0x8c: {  	_ =	strace $0x90000053  }
0x8d: {  	s0 =	stileid.u32;
	[bflag:$0x2] =	sbarrier.arrive $0xFFFF  }
0x8e: {  	p0 =	sne.s32 s0, $0x0;
	s0 =	rddreg [dreg:$0x2]  }
0x8f: {  	s0 =	sadd.s32 @!p0 $0x100000, s0  }
0x90: {  	[sflag:s0] =	ssyncadd.tile.s32 @!p0 $0x1;
	_ =	shalt  }
.Lfunc_end2:
_tile_overlayer_lowered:
.L_overlay_start_2:
0x91: {  	(tag) =	ssettag $0x2  }
0x92: {  	s0 =	rddreg [dreg:$0x0];
	s2 =	stileid.u32  }
0x93: {  	s1 =	rddreg [dreg:$0x1];
	p0 =	sne.s32 s2, $0x0  }
0x94: {  	s3 =	rddreg [dreg:$0x2];
	[bflag:$0x3] =	sbarrier.arrive $0xFFFF;
	s2 =	simm.s32 @!p0 $0x1C05  }
0x95: {  	[timem:s3], [sflag:s2] =	dma.local @!p0 [hbm:s0], s1  }
0x96: {  	s0 =	simm.s32 @!p0 $0x5  }
0x97: {  	_ =	swait.ge @!p0 [sflag:s0], s1  }
0x98: {  	s1 =	ssub.s32 @!p0 $0x0, s1;
	[sflag:s0] =	ssyncset.done @!p0 $0x0  }
0x99: {  	[sflag:s0] =	ssyncadd.s32 @!p0 s1  }
0x9a: {  	[bflag:$0x3] =	sbarrier.arrive $0xFFFF  }
0x9b: {  	_ =	shalt  }

// kernel: gcn_agg_p1g1.3.cloned.1.call-start
scs
__scs_entry_jumppad:
0x0: {  	(pc) =	sbr.rel $0x88, $3  }
0x1: {  	(tag) =	ssettag $0x0;
	lr =	simm.s32 $0x1  }
0x2: {  	[smem:$0x3F85] =	sst lr;
	_ =	strace $0xD0000000  }
0x3: {  	_ = 	snop  }
0x4: {  	_ = 	snop  }
0x5: {  	_ = 	snop  }
0x6: {  	_ = 	snop  }
0x7: {  	_ = 	snop  }
__scs_overlays_trampoline_lowered:
0x8: {  	[smem:$0x3F94] =	sst s0  }
0x9: {  	[smem:$0x3F95] =	sst s1  }
0xa: {  	[smem:$0x3F96] =	sst s2  }
0xb: {  	[smem:$0x3F97] =	sst s3  }
0xc: {  	[smem:$0x3F98] =	sst s4  }
0xd: {  	[smem:$0x3F99] =	sst s5  }
0xe: {  	[smem:$0x3F9A] =	sst s6  }
0xf: {  	[smem:$0x3F9B] =	sst s7  }
0x10: {  	[smem:$0x3F9C] =	sst s8  }
0x11: {  	[smem:$0x3F9D] =	sst s9;
	s0 =	simm.s32 @!p0 $0x0  }
0x12: {  	s1 =	sld [smem:$0x3F83];
	s0 =	simm.s32 @p0 $0x1  }
0x13: {  	[smem:$0x3F9E] =	sst s0;
	s0 =	simm.s32 @!p1 $0x0  }
0x14: {  	s2 =	sld [smem:$0x3F82];
	s0 =	simm.s32 @p1 $0x1  }
0x15: {  	[smem:$0x3F9F] =	sst s0;
	s0 =	simm.s32 @!p2 $0x0  }
0x16: {  	s3 =	sld [smem:$0x3FDB];
	s0 =	simm.s32 @p2 $0x1  }
0x17: {  	s4 =	simm.s32 $0x1BF5;
	[smem:$0x3FA1] =	sst s0  }
0x18: {  	s0 =	sld [smem:$0x3F84];
	_ =	swait.ge [sflag:s4], $0x0  }
0x19: {  	s7 =	sld [smem:$0x3F85]  }
0x1a: {  	s8 =	sadd.s32 $0xFFFFE003, lr  }
0x1b: {  	s9 =	sadd.s32 $0xFFFFFEF7, lr;
	s5 =	simm.s32 $0xFFFFFFFF;
	p2 =	slt.u32 s8, $0xFFFFF086  }
0x1c: {  	p1 =	slt.u32 s9, $0xF7A;
	s5 =	simm.s32 @!p2 $0x0  }
0x1d: {  	s5 =	simm.s32 @p1 $0x1;
	p0 =	seq.s32 s7, s2  }
0x1e: {  	s7 =	smul.u32 @!p0 $0xF7A, s2;
	p2 =	seq.s32 @!p0 s5, $0x0  }
0x1f: {  	s9 =	smul.u32 $0xF7A, s1;
	s8 =	simm.s32 @!p0 $0x1BF5;
	p2 =	por !p2, p0  }
0x20: {  	[sflag:s8] =	ssyncset.s32 @!p0 $0xFFFFF086;
	s6 =	sadd.s32 @!p0 s3, s7;
	s7 =	simm.s32 @!p0 $0x108  }
0x21: {  	s3 =	sadd.s32 s3, s9;
	s6 =	sadd.s32 @!p0 $0x88, s6;
	s7 =	simm.s32 @p2 $0x1082  }
0x22: {  	[simem:s7], [sflag:s8] =	dma.local @!p0 [hbm:s6], $0xF7A  }
0x23: {  	s9 =	sor.u32 $0xD0000000, s2;
	s6 =	simm.s32 $0x108;
	_ =	swait.ge @!p0 [sflag:s8], $0x0  }
0x24: {  	s3 =	sadd.s32 $0x88, s3;
	s6 =	simm.s32 @!p1 $0x1082;
	[sflag:s4] =	ssyncset.s32 $0xFFFFF086  }
0x25: {  	[simem:s6], [sflag:s4] =	dma.local [hbm:s3], $0xF7A  }
0x26: {  	[smem:$0x3F85] =	sst s1;
	(tag) =	ssettag s2;
	_ =	strace s9  }
0x27: {  	s1 =	sld [smem:$0x3F95]  }
0x28: {  	s2 =	sld [smem:$0x3F96]  }
0x29: {  	s4 =	sld [smem:$0x3F98]  }
0x2a: {  	p0 =	seq.s32 s5, $0x0;
	s5 =	sld [smem:$0x3F99]  }
0x2b: {  	s6 =	sld [smem:$0x3F9A]  }
0x2c: {  	s7 =	sld [smem:$0x3F9B]  }
0x2d: {  	s3 =	simm.s32 $0x108;
	s8 =	sld [smem:$0x3F9C]  }
0x2e: {  	s3 =	simm.s32 @!p0 $0x1082;
	s9 =	sld [smem:$0x3F9D]  }
0x2f: {  	lr =	sadd.s32 s0, s3;
	s0 =	sld [smem:$0x3F94]  }
0x30: {  	s3 =	sld [smem:$0x3F97]  }
0x31: {  	[smem:$0x3FA0] =	sst s10  }
0x32: {  	s10 =	sld [smem:$0x3F9E];
	_ =	sdelay $0x3  }
0x33: {  	p0 =	seq.s32 s10, $0x1;
	s10 =	sld [smem:$0x3FA0];
	_ =	sdelay $0x3  }
0x34: {  	[smem:$0x3FA0] =	sst s10  }
0x35: {  	s10 =	sld [smem:$0x3F9F];
	_ =	sdelay $0x3  }
0x36: {  	p1 =	seq.s32 s10, $0x1;
	s10 =	sld [smem:$0x3FA0];
	_ =	sdelay $0x3  }
0x37: {  	[smem:$0x3FA0] =	sst s10  }
0x38: {  	s10 =	sld [smem:$0x3FA1]  }
0x39: {  	_ = 	snop;
	(pc) =	sbr.ind lr, $3  }
0x3a: {  	_ = 	snop  }
0x3b: {  	_ = 	snop  }
0x3c: {  	p2 =	seq.s32 s10, $0x1;
	s10 =	sld [smem:$0x3FA0]  }
0x3d: {  	_ =	shalt  }
0x3e: {  	_ =	shalt  }
0x3f: {  	_ =	shalt  }
0x40: {  	_ =	shalt  }
0x41: {  	_ =	shalt  }
0x42: {  	_ =	shalt  }
0x43: {  	_ =	shalt  }
0x44: {  	_ =	shalt  }
0x45: {  	_ =	shalt  }
0x46: {  	_ =	shalt  }
0x47: {  	_ =	shalt  }
0x48: {  	_ =	shalt  }
0x49: {  	_ =	shalt  }
0x4a: {  	_ =	shalt  }
0x4b: {  	_ =	shalt  }
0x4c: {  	_ =	shalt  }
0x4d: {  	_ =	shalt  }
0x4e: {  	_ =	shalt  }
0x4f: {  	_ =	shalt  }
0x50: {  	_ =	shalt  }
0x51: {  	_ =	shalt  }
0x52: {  	_ =	shalt  }
0x53: {  	_ =	shalt  }
0x54: {  	_ =	shalt  }
0x55: {  	_ =	shalt  }
0x56: {  	_ =	shalt  }
0x57: {  	_ =	shalt  }
0x58: {  	_ =	shalt  }
0x59: {  	_ =	shalt  }
0x5a: {  	_ =	shalt  }
0x5b: {  	_ =	shalt  }
0x5c: {  	_ =	shalt  }
0x5d: {  	_ =	shalt  }
0x5e: {  	_ =	shalt  }
0x5f: {  	_ =	shalt  }
0x60: {  	_ =	shalt  }
0x61: {  	_ =	shalt  }
0x62: {  	_ =	shalt  }
0x63: {  	_ =	shalt  }
0x64: {  	_ =	shalt  }
0x65: {  	_ =	shalt  }
0x66: {  	_ =	shalt  }
0x67: {  	_ =	shalt  }
0x68: {  	_ =	shalt  }
0x69: {  	_ =	shalt  }
0x6a: {  	_ =	shalt  }
0x6b: {  	_ =	shalt  }
0x6c: {  	_ =	shalt  }
0x6d: {  	_ =	shalt  }
0x6e: {  	_ =	shalt  }
0x6f: {  	_ =	shalt  }
0x70: {  	_ =	shalt  }
0x71: {  	_ =	shalt  }
0x72: {  	_ =	shalt  }
0x73: {  	_ =	shalt  }
0x74: {  	_ =	shalt  }
0x75: {  	_ =	shalt  }
0x76: {  	_ =	shalt  }
0x77: {  	_ =	shalt  }
0x78: {  	_ =	shalt  }
0x79: {  	_ =	shalt  }
0x7a: {  	_ =	shalt  }
0x7b: {  	_ =	shalt  }
0x7c: {  	_ =	shalt  }
0x7d: {  	_ =	shalt  }
0x7e: {  	_ =	shalt  }
0x7f: {  	_ =	shalt  }
0x80: {  	_ =	shalt  }
0x81: {  	_ =	shalt  }
0x82: {  	_ =	shalt  }
0x83: {  	_ =	shalt  }
0x84: {  	_ =	shalt  }
0x85: {  	_ =	shalt  }
0x86: {  	_ =	shalt  }
0x87: {  	_ =	shalt  }
.Lfunc_end0:
.L_simem_size_0:
called_computation.4_lowered:
.L_overlay_start_0:
0x88: {  	s2 =	sld [smem:$0x3FD9]  }
0x89: {  	s3 =	sld [smem:$0x3FFE];
	_ =	sdelay $0x1  }
0x8a: {  	s1 =	srdreg.scid  }
0x8b: {  	s0 =	sand.u32 $0x1, s1  }
0x8c: {  	s17 =	sshll.u32 s0, $0xA;
	s2 =	sadd.s32 s3, s2  }
0x8d: {  	s2 =	sadd.s32 s2, s17  }
0x8e: {  	[smem:$0x3FAC] =	sst s2  }
0x8f: {  	_ = 	snop  }
0x90: {  	(tm) =	ssettm $0x1  }
0x91: {  	s18 =	sld [smem:$0x3FFB];
	_ =	sdelay $0x3  }
0x92: {  	_ =	strace s18  }
0x93: {  	s2 =	sld [smem:$0x3FFC];
	_ =	sdelay $0x3  }
0x94: {  	_ =	strace s2  }
0x95: {  	s2 =	sld [smem:$0x3FFD];
	_ =	sdelay $0x3  }
0x96: {  	_ =	strace s2  }
0x97: {  	_ =	strace $0x8FFFFFFF  }
0x98: {  	s19 =	sld [smem:$0x3FDB];
	_ =	sdelay $0x1  }
0x99: {  	s20 =	simm.s32 $_scs_section_size  }
0x9a: {  	s4 =	simm.s32 $_size__tile_overlayer_lowered;
	s5 =	simm.s32 $_tile_overlayer_lowered  }
0x9b: {  	s6 =	simm.s32 $0x1BFF;
	s21 =	sshll.u32 s5, $0x1;
	s3 =	sadd.s32 s20, s19  }
0x9c: {  	s22 =	simm.s32 $0x0;
	s4 =	sshll.u32 s4, $0x1;
	s5 =	sadd.s32 s21, s3  }
0x9d: {  	[timem:s22], [sflag:s6] =	dma.local [hbm:s5], s4  }
0x9e: {  	_ =	swait.ge [sflag:s6], s4  }
0x9f: {  	s4 =	ssub.s32 $0x0, s4;
	[sflag:s6] =	ssyncset.done $0x0  }
0xa0: {  	[sflag:s6] =	ssyncadd.s32 s4;
	_ =	sdelay $0x1  }
0xa1: {  	s23 =	simm.s32 $0x1B8B  }
0xa2: {  	_ =	swait.ge [sflag:s23], $0x1  }
0xa3: {  	[sflag:s23] =	ssyncset.done $0x0  }
0xa4: {  	[sflag:s23] =	ssyncadd.s32 $0xFFFFFFFF  }
0xa5: {  	s4 =	sld [smem:$0x0]  }
0xa6: {  	s5 =	sand.u32 $0xFFFFFFFE, s1  }
0xa7: {  	p0 =	sne.s32 s1, s5  }
0xa8: {  	s5 =	sshll.u32 @p0 s5, $0xE  }
0xa9: {  	s5 =	sadd.s32 @p0 $0x11B8D, s5;
	s6 =	sshll.u32 @p0 s4, $0x11  }
0xaa: {  	s5 =	sor.u32 @p0 s6, s5  }
0xab: {  	[sflag:s5] =	ssyncadd.remote.s32 @p0 $0x1;
	_ =	sdelay $0x1  }
0xac: {  	s5 =	simm.s32 @p0 $0x1B8D  }
0xad: {  	_ =	swait.eq @p0 [sflag:s5], $0x1  }
0xae: {  	[sflag:s5] =	ssyncadd.s32 @p0 $0xFFFFFFFF  }
0xaf: {  	s6 =	sshll.u32 @!p0 s1, $0xE  }
0xb0: {  	s6 =	sor.u32 @!p0 $0x4000, s6;
	s5 =	simm.s32 @!p0 $0x1B8D  }
0xb1: {  	s4 =	sshll.u32 @!p0 s4, $0x11;
	s6 =	sadd.s32 @!p0 $0x11B8D, s6;
	_ =	swait.eq @!p0 [sflag:s5], $0x1  }
0xb2: {  	s4 =	sor.u32 @!p0 s4, s6;
	[sflag:s5] =	ssyncadd.s32 @!p0 $0xFFFFFFFF  }
0xb3: {  	s25 =	simm.s32 $0x1B8E;
	s24 =	sld [smem:$0x3FFE];
	[sflag:s4] =	ssyncadd.remote.s32 @!p0 $0x1  }
0xb4: {  	s26 =	simm.s32 $execute0_lowered;
	[smem:$0x3FD2] =	sst s25  }
0xb5: {  	s5 =	sshll.u32 s26, $0x1;
	_ =	strace $0x8000004F;
	[dreg:$0x1] =	wrdreg $0xFFFFFFFF  }
0xb6: {  	s28 =	simm.s32 $_size_execute0_lowered;
	s3 =	sadd.s32 s3, s5;
	[dreg:$0x0] =	wrdreg $0x0  }
0xb7: {  	s5 =	sshll.u32 s28, $0x1;
	[dreg:$0x2] =	wrdreg s3  }
0xb8: {  	[dreg:$0x3] =	wrdreg s5  }
0xb9: {  	[dreg:$0x4] =	wrdreg $0xC0  }
0xba: {  	_ =	task [dreg:s22], $0x5FFFF  }
0xbb: {  	[dreg:$0x1] =	wrdreg $0xFFFFFFFF  }
0xbc: {  	[dreg:$0x0] =	wrdreg $0x60  }
0xbd: {  	[dreg:$0x2] =	wrdreg s24  }
0xbe: {  	[dreg:$0x3] =	wrdreg $0x120000  }
0xbf: {  	[dreg:$0x4] =	wrdreg $0xA  }
0xc0: {  	_ =	task.clear_ibuf [dreg:s22], $0x5FFFF;
	_ =	strace $0x9000004F  }
0xc1: {  	s29 =	simm.s32 $0xA;
	_ =	strace $0x80000051  }
0xc2: {  	_ =	swait.ge [sflag:s29], $0x1  }
0xc3: {  	[sflag:s29] =	ssyncadd.s32 $0xFFFFFFFF  }
0xc4: {  	_ =	strace $0x90000051  }
0xc5: {  	_ =	sfence  }
0xc6: {  	s30 =	sld [smem:$0x0];
	_ =	sdelay $0x2  }
0xc7: {  	s31 =	sshll.u32 s1, $0xD;
	s1 =	sshrl.u32 s1, $0x2  }
0xc8: {  	s4 =	sand.u32 $0x4000, s31;
	s1 =	sadd.s32 s1, s30  }
0xc9: {  	s0 =	sor.u32 s4, s0;
	s1 =	sshll.u32 s1, $0x11  }
0xca: {  	s0 =	sor.u32 s1, s0  }
0xcb: {  	s0 =	sadd.s32 $0x8F2B, s0  }
0xcc: {  	[sflag:s0] =	ssyncadd.remote.s32 $0x1  }
0xcd: {  	_ =	sfence.sel $0xFFFF  }
0xce: {  	[dreg:$0x0] =	wrdreg $0xFFFFFFFF;
	(pc) =	sbr.abs _section_cstart, $3  }
0xcf: {  	[dreg:$0x1] =	wrdreg $0xFFFFFFFF  }
0xd0: {  	_ =	task.clear_ibuf [dreg:s22], $0x2FFFF;
	_ =	strace $0x9FFFFFFF  }
0xd1: {  	(tm) =	ssettm $0x7FFFFFFF  }
tec
execute0_lowered:
.L_overlay_start_1:
0x0: {  	(tag) =	ssettag $0x1  }
0x1: {  	s0 =	rddreg [dreg:$0x0]  }
0x2: {  	s1 =	srdreg.scid;
	s2 =	rddreg [dreg:$0x1]  }
0x3: {  	s23 =	stileid.u32;
	s3 =	simm.s32 $0x0;
	s13 =	simm.s32 $0x5000  }
0x4: {  	s14 =	simm.s32 $0x80;
	s15 =	simm.s32 $0xA000;
	s16 =	simm.s32 $0xC000  }
0x5: {  	s17 =	simm.s32 $0x100;
	s18 =	simm.s32 $0xE000;
	s19 =	simm.s32 $0x180  }
0x6: {  	s20 =	simm.s32 $0x10000;
	s21 =	simm.s32 $0x1;
	s6 =	smul.u32 $0x13C0, s23  }
0x7: {  	s22 =	simm.s32 $0x2;
	s28 =	simm.s32 $0x9F00;
	s7 =	smul.u32 $0x9E00, s23  }
0x8: {  	s29 =	simm.s32 $0x9F80;
	s4 =	sand.u32 $0x1, s1;
	s9 =	smul.u32 $0xA0, s23  }
0x9: {  	s30 =	simm.s32 $0x0;
	[smem:$0x7FF] =	sst s3;
	s5 =	smul.u32 $0x13C00, s4  }
0xa: {  	s31 =	sshll.u32 s23, $0x6;
	s8 =	smul.u32 $0xA00, s4;
	s4 =	ssub.s32 $0x2, s4  }
0xb: {  	s23 =	simm.s32 $0x3;
	_ =	strace $0x80000050;
	s24 =	sshrl.u32 s4, $0x1  }
0xc: {  	s12 =	sadd.s32 s7, s2;
	s26 =	sshrl.u32 s7, $0x3;
	s6 =	sadd.s32 s6, s5  }
0xd: {  	s5 =	sadd.s32 s5, s0;
	s11 =	ssub.s32 s4, s24;
	s25 =	sadd.s32 s9, s8  }
0xe: {  	s24 =	simm.s32 $0x4;
	s10 =	sadd.s32 s6, s0;
	s4 =	sadd.s32 $0x55200, s5  }
0xf: {  	s6 =	sshll.u32 s25, $0x4;
	s25 =	simm.s32 $0x9E00;
	s5 =	sadd.s32 s26, s4  }
0x10: {  	s0 =	sadd.s32 s0, s6;
	s6 =	sor.u32 $0x1C05, s31;
	s9 =	sadd.s32 $0x7CA00, s10  }
0x11: {  	s10 =	smax.u32 s11, $0x1;
	s11 =	sshrl.u32 s12, $0x3;
	s12 =	simm.s32 $0x5  }
0x12: {  	s26 =	simm.s32 $0x9E80;
	s7 =	sadd.s32 $0x41200, s0;
	s8 =	sadd.s32 $0x19200, s0  }
.LBB2_1:
0x13: {  	[spmem:s11], [sflag:s6] =	dma.local [hbm:s5], $0x13C0  }
0x14: {  	_ =	swait.ge [sflag:s12], $0x13C0  }
0x15: {  	[sflag:s12] =	ssyncset.done $0x0  }
0x16: {  	[sflag:s12] =	ssyncadd.s32 $0xFFFFEC40  }
0x17: {  	[tilespmem:s3], [sflag:$0x5] =	stream.linear.gather [hbm4b:s7+s3], $0x5000, $0x38;
	[tilespmem:$0x1BE00] =	vst v63  }
0x18: {  	_ =	swait.ge [sflag:s12], $0x5000  }
0x19: {  	[sflag:s12] =	ssyncset.done $0x0  }
0x1a: {  	[sflag:s12] =	ssyncadd.s32 $0xFFFFB000  }
0x1b: {  	[tilespmem:s13], [sflag:$0x5] =	stream.linear.gather [hbm4b:s8+s3], $0x5000, $0x38;
	[tilespmem:$0x1BE00] =	vst v63  }
0x1c: {  	_ =	swait.ge [sflag:s12], $0x5000  }
0x1d: {  	[sflag:s12] =	ssyncset.done $0x0  }
0x1e: {  	[sflag:s12] =	ssyncadd.s32 $0xFFFFB000  }
0x1f: {  	[tilespmem:s15], [sflag:$0x1] =	stream.indirect.gather [hbm4b:s4+s14], $0x40, s3, s14, $0xb8;
	[tilespmem:$0x1BE00] =	vst v63  }
0x20: {  	_ = 	snop  }
0x21: {  	[tilespmem:s16], [sflag:$0x2] =	stream.indirect.gather [hbm4b:s4+s14], $0x40, s14, s14, $0xb8;
	[tilespmem:$0x1BE00] =	vst v63  }
0x22: {  	_ = 	snop  }
0x23: {  	[tilespmem:s18], [sflag:$0x3] =	stream.indirect.gather [hbm4b:s4+s14], $0x40, s17, s14, $0xb8;
	[tilespmem:$0x1BE00] =	vst v63  }
0x24: {  	_ = 	snop  }
0x25: {  	[tilespmem:s20], [sflag:$0x4] =	stream.indirect.gather [hbm4b:s4+s14], $0x40, s19, s14, $0xb8;
	[tilespmem:$0x1BE00] =	vst v63  }
0x26: {  	[bflag:$0x0] =	sbarrier.arrive $0xFFFF  }
0x27: {  	_ =	swait.ge [sflag:s21], $0x2000  }
0x28: {  	[sflag:s21] =	ssyncset.done $0x0  }
0x29: {  	s0 =	simm.s32 $0x5000;
	[sflag:s21] =	ssyncadd.s32 $0xFFFFE000  }
0x2a: {  	[spmem:s2] =	stream.indirect.scatter.add.f32 [tilespmem:s15], [sflag:$0x5], $0x40, s0, s14, $0xb8;
	[tilespmem:$0x1BE00] =	vst v63  }
0x2b: {  	_ =	swait.ge [sflag:s12], $0x2000  }
0x2c: {  	[sflag:s12] =	ssyncset.done $0x0  }
0x2d: {  	s1 =	simm.s32 $0x200;
	[sflag:s12] =	ssyncadd.s32 $0xFFFFE000  }
0x2e: {  	[tilespmem:s15], [sflag:$0x1] =	stream.indirect.gather [hbm4b:s4+s14], $0x40, s1, s14, $0xb8;
	[tilespmem:$0x1BE00] =	vst v63  }
0x2f: {  	_ =	swait.ge [sflag:s22], $0x2000  }
0x30: {  	[sflag:s22] =	ssyncset.done $0x0  }
0x31: {  	s1 =	simm.s32 $0x5080;
	[sflag:s22] =	ssyncadd.s32 $0xFFFFE000  }
0x32: {  	[spmem:s2] =	stream.indirect.scatter.add.f32 [tilespmem:s16], [sflag:$0x5], $0x40, s1, s14, $0xb8;
	[tilespmem:$0x1BE00] =	vst v63  }
0x33: {  	_ =	swait.ge [sflag:s12], $0x2000  }
0x34: {  	[sflag:s12] =	ssyncset.done $0x0  }
0x35: {  	s1 =	simm.s32 $0x280;
	[sflag:s12] =	ssyncadd.s32 $0xFFFFE000  }
0x36: {  	[tilespmem:s16], [sflag:$0x2] =	stream.indirect.gather [hbm4b:s4+s14], $0x40, s1, s14, $0xb8;
	[tilespmem:$0x1BE00] =	vst v63  }
0x37: {  	_ =	swait.ge [sflag:s23], $0x2000  }
0x38: {  	[sflag:s23] =	ssyncset.done $0x0  }
0x39: {  	s1 =	simm.s32 $0x5100;
	[sflag:s23] =	ssyncadd.s32 $0xFFFFE000  }
0x3a: {  	[spmem:s2] =	stream.indirect.scatter.add.f32 [tilespmem:s18], [sflag:$0x5], $0x40, s1, s14, $0xb8;
	[tilespmem:$0x1BE00] =	vst v63  }
0x3b: {  	_ =	swait.ge [sflag:s12], $0x2000  }
0x3c: {  	[sflag:s12] =	ssyncset.done $0x0  }
0x3d: {  	s1 =	simm.s32 $0x300;
	[sflag:s12] =	ssyncadd.s32 $0xFFFFE000  }
0x3e: {  	[tilespmem:s18], [sflag:$0x3] =	stream.indirect.gather [hbm4b:s4+s14], $0x40, s1, s14, $0xb8;
	[tilespmem:$0x1BE00] =	vst v63  }
0x3f: {  	_ =	swait.ge [sflag:s24], $0x2000  }
0x40: {  	[sflag:s24] =	ssyncset.done $0x0  }
0x41: {  	s1 =	simm.s32 $0x5180;
	[sflag:s24] =	ssyncadd.s32 $0xFFFFE000  }
0x42: {  	[spmem:s2] =	stream.indirect.scatter.add.f32 [tilespmem:s20], [sflag:$0x5], $0x40, s1, s14, $0xb8;
	[tilespmem:$0x1BE00] =	vst v63  }
0x43: {  	_ =	swait.ge [sflag:s12], $0x2000  }
0x44: {  	[sflag:s12] =	ssyncset.done $0x0  }
0x45: {  	s31 =	simm.s32 $0x800;
	s0 =	simm.s32 $0x380;
	[sflag:s12] =	ssyncadd.s32 $0xFFFFE000  }
.LBB2_2:
0x46: {  	[tilespmem:s20], [sflag:$0x4] =	stream.indirect.gather [hbm4b:s4+s14], $0x40, s0, s14, $0xb8;
	[tilespmem:$0x1BE00] =	vst v63  }
0x47: {  	s0 =	smov.u32 s31  }
0x48: {  	p0 =	sne.s32 s31, $0x13000;
	s31 =	sadd.s32 $0x800, s31;
	_ =	swait.ge [sflag:s21], $0x2000  }
0x49: {  	s0 =	sshra.s32 s0, $0x2;
	[sflag:s21] =	ssyncset.done $0x0  }
0x4a: {  	s1 =	sadd.s32 $0x5000, s0;
	[sflag:s21] =	ssyncadd.s32 $0xFFFFE000  }
0x4b: {  	[spmem:s2] =	stream.indirect.scatter.add.f32 [tilespmem:s15], [sflag:$0x5], $0x40, s1, s14, $0xb8;
	[tilespmem:$0x1BE00] =	vst v63  }
0x4c: {  	_ =	swait.ge [sflag:s12], $0x2000  }
0x4d: {  	[sflag:s12] =	ssyncset.done $0x0  }
0x4e: {  	s1 =	sadd.s32 $0x200, s0;
	[sflag:s12] =	ssyncadd.s32 $0xFFFFE000  }
0x4f: {  	[tilespmem:s15], [sflag:$0x1] =	stream.indirect.gather [hbm4b:s4+s14], $0x40, s1, s14, $0xb8;
	[tilespmem:$0x1BE00] =	vst v63  }
0x50: {  	_ =	swait.ge [sflag:s22], $0x2000  }
0x51: {  	[sflag:s22] =	ssyncset.done $0x0  }
0x52: {  	s1 =	sadd.s32 $0x5080, s0;
	[sflag:s22] =	ssyncadd.s32 $0xFFFFE000  }
0x53: {  	[spmem:s2] =	stream.indirect.scatter.add.f32 [tilespmem:s16], [sflag:$0x5], $0x40, s1, s14, $0xb8;
	[tilespmem:$0x1BE00] =	vst v63  }
0x54: {  	_ =	swait.ge [sflag:s12], $0x2000  }
0x55: {  	[sflag:s12] =	ssyncset.done $0x0  }
0x56: {  	s1 =	sadd.s32 $0x280, s0;
	[sflag:s12] =	ssyncadd.s32 $0xFFFFE000  }
0x57: {  	[tilespmem:s16], [sflag:$0x2] =	stream.indirect.gather [hbm4b:s4+s14], $0x40, s1, s14, $0xb8;
	[tilespmem:$0x1BE00] =	vst v63  }
0x58: {  	_ =	swait.ge [sflag:s23], $0x2000  }
0x59: {  	[sflag:s23] =	ssyncset.done $0x0  }
0x5a: {  	s1 =	sadd.s32 $0x5100, s0;
	[sflag:s23] =	ssyncadd.s32 $0xFFFFE000  }
0x5b: {  	[spmem:s2] =	stream.indirect.scatter.add.f32 [tilespmem:s18], [sflag:$0x5], $0x40, s1, s14, $0xb8;
	[tilespmem:$0x1BE00] =	vst v63  }
0x5c: {  	_ =	swait.ge [sflag:s12], $0x2000  }
0x5d: {  	[sflag:s12] =	ssyncset.done $0x0  }
0x5e: {  	s1 =	sadd.s32 $0x300, s0;
	[sflag:s12] =	ssyncadd.s32 $0xFFFFE000  }
0x5f: {  	[tilespmem:s18], [sflag:$0x3] =	stream.indirect.gather [hbm4b:s4+s14], $0x40, s1, s14, $0xb8;
	[tilespmem:$0x1BE00] =	vst v63  }
0x60: {  	_ =	swait.ge [sflag:s24], $0x2000  }
0x61: {  	[sflag:s24] =	ssyncset.done $0x0  }
.Ltmp0:
0x62: {  	s1 =	sadd.s32 $0x5180, s0;
	[sflag:s24] =	ssyncadd.s32 $0xFFFFE000;
	(pc) =	sbr.rel @p0 .LBB2_2-.Ltmp0, $4  }
0x63: {  	[spmem:s2] =	stream.indirect.scatter.add.f32 [tilespmem:s20], [sflag:$0x5], $0x40, s1, s14, $0xb8;
	[tilespmem:$0x1BE00] =	vst v63  }
0x64: {  	_ =	swait.ge [sflag:s12], $0x2000  }
0x65: {  	[sflag:s12] =	ssyncset.done $0x0  }
0x66: {  	s0 =	sadd.s32 $0x380, s0;
	[sflag:s12] =	ssyncadd.s32 $0xFFFFE000  }
0x67: {  	[tilespmem:s20], [sflag:$0x4] =	stream.indirect.gather [hbm4b:s4+s14], $0x40, s0, s14, $0xb8;
	[tilespmem:$0x1BE00] =	vst v63  }
0x68: {  	_ =	swait.ge [sflag:s21], $0x2000  }
0x69: {  	[sflag:s21] =	ssyncset.done $0x0  }
0x6a: {  	[sflag:s21] =	ssyncadd.s32 $0xFFFFE000  }
0x6b: {  	[spmem:s2] =	stream.indirect.scatter.add.f32 [tilespmem:s15], [sflag:$0x5], $0x40, s25, s14, $0xb8;
	[tilespmem:$0x1BE00] =	vst v63  }
0x6c: {  	_ =	swait.ge [sflag:s12], $0x2000  }
0x6d: {  	[sflag:s12] =	ssyncset.done $0x0  }
0x6e: {  	[sflag:s12] =	ssyncadd.s32 $0xFFFFE000  }
0x6f: {  	_ =	swait.ge [sflag:s22], $0x2000  }
0x70: {  	[sflag:s22] =	ssyncset.done $0x0  }
0x71: {  	[sflag:s22] =	ssyncadd.s32 $0xFFFFE000  }
0x72: {  	[spmem:s2] =	stream.indirect.scatter.add.f32 [tilespmem:s16], [sflag:$0x5], $0x40, s26, s14, $0xb8;
	[tilespmem:$0x1BE00] =	vst v63  }
0x73: {  	_ =	swait.ge [sflag:s12], $0x2000  }
0x74: {  	[sflag:s12] =	ssyncset.done $0x0  }
0x75: {  	[sflag:s12] =	ssyncadd.s32 $0xFFFFE000  }
0x76: {  	_ =	swait.ge [sflag:s23], $0x2000  }
0x77: {  	[sflag:s23] =	ssyncset.done $0x0  }
0x78: {  	[sflag:s23] =	ssyncadd.s32 $0xFFFFE000  }
0x79: {  	[spmem:s2] =	stream.indirect.scatter.add.f32 [tilespmem:s18], [sflag:$0x5], $0x40, s28, s14, $0xb8;
	[tilespmem:$0x1BE00] =	vst v63  }
0x7a: {  	_ =	swait.ge [sflag:s12], $0x2000  }
0x7b: {  	[sflag:s12] =	ssyncset.done $0x0  }
0x7c: {  	[sflag:s12] =	ssyncadd.s32 $0xFFFFE000  }
0x7d: {  	_ =	swait.ge [sflag:s24], $0x2000  }
0x7e: {  	[sflag:s24] =	ssyncset.done $0x0  }
0x7f: {  	[sflag:s24] =	ssyncadd.s32 $0xFFFFE000  }
0x80: {  	[spmem:s2] =	stream.indirect.scatter.add.f32 [tilespmem:s20], [sflag:$0x5], $0x40, s29, s14, $0xb8;
	[tilespmem:$0x1BE00] =	vst v63  }
0x81: {  	_ =	swait.ge [sflag:s12], $0x2000  }
0x82: {  	[sflag:s12] =	ssyncset.done $0x0  }
0x83: {  	s30 =	sadd.s32 $0x1, s30;
	[sflag:s12] =	ssyncadd.s32 $0xFFFFE000  }
0x84: {  	p0 =	sne.s32 s30, s10;
	[bflag:$0x0] =	sbarrier.arrive $0xFFFF  }
0x85: {  	[hbm:s9], [sflag:s6] =	dma.local [spmem:s11], $0x13C0  }
.Ltmp1:
0x86: {  	_ =	swait.ge [sflag:s12], $0x13C0;
	(pc) =	sbr.rel @p0 .LBB2_1-.Ltmp1, $3  }
0x87: {  	[sflag:s12] =	ssyncset.done $0x0  }
0x88: {  	[sflag:s12] =	ssyncadd.s32 $0xFFFFEC40  }
0x89: {  	[bflag:$0x0] =	sbarrier.arrive $0xFFFF;
	_ =	sdelay $0x1  }
0x8a: {  	_ =	sfence.sel $0x180000  }
0x8b: {  	[bflag:$0x0] =	sbarrier.arrive $0xFFFF  }
0x8c: {  	_ =	strace $0x90000050  }
0x8d: {  	s0 =	stileid.u32;
	[bflag:$0x2] =	sbarrier.arrive $0xFFFF  }
0x8e: {  	p0 =	sne.s32 s0, $0x0;
	s0 =	rddreg [dreg:$0x2]  }
0x8f: {  	s0 =	sadd.s32 @!p0 $0x100000, s0  }
0x90: {  	[sflag:s0] =	ssyncadd.tile.s32 @!p0 $0x1;
	_ =	shalt  }
.Lfunc_end2:
_tile_overlayer_lowered:
.L_overlay_start_2:
0x91: {  	(tag) =	ssettag $0x2  }
0x92: {  	s0 =	rddreg [dreg:$0x0];
	s2 =	stileid.u32  }
0x93: {  	s1 =	rddreg [dreg:$0x1];
	p0 =	sne.s32 s2, $0x0  }
0x94: {  	s3 =	rddreg [dreg:$0x2];
	[bflag:$0x3] =	sbarrier.arrive $0xFFFF;
	s2 =	simm.s32 @!p0 $0x1C05  }
0x95: {  	[timem:s3], [sflag:s2] =	dma.local @!p0 [hbm:s0], s1  }
0x96: {  	s0 =	simm.s32 @!p0 $0x5  }
0x97: {  	_ =	swait.ge @!p0 [sflag:s0], s1  }
0x98: {  	s1 =	ssub.s32 @!p0 $0x0, s1;
	[sflag:s0] =	ssyncset.done @!p0 $0x0  }
0x99: {  	[sflag:s0] =	ssyncadd.s32 @!p0 s1  }
0x9a: {  	[bflag:$0x3] =	sbarrier.arrive $0xFFFF  }
0x9b: {  	_ =	shalt  }

// kernel: gcn_agg_p2g0.3.cloned.1.call-start
scs
__scs_entry_jumppad:
0x0: {  	(pc) =	sbr.rel $0x88, $3  }
0x1: {  	(tag) =	ssettag $0x0;
	lr =	simm.s32 $0x1  }
0x2: {  	[smem:$0x3F85] =	sst lr;
	_ =	strace $0xD0000000  }
0x3: {  	_ = 	snop  }
0x4: {  	_ = 	snop  }
0x5: {  	_ = 	snop  }
0x6: {  	_ = 	snop  }
0x7: {  	_ = 	snop  }
__scs_overlays_trampoline_lowered:
0x8: {  	[smem:$0x3F94] =	sst s0  }
0x9: {  	[smem:$0x3F95] =	sst s1  }
0xa: {  	[smem:$0x3F96] =	sst s2  }
0xb: {  	[smem:$0x3F97] =	sst s3  }
0xc: {  	[smem:$0x3F98] =	sst s4  }
0xd: {  	[smem:$0x3F99] =	sst s5  }
0xe: {  	[smem:$0x3F9A] =	sst s6  }
0xf: {  	[smem:$0x3F9B] =	sst s7  }
0x10: {  	[smem:$0x3F9C] =	sst s8  }
0x11: {  	[smem:$0x3F9D] =	sst s9;
	s0 =	simm.s32 @!p0 $0x0  }
0x12: {  	s1 =	sld [smem:$0x3F83];
	s0 =	simm.s32 @p0 $0x1  }
0x13: {  	[smem:$0x3F9E] =	sst s0;
	s0 =	simm.s32 @!p1 $0x0  }
0x14: {  	s2 =	sld [smem:$0x3F82];
	s0 =	simm.s32 @p1 $0x1  }
0x15: {  	[smem:$0x3F9F] =	sst s0;
	s0 =	simm.s32 @!p2 $0x0  }
0x16: {  	s3 =	sld [smem:$0x3FDB];
	s0 =	simm.s32 @p2 $0x1  }
0x17: {  	s4 =	simm.s32 $0x1BF5;
	[smem:$0x3FA1] =	sst s0  }
0x18: {  	s0 =	sld [smem:$0x3F84];
	_ =	swait.ge [sflag:s4], $0x0  }
0x19: {  	s7 =	sld [smem:$0x3F85]  }
0x1a: {  	s8 =	sadd.s32 $0xFFFFE003, lr  }
0x1b: {  	s9 =	sadd.s32 $0xFFFFFEF7, lr;
	s5 =	simm.s32 $0xFFFFFFFF;
	p2 =	slt.u32 s8, $0xFFFFF086  }
0x1c: {  	p1 =	slt.u32 s9, $0xF7A;
	s5 =	simm.s32 @!p2 $0x0  }
0x1d: {  	s5 =	simm.s32 @p1 $0x1;
	p0 =	seq.s32 s7, s2  }
0x1e: {  	s7 =	smul.u32 @!p0 $0xF7A, s2;
	p2 =	seq.s32 @!p0 s5, $0x0  }
0x1f: {  	s9 =	smul.u32 $0xF7A, s1;
	s8 =	simm.s32 @!p0 $0x1BF5;
	p2 =	por !p2, p0  }
0x20: {  	[sflag:s8] =	ssyncset.s32 @!p0 $0xFFFFF086;
	s6 =	sadd.s32 @!p0 s3, s7;
	s7 =	simm.s32 @!p0 $0x108  }
0x21: {  	s3 =	sadd.s32 s3, s9;
	s6 =	sadd.s32 @!p0 $0x88, s6;
	s7 =	simm.s32 @p2 $0x1082  }
0x22: {  	[simem:s7], [sflag:s8] =	dma.local @!p0 [hbm:s6], $0xF7A  }
0x23: {  	s9 =	sor.u32 $0xD0000000, s2;
	s6 =	simm.s32 $0x108;
	_ =	swait.ge @!p0 [sflag:s8], $0x0  }
0x24: {  	s3 =	sadd.s32 $0x88, s3;
	s6 =	simm.s32 @!p1 $0x1082;
	[sflag:s4] =	ssyncset.s32 $0xFFFFF086  }
0x25: {  	[simem:s6], [sflag:s4] =	dma.local [hbm:s3], $0xF7A  }
0x26: {  	[smem:$0x3F85] =	sst s1;
	(tag) =	ssettag s2;
	_ =	strace s9  }
0x27: {  	s1 =	sld [smem:$0x3F95]  }
0x28: {  	s2 =	sld [smem:$0x3F96]  }
0x29: {  	s4 =	sld [smem:$0x3F98]  }
0x2a: {  	p0 =	seq.s32 s5, $0x0;
	s5 =	sld [smem:$0x3F99]  }
0x2b: {  	s6 =	sld [smem:$0x3F9A]  }
0x2c: {  	s7 =	sld [smem:$0x3F9B]  }
0x2d: {  	s3 =	simm.s32 $0x108;
	s8 =	sld [smem:$0x3F9C]  }
0x2e: {  	s3 =	simm.s32 @!p0 $0x1082;
	s9 =	sld [smem:$0x3F9D]  }
0x2f: {  	lr =	sadd.s32 s0, s3;
	s0 =	sld [smem:$0x3F94]  }
0x30: {  	s3 =	sld [smem:$0x3F97]  }
0x31: {  	[smem:$0x3FA0] =	sst s10  }
0x32: {  	s10 =	sld [smem:$0x3F9E];
	_ =	sdelay $0x3  }
0x33: {  	p0 =	seq.s32 s10, $0x1;
	s10 =	sld [smem:$0x3FA0];
	_ =	sdelay $0x3  }
0x34: {  	[smem:$0x3FA0] =	sst s10  }
0x35: {  	s10 =	sld [smem:$0x3F9F];
	_ =	sdelay $0x3  }
0x36: {  	p1 =	seq.s32 s10, $0x1;
	s10 =	sld [smem:$0x3FA0];
	_ =	sdelay $0x3  }
0x37: {  	[smem:$0x3FA0] =	sst s10  }
0x38: {  	s10 =	sld [smem:$0x3FA1]  }
0x39: {  	_ = 	snop;
	(pc) =	sbr.ind lr, $3  }
0x3a: {  	_ = 	snop  }
0x3b: {  	_ = 	snop  }
0x3c: {  	p2 =	seq.s32 s10, $0x1;
	s10 =	sld [smem:$0x3FA0]  }
0x3d: {  	_ =	shalt  }
0x3e: {  	_ =	shalt  }
0x3f: {  	_ =	shalt  }
0x40: {  	_ =	shalt  }
0x41: {  	_ =	shalt  }
0x42: {  	_ =	shalt  }
0x43: {  	_ =	shalt  }
0x44: {  	_ =	shalt  }
0x45: {  	_ =	shalt  }
0x46: {  	_ =	shalt  }
0x47: {  	_ =	shalt  }
0x48: {  	_ =	shalt  }
0x49: {  	_ =	shalt  }
0x4a: {  	_ =	shalt  }
0x4b: {  	_ =	shalt  }
0x4c: {  	_ =	shalt  }
0x4d: {  	_ =	shalt  }
0x4e: {  	_ =	shalt  }
0x4f: {  	_ =	shalt  }
0x50: {  	_ =	shalt  }
0x51: {  	_ =	shalt  }
0x52: {  	_ =	shalt  }
0x53: {  	_ =	shalt  }
0x54: {  	_ =	shalt  }
0x55: {  	_ =	shalt  }
0x56: {  	_ =	shalt  }
0x57: {  	_ =	shalt  }
0x58: {  	_ =	shalt  }
0x59: {  	_ =	shalt  }
0x5a: {  	_ =	shalt  }
0x5b: {  	_ =	shalt  }
0x5c: {  	_ =	shalt  }
0x5d: {  	_ =	shalt  }
0x5e: {  	_ =	shalt  }
0x5f: {  	_ =	shalt  }
0x60: {  	_ =	shalt  }
0x61: {  	_ =	shalt  }
0x62: {  	_ =	shalt  }
0x63: {  	_ =	shalt  }
0x64: {  	_ =	shalt  }
0x65: {  	_ =	shalt  }
0x66: {  	_ =	shalt  }
0x67: {  	_ =	shalt  }
0x68: {  	_ =	shalt  }
0x69: {  	_ =	shalt  }
0x6a: {  	_ =	shalt  }
0x6b: {  	_ =	shalt  }
0x6c: {  	_ =	shalt  }
0x6d: {  	_ =	shalt  }
0x6e: {  	_ =	shalt  }
0x6f: {  	_ =	shalt  }
0x70: {  	_ =	shalt  }
0x71: {  	_ =	shalt  }
0x72: {  	_ =	shalt  }
0x73: {  	_ =	shalt  }
0x74: {  	_ =	shalt  }
0x75: {  	_ =	shalt  }
0x76: {  	_ =	shalt  }
0x77: {  	_ =	shalt  }
0x78: {  	_ =	shalt  }
0x79: {  	_ =	shalt  }
0x7a: {  	_ =	shalt  }
0x7b: {  	_ =	shalt  }
0x7c: {  	_ =	shalt  }
0x7d: {  	_ =	shalt  }
0x7e: {  	_ =	shalt  }
0x7f: {  	_ =	shalt  }
0x80: {  	_ =	shalt  }
0x81: {  	_ =	shalt  }
0x82: {  	_ =	shalt  }
0x83: {  	_ =	shalt  }
0x84: {  	_ =	shalt  }
0x85: {  	_ =	shalt  }
0x86: {  	_ =	shalt  }
0x87: {  	_ =	shalt  }
.Lfunc_end0:
.L_simem_size_0:
called_computation.1_lowered:
.L_overlay_start_0:
0x88: {  	s2 =	sld [smem:$0x3FD9]  }
0x89: {  	s3 =	sld [smem:$0x3FFE];
	_ =	sdelay $0x1  }
0x8a: {  	s1 =	srdreg.scid  }
0x8b: {  	s0 =	sand.u32 $0x1, s1  }
0x8c: {  	s17 =	sshll.u32 s0, $0xA;
	s2 =	sadd.s32 s3, s2  }
0x8d: {  	s2 =	sadd.s32 s2, s17  }
0x8e: {  	[smem:$0x3FAC] =	sst s2  }
0x8f: {  	_ = 	snop  }
0x90: {  	(tm) =	ssettm $0x1  }
0x91: {  	s18 =	sld [smem:$0x3FFB];
	_ =	sdelay $0x3  }
0x92: {  	_ =	strace s18  }
0x93: {  	s2 =	sld [smem:$0x3FFC];
	_ =	sdelay $0x3  }
0x94: {  	_ =	strace s2  }
0x95: {  	s2 =	sld [smem:$0x3FFD];
	_ =	sdelay $0x3  }
0x96: {  	_ =	strace s2  }
0x97: {  	_ =	strace $0x8FFFFFFF  }
0x98: {  	s19 =	sld [smem:$0x3FDB];
	_ =	sdelay $0x1  }
0x99: {  	s20 =	simm.s32 $_scs_section_size  }
0x9a: {  	s4 =	simm.s32 $_size__tile_overlayer_lowered;
	s5 =	simm.s32 $_tile_overlayer_lowered  }
0x9b: {  	s6 =	simm.s32 $0x1BFF;
	s21 =	sshll.u32 s5, $0x1;
	s3 =	sadd.s32 s20, s19  }
0x9c: {  	s22 =	simm.s32 $0x0;
	s4 =	sshll.u32 s4, $0x1;
	s5 =	sadd.s32 s21, s3  }
0x9d: {  	[timem:s22], [sflag:s6] =	dma.local [hbm:s5], s4  }
0x9e: {  	_ =	swait.ge [sflag:s6], s4  }
0x9f: {  	s4 =	ssub.s32 $0x0, s4;
	[sflag:s6] =	ssyncset.done $0x0  }
0xa0: {  	[sflag:s6] =	ssyncadd.s32 s4;
	_ =	sdelay $0x1  }
0xa1: {  	s23 =	simm.s32 $0x1B8B  }
0xa2: {  	_ =	swait.ge [sflag:s23], $0x1  }
0xa3: {  	[sflag:s23] =	ssyncset.done $0x0  }
0xa4: {  	[sflag:s23] =	ssyncadd.s32 $0xFFFFFFFF  }
0xa5: {  	s4 =	sld [smem:$0x0]  }
0xa6: {  	s5 =	sand.u32 $0xFFFFFFFE, s1  }
0xa7: {  	p0 =	sne.s32 s1, s5  }
0xa8: {  	s5 =	sshll.u32 @p0 s5, $0xE  }
0xa9: {  	s5 =	sadd.s32 @p0 $0x11B8D, s5;
	s6 =	sshll.u32 @p0 s4, $0x11  }
0xaa: {  	s5 =	sor.u32 @p0 s6, s5  }
0xab: {  	[sflag:s5] =	ssyncadd.remote.s32 @p0 $0x1;
	_ =	sdelay $0x1  }
0xac: {  	s5 =	simm.s32 @p0 $0x1B8D  }
0xad: {  	_ =	swait.eq @p0 [sflag:s5], $0x1  }
0xae: {  	[sflag:s5] =	ssyncadd.s32 @p0 $0xFFFFFFFF  }
0xaf: {  	s6 =	sshll.u32 @!p0 s1, $0xE  }
0xb0: {  	s6 =	sor.u32 @!p0 $0x4000, s6;
	s5 =	simm.s32 @!p0 $0x1B8D  }
0xb1: {  	s4 =	sshll.u32 @!p0 s4, $0x11;
	s6 =	sadd.s32 @!p0 $0x11B8D, s6;
	_ =	swait.eq @!p0 [sflag:s5], $0x1  }
0xb2: {  	s4 =	sor.u32 @!p0 s4, s6;
	[sflag:s5] =	ssyncadd.s32 @!p0 $0xFFFFFFFF  }
0xb3: {  	s25 =	simm.s32 $0x1B8E;
	s24 =	sld [smem:$0x3FFE];
	[sflag:s4] =	ssyncadd.remote.s32 @!p0 $0x1  }
0xb4: {  	s26 =	simm.s32 $execute0_lowered;
	[smem:$0x3FD2] =	sst s25  }
0xb5: {  	s5 =	sshll.u32 s26, $0x1;
	_ =	strace $0x8000004C;
	[dreg:$0x1] =	wrdreg $0xFFFFFFFF  }
0xb6: {  	s28 =	simm.s32 $_size_execute0_lowered;
	s3 =	sadd.s32 s3, s5;
	[dreg:$0x0] =	wrdreg $0x0  }
0xb7: {  	s5 =	sshll.u32 s28, $0x1;
	[dreg:$0x2] =	wrdreg s3  }
0xb8: {  	[dreg:$0x3] =	wrdreg s5  }
0xb9: {  	[dreg:$0x4] =	wrdreg $0xC0  }
0xba: {  	_ =	task [dreg:s22], $0x5FFFF  }
0xbb: {  	[dreg:$0x1] =	wrdreg $0xFFFFFFFF  }
0xbc: {  	[dreg:$0x0] =	wrdreg $0x60  }
0xbd: {  	[dreg:$0x2] =	wrdreg s24  }
0xbe: {  	[dreg:$0x3] =	wrdreg $0x120000  }
0xbf: {  	[dreg:$0x4] =	wrdreg $0x9  }
0xc0: {  	_ =	task.clear_ibuf [dreg:s22], $0x5FFFF;
	_ =	strace $0x9000004C  }
0xc1: {  	s29 =	simm.s32 $0x9;
	_ =	strace $0x8000004E  }
0xc2: {  	_ =	swait.ge [sflag:s29], $0x1  }
0xc3: {  	[sflag:s29] =	ssyncadd.s32 $0xFFFFFFFF  }
0xc4: {  	_ =	strace $0x9000004E  }
0xc5: {  	_ =	sfence  }
0xc6: {  	s30 =	sld [smem:$0x0];
	_ =	sdelay $0x2  }
0xc7: {  	s31 =	sshll.u32 s1, $0xD;
	s1 =	sshrl.u32 s1, $0x2  }
0xc8: {  	s4 =	sand.u32 $0x4000, s31;
	s1 =	sadd.s32 s1, s30  }
0xc9: {  	s0 =	sor.u32 s4, s0;
	s1 =	sshll.u32 s1, $0x11  }
0xca: {  	s0 =	sor.u32 s1, s0  }
0xcb: {  	s0 =	sadd.s32 $0x8F2B, s0  }
0xcc: {  	[sflag:s0] =	ssyncadd.remote.s32 $0x1  }
0xcd: {  	_ =	sfence.sel $0xFFFF  }
0xce: {  	[dreg:$0x0] =	wrdreg $0xFFFFFFFF;
	(pc) =	sbr.abs _section_cstart, $3  }
0xcf: {  	[dreg:$0x1] =	wrdreg $0xFFFFFFFF  }
0xd0: {  	_ =	task.clear_ibuf [dreg:s22], $0x2FFFF;
	_ =	strace $0x9FFFFFFF  }
0xd1: {  	(tm) =	ssettm $0x7FFFFFFF  }
tec
execute0_lowered:
.L_overlay_start_1:
0x0: {  	(tag) =	ssettag $0x1  }
0x1: {  	s0 =	rddreg [dreg:$0x0]  }
0x2: {  	s1 =	rddreg [dreg:$0x1];
	s13 =	simm.s32 $0x0;
	s2 =	srdreg.scid  }
0x3: {  	s12 =	stileid.u32;
	s16 =	simm.s32 $0x5;
	s17 =	simm.s32 $0x1  }
0x4: {  	s19 =	simm.s32 $0x80;
	s20 =	simm.s32 $0xA000;
	s21 =	simm.s32 $0xC000  }
0x5: {  	s23 =	simm.s32 $0xE000;
	s28 =	simm.s32 $0x3;
	s29 =	simm.s32 $0x4  }
0x6: {  	s30 =	simm.s32 $0x9E00;
	s31 =	simm.s32 $0x9E80;
	[smem:$0x7FF] =	sst s13  }
0x7: {  	s4 =	sadd.s32 $0x191200, s0;
	s5 =	sadd.s32 $0x2D200, s0;
	s3 =	smul.u32 $0x9E00, s12  }
0x8: {  	s6 =	sand.u32 $0x1, s2;
	s7 =	sadd.s32 $0x5200, s0;
	s10 =	smul.u32 $0x278, s12  }
0x9: {  	s8 =	sadd.s32 $0xA4200, s0;
	s26 =	sshll.u32 s12, $0x6;
	s12 =	smul.u32 $0xA0, s12  }
0xa: {  	_ =	strace $0x8000004D;
	s2 =	ssub.s32 $0x2, s6;
	s9 =	sshll.u32 s6, $0x1  }
0xb: {  	s14 =	sor.u32 $0x1C05, s26;
	s26 =	simm.s32 $0x2;
	s24 =	sshrl.u32 s2, $0x1  }
0xc: {  	s25 =	sadd.s32 s3, s1;
	s11 =	sshrl.u32 s3, $0x3;
	s0 =	ssub.s32 s2, s24  }
0xd: {  	s3 =	simm.s32 $0x9F80;
	s15 =	sshrl.u32 s25, $0x3;
	s0 =	smax.u32 s0, $0x1  }
0xe: {  	s25 =	simm.s32 $0x10000;
	[dreg:$0x4] =	wrdreg s0;
	s0 =	simm.s32 $0x9F00  }
.LBB2_1:
0xf: {  	[dreg:$0x3] =	wrdreg s13;
	p1 =	por $0x1, $0x1;
	s2 =	simm.s32 $0x0  }
.LBB2_2:
0x10: {  	s13 =	sor.u32 s9, s2;
	s18 =	sand.u32 $0x1, s2  }
0x11: {  	p0 =	seq.s32 s13, $0x0;
	p2 =	seq.s32 s18, $0x1  }
0x12: {  	p0 =	por !p0, !p2  }
0x13: {  	s22 =	smul.u32 $0x13C00, s13;
	s18 =	simm.s32 $0x1;
	p0 =	por !p0, !p0  }
0x14: {  	s18 =	simm.s32 @!p0 $0x0  }
0x15: {  	s2 =	sadd.s32 s4, s22;
	s18 =	ssub.s32 s6, s18  }
0x16: {  	s22 =	sadd.s32 s11, s2;
	s18 =	smul.u32 $0xA00, s18  }
0x17: {  	[spmem:s15], [sflag:s14] =	dma.local [hbm:s22], $0x13C0  }
0x18: {  	s18 =	sadd.s32 s12, s18  }
0x19: {  	_ =	swait.ge [sflag:s16], $0x13C0;
	s18 =	sshll.u32 s18, $0x4  }
0x1a: {  	[sflag:s16] =	ssyncset.done $0x0;
	s18 =	sand.u32 $0x1FFFFE00, s18  }
0x1b: {  	s24 =	simm.s32 $0x0;
	[sflag:s16] =	ssyncadd.s32 $0xFFFFEC40;
	s22 =	sadd.s32 s5, s18  }
0x1c: {  	[tilespmem:s24], [sflag:$0x5] =	stream.linear.gather [hbm4b:s22+s24], $0x5000, $0x38;
	[tilespmem:$0x1BE00] =	vst v63  }
0x1d: {  	_ =	swait.ge [sflag:s16], $0x5000  }
0x1e: {  	[sflag:s16] =	ssyncset.done $0x0  }
0x1f: {  	s18 =	sadd.s32 s7, s18;
	s22 =	simm.s32 $0x5000;
	[sflag:s16] =	ssyncadd.s32 $0xFFFFB000  }
0x20: {  	[tilespmem:s22], [sflag:$0x5] =	stream.linear.gather [hbm4b:s18+s24], $0x5000, $0x38;
	[tilespmem:$0x1BE00] =	vst v63  }
0x21: {  	_ =	swait.ge [sflag:s16], $0x5000  }
0x22: {  	[sflag:s16] =	ssyncset.done $0x0  }
0x23: {  	[sflag:s16] =	ssyncadd.s32 $0xFFFFB000  }
0x24: {  	[tilespmem:s20], [sflag:$0x1] =	stream.indirect.gather [hbm4b:s2+s19], $0x40, s24, s19, $0xb8;
	[tilespmem:$0x1BE00] =	vst v63  }
0x25: {  	_ = 	snop  }
0x26: {  	[tilespmem:s21], [sflag:$0x2] =	stream.indirect.gather [hbm4b:s2+s19], $0x40, s19, s19, $0xb8;
	[tilespmem:$0x1BE00] =	vst v63  }
0x27: {  	s24 =	simm.s32 $0x100  }
0x28: {  	[tilespmem:s23], [sflag:$0x3] =	stream.indirect.gather [hbm4b:s2+s19], $0x40, s24, s19, $0xb8;
	[tilespmem:$0x1BE00] =	vst v63  }
0x29: {  	s22 =	simm.s32 $0x180  }
0x2a: {  	[tilespmem:s25], [sflag:$0x4] =	stream.indirect.gather [hbm4b:s2+s19], $0x40, s22, s19, $0xb8;
	[tilespmem:$0x1BE00] =	vst v63  }
0x2b: {  	[bflag:$0x0] =	sbarrier.arrive $0xFFFF  }
0x2c: {  	_ =	swait.ge [sflag:s17], $0x2000  }
0x2d: {  	[sflag:s17] =	ssyncset.done $0x0  }
0x2e: {  	s24 =	simm.s32 $0x5000;
	[sflag:s17] =	ssyncadd.s32 $0xFFFFE000  }
0x2f: {  	[spmem:s1] =	stream.indirect.scatter.add.f32 [tilespmem:s20], [sflag:$0x5], $0x40, s24, s19, $0xb8;
	[tilespmem:$0x1BE00] =	vst v63  }
0x30: {  	_ =	swait.ge [sflag:s16], $0x2000  }
0x31: {  	[sflag:s16] =	ssyncset.done $0x0  }
0x32: {  	s22 =	simm.s32 $0x200;
	[sflag:s16] =	ssyncadd.s32 $0xFFFFE000  }
0x33: {  	[tilespmem:s20], [sflag:$0x1] =	stream.indirect.gather [hbm4b:s2+s19], $0x40, s22, s19, $0xb8;
	[tilespmem:$0x1BE00] =	vst v63  }
0x34: {  	_ =	swait.ge [sflag:s26], $0x2000  }
0x35: {  	[sflag:s26] =	ssyncset.done $0x0  }
0x36: {  	s24 =	simm.s32 $0x5080;
	[sflag:s26] =	ssyncadd.s32 $0xFFFFE000  }
0x37: {  	[spmem:s1] =	stream.indirect.scatter.add.f32 [tilespmem:s21], [sflag:$0x5], $0x40, s24, s19, $0xb8;
	[tilespmem:$0x1BE00] =	vst v63  }
0x38: {  	_ =	swait.ge [sflag:s16], $0x2000  }
0x39: {  	[sflag:s16] =	ssyncset.done $0x0  }
0x3a: {  	s22 =	simm.s32 $0x280;
	[sflag:s16] =	ssyncadd.s32 $0xFFFFE000  }
0x3b: {  	[tilespmem:s21], [sflag:$0x2] =	stream.indirect.gather [hbm4b:s2+s19], $0x40, s22, s19, $0xb8;
	[tilespmem:$0x1BE00] =	vst v63  }
0x3c: {  	_ =	swait.ge [sflag:s28], $0x2000  }
0x3d: {  	[sflag:s28] =	ssyncset.done $0x0  }
0x3e: {  	s24 =	simm.s32 $0x5100;
	[sflag:s28] =	ssyncadd.s32 $0xFFFFE000  }
0x3f: {  	[spmem:s1] =	stream.indirect.scatter.add.f32 [tilespmem:s23], [sflag:$0x5], $0x40, s24, s19, $0xb8;
	[tilespmem:$0x1BE00] =	vst v63  }
0x40: {  	_ =	swait.ge [sflag:s16], $0x2000  }
0x41: {  	[sflag:s16] =	ssyncset.done $0x0  }
0x42: {  	s22 =	simm.s32 $0x300;
	[sflag:s16] =	ssyncadd.s32 $0xFFFFE000  }
0x43: {  	[tilespmem:s23], [sflag:$0x3] =	stream.indirect.gather [hbm4b:s2+s19], $0x40, s22, s19, $0xb8;
	[tilespmem:$0x1BE00] =	vst v63  }
0x44: {  	_ =	swait.ge [sflag:s29], $0x2000  }
0x45: {  	[sflag:s29] =	ssyncset.done $0x0  }
0x46: {  	s24 =	simm.s32 $0x5180;
	[sflag:s29] =	ssyncadd.s32 $0xFFFFE000  }
0x47: {  	[spmem:s1] =	stream.indirect.scatter.add.f32 [tilespmem:s25], [sflag:$0x5], $0x40, s24, s19, $0xb8;
	[tilespmem:$0x1BE00] =	vst v63  }
0x48: {  	_ =	swait.ge [sflag:s16], $0x2000  }
0x49: {  	p0 =	por p1, p1;
	[sflag:s16] =	ssyncset.done $0x0  }
0x4a: {  	s18 =	simm.s32 $0x800;
	s22 =	simm.s32 $0x380;
	[sflag:s16] =	ssyncadd.s32 $0xFFFFE000  }
.LBB2_3:
0x4b: {  	[tilespmem:s25], [sflag:$0x4] =	stream.indirect.gather [hbm4b:s2+s19], $0x40, s22, s19, $0xb8;
	[tilespmem:$0x1BE00] =	vst v63  }
0x4c: {  	s22 =	smov.u32 s18  }
0x4d: {  	p1 =	sne.s32 s18, $0x13000;
	s18 =	sadd.s32 $0x800, s18;
	_ =	swait.ge [sflag:s17], $0x2000  }
0x4e: {  	s22 =	sshra.s32 s22, $0x2;
	[sflag:s17] =	ssyncset.done $0x0  }
0x4f: {  	s24 =	sadd.s32 $0x5000, s22;
	[sflag:s17] =	ssyncadd.s32 $0xFFFFE000  }
0x50: {  	[spmem:s1] =	stream.indirect.scatter.add.f32 [tilespmem:s20], [sflag:$0x5], $0x40, s24, s19, $0xb8;
	[tilespmem:$0x1BE00] =	vst v63  }
0x51: {  	_ =	swait.ge [sflag:s16], $0x2000  }
0x52: {  	[sflag:s16] =	ssyncset.done $0x0  }
0x53: {  	s24 =	sadd.s32 $0x200, s22;
	[sflag:s16] =	ssyncadd.s32 $0xFFFFE000  }
0x54: {  	[tilespmem:s20], [sflag:$0x1] =	stream.indirect.gather [hbm4b:s2+s19], $0x40, s24, s19, $0xb8;
	[tilespmem:$0x1BE00] =	vst v63  }
0x55: {  	_ =	swait.ge [sflag:s26], $0x2000  }
0x56: {  	[sflag:s26] =	ssyncset.done $0x0  }
0x57: {  	s24 =	sadd.s32 $0x5080, s22;
	[sflag:s26] =	ssyncadd.s32 $0xFFFFE000  }
0x58: {  	[spmem:s1] =	stream.indirect.scatter.add.f32 [tilespmem:s21], [sflag:$0x5], $0x40, s24, s19, $0xb8;
	[tilespmem:$0x1BE00] =	vst v63  }
0x59: {  	_ =	swait.ge [sflag:s16], $0x2000  }
0x5a: {  	[sflag:s16] =	ssyncset.done $0x0  }
0x5b: {  	s24 =	sadd.s32 $0x280, s22;
	[sflag:s16] =	ssyncadd.s32 $0xFFFFE000  }
0x5c: {  	[tilespmem:s21], [sflag:$0x2] =	stream.indirect.gather [hbm4b:s2+s19], $0x40, s24, s19, $0xb8;
	[tilespmem:$0x1BE00] =	vst v63  }
0x5d: {  	_ =	swait.ge [sflag:s28], $0x2000  }
0x5e: {  	[sflag:s28] =	ssyncset.done $0x0  }
0x5f: {  	s24 =	sadd.s32 $0x5100, s22;
	[sflag:s28] =	ssyncadd.s32 $0xFFFFE000  }
0x60: {  	[spmem:s1] =	stream.indirect.scatter.add.f32 [tilespmem:s23], [sflag:$0x5], $0x40, s24, s19, $0xb8;
	[tilespmem:$0x1BE00] =	vst v63  }
0x61: {  	_ =	swait.ge [sflag:s16], $0x2000  }
0x62: {  	[sflag:s16] =	ssyncset.done $0x0  }
0x63: {  	s24 =	sadd.s32 $0x300, s22;
	[sflag:s16] =	ssyncadd.s32 $0xFFFFE000  }
0x64: {  	[tilespmem:s23], [sflag:$0x3] =	stream.indirect.gather [hbm4b:s2+s19], $0x40, s24, s19, $0xb8;
	[tilespmem:$0x1BE00] =	vst v63  }
0x65: {  	_ =	swait.ge [sflag:s29], $0x2000  }
0x66: {  	[sflag:s29] =	ssyncset.done $0x0  }
.Ltmp0:
0x67: {  	s24 =	sadd.s32 $0x5180, s22;
	[sflag:s29] =	ssyncadd.s32 $0xFFFFE000;
	(pc) =	sbr.rel @p1 .LBB2_3-.Ltmp0, $4  }
0x68: {  	[spmem:s1] =	stream.indirect.scatter.add.f32 [tilespmem:s25], [sflag:$0x5], $0x40, s24, s19, $0xb8;
	[tilespmem:$0x1BE00] =	vst v63  }
0x69: {  	_ =	swait.ge [sflag:s16], $0x2000  }
0x6a: {  	[sflag:s16] =	ssyncset.done $0x0  }
0x6b: {  	s22 =	sadd.s32 $0x380, s22;
	[sflag:s16] =	ssyncadd.s32 $0xFFFFE000  }
0x6c: {  	[tilespmem:s25], [sflag:$0x4] =	stream.indirect.gather [hbm4b:s2+s19], $0x40, s22, s19, $0xb8;
	[tilespmem:$0x1BE00] =	vst v63  }
0x6d: {  	s2 =	simm.s32 $0x1  }
0x6e: {  	_ =	swait.ge [sflag:s2], $0x2000  }
0x6f: {  	[sflag:s2] =	ssyncset.done $0x0  }
0x70: {  	[sflag:s2] =	ssyncadd.s32 $0xFFFFE000  }
0x71: {  	[spmem:s1] =	stream.indirect.scatter.add.f32 [tilespmem:s20], [sflag:$0x5], $0x40, s30, s19, $0xb8;
	[tilespmem:$0x1BE00] =	vst v63  }
0x72: {  	_ =	swait.ge [sflag:s16], $0x2000  }
0x73: {  	[sflag:s16] =	ssyncset.done $0x0  }
0x74: {  	[sflag:s16] =	ssyncadd.s32 $0xFFFFE000  }
0x75: {  	_ =	swait.ge [sflag:s26], $0x2000  }
0x76: {  	[sflag:s26] =	ssyncset.done $0x0  }
0x77: {  	[sflag:s26] =	ssyncadd.s32 $0xFFFFE000  }
0x78: {  	[spmem:s1] =	stream.indirect.scatter.add.f32 [tilespmem:s21], [sflag:$0x5], $0x40, s31, s19, $0xb8;
	[tilespmem:$0x1BE00] =	vst v63  }
0x79: {  	_ =	swait.ge [sflag:s16], $0x2000  }
0x7a: {  	[sflag:s16] =	ssyncset.done $0x0  }
0x7b: {  	[sflag:s16] =	ssyncadd.s32 $0xFFFFE000  }
0x7c: {  	_ =	swait.ge [sflag:s28], $0x2000  }
0x7d: {  	[sflag:s28] =	ssyncset.done $0x0  }
0x7e: {  	[sflag:s28] =	ssyncadd.s32 $0xFFFFE000  }
0x7f: {  	[spmem:s1] =	stream.indirect.scatter.add.f32 [tilespmem:s23], [sflag:$0x5], $0x40, s0, s19, $0xb8;
	[tilespmem:$0x1BE00] =	vst v63  }
0x80: {  	_ =	swait.ge [sflag:s16], $0x2000  }
0x81: {  	[sflag:s16] =	ssyncset.done $0x0  }
0x82: {  	[sflag:s16] =	ssyncadd.s32 $0xFFFFE000  }
0x83: {  	_ =	swait.ge [sflag:s29], $0x2000  }
0x84: {  	[sflag:s29] =	ssyncset.done $0x0  }
0x85: {  	s13 =	smul.u32 $0x2780, s13;
	[sflag:s29] =	ssyncadd.s32 $0xFFFFE000  }
0x86: {  	[spmem:s1] =	stream.indirect.scatter.add.f32 [tilespmem:s25], [sflag:$0x5], $0x40, s3, s19, $0xb8;
	[tilespmem:$0x1BE00] =	vst v63  }
0x87: {  	_ =	swait.ge [sflag:s16], $0x2000  }
0x88: {  	s13 =	sadd.s32 s10, s13;
	[sflag:s16] =	ssyncset.done $0x0  }
0x89: {  	s13 =	sshll.u32 s13, $0x3;
	[sflag:s16] =	ssyncadd.s32 $0xFFFFE000  }
0x8a: {  	s13 =	sadd.s32 s8, s13;
	[bflag:$0x0] =	sbarrier.arrive $0xFFFF  }
0x8b: {  	[hbm:s13], [sflag:s14] =	dma.local [spmem:s15], $0x13C0  }
.Ltmp1:
0x8c: {  	_ =	swait.ge [sflag:s16], $0x13C0;
	(pc) =	sbr.rel @p0 .LBB2_2-.Ltmp1, $4  }
0x8d: {  	[sflag:s16] =	ssyncset.done $0x0  }
0x8e: {  	[sflag:s16] =	ssyncadd.s32 $0xFFFFEC40  }
0x8f: {  	[bflag:$0x0] =	sbarrier.arrive $0xFFFF  }
0x90: {  	p1 =	por $0x0, $0x0  }
0x91: {  	s13 =	rddreg [dreg:$0x3]  }
0x92: {  	s2 =	rddreg [dreg:$0x4];
	s13 =	sadd.s32 $0x1, s13  }
0x93: {  	p0 =	sne.s32 s13, s2  }
.Ltmp2:
0x94: {  	_ = 	snop;
	(pc) =	sbr.rel @p0 .LBB2_1-.Ltmp2, $1  }
0x95: {  	_ =	sdelay $0x3  }
0x96: {  	_ =	sfence.sel $0x180000  }
0x97: {  	[bflag:$0x0] =	sbarrier.arrive $0xFFFF  }
0x98: {  	_ =	strace $0x9000004D  }
0x99: {  	s0 =	stileid.u32;
	[bflag:$0x2] =	sbarrier.arrive $0xFFFF  }
0x9a: {  	p0 =	sne.s32 s0, $0x0;
	s0 =	rddreg [dreg:$0x2]  }
0x9b: {  	s0 =	sadd.s32 @!p0 $0x100000, s0  }
0x9c: {  	[sflag:s0] =	ssyncadd.tile.s32 @!p0 $0x1;
	_ =	shalt  }
.Lfunc_end2:
_tile_overlayer_lowered:
.L_overlay_start_2:
0x9d: {  	(tag) =	ssettag $0x2  }
0x9e: {  	s0 =	rddreg [dreg:$0x0];
	s2 =	stileid.u32  }
0x9f: {  	s1 =	rddreg [dreg:$0x1];
	p0 =	sne.s32 s2, $0x0  }
0xa0: {  	s3 =	rddreg [dreg:$0x2];
	[bflag:$0x3] =	sbarrier.arrive $0xFFFF;
	s2 =	simm.s32 @!p0 $0x1C05  }
0xa1: {  	[timem:s3], [sflag:s2] =	dma.local @!p0 [hbm:s0], s1  }
0xa2: {  	s0 =	simm.s32 @!p0 $0x5  }
0xa3: {  	_ =	swait.ge @!p0 [sflag:s0], s1  }
0xa4: {  	s1 =	ssub.s32 @!p0 $0x0, s1;
	[sflag:s0] =	ssyncset.done @!p0 $0x0  }
0xa5: {  	[sflag:s0] =	ssyncadd.s32 @!p0 s1  }
0xa6: {  	[bflag:$0x3] =	sbarrier.arrive $0xFFFF  }
0xa7: {  	_ =	shalt  }

// kernel: gcn_agg_p2g1.3.cloned.1.call-start
scs
__scs_entry_jumppad:
0x0: {  	(pc) =	sbr.rel $0x88, $3  }
0x1: {  	(tag) =	ssettag $0x0;
	lr =	simm.s32 $0x1  }
0x2: {  	[smem:$0x3F85] =	sst lr;
	_ =	strace $0xD0000000  }
0x3: {  	_ = 	snop  }
0x4: {  	_ = 	snop  }
0x5: {  	_ = 	snop  }
0x6: {  	_ = 	snop  }
0x7: {  	_ = 	snop  }
__scs_overlays_trampoline_lowered:
0x8: {  	[smem:$0x3F94] =	sst s0  }
0x9: {  	[smem:$0x3F95] =	sst s1  }
0xa: {  	[smem:$0x3F96] =	sst s2  }
0xb: {  	[smem:$0x3F97] =	sst s3  }
0xc: {  	[smem:$0x3F98] =	sst s4  }
0xd: {  	[smem:$0x3F99] =	sst s5  }
0xe: {  	[smem:$0x3F9A] =	sst s6  }
0xf: {  	[smem:$0x3F9B] =	sst s7  }
0x10: {  	[smem:$0x3F9C] =	sst s8  }
0x11: {  	[smem:$0x3F9D] =	sst s9;
	s0 =	simm.s32 @!p0 $0x0  }
0x12: {  	s1 =	sld [smem:$0x3F83];
	s0 =	simm.s32 @p0 $0x1  }
0x13: {  	[smem:$0x3F9E] =	sst s0;
	s0 =	simm.s32 @!p1 $0x0  }
0x14: {  	s2 =	sld [smem:$0x3F82];
	s0 =	simm.s32 @p1 $0x1  }
0x15: {  	[smem:$0x3F9F] =	sst s0;
	s0 =	simm.s32 @!p2 $0x0  }
0x16: {  	s3 =	sld [smem:$0x3FDB];
	s0 =	simm.s32 @p2 $0x1  }
0x17: {  	s4 =	simm.s32 $0x1BF5;
	[smem:$0x3FA1] =	sst s0  }
0x18: {  	s0 =	sld [smem:$0x3F84];
	_ =	swait.ge [sflag:s4], $0x0  }
0x19: {  	s7 =	sld [smem:$0x3F85]  }
0x1a: {  	s8 =	sadd.s32 $0xFFFFE003, lr  }
0x1b: {  	s9 =	sadd.s32 $0xFFFFFEF7, lr;
	s5 =	simm.s32 $0xFFFFFFFF;
	p2 =	slt.u32 s8, $0xFFFFF086  }
0x1c: {  	p1 =	slt.u32 s9, $0xF7A;
	s5 =	simm.s32 @!p2 $0x0  }
0x1d: {  	s5 =	simm.s32 @p1 $0x1;
	p0 =	seq.s32 s7, s2  }
0x1e: {  	s7 =	smul.u32 @!p0 $0xF7A, s2;
	p2 =	seq.s32 @!p0 s5, $0x0  }
0x1f: {  	s9 =	smul.u32 $0xF7A, s1;
	s8 =	simm.s32 @!p0 $0x1BF5;
	p2 =	por !p2, p0  }
0x20: {  	[sflag:s8] =	ssyncset.s32 @!p0 $0xFFFFF086;
	s6 =	sadd.s32 @!p0 s3, s7;
	s7 =	simm.s32 @!p0 $0x108  }
0x21: {  	s3 =	sadd.s32 s3, s9;
	s6 =	sadd.s32 @!p0 $0x88, s6;
	s7 =	simm.s32 @p2 $0x1082  }
0x22: {  	[simem:s7], [sflag:s8] =	dma.local @!p0 [hbm:s6], $0xF7A  }
0x23: {  	s9 =	sor.u32 $0xD0000000, s2;
	s6 =	simm.s32 $0x108;
	_ =	swait.ge @!p0 [sflag:s8], $0x0  }
0x24: {  	s3 =	sadd.s32 $0x88, s3;
	s6 =	simm.s32 @!p1 $0x1082;
	[sflag:s4] =	ssyncset.s32 $0xFFFFF086  }
0x25: {  	[simem:s6], [sflag:s4] =	dma.local [hbm:s3], $0xF7A  }
0x26: {  	[smem:$0x3F85] =	sst s1;
	(tag) =	ssettag s2;
	_ =	strace s9  }
0x27: {  	s1 =	sld [smem:$0x3F95]  }
0x28: {  	s2 =	sld [smem:$0x3F96]  }
0x29: {  	s4 =	sld [smem:$0x3F98]  }
0x2a: {  	p0 =	seq.s32 s5, $0x0;
	s5 =	sld [smem:$0x3F99]  }
0x2b: {  	s6 =	sld [smem:$0x3F9A]  }
0x2c: {  	s7 =	sld [smem:$0x3F9B]  }
0x2d: {  	s3 =	simm.s32 $0x108;
	s8 =	sld [smem:$0x3F9C]  }
0x2e: {  	s3 =	simm.s32 @!p0 $0x1082;
	s9 =	sld [smem:$0x3F9D]  }
0x2f: {  	lr =	sadd.s32 s0, s3;
	s0 =	sld [smem:$0x3F94]  }
0x30: {  	s3 =	sld [smem:$0x3F97]  }
0x31: {  	[smem:$0x3FA0] =	sst s10  }
0x32: {  	s10 =	sld [smem:$0x3F9E];
	_ =	sdelay $0x3  }
0x33: {  	p0 =	seq.s32 s10, $0x1;
	s10 =	sld [smem:$0x3FA0];
	_ =	sdelay $0x3  }
0x34: {  	[smem:$0x3FA0] =	sst s10  }
0x35: {  	s10 =	sld [smem:$0x3F9F];
	_ =	sdelay $0x3  }
0x36: {  	p1 =	seq.s32 s10, $0x1;
	s10 =	sld [smem:$0x3FA0];
	_ =	sdelay $0x3  }
0x37: {  	[smem:$0x3FA0] =	sst s10  }
0x38: {  	s10 =	sld [smem:$0x3FA1]  }
0x39: {  	_ = 	snop;
	(pc) =	sbr.ind lr, $3  }
0x3a: {  	_ = 	snop  }
0x3b: {  	_ = 	snop  }
0x3c: {  	p2 =	seq.s32 s10, $0x1;
	s10 =	sld [smem:$0x3FA0]  }
0x3d: {  	_ =	shalt  }
0x3e: {  	_ =	shalt  }
0x3f: {  	_ =	shalt  }
0x40: {  	_ =	shalt  }
0x41: {  	_ =	shalt  }
0x42: {  	_ =	shalt  }
0x43: {  	_ =	shalt  }
0x44: {  	_ =	shalt  }
0x45: {  	_ =	shalt  }
0x46: {  	_ =	shalt  }
0x47: {  	_ =	shalt  }
0x48: {  	_ =	shalt  }
0x49: {  	_ =	shalt  }
0x4a: {  	_ =	shalt  }
0x4b: {  	_ =	shalt  }
0x4c: {  	_ =	shalt  }
0x4d: {  	_ =	shalt  }
0x4e: {  	_ =	shalt  }
0x4f: {  	_ =	shalt  }
0x50: {  	_ =	shalt  }
0x51: {  	_ =	shalt  }
0x52: {  	_ =	shalt  }
0x53: {  	_ =	shalt  }
0x54: {  	_ =	shalt  }
0x55: {  	_ =	shalt  }
0x56: {  	_ =	shalt  }
0x57: {  	_ =	shalt  }
0x58: {  	_ =	shalt  }
0x59: {  	_ =	shalt  }
0x5a: {  	_ =	shalt  }
0x5b: {  	_ =	shalt  }
0x5c: {  	_ =	shalt  }
0x5d: {  	_ =	shalt  }
0x5e: {  	_ =	shalt  }
0x5f: {  	_ =	shalt  }
0x60: {  	_ =	shalt  }
0x61: {  	_ =	shalt  }
0x62: {  	_ =	shalt  }
0x63: {  	_ =	shalt  }
0x64: {  	_ =	shalt  }
0x65: {  	_ =	shalt  }
0x66: {  	_ =	shalt  }
0x67: {  	_ =	shalt  }
0x68: {  	_ =	shalt  }
0x69: {  	_ =	shalt  }
0x6a: {  	_ =	shalt  }
0x6b: {  	_ =	shalt  }
0x6c: {  	_ =	shalt  }
0x6d: {  	_ =	shalt  }
0x6e: {  	_ =	shalt  }
0x6f: {  	_ =	shalt  }
0x70: {  	_ =	shalt  }
0x71: {  	_ =	shalt  }
0x72: {  	_ =	shalt  }
0x73: {  	_ =	shalt  }
0x74: {  	_ =	shalt  }
0x75: {  	_ =	shalt  }
0x76: {  	_ =	shalt  }
0x77: {  	_ =	shalt  }
0x78: {  	_ =	shalt  }
0x79: {  	_ =	shalt  }
0x7a: {  	_ =	shalt  }
0x7b: {  	_ =	shalt  }
0x7c: {  	_ =	shalt  }
0x7d: {  	_ =	shalt  }
0x7e: {  	_ =	shalt  }
0x7f: {  	_ =	shalt  }
0x80: {  	_ =	shalt  }
0x81: {  	_ =	shalt  }
0x82: {  	_ =	shalt  }
0x83: {  	_ =	shalt  }
0x84: {  	_ =	shalt  }
0x85: {  	_ =	shalt  }
0x86: {  	_ =	shalt  }
0x87: {  	_ =	shalt  }
.Lfunc_end0:
.L_simem_size_0:
called_computation.2_lowered:
.L_overlay_start_0:
0x88: {  	s2 =	sld [smem:$0x3FD9]  }
0x89: {  	s3 =	sld [smem:$0x3FFE];
	_ =	sdelay $0x1  }
0x8a: {  	s1 =	srdreg.scid  }
0x8b: {  	s0 =	sand.u32 $0x1, s1  }
0x8c: {  	s16 =	sshll.u32 s0, $0xA;
	s2 =	sadd.s32 s3, s2  }
0x8d: {  	s2 =	sadd.s32 s2, s16  }
0x8e: {  	[smem:$0x3FAC] =	sst s2  }
0x8f: {  	_ = 	snop  }
0x90: {  	(tm) =	ssettm $0x1  }
0x91: {  	s17 =	sld [smem:$0x3FFB];
	_ =	sdelay $0x3  }
0x92: {  	_ =	strace s17  }
0x93: {  	s2 =	sld [smem:$0x3FFC];
	_ =	sdelay $0x3  }
0x94: {  	_ =	strace s2  }
0x95: {  	s2 =	sld [smem:$0x3FFD];
	_ =	sdelay $0x3  }
0x96: {  	_ =	strace s2  }
0x97: {  	_ =	strace $0x8FFFFFFF  }
0x98: {  	s18 =	sld [smem:$0x3FDB];
	_ =	sdelay $0x1  }
0x99: {  	s19 =	simm.s32 $_scs_section_size  }
0x9a: {  	s4 =	simm.s32 $_size__tile_overlayer_lowered;
	s5 =	simm.s32 $_tile_overlayer_lowered  }
0x9b: {  	s22 =	simm.s32 $0x1BFF;
	s21 =	sshll.u32 s5, $0x1;
	s2 =	sadd.s32 s19, s18  }
0x9c: {  	s6 =	simm.s32 $0x0;
	s20 =	sshll.u32 s4, $0x1;
	s4 =	sadd.s32 s21, s2  }
0x9d: {  	[timem:s6], [sflag:s22] =	dma.local [hbm:s4], s20  }
0x9e: {  	_ =	swait.ge [sflag:s22], s20  }
0x9f: {  	s3 =	ssub.s32 $0x0, s20;
	[sflag:s22] =	ssyncset.done $0x0  }
0xa0: {  	[sflag:s22] =	ssyncadd.s32 s3;
	_ =	sdelay $0x1  }
0xa1: {  	s23 =	simm.s32 $0x1B8B  }
0xa2: {  	_ =	swait.ge [sflag:s23], $0x1  }
0xa3: {  	[sflag:s23] =	ssyncset.done $0x0  }
0xa4: {  	s25 =	simm.s32 $0x1B8E;
	s24 =	sld [smem:$0x3FFE];
	[sflag:s23] =	ssyncadd.s32 $0xFFFFFFFF  }
0xa5: {  	s26 =	simm.s32 $execute0_lowered;
	[smem:$0x3FD2] =	sst s25  }
0xa6: {  	s4 =	sshll.u32 s26, $0x1;
	_ =	strace $0x80000049;
	[dreg:$0x1] =	wrdreg $0xFFFFFFFF  }
0xa7: {  	s28 =	simm.s32 $_size_execute0_lowered;
	s2 =	sadd.s32 s2, s4;
	[dreg:$0x0] =	wrdreg $0x0  }
0xa8: {  	s4 =	sshll.u32 s28, $0x1;
	[dreg:$0x2] =	wrdreg s2  }
0xa9: {  	[dreg:$0x3] =	wrdreg s4  }
0xaa: {  	[dreg:$0x4] =	wrdreg $0xC0  }
0xab: {  	_ =	task [dreg:s6], $0x5FFFF  }
0xac: {  	[dreg:$0x1] =	wrdreg $0xFFFFFFFF  }
0xad: {  	[dreg:$0x0] =	wrdreg $0x60  }
0xae: {  	[dreg:$0x2] =	wrdreg s24  }
0xaf: {  	[dreg:$0x3] =	wrdreg $0x120000  }
0xb0: {  	[dreg:$0x4] =	wrdreg $0xA  }
0xb1: {  	_ =	task.clear_ibuf [dreg:s6], $0x5FFFF;
	_ =	strace $0x90000049  }
0xb2: {  	s29 =	simm.s32 $0xA;
	_ =	strace $0x8000004B  }
0xb3: {  	_ =	swait.ge [sflag:s29], $0x1  }
0xb4: {  	[sflag:s29] =	ssyncadd.s32 $0xFFFFFFFF  }
0xb5: {  	_ =	strace $0x9000004B  }
0xb6: {  	_ =	sfence  }
0xb7: {  	s30 =	sld [smem:$0x0];
	_ =	sdelay $0x2  }
0xb8: {  	s31 =	sshll.u32 s1, $0xD;
	s1 =	sshrl.u32 s1, $0x2  }
0xb9: {  	s3 =	sand.u32 $0x4000, s31;
	s1 =	sadd.s32 s1, s30  }
0xba: {  	s0 =	sor.u32 s3, s0;
	s1 =	sshll.u32 s1, $0x11  }
0xbb: {  	s0 =	sor.u32 s1, s0  }
0xbc: {  	s0 =	sadd.s32 $0x8F2B, s0  }
0xbd: {  	[sflag:s0] =	ssyncadd.remote.s32 $0x1  }
0xbe: {  	_ =	sfence.sel $0xFFFF  }
0xbf: {  	[dreg:$0x0] =	wrdreg $0xFFFFFFFF;
	(pc) =	sbr.abs _section_cstart, $3  }
0xc0: {  	[dreg:$0x1] =	wrdreg $0xFFFFFFFF  }
0xc1: {  	_ =	task.clear_ibuf [dreg:s6], $0x2FFFF;
	_ =	strace $0x9FFFFFFF  }
0xc2: {  	(tm) =	ssettm $0x7FFFFFFF  }
0xc3: {  	_ =	shalt  }
tec
execute0_lowered:
.L_overlay_start_1:
0x0: {  	(tag) =	ssettag $0x1  }
0x1: {  	s0 =	rddreg [dreg:$0x0]  }
0x2: {  	s1 =	rddreg [dreg:$0x1]  }
0x3: {  	s18 =	simm.s32 $0x0;
	s2 =	srdreg.scid;
	s12 =	stileid.u32  }
0x4: {  	s16 =	simm.s32 $0x5;
	s17 =	simm.s32 $0x1;
	s19 =	simm.s32 $0x80  }
0x5: {  	s20 =	simm.s32 $0xA000;
	s21 =	simm.s32 $0xC000;
	s23 =	simm.s32 $0xE000  }
0x6: {  	s28 =	simm.s32 $0x3;
	s29 =	simm.s32 $0x4;
	s30 =	simm.s32 $0x9E00  }
0x7: {  	s31 =	simm.s32 $0x9E80;
	[smem:$0x7FF] =	sst s18;
	s4 =	sadd.s32 $0x191200, s0  }
0x8: {  	s5 =	sadd.s32 $0x2D200, s0;
	s6 =	sand.u32 $0x1, s2;
	s8 =	smul.u32 $0x278, s12  }
0x9: {  	s7 =	sadd.s32 $0x5200, s0;
	s9 =	sadd.s32 $0x55200, s0;
	s3 =	smul.u32 $0x9E00, s12  }
0xa: {  	s25 =	smul.u32 $0xA0, s12;
	s26 =	sshll.u32 s12, $0x6;
	_ =	strace $0x8000004A  }
0xb: {  	s2 =	ssub.s32 $0x2, s6;
	s10 =	sshll.u32 s6, $0x1;
	s14 =	sor.u32 $0x1C05, s26  }
0xc: {  	s26 =	simm.s32 $0x2;
	s24 =	sshrl.u32 s2, $0x1;
	s13 =	sadd.s32 s3, s1  }
0xd: {  	s11 =	sshrl.u32 s3, $0x3;
	s12 =	sadd.s32 $0x1400, s25;
	s0 =	ssub.s32 s2, s24  }
0xe: {  	s25 =	simm.s32 $0x10000;
	s3 =	simm.s32 $0x9F80;
	s0 =	smax.u32 s0, $0x1  }
0xf: {  	s15 =	sshrl.u32 s13, $0x3;
	[dreg:$0x4] =	wrdreg s0;
	s0 =	simm.s32 $0x9F00  }
.LBB2_1:
0x10: {  	[dreg:$0x3] =	wrdreg s18;
	p1 =	por $0x1, $0x1;
	s2 =	simm.s32 $0x0  }
.LBB2_2:
0x11: {  	s13 =	sor.u32 s10, s2;
	s24 =	sand.u32 $0x1, s2  }
0x12: {  	s18 =	smul.u32 $0x9E000, s13;
	p0 =	seq.s32 s13, $0x0;
	p2 =	seq.s32 s24, $0x1  }
0x13: {  	p0 =	por !p0, !p2  }
0x14: {  	s22 =	sshrl.u32 s18, $0x3;
	p0 =	por !p0, !p0;
	s18 =	simm.s32 $0x1  }
0x15: {  	s2 =	sadd.s32 s4, s22;
	s18 =	simm.s32 @!p0 $0x0  }
0x16: {  	s2 =	sadd.s32 $0x4F000, s2;
	s18 =	ssub.s32 s6, s18  }
0x17: {  	s22 =	sadd.s32 s11, s2;
	s18 =	smul.u32 $0xA00, s18  }
0x18: {  	[spmem:s15], [sflag:s14] =	dma.local [hbm:s22], $0x13C0  }
0x19: {  	s18 =	sadd.s32 s18, s12  }
0x1a: {  	_ =	swait.ge [sflag:s16], $0x13C0;
	s18 =	sshll.u32 s18, $0x4  }
0x1b: {  	[sflag:s16] =	ssyncset.done $0x0;
	s18 =	sand.u32 $0x1FFFFE00, s18  }
0x1c: {  	s24 =	simm.s32 $0x0;
	[sflag:s16] =	ssyncadd.s32 $0xFFFFEC40;
	s22 =	sadd.s32 s5, s18  }
0x1d: {  	[tilespmem:s24], [sflag:$0x5] =	stream.linear.gather [hbm4b:s22+s24], $0x5000, $0x38;
	[tilespmem:$0x1BE00] =	vst v63  }
0x1e: {  	_ =	swait.ge [sflag:s16], $0x5000  }
0x1f: {  	[sflag:s16] =	ssyncset.done $0x0  }
0x20: {  	s18 =	sadd.s32 s7, s18;
	s22 =	simm.s32 $0x5000;
	[sflag:s16] =	ssyncadd.s32 $0xFFFFB000  }
0x21: {  	[tilespmem:s22], [sflag:$0x5] =	stream.linear.gather [hbm4b:s18+s24], $0x5000, $0x38;
	[tilespmem:$0x1BE00] =	vst v63  }
0x22: {  	_ =	swait.ge [sflag:s16], $0x5000  }
0x23: {  	[sflag:s16] =	ssyncset.done $0x0  }
0x24: {  	[sflag:s16] =	ssyncadd.s32 $0xFFFFB000  }
0x25: {  	[tilespmem:s20], [sflag:$0x1] =	stream.indirect.gather [hbm4b:s2+s19], $0x40, s24, s19, $0xb8;
	[tilespmem:$0x1BE00] =	vst v63  }
0x26: {  	_ = 	snop  }
0x27: {  	[tilespmem:s21], [sflag:$0x2] =	stream.indirect.gather [hbm4b:s2+s19], $0x40, s19, s19, $0xb8;
	[tilespmem:$0x1BE00] =	vst v63  }
0x28: {  	s24 =	simm.s32 $0x100  }
0x29: {  	[tilespmem:s23], [sflag:$0x3] =	stream.indirect.gather [hbm4b:s2+s19], $0x40, s24, s19, $0xb8;
	[tilespmem:$0x1BE00] =	vst v63  }
0x2a: {  	s22 =	simm.s32 $0x180  }
0x2b: {  	[tilespmem:s25], [sflag:$0x4] =	stream.indirect.gather [hbm4b:s2+s19], $0x40, s22, s19, $0xb8;
	[tilespmem:$0x1BE00] =	vst v63  }
0x2c: {  	[bflag:$0x0] =	sbarrier.arrive $0xFFFF  }
0x2d: {  	_ =	swait.ge [sflag:s17], $0x2000  }
0x2e: {  	[sflag:s17] =	ssyncset.done $0x0  }
0x2f: {  	s24 =	simm.s32 $0x5000;
	[sflag:s17] =	ssyncadd.s32 $0xFFFFE000  }
0x30: {  	[spmem:s1] =	stream.indirect.scatter.add.f32 [tilespmem:s20], [sflag:$0x5], $0x40, s24, s19, $0xb8;
	[tilespmem:$0x1BE00] =	vst v63  }
0x31: {  	_ =	swait.ge [sflag:s16], $0x2000  }
0x32: {  	[sflag:s16] =	ssyncset.done $0x0  }
0x33: {  	s22 =	simm.s32 $0x200;
	[sflag:s16] =	ssyncadd.s32 $0xFFFFE000  }
0x34: {  	[tilespmem:s20], [sflag:$0x1] =	stream.indirect.gather [hbm4b:s2+s19], $0x40, s22, s19, $0xb8;
	[tilespmem:$0x1BE00] =	vst v63  }
0x35: {  	_ =	swait.ge [sflag:s26], $0x2000  }
0x36: {  	[sflag:s26] =	ssyncset.done $0x0  }
0x37: {  	s24 =	simm.s32 $0x5080;
	[sflag:s26] =	ssyncadd.s32 $0xFFFFE000  }
0x38: {  	[spmem:s1] =	stream.indirect.scatter.add.f32 [tilespmem:s21], [sflag:$0x5], $0x40, s24, s19, $0xb8;
	[tilespmem:$0x1BE00] =	vst v63  }
0x39: {  	_ =	swait.ge [sflag:s16], $0x2000  }
0x3a: {  	[sflag:s16] =	ssyncset.done $0x0  }
0x3b: {  	s22 =	simm.s32 $0x280;
	[sflag:s16] =	ssyncadd.s32 $0xFFFFE000  }
0x3c: {  	[tilespmem:s21], [sflag:$0x2] =	stream.indirect.gather [hbm4b:s2+s19], $0x40, s22, s19, $0xb8;
	[tilespmem:$0x1BE00] =	vst v63  }
0x3d: {  	_ =	swait.ge [sflag:s28], $0x2000  }
0x3e: {  	[sflag:s28] =	ssyncset.done $0x0  }
0x3f: {  	s24 =	simm.s32 $0x5100;
	[sflag:s28] =	ssyncadd.s32 $0xFFFFE000  }
0x40: {  	[spmem:s1] =	stream.indirect.scatter.add.f32 [tilespmem:s23], [sflag:$0x5], $0x40, s24, s19, $0xb8;
	[tilespmem:$0x1BE00] =	vst v63  }
0x41: {  	_ =	swait.ge [sflag:s16], $0x2000  }
0x42: {  	[sflag:s16] =	ssyncset.done $0x0  }
0x43: {  	s22 =	simm.s32 $0x300;
	[sflag:s16] =	ssyncadd.s32 $0xFFFFE000  }
0x44: {  	[tilespmem:s23], [sflag:$0x3] =	stream.indirect.gather [hbm4b:s2+s19], $0x40, s22, s19, $0xb8;
	[tilespmem:$0x1BE00] =	vst v63  }
0x45: {  	_ =	swait.ge [sflag:s29], $0x2000  }
0x46: {  	[sflag:s29] =	ssyncset.done $0x0  }
0x47: {  	s24 =	simm.s32 $0x5180;
	[sflag:s29] =	ssyncadd.s32 $0xFFFFE000  }
0x48: {  	[spmem:s1] =	stream.indirect.scatter.add.f32 [tilespmem:s25], [sflag:$0x5], $0x40, s24, s19, $0xb8;
	[tilespmem:$0x1BE00] =	vst v63  }
0x49: {  	_ =	swait.ge [sflag:s16], $0x2000  }
0x4a: {  	p0 =	por p1, p1;
	[sflag:s16] =	ssyncset.done $0x0  }
0x4b: {  	s18 =	simm.s32 $0x800;
	s22 =	simm.s32 $0x380;
	[sflag:s16] =	ssyncadd.s32 $0xFFFFE000  }
.LBB2_3:
0x4c: {  	[tilespmem:s25], [sflag:$0x4] =	stream.indirect.gather [hbm4b:s2+s19], $0x40, s22, s19, $0xb8;
	[tilespmem:$0x1BE00] =	vst v63  }
0x4d: {  	s22 =	smov.u32 s18  }
0x4e: {  	p1 =	sne.s32 s18, $0x13000;
	s18 =	sadd.s32 $0x800, s18;
	_ =	swait.ge [sflag:s17], $0x2000  }
0x4f: {  	s22 =	sshra.s32 s22, $0x2;
	[sflag:s17] =	ssyncset.done $0x0  }
0x50: {  	s24 =	sadd.s32 $0x5000, s22;
	[sflag:s17] =	ssyncadd.s32 $0xFFFFE000  }
0x51: {  	[spmem:s1] =	stream.indirect.scatter.add.f32 [tilespmem:s20], [sflag:$0x5], $0x40, s24, s19, $0xb8;
	[tilespmem:$0x1BE00] =	vst v63  }
0x52: {  	_ =	swait.ge [sflag:s16], $0x2000  }
0x53: {  	[sflag:s16] =	ssyncset.done $0x0  }
0x54: {  	s24 =	sadd.s32 $0x200, s22;
	[sflag:s16] =	ssyncadd.s32 $0xFFFFE000  }
0x55: {  	[tilespmem:s20], [sflag:$0x1] =	stream.indirect.gather [hbm4b:s2+s19], $0x40, s24, s19, $0xb8;
	[tilespmem:$0x1BE00] =	vst v63  }
0x56: {  	_ =	swait.ge [sflag:s26], $0x2000  }
0x57: {  	[sflag:s26] =	ssyncset.done $0x0  }
0x58: {  	s24 =	sadd.s32 $0x5080, s22;
	[sflag:s26] =	ssyncadd.s32 $0xFFFFE000  }
0x59: {  	[spmem:s1] =	stream.indirect.scatter.add.f32 [tilespmem:s21], [sflag:$0x5], $0x40, s24, s19, $0xb8;
	[tilespmem:$0x1BE00] =	vst v63  }
0x5a: {  	_ =	swait.ge [sflag:s16], $0x2000  }
0x5b: {  	[sflag:s16] =	ssyncset.done $0x0  }
0x5c: {  	s24 =	sadd.s32 $0x280, s22;
	[sflag:s16] =	ssyncadd.s32 $0xFFFFE000  }
0x5d: {  	[tilespmem:s21], [sflag:$0x2] =	stream.indirect.gather [hbm4b:s2+s19], $0x40, s24, s19, $0xb8;
	[tilespmem:$0x1BE00] =	vst v63  }
0x5e: {  	_ =	swait.ge [sflag:s28], $0x2000  }
0x5f: {  	[sflag:s28] =	ssyncset.done $0x0  }
0x60: {  	s24 =	sadd.s32 $0x5100, s22;
	[sflag:s28] =	ssyncadd.s32 $0xFFFFE000  }
0x61: {  	[spmem:s1] =	stream.indirect.scatter.add.f32 [tilespmem:s23], [sflag:$0x5], $0x40, s24, s19, $0xb8;
	[tilespmem:$0x1BE00] =	vst v63  }
0x62: {  	_ =	swait.ge [sflag:s16], $0x2000  }
0x63: {  	[sflag:s16] =	ssyncset.done $0x0  }
0x64: {  	s24 =	sadd.s32 $0x300, s22;
	[sflag:s16] =	ssyncadd.s32 $0xFFFFE000  }
0x65: {  	[tilespmem:s23], [sflag:$0x3] =	stream.indirect.gather [hbm4b:s2+s19], $0x40, s24, s19, $0xb8;
	[tilespmem:$0x1BE00] =	vst v63  }
0x66: {  	_ =	swait.ge [sflag:s29], $0x2000  }
0x67: {  	[sflag:s29] =	ssyncset.done $0x0  }
.Ltmp0:
0x68: {  	s24 =	sadd.s32 $0x5180, s22;
	[sflag:s29] =	ssyncadd.s32 $0xFFFFE000;
	(pc) =	sbr.rel @p1 .LBB2_3-.Ltmp0, $4  }
0x69: {  	[spmem:s1] =	stream.indirect.scatter.add.f32 [tilespmem:s25], [sflag:$0x5], $0x40, s24, s19, $0xb8;
	[tilespmem:$0x1BE00] =	vst v63  }
0x6a: {  	_ =	swait.ge [sflag:s16], $0x2000  }
0x6b: {  	[sflag:s16] =	ssyncset.done $0x0  }
0x6c: {  	s22 =	sadd.s32 $0x380, s22;
	[sflag:s16] =	ssyncadd.s32 $0xFFFFE000  }
0x6d: {  	[tilespmem:s25], [sflag:$0x4] =	stream.indirect.gather [hbm4b:s2+s19], $0x40, s22, s19, $0xb8;
	[tilespmem:$0x1BE00] =	vst v63  }
0x6e: {  	s2 =	simm.s32 $0x1  }
0x6f: {  	_ =	swait.ge [sflag:s2], $0x2000  }
0x70: {  	[sflag:s2] =	ssyncset.done $0x0  }
0x71: {  	[sflag:s2] =	ssyncadd.s32 $0xFFFFE000  }
0x72: {  	[spmem:s1] =	stream.indirect.scatter.add.f32 [tilespmem:s20], [sflag:$0x5], $0x40, s30, s19, $0xb8;
	[tilespmem:$0x1BE00] =	vst v63  }
0x73: {  	_ =	swait.ge [sflag:s16], $0x2000  }
0x74: {  	[sflag:s16] =	ssyncset.done $0x0  }
0x75: {  	[sflag:s16] =	ssyncadd.s32 $0xFFFFE000  }
0x76: {  	_ =	swait.ge [sflag:s26], $0x2000  }
0x77: {  	[sflag:s26] =	ssyncset.done $0x0  }
0x78: {  	[sflag:s26] =	ssyncadd.s32 $0xFFFFE000  }
0x79: {  	[spmem:s1] =	stream.indirect.scatter.add.f32 [tilespmem:s21], [sflag:$0x5], $0x40, s31, s19, $0xb8;
	[tilespmem:$0x1BE00] =	vst v63  }
0x7a: {  	_ =	swait.ge [sflag:s16], $0x2000  }
0x7b: {  	[sflag:s16] =	ssyncset.done $0x0  }
0x7c: {  	[sflag:s16] =	ssyncadd.s32 $0xFFFFE000  }
0x7d: {  	_ =	swait.ge [sflag:s28], $0x2000  }
0x7e: {  	[sflag:s28] =	ssyncset.done $0x0  }
0x7f: {  	[sflag:s28] =	ssyncadd.s32 $0xFFFFE000  }
0x80: {  	[spmem:s1] =	stream.indirect.scatter.add.f32 [tilespmem:s23], [sflag:$0x5], $0x40, s0, s19, $0xb8;
	[tilespmem:$0x1BE00] =	vst v63  }
0x81: {  	_ =	swait.ge [sflag:s16], $0x2000  }
0x82: {  	[sflag:s16] =	ssyncset.done $0x0  }
0x83: {  	[sflag:s16] =	ssyncadd.s32 $0xFFFFE000  }
0x84: {  	_ =	swait.ge [sflag:s29], $0x2000  }
0x85: {  	[sflag:s29] =	ssyncset.done $0x0  }
0x86: {  	s13 =	smul.u32 $0x2780, s13;
	[sflag:s29] =	ssyncadd.s32 $0xFFFFE000  }
0x87: {  	[spmem:s1] =	stream.indirect.scatter.add.f32 [tilespmem:s25], [sflag:$0x5], $0x40, s3, s19, $0xb8;
	[tilespmem:$0x1BE00] =	vst v63  }
0x88: {  	_ =	swait.ge [sflag:s16], $0x2000  }
0x89: {  	s13 =	sadd.s32 s8, s13;
	[sflag:s16] =	ssyncset.done $0x0  }
0x8a: {  	s13 =	sshll.u32 s13, $0x3;
	[sflag:s16] =	ssyncadd.s32 $0xFFFFE000  }
0x8b: {  	s13 =	sadd.s32 s9, s13;
	[bflag:$0x0] =	sbarrier.arrive $0xFFFF  }
0x8c: {  	[hbm:s13], [sflag:s14] =	dma.local [spmem:s15], $0x13C0  }
.Ltmp1:
0x8d: {  	_ =	swait.ge [sflag:s16], $0x13C0;
	(pc) =	sbr.rel @p0 .LBB2_2-.Ltmp1, $4  }
0x8e: {  	[sflag:s16] =	ssyncset.done $0x0  }
0x8f: {  	[sflag:s16] =	ssyncadd.s32 $0xFFFFEC40  }
0x90: {  	[bflag:$0x0] =	sbarrier.arrive $0xFFFF  }
0x91: {  	p1 =	por $0x0, $0x0  }
0x92: {  	s18 =	rddreg [dreg:$0x3]  }
0x93: {  	s2 =	rddreg [dreg:$0x4];
	s18 =	sadd.s32 $0x1, s18  }
0x94: {  	p0 =	sne.s32 s18, s2  }
.Ltmp2:
0x95: {  	_ = 	snop;
	(pc) =	sbr.rel @p0 .LBB2_1-.Ltmp2, $1  }
0x96: {  	_ =	sdelay $0x3  }
0x97: {  	_ =	sfence.sel $0x180000  }
0x98: {  	[bflag:$0x0] =	sbarrier.arrive $0xFFFF  }
0x99: {  	_ =	strace $0x9000004A  }
0x9a: {  	s0 =	stileid.u32;
	[bflag:$0x2] =	sbarrier.arrive $0xFFFF  }
0x9b: {  	p0 =	sne.s32 s0, $0x0;
	s0 =	rddreg [dreg:$0x2]  }
0x9c: {  	s0 =	sadd.s32 @!p0 $0x100000, s0  }
0x9d: {  	[sflag:s0] =	ssyncadd.tile.s32 @!p0 $0x1;
	_ =	shalt  }
.Lfunc_end2:
_tile_overlayer_lowered:
.L_overlay_start_2:
0x9e: {  	(tag) =	ssettag $0x2  }
0x9f: {  	s0 =	rddreg [dreg:$0x0];
	s2 =	stileid.u32  }
0xa0: {  	s1 =	rddreg [dreg:$0x1];
	p0 =	sne.s32 s2, $0x0  }
0xa1: {  	s3 =	rddreg [dreg:$0x2];
	[bflag:$0x3] =	sbarrier.arrive $0xFFFF;
	s2 =	simm.s32 @!p0 $0x1C05  }
0xa2: {  	[timem:s3], [sflag:s2] =	dma.local @!p0 [hbm:s0], s1  }
0xa3: {  	s0 =	simm.s32 @!p0 $0x5  }
0xa4: {  	_ =	swait.ge @!p0 [sflag:s0], s1  }
0xa5: {  	s1 =	ssub.s32 @!p0 $0x0, s1;
	[sflag:s0] =	ssyncset.done @!p0 $0x0  }
0xa6: {  	[sflag:s0] =	ssyncadd.s32 @!p0 s1  }
0xa7: {  	[bflag:$0x3] =	sbarrier.arrive $0xFFFF  }
0xa8: {  	_ =	shalt  }

// kernel: gcn_deg.3.cloned.1.call-start
scs
__scs_entry_jumppad:
0x0: {  	(pc) =	sbr.rel $0x88, $3  }
0x1: {  	(tag) =	ssettag $0x0;
	lr =	simm.s32 $0x1  }
0x2: {  	[smem:$0x3F85] =	sst lr;
	_ =	strace $0xD0000000  }
0x3: {  	_ = 	snop  }
0x4: {  	_ = 	snop  }
0x5: {  	_ = 	snop  }
0x6: {  	_ = 	snop  }
0x7: {  	_ = 	snop  }
__scs_overlays_trampoline_lowered:
0x8: {  	[smem:$0x3F94] =	sst s0  }
0x9: {  	[smem:$0x3F95] =	sst s1  }
0xa: {  	[smem:$0x3F96] =	sst s2  }
0xb: {  	[smem:$0x3F97] =	sst s3  }
0xc: {  	[smem:$0x3F98] =	sst s4  }
0xd: {  	[smem:$0x3F99] =	sst s5  }
0xe: {  	[smem:$0x3F9A] =	sst s6  }
0xf: {  	[smem:$0x3F9B] =	sst s7  }
0x10: {  	[smem:$0x3F9C] =	sst s8  }
0x11: {  	[smem:$0x3F9D] =	sst s9;
	s0 =	simm.s32 @!p0 $0x0  }
0x12: {  	s1 =	sld [smem:$0x3F83];
	s0 =	simm.s32 @p0 $0x1  }
0x13: {  	[smem:$0x3F9E] =	sst s0;
	s0 =	simm.s32 @!p1 $0x0  }
0x14: {  	s2 =	sld [smem:$0x3F82];
	s0 =	simm.s32 @p1 $0x1  }
0x15: {  	[smem:$0x3F9F] =	sst s0;
	s0 =	simm.s32 @!p2 $0x0  }
0x16: {  	s3 =	sld [smem:$0x3FDB];
	s0 =	simm.s32 @p2 $0x1  }
0x17: {  	s4 =	simm.s32 $0x1BF5;
	[smem:$0x3FA1] =	sst s0  }
0x18: {  	s0 =	sld [smem:$0x3F84];
	_ =	swait.ge [sflag:s4], $0x0  }
0x19: {  	s7 =	sld [smem:$0x3F85]  }
0x1a: {  	s8 =	sadd.s32 $0xFFFFE003, lr  }
0x1b: {  	s9 =	sadd.s32 $0xFFFFFEF7, lr;
	s5 =	simm.s32 $0xFFFFFFFF;
	p2 =	slt.u32 s8, $0xFFFFF086  }
0x1c: {  	p1 =	slt.u32 s9, $0xF7A;
	s5 =	simm.s32 @!p2 $0x0  }
0x1d: {  	s5 =	simm.s32 @p1 $0x1;
	p0 =	seq.s32 s7, s2  }
0x1e: {  	s7 =	smul.u32 @!p0 $0xF7A, s2;
	p2 =	seq.s32 @!p0 s5, $0x0  }
0x1f: {  	s9 =	smul.u32 $0xF7A, s1;
	s8 =	simm.s32 @!p0 $0x1BF5;
	p2 =	por !p2, p0  }
0x20: {  	[sflag:s8] =	ssyncset.s32 @!p0 $0xFFFFF086;
	s6 =	sadd.s32 @!p0 s3, s7;
	s7 =	simm.s32 @!p0 $0x108  }
0x21: {  	s3 =	sadd.s32 s3, s9;
	s6 =	sadd.s32 @!p0 $0x88, s6;
	s7 =	simm.s32 @p2 $0x1082  }
0x22: {  	[simem:s7], [sflag:s8] =	dma.local @!p0 [hbm:s6], $0xF7A  }
0x23: {  	s9 =	sor.u32 $0xD0000000, s2;
	s6 =	simm.s32 $0x108;
	_ =	swait.ge @!p0 [sflag:s8], $0x0  }
0x24: {  	s3 =	sadd.s32 $0x88, s3;
	s6 =	simm.s32 @!p1 $0x1082;
	[sflag:s4] =	ssyncset.s32 $0xFFFFF086  }
0x25: {  	[simem:s6], [sflag:s4] =	dma.local [hbm:s3], $0xF7A  }
0x26: {  	[smem:$0x3F85] =	sst s1;
	(tag) =	ssettag s2;
	_ =	strace s9  }
0x27: {  	s1 =	sld [smem:$0x3F95]  }
0x28: {  	s2 =	sld [smem:$0x3F96]  }
0x29: {  	s4 =	sld [smem:$0x3F98]  }
0x2a: {  	p0 =	seq.s32 s5, $0x0;
	s5 =	sld [smem:$0x3F99]  }
0x2b: {  	s6 =	sld [smem:$0x3F9A]  }
0x2c: {  	s7 =	sld [smem:$0x3F9B]  }
0x2d: {  	s3 =	simm.s32 $0x108;
	s8 =	sld [smem:$0x3F9C]  }
0x2e: {  	s3 =	simm.s32 @!p0 $0x1082;
	s9 =	sld [smem:$0x3F9D]  }
0x2f: {  	lr =	sadd.s32 s0, s3;
	s0 =	sld [smem:$0x3F94]  }
0x30: {  	s3 =	sld [smem:$0x3F97]  }
0x31: {  	[smem:$0x3FA0] =	sst s10  }
0x32: {  	s10 =	sld [smem:$0x3F9E];
	_ =	sdelay $0x3  }
0x33: {  	p0 =	seq.s32 s10, $0x1;
	s10 =	sld [smem:$0x3FA0];
	_ =	sdelay $0x3  }
0x34: {  	[smem:$0x3FA0] =	sst s10  }
0x35: {  	s10 =	sld [smem:$0x3F9F];
	_ =	sdelay $0x3  }
0x36: {  	p1 =	seq.s32 s10, $0x1;
	s10 =	sld [smem:$0x3FA0];
	_ =	sdelay $0x3  }
0x37: {  	[smem:$0x3FA0] =	sst s10  }
0x38: {  	s10 =	sld [smem:$0x3FA1]  }
0x39: {  	_ = 	snop;
	(pc) =	sbr.ind lr, $3  }
0x3a: {  	_ = 	snop  }
0x3b: {  	_ = 	snop  }
0x3c: {  	p2 =	seq.s32 s10, $0x1;
	s10 =	sld [smem:$0x3FA0]  }
0x3d: {  	_ =	shalt  }
0x3e: {  	_ =	shalt  }
0x3f: {  	_ =	shalt  }
0x40: {  	_ =	shalt  }
0x41: {  	_ =	shalt  }
0x42: {  	_ =	shalt  }
0x43: {  	_ =	shalt  }
0x44: {  	_ =	shalt  }
0x45: {  	_ =	shalt  }
0x46: {  	_ =	shalt  }
0x47: {  	_ =	shalt  }
0x48: {  	_ =	shalt  }
0x49: {  	_ =	shalt  }
0x4a: {  	_ =	shalt  }
0x4b: {  	_ =	shalt  }
0x4c: {  	_ =	shalt  }
0x4d: {  	_ =	shalt  }
0x4e: {  	_ =	shalt  }
0x4f: {  	_ =	shalt  }
0x50: {  	_ =	shalt  }
0x51: {  	_ =	shalt  }
0x52: {  	_ =	shalt  }
0x53: {  	_ =	shalt  }
0x54: {  	_ =	shalt  }
0x55: {  	_ =	shalt  }
0x56: {  	_ =	shalt  }
0x57: {  	_ =	shalt  }
0x58: {  	_ =	shalt  }
0x59: {  	_ =	shalt  }
0x5a: {  	_ =	shalt  }
0x5b: {  	_ =	shalt  }
0x5c: {  	_ =	shalt  }
0x5d: {  	_ =	shalt  }
0x5e: {  	_ =	shalt  }
0x5f: {  	_ =	shalt  }
0x60: {  	_ =	shalt  }
0x61: {  	_ =	shalt  }
0x62: {  	_ =	shalt  }
0x63: {  	_ =	shalt  }
0x64: {  	_ =	shalt  }
0x65: {  	_ =	shalt  }
0x66: {  	_ =	shalt  }
0x67: {  	_ =	shalt  }
0x68: {  	_ =	shalt  }
0x69: {  	_ =	shalt  }
0x6a: {  	_ =	shalt  }
0x6b: {  	_ =	shalt  }
0x6c: {  	_ =	shalt  }
0x6d: {  	_ =	shalt  }
0x6e: {  	_ =	shalt  }
0x6f: {  	_ =	shalt  }
0x70: {  	_ =	shalt  }
0x71: {  	_ =	shalt  }
0x72: {  	_ =	shalt  }
0x73: {  	_ =	shalt  }
0x74: {  	_ =	shalt  }
0x75: {  	_ =	shalt  }
0x76: {  	_ =	shalt  }
0x77: {  	_ =	shalt  }
0x78: {  	_ =	shalt  }
0x79: {  	_ =	shalt  }
0x7a: {  	_ =	shalt  }
0x7b: {  	_ =	shalt  }
0x7c: {  	_ =	shalt  }
0x7d: {  	_ =	shalt  }
0x7e: {  	_ =	shalt  }
0x7f: {  	_ =	shalt  }
0x80: {  	_ =	shalt  }
0x81: {  	_ =	shalt  }
0x82: {  	_ =	shalt  }
0x83: {  	_ =	shalt  }
0x84: {  	_ =	shalt  }
0x85: {  	_ =	shalt  }
0x86: {  	_ =	shalt  }
0x87: {  	_ =	shalt  }
.Lfunc_end0:
.L_simem_size_0:
called_computation_lowered:
.L_overlay_start_0:
0x88: {  	s2 =	sld [smem:$0x3FD9]  }
0x89: {  	s3 =	sld [smem:$0x3FFE];
	_ =	sdelay $0x1  }
0x8a: {  	s1 =	srdreg.scid  }
0x8b: {  	s0 =	sand.u32 $0x1, s1  }
0x8c: {  	s14 =	sshll.u32 s0, $0xA;
	s2 =	sadd.s32 s3, s2  }
0x8d: {  	s2 =	sadd.s32 s2, s14  }
0x8e: {  	[smem:$0x3FAC] =	sst s2  }
0x8f: {  	_ = 	snop  }
0x90: {  	s2 =	sld [smem:$0x3FD0];
	_ =	sdelay $0x2  }
0x91: {  	s15 =	simm.s32 $0xB;
	s4 =	simm.s32 $0x10  }
0x92: {  	[smem:s4], [sflag:s15] =	dma.local [hbm:s2], $0x1  }
0x93: {  	_ =	swait.eq [sflag:s15], $0x1  }
0x94: {  	[sflag:s15] =	ssyncset.done $0x0  }
0x95: {  	[sflag:s15] =	ssyncadd.s32 $0xFFFFFFFF  }
0x96: {  	s16 =	sld [smem:$0x15];
	(tm) =	ssettm $0x1  }
0x97: {  	s17 =	sld [smem:$0x3FFB];
	_ =	sdelay $0x3  }
0x98: {  	_ =	strace s17  }
0x99: {  	s3 =	sld [smem:$0x3FFC];
	_ =	sdelay $0x3  }
0x9a: {  	_ =	strace s3  }
0x9b: {  	s3 =	sld [smem:$0x3FFD];
	_ =	sdelay $0x3  }
0x9c: {  	_ =	strace s3  }
0x9d: {  	_ =	strace $0x8FFFFFFF  }
0x9e: {  	s18 =	sld [smem:$0x3FDB];
	_ =	sdelay $0x1  }
0x9f: {  	s19 =	simm.s32 $_scs_section_size  }
0xa0: {  	s5 =	simm.s32 $_size__tile_overlayer_lowered;
	s6 =	simm.s32 $_tile_overlayer_lowered  }
0xa1: {  	s22 =	simm.s32 $0x1BFF;
	s21 =	sshll.u32 s6, $0x1;
	s3 =	sadd.s32 s19, s18  }
0xa2: {  	s7 =	simm.s32 $0x0;
	s20 =	sshll.u32 s5, $0x1;
	s5 =	sadd.s32 s21, s3  }
0xa3: {  	[timem:s7], [sflag:s22] =	dma.local [hbm:s5], s20  }
0xa4: {  	_ =	swait.ge [sflag:s22], s20  }
0xa5: {  	s4 =	ssub.s32 $0x0, s20;
	[sflag:s22] =	ssyncset.done $0x0  }
0xa6: {  	[sflag:s22] =	ssyncadd.s32 s4;
	_ =	sdelay $0x1  }
0xa7: {  	s23 =	simm.s32 $0x1B8B  }
0xa8: {  	_ =	swait.ge [sflag:s23], $0x1  }
0xa9: {  	[sflag:s23] =	ssyncset.done $0x0  }
0xaa: {  	s25 =	simm.s32 $0x1B8E;
	s24 =	sld [smem:$0x3FFE];
	[sflag:s23] =	ssyncadd.s32 $0xFFFFFFFF  }
0xab: {  	s26 =	simm.s32 $execute0_lowered;
	[smem:$0x3FD2] =	sst s25  }
0xac: {  	s5 =	sshll.u32 s26, $0x1;
	_ =	strace $0x80000046;
	[dreg:$0x1] =	wrdreg $0xFFFFFFFF  }
0xad: {  	s28 =	simm.s32 $_size_execute0_lowered;
	s3 =	sadd.s32 s3, s5;
	[dreg:$0x0] =	wrdreg $0x0  }
0xae: {  	s5 =	sshll.u32 s28, $0x1;
	[dreg:$0x2] =	wrdreg s3  }
0xaf: {  	[dreg:$0x3] =	wrdreg s5  }
0xb0: {  	[dreg:$0x4] =	wrdreg $0xC0  }
0xb1: {  	_ =	task [dreg:s7], $0x5FFFF  }
0xb2: {  	[dreg:$0x1] =	wrdreg $0xFFFFFFFF  }
0xb3: {  	[dreg:$0x0] =	wrdreg $0x60  }
0xb4: {  	[dreg:$0x2] =	wrdreg s24  }
0xb5: {  	[dreg:$0x3] =	wrdreg s16  }
0xb6: {  	[dreg:$0x4] =	wrdreg $0x52800  }
0xb7: {  	[dreg:$0x5] =	wrdreg $0x9  }
0xb8: {  	_ =	task.clear_ibuf [dreg:s7], $0x6FFFF;
	_ =	strace $0x90000046  }
0xb9: {  	s29 =	simm.s32 $0x9;
	_ =	strace $0x80000048  }
0xba: {  	_ =	swait.ge [sflag:s29], $0x1  }
0xbb: {  	[sflag:s29] =	ssyncadd.s32 $0xFFFFFFFF  }
0xbc: {  	_ =	strace $0x90000048  }
0xbd: {  	_ =	sfence  }
0xbe: {  	s30 =	sld [smem:$0x0];
	_ =	sdelay $0x2  }
0xbf: {  	s31 =	sshll.u32 s1, $0xD;
	s1 =	sshrl.u32 s1, $0x2  }
0xc0: {  	s3 =	sand.u32 $0x4000, s31;
	s1 =	sadd.s32 s1, s30  }
0xc1: {  	s0 =	sor.u32 s3, s0;
	s1 =	sshll.u32 s1, $0x11  }
0xc2: {  	s0 =	sor.u32 s1, s0  }
0xc3: {  	s0 =	sadd.s32 $0x8F2B, s0  }
0xc4: {  	[sflag:s0] =	ssyncadd.remote.s32 $0x1  }
0xc5: {  	_ =	sfence.sel $0xFFFF  }
0xc6: {  	[dreg:$0x0] =	wrdreg $0xFFFFFFFF;
	(pc) =	sbr.abs _section_cstart, $3  }
0xc7: {  	[dreg:$0x1] =	wrdreg $0xFFFFFFFF  }
0xc8: {  	_ =	task.clear_ibuf [dreg:s7], $0x2FFFF;
	_ =	strace $0x9FFFFFFF  }
0xc9: {  	(tm) =	ssettm $0x7FFFFFFF  }
tec
execute0_lowered:
.L_overlay_start_1:
0x0: {  	(tag) =	ssettag $0x1  }
0x1: {  	s4 =	rddreg [dreg:$0x0]  }
0x2: {  	s9 =	rddreg [dreg:$0x1]  }
0x3: {  	s2 =	rddreg [dreg:$0x2]  }
0x4: {  	s0 =	rddreg [dreg:$0x3]  }
0x5: {  	s3 =	simm.s32 $0x0;
	s5 =	srdreg.scid;
	s1 =	stileid.u32  }
0x6: {  	s16 =	simm.s32 $0x0;
	[smem:$0x7FF] =	sst s3;
	s7 =	smul.u32 $0x280, s1  }
0x7: {  	s5 =	sand.u32 $0x1, s5;
	s8 =	smul.u32 $0xA0, s1;
	s10 =	sadd.s32 $0x5200, s4  }
0x8: {  	s31 =	sshll.u32 s1, $0x6;
	_ =	strace $0x80000047;
	s11 =	smul.u32 $0x1400, s5  }
0x9: {  	s6 =	ssub.s32 $0x2, s5;
	s12 =	smul.u32 $0x5000, s5;
	s13 =	sshllo.u32 s5, $0x1  }
0xa: {  	s26 =	sshrl.u32 s6, $0x1;
	s4 =	sadd.s32 s7, s2;
	s14 =	smul.u32 $0xA00, s13  }
0xb: {  	s29 =	smul.u32 $0x2800, s13;
	s13 =	simm.s32 $0x1;
	s6 =	ssub.s32 s6, s26  }
0xc: {  	s11 =	sadd.s32 s8, s11;
	s12 =	sadd.s32 s7, s12;
	s15 =	sshrl.u32 s4, $0x3  }
0xd: {  	s5 =	smax.u32 s6, $0x1;
	s28 =	sshll.u32 s11, $0x4;
	s8 =	sadd.s32 s8, s14  }
0xe: {  	s12 =	sshrl.u32 s12, $0x3;
	s11 =	sadd.s32 s7, s29;
	s14 =	sor.u32 $0x1C02, s31  }
0xf: {  	s6 =	sadd.s32 s10, s28;
	s8 =	sshll.u32 s8, $0x4;
	s7 =	sadd.s32 s9, s12  }
0x10: {  	s30 =	sshrl.u32 s11, $0x3;
	s11 =	simm.s32 $0x2;
	s12 =	simm.s32 $0x80  }
0x11: {  	v0 =	vimm.f32 $1.000000000e+00;
	s8 =	sadd.s32 s10, s8;
	s9 =	sadd.s32 s9, s30;
	s10 =	simm.s32 $0x5000  }
.LBB2_1:
0x12: {  	[tilespmem:$0x5000] =	vst v0  }
0x13: {  	[tilespmem:$0x5010] =	vst v0  }
0x14: {  	[tilespmem:$0x5020] =	vst v0  }
0x15: {  	[tilespmem:$0x5030] =	vst v0  }
0x16: {  	[tilespmem:$0x5040] =	vst v0  }
0x17: {  	[tilespmem:$0x5050] =	vst v0  }
0x18: {  	[tilespmem:$0x5060] =	vst v0  }
0x19: {  	[tilespmem:$0x5070] =	vst v0  }
0x1a: {  	[tilespmem:$0x5080] =	vst v0  }
0x1b: {  	[tilespmem:$0x5090] =	vst v0  }
0x1c: {  	[tilespmem:$0x50A0] =	vst v0  }
0x1d: {  	[tilespmem:$0x50B0] =	vst v0  }
0x1e: {  	[tilespmem:$0x50C0] =	vst v0  }
0x1f: {  	[tilespmem:$0x50D0] =	vst v0  }
0x20: {  	[tilespmem:$0x50E0] =	vst v0  }
0x21: {  	[tilespmem:$0x50F0] =	vst v0  }
0x22: {  	[tilespmem:$0x5100] =	vst v0  }
0x23: {  	[tilespmem:$0x5110] =	vst v0  }
0x24: {  	[tilespmem:$0x5120] =	vst v0  }
0x25: {  	[tilespmem:$0x5130] =	vst v0  }
0x26: {  	[tilespmem:$0x5140] =	vst v0  }
0x27: {  	[tilespmem:$0x5150] =	vst v0  }
0x28: {  	[tilespmem:$0x5160] =	vst v0  }
0x29: {  	[tilespmem:$0x5170] =	vst v0  }
0x2a: {  	[tilespmem:$0x5180] =	vst v0  }
0x2b: {  	[tilespmem:$0x5190] =	vst v0  }
0x2c: {  	[tilespmem:$0x51A0] =	vst v0  }
0x2d: {  	[tilespmem:$0x51B0] =	vst v0  }
0x2e: {  	[tilespmem:$0x51C0] =	vst v0  }
0x2f: {  	[tilespmem:$0x51D0] =	vst v0  }
0x30: {  	[tilespmem:$0x51E0] =	vst v0  }
0x31: {  	[tilespmem:$0x51F0] =	vst v0  }
0x32: {  	[tilespmem:$0x5200] =	vst v0  }
0x33: {  	[tilespmem:$0x5210] =	vst v0  }
0x34: {  	[tilespmem:$0x5220] =	vst v0  }
0x35: {  	[tilespmem:$0x5230] =	vst v0  }
0x36: {  	[tilespmem:$0x5240] =	vst v0  }
0x37: {  	[tilespmem:$0x5250] =	vst v0  }
0x38: {  	[tilespmem:$0x5260] =	vst v0  }
0x39: {  	[tilespmem:$0x5270] =	vst v0  }
0x3a: {  	[spmem:s4] =	stream.linear.scatter [tilespmem:s10], [sflag:$0x2], $0x280, $0x38;
	[tilespmem:$0x5500] =	vst v63  }
0x3b: {  	_ =	swait.ge [sflag:s11], $0x280  }
0x3c: {  	[sflag:s11] =	ssyncset.done $0x0  }
0x3d: {  	[sflag:s11] =	ssyncadd.s32 $0xFFFFFD80  }
0x3e: {  	[tilespmem:s3], [sflag:$0x2] =	stream.linear.gather [hbm4b:s6+s3], $0x5000, $0x38;
	[tilespmem:$0x5500] =	vst v63  }
0x3f: {  	_ =	swait.ge [sflag:s11], $0x5000  }
0x40: {  	[sflag:s11] =	ssyncset.done $0x0  }
0x41: {  	[sflag:s11] =	ssyncadd.s32 $0xFFFFB000  }
0x42: {  	s17 =	simm.s32 $0x0;
	[bflag:$0x0] =	sbarrier.arrive $0xFFFF  }
0x43: {  	[spmem:s2] =	stream.indirect.scatter.add.f32 [tilespmem:s10], [sflag:$0x1], $0x1, s17, s12, $0xb8;
	[tilespmem:$0x5500] =	vst v63  }
0x44: {  	s24 =	simm.s32 $0x80  }
0x45: {  	[spmem:s2] =	stream.indirect.scatter.add.f32 [tilespmem:s10], [sflag:$0x1], $0x1, s24, s12, $0xb8;
	[tilespmem:$0x5500] =	vst v63  }
0x46: {  	s25 =	simm.s32 $0x100  }
0x47: {  	[spmem:s2] =	stream.indirect.scatter.add.f32 [tilespmem:s10], [sflag:$0x1], $0x1, s25, s12, $0xb8;
	[tilespmem:$0x5500] =	vst v63  }
0x48: {  	s26 =	simm.s32 $0x180  }
0x49: {  	[spmem:s2] =	stream.indirect.scatter.add.f32 [tilespmem:s10], [sflag:$0x1], $0x1, s26, s12, $0xb8;
	[tilespmem:$0x5500] =	vst v63  }
0x4a: {  	s28 =	simm.s32 $0x200  }
0x4b: {  	[spmem:s2] =	stream.indirect.scatter.add.f32 [tilespmem:s10], [sflag:$0x1], $0x1, s28, s12, $0xb8;
	[tilespmem:$0x5500] =	vst v63  }
0x4c: {  	s29 =	simm.s32 $0x280  }
0x4d: {  	[spmem:s2] =	stream.indirect.scatter.add.f32 [tilespmem:s10], [sflag:$0x1], $0x1, s29, s12, $0xb8;
	[tilespmem:$0x5500] =	vst v63  }
0x4e: {  	s30 =	simm.s32 $0x300  }
0x4f: {  	[spmem:s2] =	stream.indirect.scatter.add.f32 [tilespmem:s10], [sflag:$0x1], $0x1, s30, s12, $0xb8;
	[tilespmem:$0x5500] =	vst v63  }
0x50: {  	s31 =	simm.s32 $0x380  }
0x51: {  	[spmem:s2] =	stream.indirect.scatter.add.f32 [tilespmem:s10], [sflag:$0x1], $0x1, s31, s12, $0xb8;
	[tilespmem:$0x5500] =	vst v63  }
0x52: {  	_ =	swait.ge [sflag:s13], $0x80  }
0x53: {  	[sflag:s13] =	ssyncset.done $0x0  }
0x54: {  	[sflag:s13] =	ssyncadd.s32 $0xFFFFFF80  }
0x55: {  	_ =	swait.ge [sflag:s13], $0x80  }
0x56: {  	[sflag:s13] =	ssyncset.done $0x0  }
0x57: {  	[sflag:s13] =	ssyncadd.s32 $0xFFFFFF80  }
0x58: {  	_ =	swait.ge [sflag:s13], $0x80  }
0x59: {  	[sflag:s13] =	ssyncset.done $0x0  }
0x5a: {  	[sflag:s13] =	ssyncadd.s32 $0xFFFFFF80  }
0x5b: {  	_ =	swait.ge [sflag:s13], $0x80  }
0x5c: {  	[sflag:s13] =	ssyncset.done $0x0  }
0x5d: {  	[sflag:s13] =	ssyncadd.s32 $0xFFFFFF80  }
0x5e: {  	_ =	swait.ge [sflag:s13], $0x80  }
0x5f: {  	[sflag:s13] =	ssyncset.done $0x0  }
0x60: {  	[sflag:s13] =	ssyncadd.s32 $0xFFFFFF80  }
0x61: {  	_ =	swait.ge [sflag:s13], $0x80  }
0x62: {  	[sflag:s13] =	ssyncset.done $0x0  }
0x63: {  	[sflag:s13] =	ssyncadd.s32 $0xFFFFFF80  }
0x64: {  	_ =	swait.ge [sflag:s13], $0x80  }
0x65: {  	[sflag:s13] =	ssyncset.done $0x0  }
0x66: {  	[sflag:s13] =	ssyncadd.s32 $0xFFFFFF80  }
0x67: {  	_ =	swait.ge [sflag:s13], $0x80  }
0x68: {  	s19 =	simm.s32 $0x2000;
	s17 =	simm.s32 $0x1000;
	[sflag:s13] =	ssyncset.done $0x0  }
.LBB2_2:
0x69: {  	s20 =	sshra.s32 s17, $0x2  }
0x6a: {  	[sflag:s13] =	ssyncadd.s32 $0xFFFFFF80;
	s17 =	smov.u32 s19;
	s18 =	sadd.s32 $0x1000, s19  }
0x6b: {  	[spmem:s2] =	stream.indirect.scatter.add.f32 [tilespmem:s10], [sflag:$0x1], $0x1, s20, s12, $0xb8;
	[tilespmem:$0x5500] =	vst v63  }
0x6c: {  	p0 =	sne.s32 s19, $0x13000;
	s19 =	sadd.s32 $0x80, s20  }
0x6d: {  	[spmem:s2] =	stream.indirect.scatter.add.f32 [tilespmem:s10], [sflag:$0x1], $0x1, s19, s12, $0xb8;
	[tilespmem:$0x5500] =	vst v63  }
0x6e: {  	s19 =	sadd.s32 $0x100, s20  }
0x6f: {  	[spmem:s2] =	stream.indirect.scatter.add.f32 [tilespmem:s10], [sflag:$0x1], $0x1, s19, s12, $0xb8;
	[tilespmem:$0x5500] =	vst v63  }
0x70: {  	s19 =	sadd.s32 $0x180, s20  }
0x71: {  	[spmem:s2] =	stream.indirect.scatter.add.f32 [tilespmem:s10], [sflag:$0x1], $0x1, s19, s12, $0xb8;
	[tilespmem:$0x5500] =	vst v63  }
0x72: {  	s19 =	sadd.s32 $0x200, s20  }
0x73: {  	[spmem:s2] =	stream.indirect.scatter.add.f32 [tilespmem:s10], [sflag:$0x1], $0x1, s19, s12, $0xb8;
	[tilespmem:$0x5500] =	vst v63  }
0x74: {  	s19 =	sadd.s32 $0x280, s20  }
0x75: {  	[spmem:s2] =	stream.indirect.scatter.add.f32 [tilespmem:s10], [sflag:$0x1], $0x1, s19, s12, $0xb8;
	[tilespmem:$0x5500] =	vst v63  }
0x76: {  	s19 =	sadd.s32 $0x300, s20  }
0x77: {  	[spmem:s2] =	stream.indirect.scatter.add.f32 [tilespmem:s10], [sflag:$0x1], $0x1, s19, s12, $0xb8;
	[tilespmem:$0x5500] =	vst v63  }
0x78: {  	s19 =	sadd.s32 $0x380, s20  }
0x79: {  	[spmem:s2] =	stream.indirect.scatter.add.f32 [tilespmem:s10], [sflag:$0x1], $0x1, s19, s12, $0xb8;
	[tilespmem:$0x5500] =	vst v63  }
0x7a: {  	_ =	swait.ge [sflag:s13], $0x80  }
0x7b: {  	[sflag:s13] =	ssyncset.done $0x0  }
0x7c: {  	[sflag:s13] =	ssyncadd.s32 $0xFFFFFF80  }
0x7d: {  	_ =	swait.ge [sflag:s13], $0x80  }
0x7e: {  	[sflag:s13] =	ssyncset.done $0x0  }
0x7f: {  	[sflag:s13] =	ssyncadd.s32 $0xFFFFFF80  }
0x80: {  	_ =	swait.ge [sflag:s13], $0x80  }
0x81: {  	[sflag:s13] =	ssyncset.done $0x0  }
0x82: {  	[sflag:s13] =	ssyncadd.s32 $0xFFFFFF80  }
0x83: {  	_ =	swait.ge [sflag:s13], $0x80  }
0x84: {  	[sflag:s13] =	ssyncset.done $0x0  }
0x85: {  	[sflag:s13] =	ssyncadd.s32 $0xFFFFFF80  }
0x86: {  	_ =	swait.ge [sflag:s13], $0x80  }
0x87: {  	[sflag:s13] =	ssyncset.done $0x0  }
0x88: {  	[sflag:s13] =	ssyncadd.s32 $0xFFFFFF80  }
0x89: {  	_ =	swait.ge [sflag:s13], $0x80  }
0x8a: {  	[sflag:s13] =	ssyncset.done $0x0  }
0x8b: {  	[sflag:s13] =	ssyncadd.s32 $0xFFFFFF80  }
.Ltmp0:
0x8c: {  	_ =	swait.ge [sflag:s13], $0x80;
	(pc) =	sbr.rel @p0 .LBB2_2-.Ltmp0, $4  }
0x8d: {  	[sflag:s13] =	ssyncset.done $0x0  }
0x8e: {  	[sflag:s13] =	ssyncadd.s32 $0xFFFFFF80  }
0x8f: {  	_ =	swait.ge [sflag:s13], $0x80  }
0x90: {  	s19 =	smov.u32 s18;
	[sflag:s13] =	ssyncset.done $0x0  }
0x91: {  	s17 =	sshra.s32 s17, $0x2;
	[sflag:s13] =	ssyncadd.s32 $0xFFFFFF80  }
0x92: {  	[spmem:s2] =	stream.indirect.scatter.add.f32 [tilespmem:s10], [sflag:$0x1], $0x1, s17, s12, $0xb8;
	[tilespmem:$0x5500] =	vst v63  }
0x93: {  	s18 =	sadd.s32 $0x80, s17  }
0x94: {  	[spmem:s2] =	stream.indirect.scatter.add.f32 [tilespmem:s10], [sflag:$0x1], $0x1, s18, s12, $0xb8;
	[tilespmem:$0x5500] =	vst v63  }
0x95: {  	s30 =	sadd.s32 $0x100, s17  }
0x96: {  	[spmem:s2] =	stream.indirect.scatter.add.f32 [tilespmem:s10], [sflag:$0x1], $0x1, s30, s12, $0xb8;
	[tilespmem:$0x5500] =	vst v63  }
0x97: {  	s31 =	sadd.s32 $0x180, s17  }
0x98: {  	[spmem:s2] =	stream.indirect.scatter.add.f32 [tilespmem:s10], [sflag:$0x1], $0x1, s31, s12, $0xb8;
	[tilespmem:$0x5500] =	vst v63  }
0x99: {  	s19 =	sadd.s32 $0x200, s17  }
0x9a: {  	[spmem:s2] =	stream.indirect.scatter.add.f32 [tilespmem:s10], [sflag:$0x1], $0x1, s19, s12, $0xb8;
	[tilespmem:$0x5500] =	vst v63  }
0x9b: {  	s20 =	sadd.s32 $0x280, s17  }
0x9c: {  	[spmem:s2] =	stream.indirect.scatter.add.f32 [tilespmem:s10], [sflag:$0x1], $0x1, s20, s12, $0xb8;
	[tilespmem:$0x5500] =	vst v63  }
0x9d: {  	s21 =	sadd.s32 $0x300, s17  }
0x9e: {  	[spmem:s2] =	stream.indirect.scatter.add.f32 [tilespmem:s10], [sflag:$0x1], $0x1, s21, s12, $0xb8;
	[tilespmem:$0x5500] =	vst v63  }
0x9f: {  	s17 =	sadd.s32 $0x380, s17  }
0xa0: {  	[spmem:s2] =	stream.indirect.scatter.add.f32 [tilespmem:s10], [sflag:$0x1], $0x1, s17, s12, $0xb8;
	[tilespmem:$0x5500] =	vst v63  }
0xa1: {  	_ =	swait.ge [sflag:s13], $0x80  }
0xa2: {  	[sflag:s13] =	ssyncset.done $0x0  }
0xa3: {  	[sflag:s13] =	ssyncadd.s32 $0xFFFFFF80  }
0xa4: {  	_ =	swait.ge [sflag:s13], $0x80  }
0xa5: {  	[sflag:s13] =	ssyncset.done $0x0  }
0xa6: {  	[sflag:s13] =	ssyncadd.s32 $0xFFFFFF80  }
0xa7: {  	_ =	swait.ge [sflag:s13], $0x80  }
0xa8: {  	[sflag:s13] =	ssyncset.done $0x0  }
0xa9: {  	[sflag:s13] =	ssyncadd.s32 $0xFFFFFF80  }
0xaa: {  	_ =	swait.ge [sflag:s13], $0x80  }
0xab: {  	[sflag:s13] =	ssyncset.done $0x0  }
0xac: {  	[sflag:s13] =	ssyncadd.s32 $0xFFFFFF80  }
0xad: {  	_ =	swait.ge [sflag:s13], $0x80  }
0xae: {  	[sflag:s13] =	ssyncset.done $0x0  }
0xaf: {  	[sflag:s13] =	ssyncadd.s32 $0xFFFFFF80  }
0xb0: {  	_ =	swait.ge [sflag:s13], $0x80  }
0xb1: {  	[sflag:s13] =	ssyncset.done $0x0  }
0xb2: {  	[sflag:s13] =	ssyncadd.s32 $0xFFFFFF80  }
0xb3: {  	_ =	swait.ge [sflag:s13], $0x80  }
0xb4: {  	[sflag:s13] =	ssyncset.done $0x0  }
0xb5: {  	[sflag:s13] =	ssyncadd.s32 $0xFFFFFF80  }
0xb6: {  	_ =	swait.ge [sflag:s13], $0x80  }
0xb7: {  	[sflag:s13] =	ssyncset.done $0x0  }
0xb8: {  	[sflag:s13] =	ssyncadd.s32 $0xFFFFFF80  }
0xb9: {  	[bflag:$0x0] =	sbarrier.arrive $0xFFFF  }
0xba: {  	[hbm:s7], [sflag:s14] =	dma.local [spmem:s15], $0x50  }
0xbb: {  	_ =	swait.ge [sflag:s11], $0x50  }
0xbc: {  	[sflag:s11] =	ssyncset.done $0x0  }
0xbd: {  	[sflag:s11] =	ssyncadd.s32 $0xFFFFFFB0  }
0xbe: {  	[bflag:$0x0] =	sbarrier.arrive $0xFFFF  }
0xbf: {  	[spmem:s4] =	stream.linear.scatter [tilespmem:s10], [sflag:$0x2], $0x280, $0x38;
	[tilespmem:$0x5500] =	vst v63  }
0xc0: {  	_ =	swait.ge [sflag:s11], $0x280  }
0xc1: {  	[sflag:s11] =	ssyncset.done $0x0  }
0xc2: {  	s22 =	simm.s32 $0x0;
	[sflag:s11] =	ssyncadd.s32 $0xFFFFFD80  }
0xc3: {  	[tilespmem:s22], [sflag:$0x2] =	stream.linear.gather [hbm4b:s8+s22], $0x5000, $0x38;
	[tilespmem:$0x5500] =	vst v63  }
0xc4: {  	_ =	swait.ge [sflag:s11], $0x5000  }
0xc5: {  	[sflag:s11] =	ssyncset.done $0x0  }
0xc6: {  	[sflag:s11] =	ssyncadd.s32 $0xFFFFB000  }
0xc7: {  	s23 =	simm.s32 $0x0;
	[bflag:$0x0] =	sbarrier.arrive $0xFFFF  }
0xc8: {  	[spmem:s2] =	stream.indirect.scatter.add.f32 [tilespmem:s10], [sflag:$0x1], $0x1, s23, s12, $0xb8;
	[tilespmem:$0x5500] =	vst v63  }
0xc9: {  	s24 =	simm.s32 $0x80  }
0xca: {  	[spmem:s2] =	stream.indirect.scatter.add.f32 [tilespmem:s10], [sflag:$0x1], $0x1, s24, s12, $0xb8;
	[tilespmem:$0x5500] =	vst v63  }
0xcb: {  	s25 =	simm.s32 $0x100  }
0xcc: {  	[spmem:s2] =	stream.indirect.scatter.add.f32 [tilespmem:s10], [sflag:$0x1], $0x1, s25, s12, $0xb8;
	[tilespmem:$0x5500] =	vst v63  }
0xcd: {  	s26 =	simm.s32 $0x180  }
0xce: {  	[spmem:s2] =	stream.indirect.scatter.add.f32 [tilespmem:s10], [sflag:$0x1], $0x1, s26, s12, $0xb8;
	[tilespmem:$0x5500] =	vst v63  }
0xcf: {  	s28 =	simm.s32 $0x200  }
0xd0: {  	[spmem:s2] =	stream.indirect.scatter.add.f32 [tilespmem:s10], [sflag:$0x1], $0x1, s28, s12, $0xb8;
	[tilespmem:$0x5500] =	vst v63  }
0xd1: {  	s29 =	simm.s32 $0x280  }
0xd2: {  	[spmem:s2] =	stream.indirect.scatter.add.f32 [tilespmem:s10], [sflag:$0x1], $0x1, s29, s12, $0xb8;
	[tilespmem:$0x5500] =	vst v63  }
0xd3: {  	s30 =	simm.s32 $0x300  }
0xd4: {  	[spmem:s2] =	stream.indirect.scatter.add.f32 [tilespmem:s10], [sflag:$0x1], $0x1, s30, s12, $0xb8;
	[tilespmem:$0x5500] =	vst v63  }
0xd5: {  	s31 =	simm.s32 $0x380  }
0xd6: {  	[spmem:s2] =	stream.indirect.scatter.add.f32 [tilespmem:s10], [sflag:$0x1], $0x1, s31, s12, $0xb8;
	[tilespmem:$0x5500] =	vst v63  }
0xd7: {  	_ =	swait.ge [sflag:s13], $0x80  }
0xd8: {  	[sflag:s13] =	ssyncset.done $0x0  }
0xd9: {  	[sflag:s13] =	ssyncadd.s32 $0xFFFFFF80  }
0xda: {  	_ =	swait.ge [sflag:s13], $0x80  }
0xdb: {  	[sflag:s13] =	ssyncset.done $0x0  }
0xdc: {  	[sflag:s13] =	ssyncadd.s32 $0xFFFFFF80  }
0xdd: {  	_ =	swait.ge [sflag:s13], $0x80  }
0xde: {  	[sflag:s13] =	ssyncset.done $0x0  }
0xdf: {  	[sflag:s13] =	ssyncadd.s32 $0xFFFFFF80  }
0xe0: {  	_ =	swait.ge [sflag:s13], $0x80  }
0xe1: {  	[sflag:s13] =	ssyncset.done $0x0  }
0xe2: {  	[sflag:s13] =	ssyncadd.s32 $0xFFFFFF80  }
0xe3: {  	_ =	swait.ge [sflag:s13], $0x80  }
0xe4: {  	[sflag:s13] =	ssyncset.done $0x0  }
0xe5: {  	[sflag:s13] =	ssyncadd.s32 $0xFFFFFF80  }
0xe6: {  	_ =	swait.ge [sflag:s13], $0x80  }
0xe7: {  	[sflag:s13] =	ssyncset.done $0x0  }
0xe8: {  	[sflag:s13] =	ssyncadd.s32 $0xFFFFFF80  }
0xe9: {  	_ =	swait.ge [sflag:s13], $0x80  }
0xea: {  	[sflag:s13] =	ssyncset.done $0x0  }
0xeb: {  	[sflag:s13] =	ssyncadd.s32 $0xFFFFFF80  }
0xec: {  	_ =	swait.ge [sflag:s13], $0x80  }
0xed: {  	s19 =	simm.s32 $0x2000;
	s17 =	simm.s32 $0x1000;
	[sflag:s13] =	ssyncset.done $0x0  }
.LBB2_4:
0xee: {  	s20 =	sshra.s32 s17, $0x2  }
0xef: {  	[sflag:s13] =	ssyncadd.s32 $0xFFFFFF80;
	s17 =	smov.u32 s19;
	s18 =	sadd.s32 $0x1000, s19  }
0xf0: {  	[spmem:s2] =	stream.indirect.scatter.add.f32 [tilespmem:s10], [sflag:$0x1], $0x1, s20, s12, $0xb8;
	[tilespmem:$0x5500] =	vst v63  }
0xf1: {  	p0 =	sne.s32 s19, $0x13000;
	s19 =	sadd.s32 $0x80, s20  }
0xf2: {  	[spmem:s2] =	stream.indirect.scatter.add.f32 [tilespmem:s10], [sflag:$0x1], $0x1, s19, s12, $0xb8;
	[tilespmem:$0x5500] =	vst v63  }
0xf3: {  	s19 =	sadd.s32 $0x100, s20  }
0xf4: {  	[spmem:s2] =	stream.indirect.scatter.add.f32 [tilespmem:s10], [sflag:$0x1], $0x1, s19, s12, $0xb8;
	[tilespmem:$0x5500] =	vst v63  }
0xf5: {  	s19 =	sadd.s32 $0x180, s20  }
0xf6: {  	[spmem:s2] =	stream.indirect.scatter.add.f32 [tilespmem:s10], [sflag:$0x1], $0x1, s19, s12, $0xb8;
	[tilespmem:$0x5500] =	vst v63  }
0xf7: {  	s19 =	sadd.s32 $0x200, s20  }
0xf8: {  	[spmem:s2] =	stream.indirect.scatter.add.f32 [tilespmem:s10], [sflag:$0x1], $0x1, s19, s12, $0xb8;
	[tilespmem:$0x5500] =	vst v63  }
0xf9: {  	s19 =	sadd.s32 $0x280, s20  }
0xfa: {  	[spmem:s2] =	stream.indirect.scatter.add.f32 [tilespmem:s10], [sflag:$0x1], $0x1, s19, s12, $0xb8;
	[tilespmem:$0x5500] =	vst v63  }
0xfb: {  	s19 =	sadd.s32 $0x300, s20  }
0xfc: {  	[spmem:s2] =	stream.indirect.scatter.add.f32 [tilespmem:s10], [sflag:$0x1], $0x1, s19, s12, $0xb8;
	[tilespmem:$0x5500] =	vst v63  }
0xfd: {  	s19 =	sadd.s32 $0x380, s20  }
0xfe: {  	[spmem:s2] =	stream.indirect.scatter.add.f32 [tilespmem:s10], [sflag:$0x1], $0x1, s19, s12, $0xb8;
	[tilespmem:$0x5500] =	vst v63  }
0xff: {  	_ =	swait.ge [sflag:s13], $0x80  }
0x100: {  	[sflag:s13] =	ssyncset.done $0x0  }
0x101: {  	[sflag:s13] =	ssyncadd.s32 $0xFFFFFF80  }
0x102: {  	_ =	swait.ge [sflag:s13], $0x80  }
0x103: {  	[sflag:s13] =	ssyncset.done $0x0  }
0x104: {  	[sflag:s13] =	ssyncadd.s32 $0xFFFFFF80  }
0x105: {  	_ =	swait.ge [sflag:s13], $0x80  }
0x106: {  	[sflag:s13] =	ssyncset.done $0x0  }
0x107: {  	[sflag:s13] =	ssyncadd.s32 $0xFFFFFF80  }
0x108: {  	_ =	swait.ge [sflag:s13], $0x80  }
0x109: {  	[sflag:s13] =	ssyncset.done $0x0  }
0x10a: {  	[sflag:s13] =	ssyncadd.s32 $0xFFFFFF80  }
0x10b: {  	_ =	swait.ge [sflag:s13], $0x80  }
0x10c: {  	[sflag:s13] =	ssyncset.done $0x0  }
0x10d: {  	[sflag:s13] =	ssyncadd.s32 $0xFFFFFF80  }
0x10e: {  	_ =	swait.ge [sflag:s13], $0x80  }
0x10f: {  	[sflag:s13] =	ssyncset.done $0x0  }
0x110: {  	[sflag:s13] =	ssyncadd.s32 $0xFFFFFF80  }
.Ltmp1:
0x111: {  	_ =	swait.ge [sflag:s13], $0x80;
	(pc) =	sbr.rel @p0 .LBB2_4-.Ltmp1, $4  }
0x112: {  	[sflag:s13] =	ssyncset.done $0x0  }
0x113: {  	[sflag:s13] =	ssyncadd.s32 $0xFFFFFF80  }
0x114: {  	_ =	swait.ge [sflag:s13], $0x80  }
0x115: {  	s19 =	smov.u32 s18;
	[sflag:s13] =	ssyncset.done $0x0  }
0x116: {  	s17 =	sshra.s32 s17, $0x2;
	[sflag:s13] =	ssyncadd.s32 $0xFFFFFF80  }
0x117: {  	[spmem:s2] =	stream.indirect.scatter.add.f32 [tilespmem:s10], [sflag:$0x1], $0x1, s17, s12, $0xb8;
	[tilespmem:$0x5500] =	vst v63  }
0x118: {  	s18 =	sadd.s32 $0x80, s17  }
0x119: {  	[spmem:s2] =	stream.indirect.scatter.add.f32 [tilespmem:s10], [sflag:$0x1], $0x1, s18, s12, $0xb8;
	[tilespmem:$0x5500] =	vst v63  }
0x11a: {  	s26 =	sadd.s32 $0x100, s17  }
0x11b: {  	[spmem:s2] =	stream.indirect.scatter.add.f32 [tilespmem:s10], [sflag:$0x1], $0x1, s26, s12, $0xb8;
	[tilespmem:$0x5500] =	vst v63  }
0x11c: {  	s28 =	sadd.s32 $0x180, s17  }
0x11d: {  	[spmem:s2] =	stream.indirect.scatter.add.f32 [tilespmem:s10], [sflag:$0x1], $0x1, s28, s12, $0xb8;
	[tilespmem:$0x5500] =	vst v63  }
0x11e: {  	s29 =	sadd.s32 $0x200, s17  }
0x11f: {  	[spmem:s2] =	stream.indirect.scatter.add.f32 [tilespmem:s10], [sflag:$0x1], $0x1, s29, s12, $0xb8;
	[tilespmem:$0x5500] =	vst v63  }
0x120: {  	s30 =	sadd.s32 $0x280, s17  }
0x121: {  	[spmem:s2] =	stream.indirect.scatter.add.f32 [tilespmem:s10], [sflag:$0x1], $0x1, s30, s12, $0xb8;
	[tilespmem:$0x5500] =	vst v63  }
0x122: {  	s31 =	sadd.s32 $0x300, s17  }
0x123: {  	[spmem:s2] =	stream.indirect.scatter.add.f32 [tilespmem:s10], [sflag:$0x1], $0x1, s31, s12, $0xb8;
	[tilespmem:$0x5500] =	vst v63  }
0x124: {  	s17 =	sadd.s32 $0x380, s17  }
0x125: {  	[spmem:s2] =	stream.indirect.scatter.add.f32 [tilespmem:s10], [sflag:$0x1], $0x1, s17, s12, $0xb8;
	[tilespmem:$0x5500] =	vst v63  }
0x126: {  	_ =	swait.ge [sflag:s13], $0x80  }
0x127: {  	[sflag:s13] =	ssyncset.done $0x0  }
0x128: {  	[sflag:s13] =	ssyncadd.s32 $0xFFFFFF80  }
0x129: {  	_ =	swait.ge [sflag:s13], $0x80  }
0x12a: {  	[sflag:s13] =	ssyncset.done $0x0  }
0x12b: {  	[sflag:s13] =	ssyncadd.s32 $0xFFFFFF80  }
0x12c: {  	_ =	swait.ge [sflag:s13], $0x80  }
0x12d: {  	[sflag:s13] =	ssyncset.done $0x0  }
0x12e: {  	[sflag:s13] =	ssyncadd.s32 $0xFFFFFF80  }
0x12f: {  	_ =	swait.ge [sflag:s13], $0x80  }
0x130: {  	[sflag:s13] =	ssyncset.done $0x0  }
0x131: {  	[sflag:s13] =	ssyncadd.s32 $0xFFFFFF80  }
0x132: {  	_ =	swait.ge [sflag:s13], $0x80  }
0x133: {  	[sflag:s13] =	ssyncset.done $0x0  }
0x134: {  	[sflag:s13] =	ssyncadd.s32 $0xFFFFFF80  }
0x135: {  	_ =	swait.ge [sflag:s13], $0x80  }
0x136: {  	[sflag:s13] =	ssyncset.done $0x0  }
0x137: {  	[sflag:s13] =	ssyncadd.s32 $0xFFFFFF80  }
0x138: {  	_ =	swait.ge [sflag:s13], $0x80  }
0x139: {  	[sflag:s13] =	ssyncset.done $0x0  }
0x13a: {  	[sflag:s13] =	ssyncadd.s32 $0xFFFFFF80  }
0x13b: {  	_ =	swait.ge [sflag:s13], $0x80  }
0x13c: {  	[sflag:s13] =	ssyncset.done $0x0  }
0x13d: {  	s16 =	sadd.s32 $0x1, s16;
	[sflag:s13] =	ssyncadd.s32 $0xFFFFFF80  }
0x13e: {  	p0 =	sne.s32 s16, s5;
	[bflag:$0x0] =	sbarrier.arrive $0xFFFF  }
0x13f: {  	[hbm:s9], [sflag:s14] =	dma.local [spmem:s15], $0x50  }
.Ltmp2:
0x140: {  	_ =	swait.ge [sflag:s11], $0x50;
	(pc) =	sbr.rel @p0 .LBB2_1-.Ltmp2, $3  }
0x141: {  	[sflag:s11] =	ssyncset.done $0x0  }
0x142: {  	[sflag:s11] =	ssyncadd.s32 $0xFFFFFFB0  }
0x143: {  	[bflag:$0x0] =	sbarrier.arrive $0xFFFF;
	_ =	sdelay $0x1  }
0x144: {  	_ =	sfence.sel $0x180000  }
0x145: {  	[bflag:$0x0] =	sbarrier.arrive $0xFFFF  }
0x146: {  	p0 =	sne.s32 s1, $0x0;
	_ =	strace $0x90000047  }
0x147: {  	s0 =	sadd.s32 @!p0 $0x100000, s0;
	[bflag:$0x2] =	sbarrier.arrive $0xFFFF  }
0x148: {  	[sflag:s0] =	ssyncadd.tile.s32 @!p0 $0x1;
	_ =	shalt  }
.Lfunc_end2:
_tile_overlayer_lowered:
.L_overlay_start_2:
0x149: {  	(tag) =	ssettag $0x2  }
0x14a: {  	s0 =	rddreg [dreg:$0x0];
	s2 =	stileid.u32  }
0x14b: {  	s1 =	rddreg [dreg:$0x1];
	p0 =	sne.s32 s2, $0x0  }
0x14c: {  	s3 =	rddreg [dreg:$0x2];
	[bflag:$0x3] =	sbarrier.arrive $0xFFFF;
	s2 =	simm.s32 @!p0 $0x1C02  }
0x14d: {  	[timem:s3], [sflag:s2] =	dma.local @!p0 [hbm:s0], s1  }
0x14e: {  	s0 =	simm.s32 @!p0 $0x2  }
0x14f: {  	_ =	swait.ge @!p0 [sflag:s0], s1  }
0x150: {  	s1 =	ssub.s32 @!p0 $0x0, s1;
	[sflag:s0] =	ssyncset.done @!p0 $0x0  }
0x151: {  	[sflag:s0] =	ssyncadd.s32 @!p0 s1  }
0x152: {  	[bflag:$0x3] =	sbarrier.arrive $0xFFFF  }
0x153: {  	_ =	shalt  }

</sc_bundles>
